<compile_context>
chip_gen: v7x
topology: tpu7x:2x2x1
jax: 0.10.2.dev20260603
libtpu: 0.0.44.dev20260713+nightly
codegen_flags: <defaults>
</compile_context>

<pallas_src>
import functools

import jax
import jax.numpy as jnp
from jax import lax
from jax.experimental import pallas as pl
from jax.experimental.pallas import tpu as pltpu
from jax.experimental.pallas import tpu_sc as plsc

N_NODES = 10000
N_PAD = 10240
N_EDGES = 320000
D = 128
DP = D // 2

NW = 32
EPW = N_EDGES // NW
CHUNK = 80
NCHUNK = EPW // CHUNK
ROWS_PER_TILE = N_PAD // 16


def _pack_halves(v):
    u = lax.bitcast_convert_type(v.astype(jnp.bfloat16), jnp.uint16)
    lo = u[:, :DP].astype(jnp.uint32)
    hi = u[:, DP:].astype(jnp.uint32)
    return lax.bitcast_convert_type(lo | (hi << 16), jnp.float32)


def _tables_body(x_ref, ws_ref, wd_ref, b_ref, a_ref, c_ref):
    xb = x_ref[...]
    a = jnp.dot(xb, ws_ref[...], preferred_element_type=jnp.float32)
    c = jnp.dot(xb, wd_ref[...], preferred_element_type=jnp.float32) + b_ref[...]
    a_ref[...] = _pack_halves(a)
    c_ref[...] = _pack_halves(c)


def _node_tables(x, ws, wd, b2):
    blk = N_NODES // 10
    return pl.pallas_call(
        _tables_body,
        grid=(10,),
        in_specs=[
            pl.BlockSpec((blk, D), lambda i: (i, 0)),
            pl.BlockSpec((D, D), lambda i: (0, 0)),
            pl.BlockSpec((D, D), lambda i: (0, 0)),
            pl.BlockSpec((1, D), lambda i: (0, 0)),
        ],
        out_specs=[
            pl.BlockSpec((blk, DP), lambda i: (i, 0)),
            pl.BlockSpec((blk, DP), lambda i: (i, 0)),
        ],
        out_shape=[jax.ShapeDtypeStruct((N_NODES, DP), jnp.float32)] * 2,
    )(x, ws, wd, b2)


def _combine_body(pe_ref, po_ref, o_ref):
    e = pe_ref[0] + pe_ref[1]
    o = po_ref[0] + po_ref[1]
    o_ref[...] = jnp.concatenate([e, o], axis=-1)


def _combine(pe, po):
    blk = N_NODES // 10
    return pl.pallas_call(
        _combine_body,
        grid=(10,),
        in_specs=[pl.BlockSpec((2, blk, DP), lambda i: (0, i, 0)),
                  pl.BlockSpec((2, blk, DP), lambda i: (0, i, 0))],
        out_specs=pl.BlockSpec((blk, D), lambda i: (i, 0)),
        out_shape=jax.ShapeDtypeStruct((N_NODES, D), jnp.float32),
    )(pe, po)


_SC_MESH = plsc.VectorSubcoreMesh(core_axis_name="c", subcore_axis_name="s")


@functools.partial(
    pl.kernel,
    out_type=[jax.ShapeDtypeStruct((2, N_PAD, DP), jnp.float32)] * 2,
    mesh=_SC_MESH,
    compiler_params=pltpu.CompilerParams(use_tc_tiling_on_sc=False),
    scratch_types=[
        pltpu.VMEM((2, CHUNK), jnp.int32),
        pltpu.VMEM((2, CHUNK), jnp.int32),
        pltpu.VMEM((2, CHUNK), jnp.int32),
        pltpu.VMEM((2, CHUNK, DP), jnp.float32),
        pltpu.VMEM((2, CHUNK, DP), jnp.float32),
        pltpu.VMEM_SHARED((N_PAD, DP), jnp.float32),
        pltpu.VMEM_SHARED((N_PAD, DP), jnp.float32),
        pltpu.SemaphoreType.DMA,
        pltpu.SemaphoreType.DMA,
        pltpu.SemaphoreType.DMA,
        pltpu.SemaphoreType.DMA,
        pltpu.SemaphoreType.DMA,
        pltpu.SemaphoreType.DMA,
        pltpu.SemaphoreType.DMA,
        pltpu.SemaphoreType.DMA,
        pltpu.SemaphoreType.DMA,
        pltpu.SemaphoreType.DMA,
    ],
)
def _sc_edges(a_hbm, c_hbm, src_hbm, dst_hbm, oute_hbm, outo_hbm,
              sidx, didx, wdix, abuf, cbuf, acc_e, acc_o,
              sem_ga0, sem_ga1, sem_gc0, sem_gc1,
              sem_is0, sem_is1, sem_id0, sem_id1,
              sem_w0, sem_w1):
    cid = lax.axis_index("c")
    sid = lax.axis_index("s")
    wid = sid * 2 + cid
    ebase = wid * EPW

    sem_ga = (sem_ga0, sem_ga1)
    sem_gc = (sem_gc0, sem_gc1)
    sem_is = (sem_is0, sem_is1)
    sem_id = (sem_id0, sem_id1)
    sem_w = (sem_w0, sem_w1)

    zero = jnp.zeros((16,), jnp.float32)

    def zrow(r, carry):
        for cc in range(DP // 16):
            cbuf[0, r, pl.ds(cc * 16, 16)] = zero
        return carry

    lax.fori_loop(0, CHUNK, zrow, 0, unroll=4)
    base = sid * ROWS_PER_TILE
    for k in range(ROWS_PER_TILE // CHUNK):
        pltpu.sync_copy(cbuf.at[0], acc_e.at[pl.ds(base + k * CHUNK, CHUNK)])
        pltpu.sync_copy(cbuf.at[0], acc_o.at[pl.ds(base + k * CHUNK, CHUNK)])
    plsc.subcore_barrier()

    def wait_bytes(dst_ref, sem):
        pltpu.make_async_copy(a_hbm.at[pl.ds(0, dst_ref.shape[0])], dst_ref, sem).wait()

    def wait_idx_bytes(dst_ref, sem):
        pltpu.make_async_copy(src_hbm.at[pl.ds(0, CHUNK)], dst_ref, sem).wait()

    def issue_idx(j, p):
        off = ebase + j * CHUNK
        pltpu.async_copy(src_hbm.at[pl.ds(off, CHUNK)], sidx.at[p], sem_is[p])
        pltpu.async_copy(dst_hbm.at[pl.ds(off, CHUNK)], didx.at[p], sem_id[p])

    def issue_gathers(p):
        pltpu.async_copy(a_hbm.at[sidx.at[p]], abuf.at[p], sem_ga[p])
        pltpu.async_copy(c_hbm.at[didx.at[p]], cbuf.at[p], sem_gc[p])

    pltpu.sync_copy(src_hbm.at[pl.ds(ebase, CHUNK)], sidx.at[0])
    pltpu.sync_copy(dst_hbm.at[pl.ds(ebase, CHUNK)], didx.at[0])
    pltpu.sync_copy(src_hbm.at[pl.ds(ebase + CHUNK, CHUNK)], sidx.at[1])
    pltpu.sync_copy(dst_hbm.at[pl.ds(ebase + CHUNK, CHUNK)], didx.at[1])
    issue_gathers(0)

    def do_chunk(j, p, tail):
        q = 1 - p

        @pl.when(j >= 1)
        def _():
            wait_bytes(abuf.at[q], sem_w[q])
            wait_bytes(cbuf.at[q], sem_w[q])

        @pl.when(jnp.logical_and(j >= 1, j + 1 < NCHUNK))
        def _():
            wait_idx_bytes(sidx.at[q], sem_is[q])
            wait_idx_bytes(didx.at[q], sem_id[q])

        @pl.when(j + 1 < NCHUNK)
        def _():
            issue_gathers(q)

        wait_bytes(abuf.at[p], sem_ga[p])
        wait_bytes(cbuf.at[p], sem_gc[p])

        for g in range(CHUNK // 16):
            wdix[p, pl.ds(g * 16, 16)] = didx[p, pl.ds(g * 16, 16)]

        @pl.when(j + 2 < NCHUNK)
        def _():
            issue_idx(j + 2, p)

        def row(r, rc):
            mask_hi = jnp.int32(-65536)
            for cc in range(DP // 16):
                s = pl.ds(cc * 16, 16)
                wa = lax.bitcast_convert_type(abuf[p, r, s], jnp.int32)
                wc = lax.bitcast_convert_type(cbuf[p, r, s], jnp.int32)
                alo = lax.bitcast_convert_type(wa << 16, jnp.float32)
                clo = lax.bitcast_convert_type(wc << 16, jnp.float32)
                ahi = lax.bitcast_convert_type(wa & mask_hi, jnp.float32)
                chi = lax.bitcast_convert_type(wc & mask_hi, jnp.float32)
                abuf[p, r, s] = jnp.maximum(alo + clo, 0.0)
                cbuf[p, r, s] = jnp.maximum(ahi + chi, 0.0)
            return rc

        lax.fori_loop(0, CHUNK, row, 0, unroll=4)
        if tail:
            pltpu.sync_copy(abuf.at[p], acc_e.at[wdix.at[p]], add=True)
            pltpu.sync_copy(cbuf.at[p], acc_o.at[wdix.at[p]], add=True)
        else:
            pltpu.async_copy(abuf.at[p], acc_e.at[wdix.at[p]], sem_w[p], add=True)
            pltpu.async_copy(cbuf.at[p], acc_o.at[wdix.at[p]], sem_w[p], add=True)

    def pair(i, carry):
        do_chunk(2 * i, 0, False)
        do_chunk(2 * i + 1, 1, False)
        return carry

    lax.fori_loop(0, (NCHUNK - 1) // 2, pair, 0)
    do_chunk(jnp.int32(NCHUNK - 1), 0, True)
    plsc.subcore_barrier()

    pltpu.sync_copy(acc_e.at[pl.ds(base, ROWS_PER_TILE)],
                    oute_hbm.at[cid, pl.ds(base, ROWS_PER_TILE)])
    pltpu.sync_copy(acc_o.at[pl.ds(base, ROWS_PER_TILE)],
                    outo_hbm.at[cid, pl.ds(base, ROWS_PER_TILE)])


def kernel(x, edge_index, W, b):
    ei = edge_index.astype(jnp.int32)
    src = ei[0]
    dst = ei[1]
    ws = W[:D]
    wd = W[D:]
    a_tab, c_tab = _node_tables(x, ws, wd, b.reshape(1, D))
    pe, po = _sc_edges(a_tab, c_tab, src, dst)
    return _combine(pe, po)

# --- scband reference (transcript-rebuilt; emitter-appended) ---
"""Pipeline reference for scband-convolution-from-edge-set-update-21852793602279 (READ-ONLY COPY).

The authoritative reference and input builder live on the scoring server;
editing this copy changes nothing except your own understanding.
"""

import jax, jax.numpy as jnp
import numpy as np

N_NODES = 10000
N_EDGES = 320000
D_FEAT = 128
UNITS = 128


def setup_inputs(seed: int = 0) -> dict:
    key = jax.random.key(seed)
    k_x, k_e, k_w, k_b = jax.random.split(key, 4)
    x = jax.random.normal(k_x, (N_NODES, D_FEAT), dtype=jnp.float32)
    edge_index = jax.random.randint(k_e, (2, N_EDGES), 0, N_NODES, dtype=jnp.int64)
    # EdgeSetUpdate: NextStateFromConcat(Dense(UNITS)) over [source_state, target_state]
    W = jax.random.normal(k_w, (2 * D_FEAT, UNITS), dtype=jnp.float32) * (1.0 / np.sqrt(2 * D_FEAT))
    b = jnp.zeros((UNITS,), dtype=jnp.float32)
    return {"x": x, "edge_index": edge_index, "W": W, "b": b}


def reference(x, edge_index, W, b):
    # EdgeSetUpdate: per-edge message from concatenated endpoint states
    src = edge_index[0]
    dst = edge_index[1]  # destination_tag = TARGET
    src_feat = jnp.take(x, src, axis=0)
    dst_feat = jnp.take(x, dst, axis=0)
    edge_inputs = jnp.concatenate([src_feat, dst_feat], axis=-1)
    messages = jax.nn.relu(edge_inputs @ W + b)
    # ConvolutionFromEdgeSetUpdate: pool per-edge results to destination nodes (reduce_type='sum')
    pooled = jax.ops.segment_sum(messages, dst, num_segments=x.shape[0])
    return pooled

if __name__ == "__main__":
    import jax
    _d = setup_inputs()
    print(jax.jit(kernel)(*tuple(_d.values())))

</pallas_src>

<mosaic_0001>
#map = affine_map<(d0, d1) -> (0, 0)>
#map1 = affine_map<(d0, d1) -> (0)>
#map2 = affine_map<(d0, d1) -> (0, 0, 0)>
module attributes {stable_mosaic.version = 14 : i64} {
  func.func @_sc_edges(%arg0: i32, %arg1: i32, %arg2: memref<10000x64xf32, #tpu.memory_space<hbm>>, %arg3: memref<10000x64xf32, #tpu.memory_space<hbm>>, %arg4: memref<320000xi32, #tpu.memory_space<hbm>>, %arg5: memref<320000xi32, #tpu.memory_space<hbm>>, %arg6: memref<2x10240x64xf32, #tpu.memory_space<hbm>>, %arg7: memref<2x10240x64xf32, #tpu.memory_space<hbm>>, %arg8: memref<2x80xi32, #tpu.memory_space<vmem>>, %arg9: memref<2x80xi32, #tpu.memory_space<vmem>>, %arg10: memref<2x80xi32, #tpu.memory_space<vmem>>, %arg11: memref<2x80x64xf32, #tpu.memory_space<vmem>>, %arg12: memref<2x80x64xf32, #tpu.memory_space<vmem>>, %arg13: memref<10240x64xf32, #tpu.memory_space<vmem_shared>>, %arg14: memref<10240x64xf32, #tpu.memory_space<vmem_shared>>, %arg15: memref<!tpu.dma_semaphore, #tpu.memory_space<semaphore_mem>>, %arg16: memref<!tpu.dma_semaphore, #tpu.memory_space<semaphore_mem>>, %arg17: memref<!tpu.dma_semaphore, #tpu.memory_space<semaphore_mem>>, %arg18: memref<!tpu.dma_semaphore, #tpu.memory_space<semaphore_mem>>, %arg19: memref<!tpu.dma_semaphore, #tpu.memory_space<semaphore_mem>>, %arg20: memref<!tpu.dma_semaphore, #tpu.memory_space<semaphore_mem>>, %arg21: memref<!tpu.dma_semaphore, #tpu.memory_space<semaphore_mem>>, %arg22: memref<!tpu.dma_semaphore, #tpu.memory_space<semaphore_mem>>, %arg23: memref<!tpu.dma_semaphore, #tpu.memory_space<semaphore_mem>>, %arg24: memref<!tpu.dma_semaphore, #tpu.memory_space<semaphore_mem>>) attributes {dimension_semantics = [#tpu.dimension_semantics<core_parallel>, #tpu.dimension_semantics<subcore_parallel>], iteration_bounds = array<i64: 2, 16>, scalar_prefetch = 0 : i64, scratch_operands = 17 : i64, tpu.core_type = #tpu.core_type<sc_vector_subcore>, window_params = [{transform_indices = #map}, {transform_indices = #map}, {transform_indices = #map1}, {transform_indices = #map1}, {transform_indices = #map2}, {transform_indices = #map2}]} {
    %mul3A = arith.constant 2 : i32
    %mul3A_0 = arith.muli %arg1, %mul3A : i32
    %add3A = arith.addi %mul3A_0, %arg0 : i32
    %mul3A_1 = arith.constant 10000 : i32
    %mul3A_2 = arith.muli %add3A, %mul3A_1 : i32
    %broadcast_in_dim3A = arith.constant 0.000000e+00 : f32
    %broadcast_in_dim3A_3 = vector.broadcast %broadcast_in_dim3A : f32 to vector<16xf32>
    %scan3A = arith.constant 0 : i32
    %scan3A_4 = arith.constant 0 : i32
    %scan3A_5 = arith.constant 80 : i32
    %scan3A_6 = arith.addi %scan3A_4, %scan3A_5 : i32
    %scan3A_7 = arith.constant 4 : i32
    scf.for %scan3A_218 = %scan3A_4 to %scan3A_6 step %scan3A_7  : i32 {
      %swap3A_219 = arith.constant 0 : i32
      %swap3A_220 = arith.index_cast %swap3A_219 : i32 to index
      %swap3A_221 = arith.index_cast %scan3A_218 : i32 to index
      %swap3A_222 = arith.constant 0 : index
      %swap3A_223 = tpu.vector_load %arg12[%swap3A_220, %swap3A_221, %swap3A_222] {strides = array<i32>} : memref<2x80x64xf32, #tpu.memory_space<vmem>>, vector<1x1x16xf32>,
      %swap3A_224 = vector.shape_cast %swap3A_223 : vector<1x1x16xf32> to vector<16xf32>
      %swap3A_225 = vector.shape_cast %broadcast_in_dim3A_3 : vector<16xf32> to vector<1x1x16xf32>
      tpu.vector_store %arg12[%swap3A_220, %swap3A_221, %swap3A_222], %swap3A_225 {strides = array<i32>} : memref<2x80x64xf32, #tpu.memory_space<vmem>>, vector<1x1x16xf32>,
      %swap3A_226 = arith.constant 0 : i32
      %swap3A_227 = arith.index_cast %swap3A_226 : i32 to index
      %swap3A_228 = arith.index_cast %scan3A_218 : i32 to index
      %swap3A_229 = arith.constant 16 : index
      %swap3A_230 = tpu.vector_load %arg12[%swap3A_227, %swap3A_228, %swap3A_229] {strides = array<i32>} : memref<2x80x64xf32, #tpu.memory_space<vmem>>, vector<1x1x16xf32>,
      %swap3A_231 = vector.shape_cast %swap3A_230 : vector<1x1x16xf32> to vector<16xf32>
      %swap3A_232 = vector.shape_cast %broadcast_in_dim3A_3 : vector<16xf32> to vector<1x1x16xf32>
      tpu.vector_store %arg12[%swap3A_227, %swap3A_228, %swap3A_229], %swap3A_232 {strides = array<i32>} : memref<2x80x64xf32, #tpu.memory_space<vmem>>, vector<1x1x16xf32>,
      %swap3A_233 = arith.constant 0 : i32
      %swap3A_234 = arith.index_cast %swap3A_233 : i32 to index
      %swap3A_235 = arith.index_cast %scan3A_218 : i32 to index
      %swap3A_236 = arith.constant 32 : index
      %swap3A_237 = tpu.vector_load %arg12[%swap3A_234, %swap3A_235, %swap3A_236] {strides = array<i32>} : memref<2x80x64xf32, #tpu.memory_space<vmem>>, vector<1x1x16xf32>,
      %swap3A_238 = vector.shape_cast %swap3A_237 : vector<1x1x16xf32> to vector<16xf32>
      %swap3A_239 = vector.shape_cast %broadcast_in_dim3A_3 : vector<16xf32> to vector<1x1x16xf32>
      tpu.vector_store %arg12[%swap3A_234, %swap3A_235, %swap3A_236], %swap3A_239 {strides = array<i32>} : memref<2x80x64xf32, #tpu.memory_space<vmem>>, vector<1x1x16xf32>,
      %swap3A_240 = arith.constant 0 : i32
      %swap3A_241 = arith.index_cast %swap3A_240 : i32 to index
      %swap3A_242 = arith.index_cast %scan3A_218 : i32 to index
      %swap3A_243 = arith.constant 48 : index
      %swap3A_244 = tpu.vector_load %arg12[%swap3A_241, %swap3A_242, %swap3A_243] {strides = array<i32>} : memref<2x80x64xf32, #tpu.memory_space<vmem>>, vector<1x1x16xf32>,
      %swap3A_245 = vector.shape_cast %swap3A_244 : vector<1x1x16xf32> to vector<16xf32>
      %swap3A_246 = vector.shape_cast %broadcast_in_dim3A_3 : vector<16xf32> to vector<1x1x16xf32>
      tpu.vector_store %arg12[%swap3A_241, %swap3A_242, %swap3A_243], %swap3A_246 {strides = array<i32>} : memref<2x80x64xf32, #tpu.memory_space<vmem>>, vector<1x1x16xf32>,
      %scan3A_247 = arith.constant 1 : i32
      %scan3A_248 = arith.addi %scan3A_218, %scan3A_247 : i32
      %swap3A_249 = arith.constant 0 : i32
      %swap3A_250 = arith.index_cast %swap3A_249 : i32 to index
      %swap3A_251 = arith.index_cast %scan3A_248 : i32 to index
      %swap3A_252 = arith.constant 0 : index
      %swap3A_253 = tpu.vector_load %arg12[%swap3A_250, %swap3A_251, %swap3A_252] {strides = array<i32>} : memref<2x80x64xf32, #tpu.memory_space<vmem>>, vector<1x1x16xf32>,
      %swap3A_254 = vector.shape_cast %swap3A_253 : vector<1x1x16xf32> to vector<16xf32>
      %swap3A_255 = vector.shape_cast %broadcast_in_dim3A_3 : vector<16xf32> to vector<1x1x16xf32>
      tpu.vector_store %arg12[%swap3A_250, %swap3A_251, %swap3A_252], %swap3A_255 {strides = array<i32>} : memref<2x80x64xf32, #tpu.memory_space<vmem>>, vector<1x1x16xf32>,
      %swap3A_256 = arith.constant 0 : i32
      %swap3A_257 = arith.index_cast %swap3A_256 : i32 to index
      %swap3A_258 = arith.index_cast %scan3A_248 : i32 to index
      %swap3A_259 = arith.constant 16 : index
      %swap3A_260 = tpu.vector_load %arg12[%swap3A_257, %swap3A_258, %swap3A_259] {strides = array<i32>} : memref<2x80x64xf32, #tpu.memory_space<vmem>>, vector<1x1x16xf32>,
      %swap3A_261 = vector.shape_cast %swap3A_260 : vector<1x1x16xf32> to vector<16xf32>
      %swap3A_262 = vector.shape_cast %broadcast_in_dim3A_3 : vector<16xf32> to vector<1x1x16xf32>
      tpu.vector_store %arg12[%swap3A_257, %swap3A_258, %swap3A_259], %swap3A_262 {strides = array<i32>} : memref<2x80x64xf32, #tpu.memory_space<vmem>>, vector<1x1x16xf32>,
      %swap3A_263 = arith.constant 0 : i32
      %swap3A_264 = arith.index_cast %swap3A_263 : i32 to index
      %swap3A_265 = arith.index_cast %scan3A_248 : i32 to index
      %swap3A_266 = arith.constant 32 : index
      %swap3A_267 = tpu.vector_load %arg12[%swap3A_264, %swap3A_265, %swap3A_266] {strides = array<i32>} : memref<2x80x64xf32, #tpu.memory_space<vmem>>, vector<1x1x16xf32>,
      %swap3A_268 = vector.shape_cast %swap3A_267 : vector<1x1x16xf32> to vector<16xf32>
      %swap3A_269 = vector.shape_cast %broadcast_in_dim3A_3 : vector<16xf32> to vector<1x1x16xf32>
      tpu.vector_store %arg12[%swap3A_264, %swap3A_265, %swap3A_266], %swap3A_269 {strides = array<i32>} : memref<2x80x64xf32, #tpu.memory_space<vmem>>, vector<1x1x16xf32>,
      %swap3A_270 = arith.constant 0 : i32
      %swap3A_271 = arith.index_cast %swap3A_270 : i32 to index
      %swap3A_272 = arith.index_cast %scan3A_248 : i32 to index
      %swap3A_273 = arith.constant 48 : index
      %swap3A_274 = tpu.vector_load %arg12[%swap3A_271, %swap3A_272, %swap3A_273] {strides = array<i32>} : memref<2x80x64xf32, #tpu.memory_space<vmem>>, vector<1x1x16xf32>,
      %swap3A_275 = vector.shape_cast %swap3A_274 : vector<1x1x16xf32> to vector<16xf32>
      %swap3A_276 = vector.shape_cast %broadcast_in_dim3A_3 : vector<16xf32> to vector<1x1x16xf32>
      tpu.vector_store %arg12[%swap3A_271, %swap3A_272, %swap3A_273], %swap3A_276 {strides = array<i32>} : memref<2x80x64xf32, #tpu.memory_space<vmem>>, vector<1x1x16xf32>,
      %scan3A_277 = arith.constant 2 : i32
      %scan3A_278 = arith.addi %scan3A_218, %scan3A_277 : i32
      %swap3A_279 = arith.constant 0 : i32
      %swap3A_280 = arith.index_cast %swap3A_279 : i32 to index
      %swap3A_281 = arith.index_cast %scan3A_278 : i32 to index
      %swap3A_282 = arith.constant 0 : index
      %swap3A_283 = tpu.vector_load %arg12[%swap3A_280, %swap3A_281, %swap3A_282] {strides = array<i32>} : memref<2x80x64xf32, #tpu.memory_space<vmem>>, vector<1x1x16xf32>,
      %swap3A_284 = vector.shape_cast %swap3A_283 : vector<1x1x16xf32> to vector<16xf32>
      %swap3A_285 = vector.shape_cast %broadcast_in_dim3A_3 : vector<16xf32> to vector<1x1x16xf32>
      tpu.vector_store %arg12[%swap3A_280, %swap3A_281, %swap3A_282], %swap3A_285 {strides = array<i32>} : memref<2x80x64xf32, #tpu.memory_space<vmem>>, vector<1x1x16xf32>,
      %swap3A_286 = arith.constant 0 : i32
      %swap3A_287 = arith.index_cast %swap3A_286 : i32 to index
      %swap3A_288 = arith.index_cast %scan3A_278 : i32 to index
      %swap3A_289 = arith.constant 16 : index
      %swap3A_290 = tpu.vector_load %arg12[%swap3A_287, %swap3A_288, %swap3A_289] {strides = array<i32>} : memref<2x80x64xf32, #tpu.memory_space<vmem>>, vector<1x1x16xf32>,
      %swap3A_291 = vector.shape_cast %swap3A_290 : vector<1x1x16xf32> to vector<16xf32>
      %swap3A_292 = vector.shape_cast %broadcast_in_dim3A_3 : vector<16xf32> to vector<1x1x16xf32>
      tpu.vector_store %arg12[%swap3A_287, %swap3A_288, %swap3A_289], %swap3A_292 {strides = array<i32>} : memref<2x80x64xf32, #tpu.memory_space<vmem>>, vector<1x1x16xf32>,
      %swap3A_293 = arith.constant 0 : i32
      %swap3A_294 = arith.index_cast %swap3A_293 : i32 to index
      %swap3A_295 = arith.index_cast %scan3A_278 : i32 to index
      %swap3A_296 = arith.constant 32 : index
      %swap3A_297 = tpu.vector_load %arg12[%swap3A_294, %swap3A_295, %swap3A_296] {strides = array<i32>} : memref<2x80x64xf32, #tpu.memory_space<vmem>>, vector<1x1x16xf32>,
      %swap3A_298 = vector.shape_cast %swap3A_297 : vector<1x1x16xf32> to vector<16xf32>
      %swap3A_299 = vector.shape_cast %broadcast_in_dim3A_3 : vector<16xf32> to vector<1x1x16xf32>
      tpu.vector_store %arg12[%swap3A_294, %swap3A_295, %swap3A_296], %swap3A_299 {strides = array<i32>} : memref<2x80x64xf32, #tpu.memory_space<vmem>>, vector<1x1x16xf32>,
      %swap3A_300 = arith.constant 0 : i32
      %swap3A_301 = arith.index_cast %swap3A_300 : i32 to index
      %swap3A_302 = arith.index_cast %scan3A_278 : i32 to index
      %swap3A_303 = arith.constant 48 : index
      %swap3A_304 = tpu.vector_load %arg12[%swap3A_301, %swap3A_302, %swap3A_303] {strides = array<i32>} : memref<2x80x64xf32, #tpu.memory_space<vmem>>, vector<1x1x16xf32>,
      %swap3A_305 = vector.shape_cast %swap3A_304 : vector<1x1x16xf32> to vector<16xf32>
      %swap3A_306 = vector.shape_cast %broadcast_in_dim3A_3 : vector<16xf32> to vector<1x1x16xf32>
      tpu.vector_store %arg12[%swap3A_301, %swap3A_302, %swap3A_303], %swap3A_306 {strides = array<i32>} : memref<2x80x64xf32, #tpu.memory_space<vmem>>, vector<1x1x16xf32>,
      %scan3A_307 = arith.constant 3 : i32
      %scan3A_308 = arith.addi %scan3A_218, %scan3A_307 : i32
      %swap3A_309 = arith.constant 0 : i32
      %swap3A_310 = arith.index_cast %swap3A_309 : i32 to index
      %swap3A_311 = arith.index_cast %scan3A_308 : i32 to index
      %swap3A_312 = arith.constant 0 : index
      %swap3A_313 = tpu.vector_load %arg12[%swap3A_310, %swap3A_311, %swap3A_312] {strides = array<i32>} : memref<2x80x64xf32, #tpu.memory_space<vmem>>, vector<1x1x16xf32>,
      %swap3A_314 = vector.shape_cast %swap3A_313 : vector<1x1x16xf32> to vector<16xf32>
      %swap3A_315 = vector.shape_cast %broadcast_in_dim3A_3 : vector<16xf32> to vector<1x1x16xf32>
      tpu.vector_store %arg12[%swap3A_310, %swap3A_311, %swap3A_312], %swap3A_315 {strides = array<i32>} : memref<2x80x64xf32, #tpu.memory_space<vmem>>, vector<1x1x16xf32>,
      %swap3A_316 = arith.constant 0 : i32
      %swap3A_317 = arith.index_cast %swap3A_316 : i32 to index
      %swap3A_318 = arith.index_cast %scan3A_308 : i32 to index
      %swap3A_319 = arith.constant 16 : index
      %swap3A_320 = tpu.vector_load %arg12[%swap3A_317, %swap3A_318, %swap3A_319] {strides = array<i32>} : memref<2x80x64xf32, #tpu.memory_space<vmem>>, vector<1x1x16xf32>,
      %swap3A_321 = vector.shape_cast %swap3A_320 : vector<1x1x16xf32> to vector<16xf32>
      %swap3A_322 = vector.shape_cast %broadcast_in_dim3A_3 : vector<16xf32> to vector<1x1x16xf32>
      tpu.vector_store %arg12[%swap3A_317, %swap3A_318, %swap3A_319], %swap3A_322 {strides = array<i32>} : memref<2x80x64xf32, #tpu.memory_space<vmem>>, vector<1x1x16xf32>,
      %swap3A_323 = arith.constant 0 : i32
      %swap3A_324 = arith.index_cast %swap3A_323 : i32 to index
      %swap3A_325 = arith.index_cast %scan3A_308 : i32 to index
      %swap3A_326 = arith.constant 32 : index
      %swap3A_327 = tpu.vector_load %arg12[%swap3A_324, %swap3A_325, %swap3A_326] {strides = array<i32>} : memref<2x80x64xf32, #tpu.memory_space<vmem>>, vector<1x1x16xf32>,
      %swap3A_328 = vector.shape_cast %swap3A_327 : vector<1x1x16xf32> to vector<16xf32>
      %swap3A_329 = vector.shape_cast %broadcast_in_dim3A_3 : vector<16xf32> to vector<1x1x16xf32>
      tpu.vector_store %arg12[%swap3A_324, %swap3A_325, %swap3A_326], %swap3A_329 {strides = array<i32>} : memref<2x80x64xf32, #tpu.memory_space<vmem>>, vector<1x1x16xf32>,
      %swap3A_330 = arith.constant 0 : i32
      %swap3A_331 = arith.index_cast %swap3A_330 : i32 to index
      %swap3A_332 = arith.index_cast %scan3A_308 : i32 to index
      %swap3A_333 = arith.constant 48 : index
      %swap3A_334 = tpu.vector_load %arg12[%swap3A_331, %swap3A_332, %swap3A_333] {strides = array<i32>} : memref<2x80x64xf32, #tpu.memory_space<vmem>>, vector<1x1x16xf32>,
      %swap3A_335 = vector.shape_cast %swap3A_334 : vector<1x1x16xf32> to vector<16xf32>
      %swap3A_336 = vector.shape_cast %broadcast_in_dim3A_3 : vector<16xf32> to vector<1x1x16xf32>
      tpu.vector_store %arg12[%swap3A_331, %swap3A_332, %swap3A_333], %swap3A_336 {strides = array<i32>} : memref<2x80x64xf32, #tpu.memory_space<vmem>>, vector<1x1x16xf32>,
    }
    %scan3A_8 = arith.constant 80 : i32
    %mul3A_9 = arith.constant 640 : i32
    %mul3A_10 = arith.muli %arg1, %mul3A_9 : i32
    %add3A_11 = arith.constant 0 : i32
    %add3A_12 = arith.addi %mul3A_10, %add3A_11 : i32
    %run_scoped3A = arith.constant 0 : i32
    "tpu.region"() ({
      %run_scoped3A_218 = tpu.sem_alloc : memref<!tpu.dma_semaphore, #tpu.memory_space<semaphore_mem>>
      %dma_start3A_219 = arith.constant 0 : i32
      %dma_start3A_220 = arith.constant 0 : i32
      %dma_start3A_221 = tpu.memref_slice %arg12[%run_scoped3A, %dma_start3A_219, %dma_start3A_220] : memref<2x80x64xf32, #tpu.memory_space<vmem>> -> memref<1x80x64xf32, #tpu.memory_space<vmem>>
      %dma_start3A_222 = tpu.memref_squeeze %dma_start3A_221 : memref<1x80x64xf32, #tpu.memory_space<vmem>> -> memref<80x64xf32, #tpu.memory_space<vmem>>
      %dma_start3A_223 = arith.constant 0 : i32
      %dma_start3A_224 = tpu.memref_slice %arg13[%add3A_12, %dma_start3A_223] : memref<10240x64xf32, #tpu.memory_space<vmem_shared>> -> memref<80x64xf32, #tpu.memory_space<vmem_shared>>
      %dma_start3A_225 = arith.constant 0 : i32
      %dma_start3A_226 = tpu.memref_slice %arg13[%add3A_12, %dma_start3A_225] : memref<10240x64xf32, #tpu.memory_space<vmem_shared>> -> memref<80x64xf32, #tpu.memory_space<vmem_shared>>
      %dma_start3A_227 = arith.constant 0 : i32
      %dma_start3A_228 = arith.constant 0 : i32
      %dma_start3A_229 = tpu.memref_slice %arg12[%run_scoped3A, %dma_start3A_227, %dma_start3A_228] : memref<2x80x64xf32, #tpu.memory_space<vmem>> -> memref<1x80x64xf32, #tpu.memory_space<vmem>>
      %dma_start3A_230 = tpu.memref_squeeze %dma_start3A_229 : memref<1x80x64xf32, #tpu.memory_space<vmem>> -> memref<80x64xf32, #tpu.memory_space<vmem>>
      tpu.enqueue_dma source(%dma_start3A_230 : memref<80x64xf32, #tpu.memory_space<vmem>>) target(%dma_start3A_226 : memref<80x64xf32, #tpu.memory_space<vmem_shared>>) target_semaphore(%run_scoped3A_218 : memref<!tpu.dma_semaphore, #tpu.memory_space<semaphore_mem>>)
      %dma_wait3A_231 = arith.constant 0 : i32
      %dma_wait3A_232 = arith.constant 0 : i32
      %dma_wait3A_233 = tpu.memref_slice %arg12[%run_scoped3A, %dma_wait3A_231, %dma_wait3A_232] : memref<2x80x64xf32, #tpu.memory_space<vmem>> -> memref<1x80x64xf32, #tpu.memory_space<vmem>>
      %dma_wait3A_234 = tpu.memref_squeeze %dma_wait3A_233 : memref<1x80x64xf32, #tpu.memory_space<vmem>> -> memref<80x64xf32, #tpu.memory_space<vmem>>
      %dma_wait3A_235 = arith.constant 0 : i32
      %dma_wait3A_236 = tpu.memref_slice %arg13[%add3A_12, %dma_wait3A_235] : memref<10240x64xf32, #tpu.memory_space<vmem_shared>> -> memref<80x64xf32, #tpu.memory_space<vmem_shared>>
      %dma_wait3A_237 = arith.constant 0 : i32
      %dma_wait3A_238 = tpu.memref_slice %arg13[%add3A_12, %dma_wait3A_237] : memref<10240x64xf32, #tpu.memory_space<vmem_shared>> -> memref<80x64xf32, #tpu.memory_space<vmem_shared>>
      %dma_wait3A_239 = arith.constant 0 : i32
      %dma_wait3A_240 = arith.constant 0 : i32
      %dma_wait3A_241 = tpu.memref_slice %arg12[%run_scoped3A, %dma_wait3A_239, %dma_wait3A_240] : memref<2x80x64xf32, #tpu.memory_space<vmem>> -> memref<1x80x64xf32, #tpu.memory_space<vmem>>
      %dma_wait3A_242 = tpu.memref_squeeze %dma_wait3A_241 : memref<1x80x64xf32, #tpu.memory_space<vmem>> -> memref<80x64xf32, #tpu.memory_space<vmem>>
      tpu.wait_dma2 semaphore(%run_scoped3A_218 : memref<!tpu.dma_semaphore, #tpu.memory_space<semaphore_mem>>) src(%dma_wait3A_242 : memref<80x64xf32, #tpu.memory_space<vmem>>) dst(%dma_wait3A_238 : memref<80x64xf32, #tpu.memory_space<vmem_shared>>)
      tpu.yield
    }) : () -> ()
    %add3A_13 = arith.constant 0 : i32
    %add3A_14 = arith.addi %mul3A_10, %add3A_13 : i32
    %run_scoped3A_15 = arith.constant 0 : i32
    "tpu.region"() ({
      %run_scoped3A_218 = tpu.sem_alloc : memref<!tpu.dma_semaphore, #tpu.memory_space<semaphore_mem>>
      %dma_start3A_219 = arith.constant 0 : i32
      %dma_start3A_220 = arith.constant 0 : i32
      %dma_start3A_221 = tpu.memref_slice %arg12[%run_scoped3A_15, %dma_start3A_219, %dma_start3A_220] : memref<2x80x64xf32, #tpu.memory_space<vmem>> -> memref<1x80x64xf32, #tpu.memory_space<vmem>>
      %dma_start3A_222 = tpu.memref_squeeze %dma_start3A_221 : memref<1x80x64xf32, #tpu.memory_space<vmem>> -> memref<80x64xf32, #tpu.memory_space<vmem>>
      %dma_start3A_223 = arith.constant 0 : i32
      %dma_start3A_224 = tpu.memref_slice %arg14[%add3A_14, %dma_start3A_223] : memref<10240x64xf32, #tpu.memory_space<vmem_shared>> -> memref<80x64xf32, #tpu.memory_space<vmem_shared>>
      %dma_start3A_225 = arith.constant 0 : i32
      %dma_start3A_226 = tpu.memref_slice %arg14[%add3A_14, %dma_start3A_225] : memref<10240x64xf32, #tpu.memory_space<vmem_shared>> -> memref<80x64xf32, #tpu.memory_space<vmem_shared>>
      %dma_start3A_227 = arith.constant 0 : i32
      %dma_start3A_228 = arith.constant 0 : i32
      %dma_start3A_229 = tpu.memref_slice %arg12[%run_scoped3A_15, %dma_start3A_227, %dma_start3A_228] : memref<2x80x64xf32, #tpu.memory_space<vmem>> -> memref<1x80x64xf32, #tpu.memory_space<vmem>>
      %dma_start3A_230 = tpu.memref_squeeze %dma_start3A_229 : memref<1x80x64xf32, #tpu.memory_space<vmem>> -> memref<80x64xf32, #tpu.memory_space<vmem>>
      tpu.enqueue_dma source(%dma_start3A_230 : memref<80x64xf32, #tpu.memory_space<vmem>>) target(%dma_start3A_226 : memref<80x64xf32, #tpu.memory_space<vmem_shared>>) target_semaphore(%run_scoped3A_218 : memref<!tpu.dma_semaphore, #tpu.memory_space<semaphore_mem>>)
      %dma_wait3A_231 = arith.constant 0 : i32
      %dma_wait3A_232 = arith.constant 0 : i32
      %dma_wait3A_233 = tpu.memref_slice %arg12[%run_scoped3A_15, %dma_wait3A_231, %dma_wait3A_232] : memref<2x80x64xf32, #tpu.memory_space<vmem>> -> memref<1x80x64xf32, #tpu.memory_space<vmem>>
      %dma_wait3A_234 = tpu.memref_squeeze %dma_wait3A_233 : memref<1x80x64xf32, #tpu.memory_space<vmem>> -> memref<80x64xf32, #tpu.memory_space<vmem>>
      %dma_wait3A_235 = arith.constant 0 : i32
      %dma_wait3A_236 = tpu.memref_slice %arg14[%add3A_14, %dma_wait3A_235] : memref<10240x64xf32, #tpu.memory_space<vmem_shared>> -> memref<80x64xf32, #tpu.memory_space<vmem_shared>>
      %dma_wait3A_237 = arith.constant 0 : i32
      %dma_wait3A_238 = tpu.memref_slice %arg14[%add3A_14, %dma_wait3A_237] : memref<10240x64xf32, #tpu.memory_space<vmem_shared>> -> memref<80x64xf32, #tpu.memory_space<vmem_shared>>
      %dma_wait3A_239 = arith.constant 0 : i32
      %dma_wait3A_240 = arith.constant 0 : i32
      %dma_wait3A_241 = tpu.memref_slice %arg12[%run_scoped3A_15, %dma_wait3A_239, %dma_wait3A_240] : memref<2x80x64xf32, #tpu.memory_space<vmem>> -> memref<1x80x64xf32, #tpu.memory_space<vmem>>
      %dma_wait3A_242 = tpu.memref_squeeze %dma_wait3A_241 : memref<1x80x64xf32, #tpu.memory_space<vmem>> -> memref<80x64xf32, #tpu.memory_space<vmem>>
      tpu.wait_dma2 semaphore(%run_scoped3A_218 : memref<!tpu.dma_semaphore, #tpu.memory_space<semaphore_mem>>) src(%dma_wait3A_242 : memref<80x64xf32, #tpu.memory_space<vmem>>) dst(%dma_wait3A_238 : memref<80x64xf32, #tpu.memory_space<vmem_shared>>)
      tpu.yield
    }) : () -> ()
    %add3A_16 = arith.constant 80 : i32
    %add3A_17 = arith.addi %mul3A_10, %add3A_16 : i32
    %run_scoped3A_18 = arith.constant 0 : i32
    "tpu.region"() ({
      %run_scoped3A_218 = tpu.sem_alloc : memref<!tpu.dma_semaphore, #tpu.memory_space<semaphore_mem>>
      %dma_start3A_219 = arith.constant 0 : i32
      %dma_start3A_220 = arith.constant 0 : i32
      %dma_start3A_221 = tpu.memref_slice %arg12[%run_scoped3A_18, %dma_start3A_219, %dma_start3A_220] : memref<2x80x64xf32, #tpu.memory_space<vmem>> -> memref<1x80x64xf32, #tpu.memory_space<vmem>>
      %dma_start3A_222 = tpu.memref_squeeze %dma_start3A_221 : memref<1x80x64xf32, #tpu.memory_space<vmem>> -> memref<80x64xf32, #tpu.memory_space<vmem>>
      %dma_start3A_223 = arith.constant 0 : i32
      %dma_start3A_224 = tpu.memref_slice %arg13[%add3A_17, %dma_start3A_223] : memref<10240x64xf32, #tpu.memory_space<vmem_shared>> -> memref<80x64xf32, #tpu.memory_space<vmem_shared>>
      %dma_start3A_225 = arith.constant 0 : i32
      %dma_start3A_226 = tpu.memref_slice %arg13[%add3A_17, %dma_start3A_225] : memref<10240x64xf32, #tpu.memory_space<vmem_shared>> -> memref<80x64xf32, #tpu.memory_space<vmem_shared>>
      %dma_start3A_227 = arith.constant 0 : i32
      %dma_start3A_228 = arith.constant 0 : i32
      %dma_start3A_229 = tpu.memref_slice %arg12[%run_scoped3A_18, %dma_start3A_227, %dma_start3A_228] : memref<2x80x64xf32, #tpu.memory_space<vmem>> -> memref<1x80x64xf32, #tpu.memory_space<vmem>>
      %dma_start3A_230 = tpu.memref_squeeze %dma_start3A_229 : memref<1x80x64xf32, #tpu.memory_space<vmem>> -> memref<80x64xf32, #tpu.memory_space<vmem>>
      tpu.enqueue_dma source(%dma_start3A_230 : memref<80x64xf32, #tpu.memory_space<vmem>>) target(%dma_start3A_226 : memref<80x64xf32, #tpu.memory_space<vmem_shared>>) target_semaphore(%run_scoped3A_218 : memref<!tpu.dma_semaphore, #tpu.memory_space<semaphore_mem>>)
      %dma_wait3A_231 = arith.constant 0 : i32
      %dma_wait3A_232 = arith.constant 0 : i32
      %dma_wait3A_233 = tpu.memref_slice %arg12[%run_scoped3A_18, %dma_wait3A_231, %dma_wait3A_232] : memref<2x80x64xf32, #tpu.memory_space<vmem>> -> memref<1x80x64xf32, #tpu.memory_space<vmem>>
      %dma_wait3A_234 = tpu.memref_squeeze %dma_wait3A_233 : memref<1x80x64xf32, #tpu.memory_space<vmem>> -> memref<80x64xf32, #tpu.memory_space<vmem>>
      %dma_wait3A_235 = arith.constant 0 : i32
      %dma_wait3A_236 = tpu.memref_slice %arg13[%add3A_17, %dma_wait3A_235] : memref<10240x64xf32, #tpu.memory_space<vmem_shared>> -> memref<80x64xf32, #tpu.memory_space<vmem_shared>>
      %dma_wait3A_237 = arith.constant 0 : i32
      %dma_wait3A_238 = tpu.memref_slice %arg13[%add3A_17, %dma_wait3A_237] : memref<10240x64xf32, #tpu.memory_space<vmem_shared>> -> memref<80x64xf32, #tpu.memory_space<vmem_shared>>
      %dma_wait3A_239 = arith.constant 0 : i32
      %dma_wait3A_240 = arith.constant 0 : i32
      %dma_wait3A_241 = tpu.memref_slice %arg12[%run_scoped3A_18, %dma_wait3A_239, %dma_wait3A_240] : memref<2x80x64xf32, #tpu.memory_space<vmem>> -> memref<1x80x64xf32, #tpu.memory_space<vmem>>
      %dma_wait3A_242 = tpu.memref_squeeze %dma_wait3A_241 : memref<1x80x64xf32, #tpu.memory_space<vmem>> -> memref<80x64xf32, #tpu.memory_space<vmem>>
      tpu.wait_dma2 semaphore(%run_scoped3A_218 : memref<!tpu.dma_semaphore, #tpu.memory_space<semaphore_mem>>) src(%dma_wait3A_242 : memref<80x64xf32, #tpu.memory_space<vmem>>) dst(%dma_wait3A_238 : memref<80x64xf32, #tpu.memory_space<vmem_shared>>)
      tpu.yield
    }) : () -> ()
    %add3A_19 = arith.constant 80 : i32
    %add3A_20 = arith.addi %mul3A_10, %add3A_19 : i32
    %run_scoped3A_21 = arith.constant 0 : i32
    "tpu.region"() ({
      %run_scoped3A_218 = tpu.sem_alloc : memref<!tpu.dma_semaphore, #tpu.memory_space<semaphore_mem>>
      %dma_start3A_219 = arith.constant 0 : i32
      %dma_start3A_220 = arith.constant 0 : i32
      %dma_start3A_221 = tpu.memref_slice %arg12[%run_scoped3A_21, %dma_start3A_219, %dma_start3A_220] : memref<2x80x64xf32, #tpu.memory_space<vmem>> -> memref<1x80x64xf32, #tpu.memory_space<vmem>>
      %dma_start3A_222 = tpu.memref_squeeze %dma_start3A_221 : memref<1x80x64xf32, #tpu.memory_space<vmem>> -> memref<80x64xf32, #tpu.memory_space<vmem>>
      %dma_start3A_223 = arith.constant 0 : i32
      %dma_start3A_224 = tpu.memref_slice %arg14[%add3A_20, %dma_start3A_223] : memref<10240x64xf32, #tpu.memory_space<vmem_shared>> -> memref<80x64xf32, #tpu.memory_space<vmem_shared>>
      %dma_start3A_225 = arith.constant 0 : i32
      %dma_start3A_226 = tpu.memref_slice %arg14[%add3A_20, %dma_start3A_225] : memref<10240x64xf32, #tpu.memory_space<vmem_shared>> -> memref<80x64xf32, #tpu.memory_space<vmem_shared>>
      %dma_start3A_227 = arith.constant 0 : i32
      %dma_start3A_228 = arith.constant 0 : i32
      %dma_start3A_229 = tpu.memref_slice %arg12[%run_scoped3A_21, %dma_start3A_227, %dma_start3A_228] : memref<2x80x64xf32, #tpu.memory_space<vmem>> -> memref<1x80x64xf32, #tpu.memory_space<vmem>>
      %dma_start3A_230 = tpu.memref_squeeze %dma_start3A_229 : memref<1x80x64xf32, #tpu.memory_space<vmem>> -> memref<80x64xf32, #tpu.memory_space<vmem>>
      tpu.enqueue_dma source(%dma_start3A_230 : memref<80x64xf32, #tpu.memory_space<vmem>>) target(%dma_start3A_226 : memref<80x64xf32, #tpu.memory_space<vmem_shared>>) target_semaphore(%run_scoped3A_218 : memref<!tpu.dma_semaphore, #tpu.memory_space<semaphore_mem>>)
      %dma_wait3A_231 = arith.constant 0 : i32
      %dma_wait3A_232 = arith.constant 0 : i32
      %dma_wait3A_233 = tpu.memref_slice %arg12[%run_scoped3A_21, %dma_wait3A_231, %dma_wait3A_232] : memref<2x80x64xf32, #tpu.memory_space<vmem>> -> memref<1x80x64xf32, #tpu.memory_space<vmem>>
      %dma_wait3A_234 = tpu.memref_squeeze %dma_wait3A_233 : memref<1x80x64xf32, #tpu.memory_space<vmem>> -> memref<80x64xf32, #tpu.memory_space<vmem>>
      %dma_wait3A_235 = arith.constant 0 : i32
      %dma_wait3A_236 = tpu.memref_slice %arg14[%add3A_20, %dma_wait3A_235] : memref<10240x64xf32, #tpu.memory_space<vmem_shared>> -> memref<80x64xf32, #tpu.memory_space<vmem_shared>>
      %dma_wait3A_237 = arith.constant 0 : i32
      %dma_wait3A_238 = tpu.memref_slice %arg14[%add3A_20, %dma_wait3A_237] : memref<10240x64xf32, #tpu.memory_space<vmem_shared>> -> memref<80x64xf32, #tpu.memory_space<vmem_shared>>
      %dma_wait3A_239 = arith.constant 0 : i32
      %dma_wait3A_240 = arith.constant 0 : i32
      %dma_wait3A_241 = tpu.memref_slice %arg12[%run_scoped3A_21, %dma_wait3A_239, %dma_wait3A_240] : memref<2x80x64xf32, #tpu.memory_space<vmem>> -> memref<1x80x64xf32, #tpu.memory_space<vmem>>
      %dma_wait3A_242 = tpu.memref_squeeze %dma_wait3A_241 : memref<1x80x64xf32, #tpu.memory_space<vmem>> -> memref<80x64xf32, #tpu.memory_space<vmem>>
      tpu.wait_dma2 semaphore(%run_scoped3A_218 : memref<!tpu.dma_semaphore, #tpu.memory_space<semaphore_mem>>) src(%dma_wait3A_242 : memref<80x64xf32, #tpu.memory_space<vmem>>) dst(%dma_wait3A_238 : memref<80x64xf32, #tpu.memory_space<vmem_shared>>)
      tpu.yield
    }) : () -> ()
    %add3A_22 = arith.constant 160 : i32
    %add3A_23 = arith.addi %mul3A_10, %add3A_22 : i32
    %run_scoped3A_24 = arith.constant 0 : i32
    "tpu.region"() ({
      %run_scoped3A_218 = tpu.sem_alloc : memref<!tpu.dma_semaphore, #tpu.memory_space<semaphore_mem>>
      %dma_start3A_219 = arith.constant 0 : i32
      %dma_start3A_220 = arith.constant 0 : i32
      %dma_start3A_221 = tpu.memref_slice %arg12[%run_scoped3A_24, %dma_start3A_219, %dma_start3A_220] : memref<2x80x64xf32, #tpu.memory_space<vmem>> -> memref<1x80x64xf32, #tpu.memory_space<vmem>>
      %dma_start3A_222 = tpu.memref_squeeze %dma_start3A_221 : memref<1x80x64xf32, #tpu.memory_space<vmem>> -> memref<80x64xf32, #tpu.memory_space<vmem>>
      %dma_start3A_223 = arith.constant 0 : i32
      %dma_start3A_224 = tpu.memref_slice %arg13[%add3A_23, %dma_start3A_223] : memref<10240x64xf32, #tpu.memory_space<vmem_shared>> -> memref<80x64xf32, #tpu.memory_space<vmem_shared>>
      %dma_start3A_225 = arith.constant 0 : i32
      %dma_start3A_226 = tpu.memref_slice %arg13[%add3A_23, %dma_start3A_225] : memref<10240x64xf32, #tpu.memory_space<vmem_shared>> -> memref<80x64xf32, #tpu.memory_space<vmem_shared>>
      %dma_start3A_227 = arith.constant 0 : i32
      %dma_start3A_228 = arith.constant 0 : i32
      %dma_start3A_229 = tpu.memref_slice %arg12[%run_scoped3A_24, %dma_start3A_227, %dma_start3A_228] : memref<2x80x64xf32, #tpu.memory_space<vmem>> -> memref<1x80x64xf32, #tpu.memory_space<vmem>>
      %dma_start3A_230 = tpu.memref_squeeze %dma_start3A_229 : memref<1x80x64xf32, #tpu.memory_space<vmem>> -> memref<80x64xf32, #tpu.memory_space<vmem>>
      tpu.enqueue_dma source(%dma_start3A_230 : memref<80x64xf32, #tpu.memory_space<vmem>>) target(%dma_start3A_226 : memref<80x64xf32, #tpu.memory_space<vmem_shared>>) target_semaphore(%run_scoped3A_218 : memref<!tpu.dma_semaphore, #tpu.memory_space<semaphore_mem>>)
      %dma_wait3A_231 = arith.constant 0 : i32
      %dma_wait3A_232 = arith.constant 0 : i32
      %dma_wait3A_233 = tpu.memref_slice %arg12[%run_scoped3A_24, %dma_wait3A_231, %dma_wait3A_232] : memref<2x80x64xf32, #tpu.memory_space<vmem>> -> memref<1x80x64xf32, #tpu.memory_space<vmem>>
      %dma_wait3A_234 = tpu.memref_squeeze %dma_wait3A_233 : memref<1x80x64xf32, #tpu.memory_space<vmem>> -> memref<80x64xf32, #tpu.memory_space<vmem>>
      %dma_wait3A_235 = arith.constant 0 : i32
      %dma_wait3A_236 = tpu.memref_slice %arg13[%add3A_23, %dma_wait3A_235] : memref<10240x64xf32, #tpu.memory_space<vmem_shared>> -> memref<80x64xf32, #tpu.memory_space<vmem_shared>>
      %dma_wait3A_237 = arith.constant 0 : i32
      %dma_wait3A_238 = tpu.memref_slice %arg13[%add3A_23, %dma_wait3A_237] : memref<10240x64xf32, #tpu.memory_space<vmem_shared>> -> memref<80x64xf32, #tpu.memory_space<vmem_shared>>
      %dma_wait3A_239 = arith.constant 0 : i32
      %dma_wait3A_240 = arith.constant 0 : i32
      %dma_wait3A_241 = tpu.memref_slice %arg12[%run_scoped3A_24, %dma_wait3A_239, %dma_wait3A_240] : memref<2x80x64xf32, #tpu.memory_space<vmem>> -> memref<1x80x64xf32, #tpu.memory_space<vmem>>
      %dma_wait3A_242 = tpu.memref_squeeze %dma_wait3A_241 : memref<1x80x64xf32, #tpu.memory_space<vmem>> -> memref<80x64xf32, #tpu.memory_space<vmem>>
      tpu.wait_dma2 semaphore(%run_scoped3A_218 : memref<!tpu.dma_semaphore, #tpu.memory_space<semaphore_mem>>) src(%dma_wait3A_242 : memref<80x64xf32, #tpu.memory_space<vmem>>) dst(%dma_wait3A_238 : memref<80x64xf32, #tpu.memory_space<vmem_shared>>)
      tpu.yield
    }) : () -> ()
    %add3A_25 = arith.constant 160 : i32
    %add3A_26 = arith.addi %mul3A_10, %add3A_25 : i32
    %run_scoped3A_27 = arith.constant 0 : i32
    "tpu.region"() ({
      %run_scoped3A_218 = tpu.sem_alloc : memref<!tpu.dma_semaphore, #tpu.memory_space<semaphore_mem>>
      %dma_start3A_219 = arith.constant 0 : i32
      %dma_start3A_220 = arith.constant 0 : i32
      %dma_start3A_221 = tpu.memref_slice %arg12[%run_scoped3A_27, %dma_start3A_219, %dma_start3A_220] : memref<2x80x64xf32, #tpu.memory_space<vmem>> -> memref<1x80x64xf32, #tpu.memory_space<vmem>>
      %dma_start3A_222 = tpu.memref_squeeze %dma_start3A_221 : memref<1x80x64xf32, #tpu.memory_space<vmem>> -> memref<80x64xf32, #tpu.memory_space<vmem>>
      %dma_start3A_223 = arith.constant 0 : i32
      %dma_start3A_224 = tpu.memref_slice %arg14[%add3A_26, %dma_start3A_223] : memref<10240x64xf32, #tpu.memory_space<vmem_shared>> -> memref<80x64xf32, #tpu.memory_space<vmem_shared>>
      %dma_start3A_225 = arith.constant 0 : i32
      %dma_start3A_226 = tpu.memref_slice %arg14[%add3A_26, %dma_start3A_225] : memref<10240x64xf32, #tpu.memory_space<vmem_shared>> -> memref<80x64xf32, #tpu.memory_space<vmem_shared>>
      %dma_start3A_227 = arith.constant 0 : i32
      %dma_start3A_228 = arith.constant 0 : i32
      %dma_start3A_229 = tpu.memref_slice %arg12[%run_scoped3A_27, %dma_start3A_227, %dma_start3A_228] : memref<2x80x64xf32, #tpu.memory_space<vmem>> -> memref<1x80x64xf32, #tpu.memory_space<vmem>>
      %dma_start3A_230 = tpu.memref_squeeze %dma_start3A_229 : memref<1x80x64xf32, #tpu.memory_space<vmem>> -> memref<80x64xf32, #tpu.memory_space<vmem>>
      tpu.enqueue_dma source(%dma_start3A_230 : memref<80x64xf32, #tpu.memory_space<vmem>>) target(%dma_start3A_226 : memref<80x64xf32, #tpu.memory_space<vmem_shared>>) target_semaphore(%run_scoped3A_218 : memref<!tpu.dma_semaphore, #tpu.memory_space<semaphore_mem>>)
      %dma_wait3A_231 = arith.constant 0 : i32
      %dma_wait3A_232 = arith.constant 0 : i32
      %dma_wait3A_233 = tpu.memref_slice %arg12[%run_scoped3A_27, %dma_wait3A_231, %dma_wait3A_232] : memref<2x80x64xf32, #tpu.memory_space<vmem>> -> memref<1x80x64xf32, #tpu.memory_space<vmem>>
      %dma_wait3A_234 = tpu.memref_squeeze %dma_wait3A_233 : memref<1x80x64xf32, #tpu.memory_space<vmem>> -> memref<80x64xf32, #tpu.memory_space<vmem>>
      %dma_wait3A_235 = arith.constant 0 : i32
      %dma_wait3A_236 = tpu.memref_slice %arg14[%add3A_26, %dma_wait3A_235] : memref<10240x64xf32, #tpu.memory_space<vmem_shared>> -> memref<80x64xf32, #tpu.memory_space<vmem_shared>>
      %dma_wait3A_237 = arith.constant 0 : i32
      %dma_wait3A_238 = tpu.memref_slice %arg14[%add3A_26, %dma_wait3A_237] : memref<10240x64xf32, #tpu.memory_space<vmem_shared>> -> memref<80x64xf32, #tpu.memory_space<vmem_shared>>
      %dma_wait3A_239 = arith.constant 0 : i32
      %dma_wait3A_240 = arith.constant 0 : i32
      %dma_wait3A_241 = tpu.memref_slice %arg12[%run_scoped3A_27, %dma_wait3A_239, %dma_wait3A_240] : memref<2x80x64xf32, #tpu.memory_space<vmem>> -> memref<1x80x64xf32, #tpu.memory_space<vmem>>
      %dma_wait3A_242 = tpu.memref_squeeze %dma_wait3A_241 : memref<1x80x64xf32, #tpu.memory_space<vmem>> -> memref<80x64xf32, #tpu.memory_space<vmem>>
      tpu.wait_dma2 semaphore(%run_scoped3A_218 : memref<!tpu.dma_semaphore, #tpu.memory_space<semaphore_mem>>) src(%dma_wait3A_242 : memref<80x64xf32, #tpu.memory_space<vmem>>) dst(%dma_wait3A_238 : memref<80x64xf32, #tpu.memory_space<vmem_shared>>)
      tpu.yield
    }) : () -> ()
    %add3A_28 = arith.constant 240 : i32
    %add3A_29 = arith.addi %mul3A_10, %add3A_28 : i32
    %run_scoped3A_30 = arith.constant 0 : i32
    "tpu.region"() ({
      %run_scoped3A_218 = tpu.sem_alloc : memref<!tpu.dma_semaphore, #tpu.memory_space<semaphore_mem>>
      %dma_start3A_219 = arith.constant 0 : i32
      %dma_start3A_220 = arith.constant 0 : i32
      %dma_start3A_221 = tpu.memref_slice %arg12[%run_scoped3A_30, %dma_start3A_219, %dma_start3A_220] : memref<2x80x64xf32, #tpu.memory_space<vmem>> -> memref<1x80x64xf32, #tpu.memory_space<vmem>>
      %dma_start3A_222 = tpu.memref_squeeze %dma_start3A_221 : memref<1x80x64xf32, #tpu.memory_space<vmem>> -> memref<80x64xf32, #tpu.memory_space<vmem>>
      %dma_start3A_223 = arith.constant 0 : i32
      %dma_start3A_224 = tpu.memref_slice %arg13[%add3A_29, %dma_start3A_223] : memref<10240x64xf32, #tpu.memory_space<vmem_shared>> -> memref<80x64xf32, #tpu.memory_space<vmem_shared>>
      %dma_start3A_225 = arith.constant 0 : i32
      %dma_start3A_226 = tpu.memref_slice %arg13[%add3A_29, %dma_start3A_225] : memref<10240x64xf32, #tpu.memory_space<vmem_shared>> -> memref<80x64xf32, #tpu.memory_space<vmem_shared>>
      %dma_start3A_227 = arith.constant 0 : i32
      %dma_start3A_228 = arith.constant 0 : i32
      %dma_start3A_229 = tpu.memref_slice %arg12[%run_scoped3A_30, %dma_start3A_227, %dma_start3A_228] : memref<2x80x64xf32, #tpu.memory_space<vmem>> -> memref<1x80x64xf32, #tpu.memory_space<vmem>>
      %dma_start3A_230 = tpu.memref_squeeze %dma_start3A_229 : memref<1x80x64xf32, #tpu.memory_space<vmem>> -> memref<80x64xf32, #tpu.memory_space<vmem>>
      tpu.enqueue_dma source(%dma_start3A_230 : memref<80x64xf32, #tpu.memory_space<vmem>>) target(%dma_start3A_226 : memref<80x64xf32, #tpu.memory_space<vmem_shared>>) target_semaphore(%run_scoped3A_218 : memref<!tpu.dma_semaphore, #tpu.memory_space<semaphore_mem>>)
      %dma_wait3A_231 = arith.constant 0 : i32
      %dma_wait3A_232 = arith.constant 0 : i32
      %dma_wait3A_233 = tpu.memref_slice %arg12[%run_scoped3A_30, %dma_wait3A_231, %dma_wait3A_232] : memref<2x80x64xf32, #tpu.memory_space<vmem>> -> memref<1x80x64xf32, #tpu.memory_space<vmem>>
      %dma_wait3A_234 = tpu.memref_squeeze %dma_wait3A_233 : memref<1x80x64xf32, #tpu.memory_space<vmem>> -> memref<80x64xf32, #tpu.memory_space<vmem>>
      %dma_wait3A_235 = arith.constant 0 : i32
      %dma_wait3A_236 = tpu.memref_slice %arg13[%add3A_29, %dma_wait3A_235] : memref<10240x64xf32, #tpu.memory_space<vmem_shared>> -> memref<80x64xf32, #tpu.memory_space<vmem_shared>>
      %dma_wait3A_237 = arith.constant 0 : i32
      %dma_wait3A_238 = tpu.memref_slice %arg13[%add3A_29, %dma_wait3A_237] : memref<10240x64xf32, #tpu.memory_space<vmem_shared>> -> memref<80x64xf32, #tpu.memory_space<vmem_shared>>
      %dma_wait3A_239 = arith.constant 0 : i32
      %dma_wait3A_240 = arith.constant 0 : i32
      %dma_wait3A_241 = tpu.memref_slice %arg12[%run_scoped3A_30, %dma_wait3A_239, %dma_wait3A_240] : memref<2x80x64xf32, #tpu.memory_space<vmem>> -> memref<1x80x64xf32, #tpu.memory_space<vmem>>
      %dma_wait3A_242 = tpu.memref_squeeze %dma_wait3A_241 : memref<1x80x64xf32, #tpu.memory_space<vmem>> -> memref<80x64xf32, #tpu.memory_space<vmem>>
      tpu.wait_dma2 semaphore(%run_scoped3A_218 : memref<!tpu.dma_semaphore, #tpu.memory_space<semaphore_mem>>) src(%dma_wait3A_242 : memref<80x64xf32, #tpu.memory_space<vmem>>) dst(%dma_wait3A_238 : memref<80x64xf32, #tpu.memory_space<vmem_shared>>)
      tpu.yield
    }) : () -> ()
    %add3A_31 = arith.constant 240 : i32
    %add3A_32 = arith.addi %mul3A_10, %add3A_31 : i32
    %run_scoped3A_33 = arith.constant 0 : i32
    "tpu.region"() ({
      %run_scoped3A_218 = tpu.sem_alloc : memref<!tpu.dma_semaphore, #tpu.memory_space<semaphore_mem>>
      %dma_start3A_219 = arith.constant 0 : i32
      %dma_start3A_220 = arith.constant 0 : i32
      %dma_start3A_221 = tpu.memref_slice %arg12[%run_scoped3A_33, %dma_start3A_219, %dma_start3A_220] : memref<2x80x64xf32, #tpu.memory_space<vmem>> -> memref<1x80x64xf32, #tpu.memory_space<vmem>>
      %dma_start3A_222 = tpu.memref_squeeze %dma_start3A_221 : memref<1x80x64xf32, #tpu.memory_space<vmem>> -> memref<80x64xf32, #tpu.memory_space<vmem>>
      %dma_start3A_223 = arith.constant 0 : i32
      %dma_start3A_224 = tpu.memref_slice %arg14[%add3A_32, %dma_start3A_223] : memref<10240x64xf32, #tpu.memory_space<vmem_shared>> -> memref<80x64xf32, #tpu.memory_space<vmem_shared>>
      %dma_start3A_225 = arith.constant 0 : i32
      %dma_start3A_226 = tpu.memref_slice %arg14[%add3A_32, %dma_start3A_225] : memref<10240x64xf32, #tpu.memory_space<vmem_shared>> -> memref<80x64xf32, #tpu.memory_space<vmem_shared>>
      %dma_start3A_227 = arith.constant 0 : i32
      %dma_start3A_228 = arith.constant 0 : i32
      %dma_start3A_229 = tpu.memref_slice %arg12[%run_scoped3A_33, %dma_start3A_227, %dma_start3A_228] : memref<2x80x64xf32, #tpu.memory_space<vmem>> -> memref<1x80x64xf32, #tpu.memory_space<vmem>>
      %dma_start3A_230 = tpu.memref_squeeze %dma_start3A_229 : memref<1x80x64xf32, #tpu.memory_space<vmem>> -> memref<80x64xf32, #tpu.memory_space<vmem>>
      tpu.enqueue_dma source(%dma_start3A_230 : memref<80x64xf32, #tpu.memory_space<vmem>>) target(%dma_start3A_226 : memref<80x64xf32, #tpu.memory_space<vmem_shared>>) target_semaphore(%run_scoped3A_218 : memref<!tpu.dma_semaphore, #tpu.memory_space<semaphore_mem>>)
      %dma_wait3A_231 = arith.constant 0 : i32
      %dma_wait3A_232 = arith.constant 0 : i32
      %dma_wait3A_233 = tpu.memref_slice %arg12[%run_scoped3A_33, %dma_wait3A_231, %dma_wait3A_232] : memref<2x80x64xf32, #tpu.memory_space<vmem>> -> memref<1x80x64xf32, #tpu.memory_space<vmem>>
      %dma_wait3A_234 = tpu.memref_squeeze %dma_wait3A_233 : memref<1x80x64xf32, #tpu.memory_space<vmem>> -> memref<80x64xf32, #tpu.memory_space<vmem>>
      %dma_wait3A_235 = arith.constant 0 : i32
      %dma_wait3A_236 = tpu.memref_slice %arg14[%add3A_32, %dma_wait3A_235] : memref<10240x64xf32, #tpu.memory_space<vmem_shared>> -> memref<80x64xf32, #tpu.memory_space<vmem_shared>>
      %dma_wait3A_237 = arith.constant 0 : i32
      %dma_wait3A_238 = tpu.memref_slice %arg14[%add3A_32, %dma_wait3A_237] : memref<10240x64xf32, #tpu.memory_space<vmem_shared>> -> memref<80x64xf32, #tpu.memory_space<vmem_shared>>
      %dma_wait3A_239 = arith.constant 0 : i32
      %dma_wait3A_240 = arith.constant 0 : i32
      %dma_wait3A_241 = tpu.memref_slice %arg12[%run_scoped3A_33, %dma_wait3A_239, %dma_wait3A_240] : memref<2x80x64xf32, #tpu.memory_space<vmem>> -> memref<1x80x64xf32, #tpu.memory_space<vmem>>
      %dma_wait3A_242 = tpu.memref_squeeze %dma_wait3A_241 : memref<1x80x64xf32, #tpu.memory_space<vmem>> -> memref<80x64xf32, #tpu.memory_space<vmem>>
      tpu.wait_dma2 semaphore(%run_scoped3A_218 : memref<!tpu.dma_semaphore, #tpu.memory_space<semaphore_mem>>) src(%dma_wait3A_242 : memref<80x64xf32, #tpu.memory_space<vmem>>) dst(%dma_wait3A_238 : memref<80x64xf32, #tpu.memory_space<vmem_shared>>)
      tpu.yield
    }) : () -> ()
    %add3A_34 = arith.constant 320 : i32
    %add3A_35 = arith.addi %mul3A_10, %add3A_34 : i32
    %run_scoped3A_36 = arith.constant 0 : i32
    "tpu.region"() ({
      %run_scoped3A_218 = tpu.sem_alloc : memref<!tpu.dma_semaphore, #tpu.memory_space<semaphore_mem>>
      %dma_start3A_219 = arith.constant 0 : i32
      %dma_start3A_220 = arith.constant 0 : i32
      %dma_start3A_221 = tpu.memref_slice %arg12[%run_scoped3A_36, %dma_start3A_219, %dma_start3A_220] : memref<2x80x64xf32, #tpu.memory_space<vmem>> -> memref<1x80x64xf32, #tpu.memory_space<vmem>>
      %dma_start3A_222 = tpu.memref_squeeze %dma_start3A_221 : memref<1x80x64xf32, #tpu.memory_space<vmem>> -> memref<80x64xf32, #tpu.memory_space<vmem>>
      %dma_start3A_223 = arith.constant 0 : i32
      %dma_start3A_224 = tpu.memref_slice %arg13[%add3A_35, %dma_start3A_223] : memref<10240x64xf32, #tpu.memory_space<vmem_shared>> -> memref<80x64xf32, #tpu.memory_space<vmem_shared>>
      %dma_start3A_225 = arith.constant 0 : i32
      %dma_start3A_226 = tpu.memref_slice %arg13[%add3A_35, %dma_start3A_225] : memref<10240x64xf32, #tpu.memory_space<vmem_shared>> -> memref<80x64xf32, #tpu.memory_space<vmem_shared>>
      %dma_start3A_227 = arith.constant 0 : i32
      %dma_start3A_228 = arith.constant 0 : i32
      %dma_start3A_229 = tpu.memref_slice %arg12[%run_scoped3A_36, %dma_start3A_227, %dma_start3A_228] : memref<2x80x64xf32, #tpu.memory_space<vmem>> -> memref<1x80x64xf32, #tpu.memory_space<vmem>>
      %dma_start3A_230 = tpu.memref_squeeze %dma_start3A_229 : memref<1x80x64xf32, #tpu.memory_space<vmem>> -> memref<80x64xf32, #tpu.memory_space<vmem>>
      tpu.enqueue_dma source(%dma_start3A_230 : memref<80x64xf32, #tpu.memory_space<vmem>>) target(%dma_start3A_226 : memref<80x64xf32, #tpu.memory_space<vmem_shared>>) target_semaphore(%run_scoped3A_218 : memref<!tpu.dma_semaphore, #tpu.memory_space<semaphore_mem>>)
      %dma_wait3A_231 = arith.constant 0 : i32
      %dma_wait3A_232 = arith.constant 0 : i32
      %dma_wait3A_233 = tpu.memref_slice %arg12[%run_scoped3A_36, %dma_wait3A_231, %dma_wait3A_232] : memref<2x80x64xf32, #tpu.memory_space<vmem>> -> memref<1x80x64xf32, #tpu.memory_space<vmem>>
      %dma_wait3A_234 = tpu.memref_squeeze %dma_wait3A_233 : memref<1x80x64xf32, #tpu.memory_space<vmem>> -> memref<80x64xf32, #tpu.memory_space<vmem>>
      %dma_wait3A_235 = arith.constant 0 : i32
      %dma_wait3A_236 = tpu.memref_slice %arg13[%add3A_35, %dma_wait3A_235] : memref<10240x64xf32, #tpu.memory_space<vmem_shared>> -> memref<80x64xf32, #tpu.memory_space<vmem_shared>>
      %dma_wait3A_237 = arith.constant 0 : i32
      %dma_wait3A_238 = tpu.memref_slice %arg13[%add3A_35, %dma_wait3A_237] : memref<10240x64xf32, #tpu.memory_space<vmem_shared>> -> memref<80x64xf32, #tpu.memory_space<vmem_shared>>
      %dma_wait3A_239 = arith.constant 0 : i32
      %dma_wait3A_240 = arith.constant 0 : i32
      %dma_wait3A_241 = tpu.memref_slice %arg12[%run_scoped3A_36, %dma_wait3A_239, %dma_wait3A_240] : memref<2x80x64xf32, #tpu.memory_space<vmem>> -> memref<1x80x64xf32, #tpu.memory_space<vmem>>
      %dma_wait3A_242 = tpu.memref_squeeze %dma_wait3A_241 : memref<1x80x64xf32, #tpu.memory_space<vmem>> -> memref<80x64xf32, #tpu.memory_space<vmem>>
      tpu.wait_dma2 semaphore(%run_scoped3A_218 : memref<!tpu.dma_semaphore, #tpu.memory_space<semaphore_mem>>) src(%dma_wait3A_242 : memref<80x64xf32, #tpu.memory_space<vmem>>) dst(%dma_wait3A_238 : memref<80x64xf32, #tpu.memory_space<vmem_shared>>)
      tpu.yield
    }) : () -> ()
    %add3A_37 = arith.constant 320 : i32
    %add3A_38 = arith.addi %mul3A_10, %add3A_37 : i32
    %run_scoped3A_39 = arith.constant 0 : i32
    "tpu.region"() ({
      %run_scoped3A_218 = tpu.sem_alloc : memref<!tpu.dma_semaphore, #tpu.memory_space<semaphore_mem>>
      %dma_start3A_219 = arith.constant 0 : i32
      %dma_start3A_220 = arith.constant 0 : i32
      %dma_start3A_221 = tpu.memref_slice %arg12[%run_scoped3A_39, %dma_start3A_219, %dma_start3A_220] : memref<2x80x64xf32, #tpu.memory_space<vmem>> -> memref<1x80x64xf32, #tpu.memory_space<vmem>>
      %dma_start3A_222 = tpu.memref_squeeze %dma_start3A_221 : memref<1x80x64xf32, #tpu.memory_space<vmem>> -> memref<80x64xf32, #tpu.memory_space<vmem>>
      %dma_start3A_223 = arith.constant 0 : i32
      %dma_start3A_224 = tpu.memref_slice %arg14[%add3A_38, %dma_start3A_223] : memref<10240x64xf32, #tpu.memory_space<vmem_shared>> -> memref<80x64xf32, #tpu.memory_space<vmem_shared>>
      %dma_start3A_225 = arith.constant 0 : i32
      %dma_start3A_226 = tpu.memref_slice %arg14[%add3A_38, %dma_start3A_225] : memref<10240x64xf32, #tpu.memory_space<vmem_shared>> -> memref<80x64xf32, #tpu.memory_space<vmem_shared>>
      %dma_start3A_227 = arith.constant 0 : i32
      %dma_start3A_228 = arith.constant 0 : i32
      %dma_start3A_229 = tpu.memref_slice %arg12[%run_scoped3A_39, %dma_start3A_227, %dma_start3A_228] : memref<2x80x64xf32, #tpu.memory_space<vmem>> -> memref<1x80x64xf32, #tpu.memory_space<vmem>>
      %dma_start3A_230 = tpu.memref_squeeze %dma_start3A_229 : memref<1x80x64xf32, #tpu.memory_space<vmem>> -> memref<80x64xf32, #tpu.memory_space<vmem>>
      tpu.enqueue_dma source(%dma_start3A_230 : memref<80x64xf32, #tpu.memory_space<vmem>>) target(%dma_start3A_226 : memref<80x64xf32, #tpu.memory_space<vmem_shared>>) target_semaphore(%run_scoped3A_218 : memref<!tpu.dma_semaphore, #tpu.memory_space<semaphore_mem>>)
      %dma_wait3A_231 = arith.constant 0 : i32
      %dma_wait3A_232 = arith.constant 0 : i32
      %dma_wait3A_233 = tpu.memref_slice %arg12[%run_scoped3A_39, %dma_wait3A_231, %dma_wait3A_232] : memref<2x80x64xf32, #tpu.memory_space<vmem>> -> memref<1x80x64xf32, #tpu.memory_space<vmem>>
      %dma_wait3A_234 = tpu.memref_squeeze %dma_wait3A_233 : memref<1x80x64xf32, #tpu.memory_space<vmem>> -> memref<80x64xf32, #tpu.memory_space<vmem>>
      %dma_wait3A_235 = arith.constant 0 : i32
      %dma_wait3A_236 = tpu.memref_slice %arg14[%add3A_38, %dma_wait3A_235] : memref<10240x64xf32, #tpu.memory_space<vmem_shared>> -> memref<80x64xf32, #tpu.memory_space<vmem_shared>>
      %dma_wait3A_237 = arith.constant 0 : i32
      %dma_wait3A_238 = tpu.memref_slice %arg14[%add3A_38, %dma_wait3A_237] : memref<10240x64xf32, #tpu.memory_space<vmem_shared>> -> memref<80x64xf32, #tpu.memory_space<vmem_shared>>
      %dma_wait3A_239 = arith.constant 0 : i32
      %dma_wait3A_240 = arith.constant 0 : i32
      %dma_wait3A_241 = tpu.memref_slice %arg12[%run_scoped3A_39, %dma_wait3A_239, %dma_wait3A_240] : memref<2x80x64xf32, #tpu.memory_space<vmem>> -> memref<1x80x64xf32, #tpu.memory_space<vmem>>
      %dma_wait3A_242 = tpu.memref_squeeze %dma_wait3A_241 : memref<1x80x64xf32, #tpu.memory_space<vmem>> -> memref<80x64xf32, #tpu.memory_space<vmem>>
      tpu.wait_dma2 semaphore(%run_scoped3A_218 : memref<!tpu.dma_semaphore, #tpu.memory_space<semaphore_mem>>) src(%dma_wait3A_242 : memref<80x64xf32, #tpu.memory_space<vmem>>) dst(%dma_wait3A_238 : memref<80x64xf32, #tpu.memory_space<vmem_shared>>)
      tpu.yield
    }) : () -> ()
    %add3A_40 = arith.constant 400 : i32
    %add3A_41 = arith.addi %mul3A_10, %add3A_40 : i32
    %run_scoped3A_42 = arith.constant 0 : i32
    "tpu.region"() ({
      %run_scoped3A_218 = tpu.sem_alloc : memref<!tpu.dma_semaphore, #tpu.memory_space<semaphore_mem>>
      %dma_start3A_219 = arith.constant 0 : i32
      %dma_start3A_220 = arith.constant 0 : i32
      %dma_start3A_221 = tpu.memref_slice %arg12[%run_scoped3A_42, %dma_start3A_219, %dma_start3A_220] : memref<2x80x64xf32, #tpu.memory_space<vmem>> -> memref<1x80x64xf32, #tpu.memory_space<vmem>>
      %dma_start3A_222 = tpu.memref_squeeze %dma_start3A_221 : memref<1x80x64xf32, #tpu.memory_space<vmem>> -> memref<80x64xf32, #tpu.memory_space<vmem>>
      %dma_start3A_223 = arith.constant 0 : i32
      %dma_start3A_224 = tpu.memref_slice %arg13[%add3A_41, %dma_start3A_223] : memref<10240x64xf32, #tpu.memory_space<vmem_shared>> -> memref<80x64xf32, #tpu.memory_space<vmem_shared>>
      %dma_start3A_225 = arith.constant 0 : i32
      %dma_start3A_226 = tpu.memref_slice %arg13[%add3A_41, %dma_start3A_225] : memref<10240x64xf32, #tpu.memory_space<vmem_shared>> -> memref<80x64xf32, #tpu.memory_space<vmem_shared>>
      %dma_start3A_227 = arith.constant 0 : i32
      %dma_start3A_228 = arith.constant 0 : i32
      %dma_start3A_229 = tpu.memref_slice %arg12[%run_scoped3A_42, %dma_start3A_227, %dma_start3A_228] : memref<2x80x64xf32, #tpu.memory_space<vmem>> -> memref<1x80x64xf32, #tpu.memory_space<vmem>>
      %dma_start3A_230 = tpu.memref_squeeze %dma_start3A_229 : memref<1x80x64xf32, #tpu.memory_space<vmem>> -> memref<80x64xf32, #tpu.memory_space<vmem>>
      tpu.enqueue_dma source(%dma_start3A_230 : memref<80x64xf32, #tpu.memory_space<vmem>>) target(%dma_start3A_226 : memref<80x64xf32, #tpu.memory_space<vmem_shared>>) target_semaphore(%run_scoped3A_218 : memref<!tpu.dma_semaphore, #tpu.memory_space<semaphore_mem>>)
      %dma_wait3A_231 = arith.constant 0 : i32
      %dma_wait3A_232 = arith.constant 0 : i32
      %dma_wait3A_233 = tpu.memref_slice %arg12[%run_scoped3A_42, %dma_wait3A_231, %dma_wait3A_232] : memref<2x80x64xf32, #tpu.memory_space<vmem>> -> memref<1x80x64xf32, #tpu.memory_space<vmem>>
      %dma_wait3A_234 = tpu.memref_squeeze %dma_wait3A_233 : memref<1x80x64xf32, #tpu.memory_space<vmem>> -> memref<80x64xf32, #tpu.memory_space<vmem>>
      %dma_wait3A_235 = arith.constant 0 : i32
      %dma_wait3A_236 = tpu.memref_slice %arg13[%add3A_41, %dma_wait3A_235] : memref<10240x64xf32, #tpu.memory_space<vmem_shared>> -> memref<80x64xf32, #tpu.memory_space<vmem_shared>>
      %dma_wait3A_237 = arith.constant 0 : i32
      %dma_wait3A_238 = tpu.memref_slice %arg13[%add3A_41, %dma_wait3A_237] : memref<10240x64xf32, #tpu.memory_space<vmem_shared>> -> memref<80x64xf32, #tpu.memory_space<vmem_shared>>
      %dma_wait3A_239 = arith.constant 0 : i32
      %dma_wait3A_240 = arith.constant 0 : i32
      %dma_wait3A_241 = tpu.memref_slice %arg12[%run_scoped3A_42, %dma_wait3A_239, %dma_wait3A_240] : memref<2x80x64xf32, #tpu.memory_space<vmem>> -> memref<1x80x64xf32, #tpu.memory_space<vmem>>
      %dma_wait3A_242 = tpu.memref_squeeze %dma_wait3A_241 : memref<1x80x64xf32, #tpu.memory_space<vmem>> -> memref<80x64xf32, #tpu.memory_space<vmem>>
      tpu.wait_dma2 semaphore(%run_scoped3A_218 : memref<!tpu.dma_semaphore, #tpu.memory_space<semaphore_mem>>) src(%dma_wait3A_242 : memref<80x64xf32, #tpu.memory_space<vmem>>) dst(%dma_wait3A_238 : memref<80x64xf32, #tpu.memory_space<vmem_shared>>)
      tpu.yield
    }) : () -> ()
    %add3A_43 = arith.constant 400 : i32
    %add3A_44 = arith.addi %mul3A_10, %add3A_43 : i32
    %run_scoped3A_45 = arith.constant 0 : i32
    "tpu.region"() ({
      %run_scoped3A_218 = tpu.sem_alloc : memref<!tpu.dma_semaphore, #tpu.memory_space<semaphore_mem>>
      %dma_start3A_219 = arith.constant 0 : i32
      %dma_start3A_220 = arith.constant 0 : i32
      %dma_start3A_221 = tpu.memref_slice %arg12[%run_scoped3A_45, %dma_start3A_219, %dma_start3A_220] : memref<2x80x64xf32, #tpu.memory_space<vmem>> -> memref<1x80x64xf32, #tpu.memory_space<vmem>>
      %dma_start3A_222 = tpu.memref_squeeze %dma_start3A_221 : memref<1x80x64xf32, #tpu.memory_space<vmem>> -> memref<80x64xf32, #tpu.memory_space<vmem>>
      %dma_start3A_223 = arith.constant 0 : i32
      %dma_start3A_224 = tpu.memref_slice %arg14[%add3A_44, %dma_start3A_223] : memref<10240x64xf32, #tpu.memory_space<vmem_shared>> -> memref<80x64xf32, #tpu.memory_space<vmem_shared>>
      %dma_start3A_225 = arith.constant 0 : i32
      %dma_start3A_226 = tpu.memref_slice %arg14[%add3A_44, %dma_start3A_225] : memref<10240x64xf32, #tpu.memory_space<vmem_shared>> -> memref<80x64xf32, #tpu.memory_space<vmem_shared>>
      %dma_start3A_227 = arith.constant 0 : i32
      %dma_start3A_228 = arith.constant 0 : i32
      %dma_start3A_229 = tpu.memref_slice %arg12[%run_scoped3A_45, %dma_start3A_227, %dma_start3A_228] : memref<2x80x64xf32, #tpu.memory_space<vmem>> -> memref<1x80x64xf32, #tpu.memory_space<vmem>>
      %dma_start3A_230 = tpu.memref_squeeze %dma_start3A_229 : memref<1x80x64xf32, #tpu.memory_space<vmem>> -> memref<80x64xf32, #tpu.memory_space<vmem>>
      tpu.enqueue_dma source(%dma_start3A_230 : memref<80x64xf32, #tpu.memory_space<vmem>>) target(%dma_start3A_226 : memref<80x64xf32, #tpu.memory_space<vmem_shared>>) target_semaphore(%run_scoped3A_218 : memref<!tpu.dma_semaphore, #tpu.memory_space<semaphore_mem>>)
      %dma_wait3A_231 = arith.constant 0 : i32
      %dma_wait3A_232 = arith.constant 0 : i32
      %dma_wait3A_233 = tpu.memref_slice %arg12[%run_scoped3A_45, %dma_wait3A_231, %dma_wait3A_232] : memref<2x80x64xf32, #tpu.memory_space<vmem>> -> memref<1x80x64xf32, #tpu.memory_space<vmem>>
      %dma_wait3A_234 = tpu.memref_squeeze %dma_wait3A_233 : memref<1x80x64xf32, #tpu.memory_space<vmem>> -> memref<80x64xf32, #tpu.memory_space<vmem>>
      %dma_wait3A_235 = arith.constant 0 : i32
      %dma_wait3A_236 = tpu.memref_slice %arg14[%add3A_44, %dma_wait3A_235] : memref<10240x64xf32, #tpu.memory_space<vmem_shared>> -> memref<80x64xf32, #tpu.memory_space<vmem_shared>>
      %dma_wait3A_237 = arith.constant 0 : i32
      %dma_wait3A_238 = tpu.memref_slice %arg14[%add3A_44, %dma_wait3A_237] : memref<10240x64xf32, #tpu.memory_space<vmem_shared>> -> memref<80x64xf32, #tpu.memory_space<vmem_shared>>
      %dma_wait3A_239 = arith.constant 0 : i32
      %dma_wait3A_240 = arith.constant 0 : i32
      %dma_wait3A_241 = tpu.memref_slice %arg12[%run_scoped3A_45, %dma_wait3A_239, %dma_wait3A_240] : memref<2x80x64xf32, #tpu.memory_space<vmem>> -> memref<1x80x64xf32, #tpu.memory_space<vmem>>
      %dma_wait3A_242 = tpu.memref_squeeze %dma_wait3A_241 : memref<1x80x64xf32, #tpu.memory_space<vmem>> -> memref<80x64xf32, #tpu.memory_space<vmem>>
      tpu.wait_dma2 semaphore(%run_scoped3A_218 : memref<!tpu.dma_semaphore, #tpu.memory_space<semaphore_mem>>) src(%dma_wait3A_242 : memref<80x64xf32, #tpu.memory_space<vmem>>) dst(%dma_wait3A_238 : memref<80x64xf32, #tpu.memory_space<vmem_shared>>)
      tpu.yield
    }) : () -> ()
    %add3A_46 = arith.constant 480 : i32
    %add3A_47 = arith.addi %mul3A_10, %add3A_46 : i32
    %run_scoped3A_48 = arith.constant 0 : i32
    "tpu.region"() ({
      %run_scoped3A_218 = tpu.sem_alloc : memref<!tpu.dma_semaphore, #tpu.memory_space<semaphore_mem>>
      %dma_start3A_219 = arith.constant 0 : i32
      %dma_start3A_220 = arith.constant 0 : i32
      %dma_start3A_221 = tpu.memref_slice %arg12[%run_scoped3A_48, %dma_start3A_219, %dma_start3A_220] : memref<2x80x64xf32, #tpu.memory_space<vmem>> -> memref<1x80x64xf32, #tpu.memory_space<vmem>>
      %dma_start3A_222 = tpu.memref_squeeze %dma_start3A_221 : memref<1x80x64xf32, #tpu.memory_space<vmem>> -> memref<80x64xf32, #tpu.memory_space<vmem>>
      %dma_start3A_223 = arith.constant 0 : i32
      %dma_start3A_224 = tpu.memref_slice %arg13[%add3A_47, %dma_start3A_223] : memref<10240x64xf32, #tpu.memory_space<vmem_shared>> -> memref<80x64xf32, #tpu.memory_space<vmem_shared>>
      %dma_start3A_225 = arith.constant 0 : i32
      %dma_start3A_226 = tpu.memref_slice %arg13[%add3A_47, %dma_start3A_225] : memref<10240x64xf32, #tpu.memory_space<vmem_shared>> -> memref<80x64xf32, #tpu.memory_space<vmem_shared>>
      %dma_start3A_227 = arith.constant 0 : i32
      %dma_start3A_228 = arith.constant 0 : i32
      %dma_start3A_229 = tpu.memref_slice %arg12[%run_scoped3A_48, %dma_start3A_227, %dma_start3A_228] : memref<2x80x64xf32, #tpu.memory_space<vmem>> -> memref<1x80x64xf32, #tpu.memory_space<vmem>>
      %dma_start3A_230 = tpu.memref_squeeze %dma_start3A_229 : memref<1x80x64xf32, #tpu.memory_space<vmem>> -> memref<80x64xf32, #tpu.memory_space<vmem>>
      tpu.enqueue_dma source(%dma_start3A_230 : memref<80x64xf32, #tpu.memory_space<vmem>>) target(%dma_start3A_226 : memref<80x64xf32, #tpu.memory_space<vmem_shared>>) target_semaphore(%run_scoped3A_218 : memref<!tpu.dma_semaphore, #tpu.memory_space<semaphore_mem>>)
      %dma_wait3A_231 = arith.constant 0 : i32
      %dma_wait3A_232 = arith.constant 0 : i32
      %dma_wait3A_233 = tpu.memref_slice %arg12[%run_scoped3A_48, %dma_wait3A_231, %dma_wait3A_232] : memref<2x80x64xf32, #tpu.memory_space<vmem>> -> memref<1x80x64xf32, #tpu.memory_space<vmem>>
      %dma_wait3A_234 = tpu.memref_squeeze %dma_wait3A_233 : memref<1x80x64xf32, #tpu.memory_space<vmem>> -> memref<80x64xf32, #tpu.memory_space<vmem>>
      %dma_wait3A_235 = arith.constant 0 : i32
      %dma_wait3A_236 = tpu.memref_slice %arg13[%add3A_47, %dma_wait3A_235] : memref<10240x64xf32, #tpu.memory_space<vmem_shared>> -> memref<80x64xf32, #tpu.memory_space<vmem_shared>>
      %dma_wait3A_237 = arith.constant 0 : i32
      %dma_wait3A_238 = tpu.memref_slice %arg13[%add3A_47, %dma_wait3A_237] : memref<10240x64xf32, #tpu.memory_space<vmem_shared>> -> memref<80x64xf32, #tpu.memory_space<vmem_shared>>
      %dma_wait3A_239 = arith.constant 0 : i32
      %dma_wait3A_240 = arith.constant 0 : i32
      %dma_wait3A_241 = tpu.memref_slice %arg12[%run_scoped3A_48, %dma_wait3A_239, %dma_wait3A_240] : memref<2x80x64xf32, #tpu.memory_space<vmem>> -> memref<1x80x64xf32, #tpu.memory_space<vmem>>
      %dma_wait3A_242 = tpu.memref_squeeze %dma_wait3A_241 : memref<1x80x64xf32, #tpu.memory_space<vmem>> -> memref<80x64xf32, #tpu.memory_space<vmem>>
      tpu.wait_dma2 semaphore(%run_scoped3A_218 : memref<!tpu.dma_semaphore, #tpu.memory_space<semaphore_mem>>) src(%dma_wait3A_242 : memref<80x64xf32, #tpu.memory_space<vmem>>) dst(%dma_wait3A_238 : memref<80x64xf32, #tpu.memory_space<vmem_shared>>)
      tpu.yield
    }) : () -> ()
    %add3A_49 = arith.constant 480 : i32
    %add3A_50 = arith.addi %mul3A_10, %add3A_49 : i32
    %run_scoped3A_51 = arith.constant 0 : i32
    "tpu.region"() ({
      %run_scoped3A_218 = tpu.sem_alloc : memref<!tpu.dma_semaphore, #tpu.memory_space<semaphore_mem>>
      %dma_start3A_219 = arith.constant 0 : i32
      %dma_start3A_220 = arith.constant 0 : i32
      %dma_start3A_221 = tpu.memref_slice %arg12[%run_scoped3A_51, %dma_start3A_219, %dma_start3A_220] : memref<2x80x64xf32, #tpu.memory_space<vmem>> -> memref<1x80x64xf32, #tpu.memory_space<vmem>>
      %dma_start3A_222 = tpu.memref_squeeze %dma_start3A_221 : memref<1x80x64xf32, #tpu.memory_space<vmem>> -> memref<80x64xf32, #tpu.memory_space<vmem>>
      %dma_start3A_223 = arith.constant 0 : i32
      %dma_start3A_224 = tpu.memref_slice %arg14[%add3A_50, %dma_start3A_223] : memref<10240x64xf32, #tpu.memory_space<vmem_shared>> -> memref<80x64xf32, #tpu.memory_space<vmem_shared>>
      %dma_start3A_225 = arith.constant 0 : i32
      %dma_start3A_226 = tpu.memref_slice %arg14[%add3A_50, %dma_start3A_225] : memref<10240x64xf32, #tpu.memory_space<vmem_shared>> -> memref<80x64xf32, #tpu.memory_space<vmem_shared>>
      %dma_start3A_227 = arith.constant 0 : i32
      %dma_start3A_228 = arith.constant 0 : i32
      %dma_start3A_229 = tpu.memref_slice %arg12[%run_scoped3A_51, %dma_start3A_227, %dma_start3A_228] : memref<2x80x64xf32, #tpu.memory_space<vmem>> -> memref<1x80x64xf32, #tpu.memory_space<vmem>>
      %dma_start3A_230 = tpu.memref_squeeze %dma_start3A_229 : memref<1x80x64xf32, #tpu.memory_space<vmem>> -> memref<80x64xf32, #tpu.memory_space<vmem>>
      tpu.enqueue_dma source(%dma_start3A_230 : memref<80x64xf32, #tpu.memory_space<vmem>>) target(%dma_start3A_226 : memref<80x64xf32, #tpu.memory_space<vmem_shared>>) target_semaphore(%run_scoped3A_218 : memref<!tpu.dma_semaphore, #tpu.memory_space<semaphore_mem>>)
      %dma_wait3A_231 = arith.constant 0 : i32
      %dma_wait3A_232 = arith.constant 0 : i32
      %dma_wait3A_233 = tpu.memref_slice %arg12[%run_scoped3A_51, %dma_wait3A_231, %dma_wait3A_232] : memref<2x80x64xf32, #tpu.memory_space<vmem>> -> memref<1x80x64xf32, #tpu.memory_space<vmem>>
      %dma_wait3A_234 = tpu.memref_squeeze %dma_wait3A_233 : memref<1x80x64xf32, #tpu.memory_space<vmem>> -> memref<80x64xf32, #tpu.memory_space<vmem>>
      %dma_wait3A_235 = arith.constant 0 : i32
      %dma_wait3A_236 = tpu.memref_slice %arg14[%add3A_50, %dma_wait3A_235] : memref<10240x64xf32, #tpu.memory_space<vmem_shared>> -> memref<80x64xf32, #tpu.memory_space<vmem_shared>>
      %dma_wait3A_237 = arith.constant 0 : i32
      %dma_wait3A_238 = tpu.memref_slice %arg14[%add3A_50, %dma_wait3A_237] : memref<10240x64xf32, #tpu.memory_space<vmem_shared>> -> memref<80x64xf32, #tpu.memory_space<vmem_shared>>
      %dma_wait3A_239 = arith.constant 0 : i32
      %dma_wait3A_240 = arith.constant 0 : i32
      %dma_wait3A_241 = tpu.memref_slice %arg12[%run_scoped3A_51, %dma_wait3A_239, %dma_wait3A_240] : memref<2x80x64xf32, #tpu.memory_space<vmem>> -> memref<1x80x64xf32, #tpu.memory_space<vmem>>
      %dma_wait3A_242 = tpu.memref_squeeze %dma_wait3A_241 : memref<1x80x64xf32, #tpu.memory_space<vmem>> -> memref<80x64xf32, #tpu.memory_space<vmem>>
      tpu.wait_dma2 semaphore(%run_scoped3A_218 : memref<!tpu.dma_semaphore, #tpu.memory_space<semaphore_mem>>) src(%dma_wait3A_242 : memref<80x64xf32, #tpu.memory_space<vmem>>) dst(%dma_wait3A_238 : memref<80x64xf32, #tpu.memory_space<vmem_shared>>)
      tpu.yield
    }) : () -> ()
    %add3A_52 = arith.constant 560 : i32
    %add3A_53 = arith.addi %mul3A_10, %add3A_52 : i32
    %run_scoped3A_54 = arith.constant 0 : i32
    "tpu.region"() ({
      %run_scoped3A_218 = tpu.sem_alloc : memref<!tpu.dma_semaphore, #tpu.memory_space<semaphore_mem>>
      %dma_start3A_219 = arith.constant 0 : i32
      %dma_start3A_220 = arith.constant 0 : i32
      %dma_start3A_221 = tpu.memref_slice %arg12[%run_scoped3A_54, %dma_start3A_219, %dma_start3A_220] : memref<2x80x64xf32, #tpu.memory_space<vmem>> -> memref<1x80x64xf32, #tpu.memory_space<vmem>>
      %dma_start3A_222 = tpu.memref_squeeze %dma_start3A_221 : memref<1x80x64xf32, #tpu.memory_space<vmem>> -> memref<80x64xf32, #tpu.memory_space<vmem>>
      %dma_start3A_223 = arith.constant 0 : i32
      %dma_start3A_224 = tpu.memref_slice %arg13[%add3A_53, %dma_start3A_223] : memref<10240x64xf32, #tpu.memory_space<vmem_shared>> -> memref<80x64xf32, #tpu.memory_space<vmem_shared>>
      %dma_start3A_225 = arith.constant 0 : i32
      %dma_start3A_226 = tpu.memref_slice %arg13[%add3A_53, %dma_start3A_225] : memref<10240x64xf32, #tpu.memory_space<vmem_shared>> -> memref<80x64xf32, #tpu.memory_space<vmem_shared>>
      %dma_start3A_227 = arith.constant 0 : i32
      %dma_start3A_228 = arith.constant 0 : i32
      %dma_start3A_229 = tpu.memref_slice %arg12[%run_scoped3A_54, %dma_start3A_227, %dma_start3A_228] : memref<2x80x64xf32, #tpu.memory_space<vmem>> -> memref<1x80x64xf32, #tpu.memory_space<vmem>>
      %dma_start3A_230 = tpu.memref_squeeze %dma_start3A_229 : memref<1x80x64xf32, #tpu.memory_space<vmem>> -> memref<80x64xf32, #tpu.memory_space<vmem>>
      tpu.enqueue_dma source(%dma_start3A_230 : memref<80x64xf32, #tpu.memory_space<vmem>>) target(%dma_start3A_226 : memref<80x64xf32, #tpu.memory_space<vmem_shared>>) target_semaphore(%run_scoped3A_218 : memref<!tpu.dma_semaphore, #tpu.memory_space<semaphore_mem>>)
      %dma_wait3A_231 = arith.constant 0 : i32
      %dma_wait3A_232 = arith.constant 0 : i32
      %dma_wait3A_233 = tpu.memref_slice %arg12[%run_scoped3A_54, %dma_wait3A_231, %dma_wait3A_232] : memref<2x80x64xf32, #tpu.memory_space<vmem>> -> memref<1x80x64xf32, #tpu.memory_space<vmem>>
      %dma_wait3A_234 = tpu.memref_squeeze %dma_wait3A_233 : memref<1x80x64xf32, #tpu.memory_space<vmem>> -> memref<80x64xf32, #tpu.memory_space<vmem>>
      %dma_wait3A_235 = arith.constant 0 : i32
      %dma_wait3A_236 = tpu.memref_slice %arg13[%add3A_53, %dma_wait3A_235] : memref<10240x64xf32, #tpu.memory_space<vmem_shared>> -> memref<80x64xf32, #tpu.memory_space<vmem_shared>>
      %dma_wait3A_237 = arith.constant 0 : i32
      %dma_wait3A_238 = tpu.memref_slice %arg13[%add3A_53, %dma_wait3A_237] : memref<10240x64xf32, #tpu.memory_space<vmem_shared>> -> memref<80x64xf32, #tpu.memory_space<vmem_shared>>
      %dma_wait3A_239 = arith.constant 0 : i32
      %dma_wait3A_240 = arith.constant 0 : i32
      %dma_wait3A_241 = tpu.memref_slice %arg12[%run_scoped3A_54, %dma_wait3A_239, %dma_wait3A_240] : memref<2x80x64xf32, #tpu.memory_space<vmem>> -> memref<1x80x64xf32, #tpu.memory_space<vmem>>
      %dma_wait3A_242 = tpu.memref_squeeze %dma_wait3A_241 : memref<1x80x64xf32, #tpu.memory_space<vmem>> -> memref<80x64xf32, #tpu.memory_space<vmem>>
      tpu.wait_dma2 semaphore(%run_scoped3A_218 : memref<!tpu.dma_semaphore, #tpu.memory_space<semaphore_mem>>) src(%dma_wait3A_242 : memref<80x64xf32, #tpu.memory_space<vmem>>) dst(%dma_wait3A_238 : memref<80x64xf32, #tpu.memory_space<vmem_shared>>)
      tpu.yield
    }) : () -> ()
    %add3A_55 = arith.constant 560 : i32
    %add3A_56 = arith.addi %mul3A_10, %add3A_55 : i32
    %run_scoped3A_57 = arith.constant 0 : i32
    "tpu.region"() ({
      %run_scoped3A_218 = tpu.sem_alloc : memref<!tpu.dma_semaphore, #tpu.memory_space<semaphore_mem>>
      %dma_start3A_219 = arith.constant 0 : i32
      %dma_start3A_220 = arith.constant 0 : i32
      %dma_start3A_221 = tpu.memref_slice %arg12[%run_scoped3A_57, %dma_start3A_219, %dma_start3A_220] : memref<2x80x64xf32, #tpu.memory_space<vmem>> -> memref<1x80x64xf32, #tpu.memory_space<vmem>>
      %dma_start3A_222 = tpu.memref_squeeze %dma_start3A_221 : memref<1x80x64xf32, #tpu.memory_space<vmem>> -> memref<80x64xf32, #tpu.memory_space<vmem>>
      %dma_start3A_223 = arith.constant 0 : i32
      %dma_start3A_224 = tpu.memref_slice %arg14[%add3A_56, %dma_start3A_223] : memref<10240x64xf32, #tpu.memory_space<vmem_shared>> -> memref<80x64xf32, #tpu.memory_space<vmem_shared>>
      %dma_start3A_225 = arith.constant 0 : i32
      %dma_start3A_226 = tpu.memref_slice %arg14[%add3A_56, %dma_start3A_225] : memref<10240x64xf32, #tpu.memory_space<vmem_shared>> -> memref<80x64xf32, #tpu.memory_space<vmem_shared>>
      %dma_start3A_227 = arith.constant 0 : i32
      %dma_start3A_228 = arith.constant 0 : i32
      %dma_start3A_229 = tpu.memref_slice %arg12[%run_scoped3A_57, %dma_start3A_227, %dma_start3A_228] : memref<2x80x64xf32, #tpu.memory_space<vmem>> -> memref<1x80x64xf32, #tpu.memory_space<vmem>>
      %dma_start3A_230 = tpu.memref_squeeze %dma_start3A_229 : memref<1x80x64xf32, #tpu.memory_space<vmem>> -> memref<80x64xf32, #tpu.memory_space<vmem>>
      tpu.enqueue_dma source(%dma_start3A_230 : memref<80x64xf32, #tpu.memory_space<vmem>>) target(%dma_start3A_226 : memref<80x64xf32, #tpu.memory_space<vmem_shared>>) target_semaphore(%run_scoped3A_218 : memref<!tpu.dma_semaphore, #tpu.memory_space<semaphore_mem>>)
      %dma_wait3A_231 = arith.constant 0 : i32
      %dma_wait3A_232 = arith.constant 0 : i32
      %dma_wait3A_233 = tpu.memref_slice %arg12[%run_scoped3A_57, %dma_wait3A_231, %dma_wait3A_232] : memref<2x80x64xf32, #tpu.memory_space<vmem>> -> memref<1x80x64xf32, #tpu.memory_space<vmem>>
      %dma_wait3A_234 = tpu.memref_squeeze %dma_wait3A_233 : memref<1x80x64xf32, #tpu.memory_space<vmem>> -> memref<80x64xf32, #tpu.memory_space<vmem>>
      %dma_wait3A_235 = arith.constant 0 : i32
      %dma_wait3A_236 = tpu.memref_slice %arg14[%add3A_56, %dma_wait3A_235] : memref<10240x64xf32, #tpu.memory_space<vmem_shared>> -> memref<80x64xf32, #tpu.memory_space<vmem_shared>>
      %dma_wait3A_237 = arith.constant 0 : i32
      %dma_wait3A_238 = tpu.memref_slice %arg14[%add3A_56, %dma_wait3A_237] : memref<10240x64xf32, #tpu.memory_space<vmem_shared>> -> memref<80x64xf32, #tpu.memory_space<vmem_shared>>
      %dma_wait3A_239 = arith.constant 0 : i32
      %dma_wait3A_240 = arith.constant 0 : i32
      %dma_wait3A_241 = tpu.memref_slice %arg12[%run_scoped3A_57, %dma_wait3A_239, %dma_wait3A_240] : memref<2x80x64xf32, #tpu.memory_space<vmem>> -> memref<1x80x64xf32, #tpu.memory_space<vmem>>
      %dma_wait3A_242 = tpu.memref_squeeze %dma_wait3A_241 : memref<1x80x64xf32, #tpu.memory_space<vmem>> -> memref<80x64xf32, #tpu.memory_space<vmem>>
      tpu.wait_dma2 semaphore(%run_scoped3A_218 : memref<!tpu.dma_semaphore, #tpu.memory_space<semaphore_mem>>) src(%dma_wait3A_242 : memref<80x64xf32, #tpu.memory_space<vmem>>) dst(%dma_wait3A_238 : memref<80x64xf32, #tpu.memory_space<vmem_shared>>)
      tpu.yield
    }) : () -> ()
    %barrier3A = arith.constant 0 : index
    tpu.barrier barrier_id(%barrier3A)
    %run_scoped3A_58 = arith.constant 0 : i32
    "tpu.region"() ({
      %run_scoped3A_218 = tpu.sem_alloc : memref<!tpu.dma_semaphore, #tpu.memory_space<semaphore_mem>>
      %dma_start3A_219 = arith.constant 0 : i32
      %dma_start3A_220 = tpu.memref_slice %arg8[%run_scoped3A_58, %dma_start3A_219] : memref<2x80xi32, #tpu.memory_space<vmem>> -> memref<1x80xi32, #tpu.memory_space<vmem>>
      %dma_start3A_221 = tpu.memref_squeeze %dma_start3A_220 : memref<1x80xi32, #tpu.memory_space<vmem>> -> memref<80xi32, #tpu.memory_space<vmem>>
      %dma_start3A_222 = tpu.memref_slice %arg4[%mul3A_2] : memref<320000xi32, #tpu.memory_space<hbm>> -> memref<80xi32, #tpu.memory_space<hbm>>
      %dma_start3A_223 = arith.constant 0 : i32
      %dma_start3A_224 = tpu.memref_slice %arg8[%run_scoped3A_58, %dma_start3A_223] : memref<2x80xi32, #tpu.memory_space<vmem>> -> memref<1x80xi32, #tpu.memory_space<vmem>>
      %dma_start3A_225 = tpu.memref_squeeze %dma_start3A_224 : memref<1x80xi32, #tpu.memory_space<vmem>> -> memref<80xi32, #tpu.memory_space<vmem>>
      %dma_start3A_226 = tpu.memref_slice %arg4[%mul3A_2] : memref<320000xi32, #tpu.memory_space<hbm>> -> memref<80xi32, #tpu.memory_space<hbm>>
      tpu.enqueue_dma source(%dma_start3A_226 : memref<80xi32, #tpu.memory_space<hbm>>) target(%dma_start3A_225 : memref<80xi32, #tpu.memory_space<vmem>>) target_semaphore(%run_scoped3A_218 : memref<!tpu.dma_semaphore, #tpu.memory_space<semaphore_mem>>)
      %dma_wait3A_227 = arith.constant 0 : i32
      %dma_wait3A_228 = tpu.memref_slice %arg8[%run_scoped3A_58, %dma_wait3A_227] : memref<2x80xi32, #tpu.memory_space<vmem>> -> memref<1x80xi32, #tpu.memory_space<vmem>>
      %dma_wait3A_229 = tpu.memref_squeeze %dma_wait3A_228 : memref<1x80xi32, #tpu.memory_space<vmem>> -> memref<80xi32, #tpu.memory_space<vmem>>
      %dma_wait3A_230 = tpu.memref_slice %arg4[%mul3A_2] : memref<320000xi32, #tpu.memory_space<hbm>> -> memref<80xi32, #tpu.memory_space<hbm>>
      %dma_wait3A_231 = arith.constant 0 : i32
      %dma_wait3A_232 = tpu.memref_slice %arg8[%run_scoped3A_58, %dma_wait3A_231] : memref<2x80xi32, #tpu.memory_space<vmem>> -> memref<1x80xi32, #tpu.memory_space<vmem>>
      %dma_wait3A_233 = tpu.memref_squeeze %dma_wait3A_232 : memref<1x80xi32, #tpu.memory_space<vmem>> -> memref<80xi32, #tpu.memory_space<vmem>>
      %dma_wait3A_234 = tpu.memref_slice %arg4[%mul3A_2] : memref<320000xi32, #tpu.memory_space<hbm>> -> memref<80xi32, #tpu.memory_space<hbm>>
      tpu.wait_dma2 semaphore(%run_scoped3A_218 : memref<!tpu.dma_semaphore, #tpu.memory_space<semaphore_mem>>) src(%dma_wait3A_234 : memref<80xi32, #tpu.memory_space<hbm>>) dst(%dma_wait3A_233 : memref<80xi32, #tpu.memory_space<vmem>>)
      tpu.yield
    }) : () -> ()
    %run_scoped3A_59 = arith.constant 0 : i32
    "tpu.region"() ({
      %run_scoped3A_218 = tpu.sem_alloc : memref<!tpu.dma_semaphore, #tpu.memory_space<semaphore_mem>>
      %dma_start3A_219 = arith.constant 0 : i32
      %dma_start3A_220 = tpu.memref_slice %arg9[%run_scoped3A_59, %dma_start3A_219] : memref<2x80xi32, #tpu.memory_space<vmem>> -> memref<1x80xi32, #tpu.memory_space<vmem>>
      %dma_start3A_221 = tpu.memref_squeeze %dma_start3A_220 : memref<1x80xi32, #tpu.memory_space<vmem>> -> memref<80xi32, #tpu.memory_space<vmem>>
      %dma_start3A_222 = tpu.memref_slice %arg5[%mul3A_2] : memref<320000xi32, #tpu.memory_space<hbm>> -> memref<80xi32, #tpu.memory_space<hbm>>
      %dma_start3A_223 = arith.constant 0 : i32
      %dma_start3A_224 = tpu.memref_slice %arg9[%run_scoped3A_59, %dma_start3A_223] : memref<2x80xi32, #tpu.memory_space<vmem>> -> memref<1x80xi32, #tpu.memory_space<vmem>>
      %dma_start3A_225 = tpu.memref_squeeze %dma_start3A_224 : memref<1x80xi32, #tpu.memory_space<vmem>> -> memref<80xi32, #tpu.memory_space<vmem>>
      %dma_start3A_226 = tpu.memref_slice %arg5[%mul3A_2] : memref<320000xi32, #tpu.memory_space<hbm>> -> memref<80xi32, #tpu.memory_space<hbm>>
      tpu.enqueue_dma source(%dma_start3A_226 : memref<80xi32, #tpu.memory_space<hbm>>) target(%dma_start3A_225 : memref<80xi32, #tpu.memory_space<vmem>>) target_semaphore(%run_scoped3A_218 : memref<!tpu.dma_semaphore, #tpu.memory_space<semaphore_mem>>)
      %dma_wait3A_227 = arith.constant 0 : i32
      %dma_wait3A_228 = tpu.memref_slice %arg9[%run_scoped3A_59, %dma_wait3A_227] : memref<2x80xi32, #tpu.memory_space<vmem>> -> memref<1x80xi32, #tpu.memory_space<vmem>>
      %dma_wait3A_229 = tpu.memref_squeeze %dma_wait3A_228 : memref<1x80xi32, #tpu.memory_space<vmem>> -> memref<80xi32, #tpu.memory_space<vmem>>
      %dma_wait3A_230 = tpu.memref_slice %arg5[%mul3A_2] : memref<320000xi32, #tpu.memory_space<hbm>> -> memref<80xi32, #tpu.memory_space<hbm>>
      %dma_wait3A_231 = arith.constant 0 : i32
      %dma_wait3A_232 = tpu.memref_slice %arg9[%run_scoped3A_59, %dma_wait3A_231] : memref<2x80xi32, #tpu.memory_space<vmem>> -> memref<1x80xi32, #tpu.memory_space<vmem>>
      %dma_wait3A_233 = tpu.memref_squeeze %dma_wait3A_232 : memref<1x80xi32, #tpu.memory_space<vmem>> -> memref<80xi32, #tpu.memory_space<vmem>>
      %dma_wait3A_234 = tpu.memref_slice %arg5[%mul3A_2] : memref<320000xi32, #tpu.memory_space<hbm>> -> memref<80xi32, #tpu.memory_space<hbm>>
      tpu.wait_dma2 semaphore(%run_scoped3A_218 : memref<!tpu.dma_semaphore, #tpu.memory_space<semaphore_mem>>) src(%dma_wait3A_234 : memref<80xi32, #tpu.memory_space<hbm>>) dst(%dma_wait3A_233 : memref<80xi32, #tpu.memory_space<vmem>>)
      tpu.yield
    }) : () -> ()
    %add3A_60 = arith.constant 80 : i32
    %add3A_61 = arith.addi %mul3A_2, %add3A_60 : i32
    %run_scoped3A_62 = arith.constant 1 : i32
    "tpu.region"() ({
      %run_scoped3A_218 = tpu.sem_alloc : memref<!tpu.dma_semaphore, #tpu.memory_space<semaphore_mem>>
      %dma_start3A_219 = arith.constant 0 : i32
      %dma_start3A_220 = tpu.memref_slice %arg8[%run_scoped3A_62, %dma_start3A_219] : memref<2x80xi32, #tpu.memory_space<vmem>> -> memref<1x80xi32, #tpu.memory_space<vmem>>
      %dma_start3A_221 = tpu.memref_squeeze %dma_start3A_220 : memref<1x80xi32, #tpu.memory_space<vmem>> -> memref<80xi32, #tpu.memory_space<vmem>>
      %dma_start3A_222 = tpu.memref_slice %arg4[%add3A_61] : memref<320000xi32, #tpu.memory_space<hbm>> -> memref<80xi32, #tpu.memory_space<hbm>>
      %dma_start3A_223 = arith.constant 0 : i32
      %dma_start3A_224 = tpu.memref_slice %arg8[%run_scoped3A_62, %dma_start3A_223] : memref<2x80xi32, #tpu.memory_space<vmem>> -> memref<1x80xi32, #tpu.memory_space<vmem>>
      %dma_start3A_225 = tpu.memref_squeeze %dma_start3A_224 : memref<1x80xi32, #tpu.memory_space<vmem>> -> memref<80xi32, #tpu.memory_space<vmem>>
      %dma_start3A_226 = tpu.memref_slice %arg4[%add3A_61] : memref<320000xi32, #tpu.memory_space<hbm>> -> memref<80xi32, #tpu.memory_space<hbm>>
      tpu.enqueue_dma source(%dma_start3A_226 : memref<80xi32, #tpu.memory_space<hbm>>) target(%dma_start3A_225 : memref<80xi32, #tpu.memory_space<vmem>>) target_semaphore(%run_scoped3A_218 : memref<!tpu.dma_semaphore, #tpu.memory_space<semaphore_mem>>)
      %dma_wait3A_227 = arith.constant 0 : i32
      %dma_wait3A_228 = tpu.memref_slice %arg8[%run_scoped3A_62, %dma_wait3A_227] : memref<2x80xi32, #tpu.memory_space<vmem>> -> memref<1x80xi32, #tpu.memory_space<vmem>>
      %dma_wait3A_229 = tpu.memref_squeeze %dma_wait3A_228 : memref<1x80xi32, #tpu.memory_space<vmem>> -> memref<80xi32, #tpu.memory_space<vmem>>
      %dma_wait3A_230 = tpu.memref_slice %arg4[%add3A_61] : memref<320000xi32, #tpu.memory_space<hbm>> -> memref<80xi32, #tpu.memory_space<hbm>>
      %dma_wait3A_231 = arith.constant 0 : i32
      %dma_wait3A_232 = tpu.memref_slice %arg8[%run_scoped3A_62, %dma_wait3A_231] : memref<2x80xi32, #tpu.memory_space<vmem>> -> memref<1x80xi32, #tpu.memory_space<vmem>>
      %dma_wait3A_233 = tpu.memref_squeeze %dma_wait3A_232 : memref<1x80xi32, #tpu.memory_space<vmem>> -> memref<80xi32, #tpu.memory_space<vmem>>
      %dma_wait3A_234 = tpu.memref_slice %arg4[%add3A_61] : memref<320000xi32, #tpu.memory_space<hbm>> -> memref<80xi32, #tpu.memory_space<hbm>>
      tpu.wait_dma2 semaphore(%run_scoped3A_218 : memref<!tpu.dma_semaphore, #tpu.memory_space<semaphore_mem>>) src(%dma_wait3A_234 : memref<80xi32, #tpu.memory_space<hbm>>) dst(%dma_wait3A_233 : memref<80xi32, #tpu.memory_space<vmem>>)
      tpu.yield
    }) : () -> ()
    %add3A_63 = arith.constant 80 : i32
    %add3A_64 = arith.addi %mul3A_2, %add3A_63 : i32
    %run_scoped3A_65 = arith.constant 1 : i32
    "tpu.region"() ({
      %run_scoped3A_218 = tpu.sem_alloc : memref<!tpu.dma_semaphore, #tpu.memory_space<semaphore_mem>>
      %dma_start3A_219 = arith.constant 0 : i32
      %dma_start3A_220 = tpu.memref_slice %arg9[%run_scoped3A_65, %dma_start3A_219] : memref<2x80xi32, #tpu.memory_space<vmem>> -> memref<1x80xi32, #tpu.memory_space<vmem>>
      %dma_start3A_221 = tpu.memref_squeeze %dma_start3A_220 : memref<1x80xi32, #tpu.memory_space<vmem>> -> memref<80xi32, #tpu.memory_space<vmem>>
      %dma_start3A_222 = tpu.memref_slice %arg5[%add3A_64] : memref<320000xi32, #tpu.memory_space<hbm>> -> memref<80xi32, #tpu.memory_space<hbm>>
      %dma_start3A_223 = arith.constant 0 : i32
      %dma_start3A_224 = tpu.memref_slice %arg9[%run_scoped3A_65, %dma_start3A_223] : memref<2x80xi32, #tpu.memory_space<vmem>> -> memref<1x80xi32, #tpu.memory_space<vmem>>
      %dma_start3A_225 = tpu.memref_squeeze %dma_start3A_224 : memref<1x80xi32, #tpu.memory_space<vmem>> -> memref<80xi32, #tpu.memory_space<vmem>>
      %dma_start3A_226 = tpu.memref_slice %arg5[%add3A_64] : memref<320000xi32, #tpu.memory_space<hbm>> -> memref<80xi32, #tpu.memory_space<hbm>>
      tpu.enqueue_dma source(%dma_start3A_226 : memref<80xi32, #tpu.memory_space<hbm>>) target(%dma_start3A_225 : memref<80xi32, #tpu.memory_space<vmem>>) target_semaphore(%run_scoped3A_218 : memref<!tpu.dma_semaphore, #tpu.memory_space<semaphore_mem>>)
      %dma_wait3A_227 = arith.constant 0 : i32
      %dma_wait3A_228 = tpu.memref_slice %arg9[%run_scoped3A_65, %dma_wait3A_227] : memref<2x80xi32, #tpu.memory_space<vmem>> -> memref<1x80xi32, #tpu.memory_space<vmem>>
      %dma_wait3A_229 = tpu.memref_squeeze %dma_wait3A_228 : memref<1x80xi32, #tpu.memory_space<vmem>> -> memref<80xi32, #tpu.memory_space<vmem>>
      %dma_wait3A_230 = tpu.memref_slice %arg5[%add3A_64] : memref<320000xi32, #tpu.memory_space<hbm>> -> memref<80xi32, #tpu.memory_space<hbm>>
      %dma_wait3A_231 = arith.constant 0 : i32
      %dma_wait3A_232 = tpu.memref_slice %arg9[%run_scoped3A_65, %dma_wait3A_231] : memref<2x80xi32, #tpu.memory_space<vmem>> -> memref<1x80xi32, #tpu.memory_space<vmem>>
      %dma_wait3A_233 = tpu.memref_squeeze %dma_wait3A_232 : memref<1x80xi32, #tpu.memory_space<vmem>> -> memref<80xi32, #tpu.memory_space<vmem>>
      %dma_wait3A_234 = tpu.memref_slice %arg5[%add3A_64] : memref<320000xi32, #tpu.memory_space<hbm>> -> memref<80xi32, #tpu.memory_space<hbm>>
      tpu.wait_dma2 semaphore(%run_scoped3A_218 : memref<!tpu.dma_semaphore, #tpu.memory_space<semaphore_mem>>) src(%dma_wait3A_234 : memref<80xi32, #tpu.memory_space<hbm>>) dst(%dma_wait3A_233 : memref<80xi32, #tpu.memory_space<vmem>>)
      tpu.yield
    }) : () -> ()
    %dma_start3A = arith.constant 0 : i32
    %dma_start3A_66 = arith.constant 0 : i32
    %dma_start3A_67 = arith.constant 0 : i32
    %dma_start3A_68 = arith.constant 0 : i32
    %dma_start3A_69 = tpu.memref_slice %arg11[%dma_start3A_66, %dma_start3A_67, %dma_start3A_68] : memref<2x80x64xf32, #tpu.memory_space<vmem>> -> memref<1x80x64xf32, #tpu.memory_space<vmem>>
    %dma_start3A_70 = tpu.memref_squeeze %dma_start3A_69 : memref<1x80x64xf32, #tpu.memory_space<vmem>> -> memref<80x64xf32, #tpu.memory_space<vmem>>
    %dma_start3A_71 = arith.constant 0 : i32
    %dma_start3A_72 = tpu.memref_slice %arg8[%dma_start3A, %dma_start3A_71] : memref<2x80xi32, #tpu.memory_space<vmem>> -> memref<1x80xi32, #tpu.memory_space<vmem>>
    %dma_start3A_73 = tpu.memref_squeeze %dma_start3A_72 : memref<1x80xi32, #tpu.memory_space<vmem>> -> memref<80xi32, #tpu.memory_space<vmem>>
    %dma_start3A_74 = arith.constant 0 : i32
    %dma_start3A_75 = arith.constant 0 : i32
    %dma_start3A_76 = tpu.memref_slice %arg2[%dma_start3A_74, %dma_start3A_75] : memref<10000x64xf32, #tpu.memory_space<hbm>> -> memref<10000x64xf32, #tpu.memory_space<hbm>>
    tpu.enqueue_indirect_dma source(%dma_start3A_76 : memref<10000x64xf32, #tpu.memory_space<hbm>>) target(%dma_start3A_70 : memref<80x64xf32, #tpu.memory_space<vmem>>) offsets(%dma_start3A_73 : memref<80xi32, #tpu.memory_space<vmem>>) semaphore(%arg15 : memref<!tpu.dma_semaphore, #tpu.memory_space<semaphore_mem>>)
    %dma_start3A_77 = arith.constant 0 : i32
    %dma_start3A_78 = arith.constant 0 : i32
    %dma_start3A_79 = arith.constant 0 : i32
    %dma_start3A_80 = arith.constant 0 : i32
    %dma_start3A_81 = tpu.memref_slice %arg12[%dma_start3A_78, %dma_start3A_79, %dma_start3A_80] : memref<2x80x64xf32, #tpu.memory_space<vmem>> -> memref<1x80x64xf32, #tpu.memory_space<vmem>>
    %dma_start3A_82 = tpu.memref_squeeze %dma_start3A_81 : memref<1x80x64xf32, #tpu.memory_space<vmem>> -> memref<80x64xf32, #tpu.memory_space<vmem>>
    %dma_start3A_83 = arith.constant 0 : i32
    %dma_start3A_84 = tpu.memref_slice %arg9[%dma_start3A_77, %dma_start3A_83] : memref<2x80xi32, #tpu.memory_space<vmem>> -> memref<1x80xi32, #tpu.memory_space<vmem>>
    %dma_start3A_85 = tpu.memref_squeeze %dma_start3A_84 : memref<1x80xi32, #tpu.memory_space<vmem>> -> memref<80xi32, #tpu.memory_space<vmem>>
    %dma_start3A_86 = arith.constant 0 : i32
    %dma_start3A_87 = arith.constant 0 : i32
    %dma_start3A_88 = tpu.memref_slice %arg3[%dma_start3A_86, %dma_start3A_87] : memref<10000x64xf32, #tpu.memory_space<hbm>> -> memref<10000x64xf32, #tpu.memory_space<hbm>>
    tpu.enqueue_indirect_dma source(%dma_start3A_88 : memref<10000x64xf32, #tpu.memory_space<hbm>>) target(%dma_start3A_82 : memref<80x64xf32, #tpu.memory_space<vmem>>) offsets(%dma_start3A_85 : memref<80xi32, #tpu.memory_space<vmem>>) semaphore(%arg17 : memref<!tpu.dma_semaphore, #tpu.memory_space<semaphore_mem>>)
    %scan3A_89 = arith.constant 0 : i32
    %scan3A_90 = arith.constant 0 : i32
    %scan3A_91 = arith.constant 62 : i32
    %scan3A_92 = arith.addi %scan3A_90, %scan3A_91 : i32
    %scan3A_93 = arith.constant 1 : i32
    scf.for %scan3A_218 = %scan3A_90 to %scan3A_92 step %scan3A_93  : i32 {
      %mul3A_219 = arith.constant 2 : i32
      %mul3A_220 = arith.muli %mul3A_219, %scan3A_218 : i32
      %ge3A_221 = arith.constant 1 : i32
      %ge3A_222 = arith.cmpi sge, %mul3A_220, %ge3A_221 : i32
      %convert_element_type3A_223 = arith.extui %ge3A_222 : i1 to i32
      %cond3A_224 = arith.constant 0 : i32
      %cond3A_225 = arith.cmpi ne, %convert_element_type3A_223, %cond3A_224 : i32
      scf.if %cond3A_225 {
        %dma_wait3A_513 = arith.constant 1 : i32
        %dma_wait3A_514 = arith.constant 0 : i32
        %dma_wait3A_515 = arith.constant 0 : i32
        %dma_wait3A_516 = tpu.memref_slice %arg11[%dma_wait3A_513, %dma_wait3A_514, %dma_wait3A_515] : memref<2x80x64xf32, #tpu.memory_space<vmem>> -> memref<1x80x64xf32, #tpu.memory_space<vmem>>
        %dma_wait3A_517 = tpu.memref_squeeze %dma_wait3A_516 : memref<1x80x64xf32, #tpu.memory_space<vmem>> -> memref<80x64xf32, #tpu.memory_space<vmem>>
        %dma_wait3A_518 = arith.constant 0 : i32
        %dma_wait3A_519 = arith.constant 0 : i32
        %dma_wait3A_520 = tpu.memref_slice %arg2[%dma_wait3A_518, %dma_wait3A_519] : memref<10000x64xf32, #tpu.memory_space<hbm>> -> memref<80x64xf32, #tpu.memory_space<hbm>>
        %dma_wait3A_521 = arith.constant 0 : i32
        %dma_wait3A_522 = arith.constant 0 : i32
        %dma_wait3A_523 = tpu.memref_slice %arg11[%dma_wait3A_513, %dma_wait3A_521, %dma_wait3A_522] : memref<2x80x64xf32, #tpu.memory_space<vmem>> -> memref<1x80x64xf32, #tpu.memory_space<vmem>>
        %dma_wait3A_524 = tpu.memref_squeeze %dma_wait3A_523 : memref<1x80x64xf32, #tpu.memory_space<vmem>> -> memref<80x64xf32, #tpu.memory_space<vmem>>
        %dma_wait3A_525 = arith.constant 0 : i32
        %dma_wait3A_526 = arith.constant 0 : i32
        %dma_wait3A_527 = tpu.memref_slice %arg2[%dma_wait3A_525, %dma_wait3A_526] : memref<10000x64xf32, #tpu.memory_space<hbm>> -> memref<80x64xf32, #tpu.memory_space<hbm>>
        tpu.wait_dma2 semaphore(%arg24 : memref<!tpu.dma_semaphore, #tpu.memory_space<semaphore_mem>>) src(%dma_wait3A_527 : memref<80x64xf32, #tpu.memory_space<hbm>>) dst(%dma_wait3A_524 : memref<80x64xf32, #tpu.memory_space<vmem>>)
        %dma_wait3A_528 = arith.constant 1 : i32
        %dma_wait3A_529 = arith.constant 0 : i32
        %dma_wait3A_530 = arith.constant 0 : i32
        %dma_wait3A_531 = tpu.memref_slice %arg12[%dma_wait3A_528, %dma_wait3A_529, %dma_wait3A_530] : memref<2x80x64xf32, #tpu.memory_space<vmem>> -> memref<1x80x64xf32, #tpu.memory_space<vmem>>
        %dma_wait3A_532 = tpu.memref_squeeze %dma_wait3A_531 : memref<1x80x64xf32, #tpu.memory_space<vmem>> -> memref<80x64xf32, #tpu.memory_space<vmem>>
        %dma_wait3A_533 = arith.constant 0 : i32
        %dma_wait3A_534 = arith.constant 0 : i32
        %dma_wait3A_535 = tpu.memref_slice %arg2[%dma_wait3A_533, %dma_wait3A_534] : memref<10000x64xf32, #tpu.memory_space<hbm>> -> memref<80x64xf32, #tpu.memory_space<hbm>>
        %dma_wait3A_536 = arith.constant 0 : i32
        %dma_wait3A_537 = arith.constant 0 : i32
        %dma_wait3A_538 = tpu.memref_slice %arg12[%dma_wait3A_528, %dma_wait3A_536, %dma_wait3A_537] : memref<2x80x64xf32, #tpu.memory_space<vmem>> -> memref<1x80x64xf32, #tpu.memory_space<vmem>>
        %dma_wait3A_539 = tpu.memref_squeeze %dma_wait3A_538 : memref<1x80x64xf32, #tpu.memory_space<vmem>> -> memref<80x64xf32, #tpu.memory_space<vmem>>
        %dma_wait3A_540 = arith.constant 0 : i32
        %dma_wait3A_541 = arith.constant 0 : i32
        %dma_wait3A_542 = tpu.memref_slice %arg2[%dma_wait3A_540, %dma_wait3A_541] : memref<10000x64xf32, #tpu.memory_space<hbm>> -> memref<80x64xf32, #tpu.memory_space<hbm>>
        tpu.wait_dma2 semaphore(%arg24 : memref<!tpu.dma_semaphore, #tpu.memory_space<semaphore_mem>>) src(%dma_wait3A_542 : memref<80x64xf32, #tpu.memory_space<hbm>>) dst(%dma_wait3A_539 : memref<80x64xf32, #tpu.memory_space<vmem>>)
      } else {
      }
      %ge3A_226 = arith.constant 1 : i32
      %ge3A_227 = arith.cmpi sge, %mul3A_220, %ge3A_226 : i32
      %add3A_228 = arith.constant 1 : i32
      %add3A_229 = arith.addi %mul3A_220, %add3A_228 : i32
      %lt3A_230 = arith.constant 125 : i32
      %lt3A_231 = arith.cmpi slt, %add3A_229, %lt3A_230 : i32
      %and3A_232 = arith.andi %ge3A_227, %lt3A_231 : i1
      %convert_element_type3A_233 = arith.extui %and3A_232 : i1 to i32
      %cond3A_234 = arith.constant 0 : i32
      %cond3A_235 = arith.cmpi ne, %convert_element_type3A_233, %cond3A_234 : i32
      scf.if %cond3A_235 {
        %dma_wait3A_513 = arith.constant 1 : i32
        %dma_wait3A_514 = arith.constant 0 : i32
        %dma_wait3A_515 = tpu.memref_slice %arg8[%dma_wait3A_513, %dma_wait3A_514] : memref<2x80xi32, #tpu.memory_space<vmem>> -> memref<1x80xi32, #tpu.memory_space<vmem>>
        %dma_wait3A_516 = tpu.memref_squeeze %dma_wait3A_515 : memref<1x80xi32, #tpu.memory_space<vmem>> -> memref<80xi32, #tpu.memory_space<vmem>>
        %dma_wait3A_517 = arith.constant 0 : i32
        %dma_wait3A_518 = tpu.memref_slice %arg4[%dma_wait3A_517] : memref<320000xi32, #tpu.memory_space<hbm>> -> memref<80xi32, #tpu.memory_space<hbm>>
        %dma_wait3A_519 = arith.constant 0 : i32
        %dma_wait3A_520 = tpu.memref_slice %arg8[%dma_wait3A_513, %dma_wait3A_519] : memref<2x80xi32, #tpu.memory_space<vmem>> -> memref<1x80xi32, #tpu.memory_space<vmem>>
        %dma_wait3A_521 = tpu.memref_squeeze %dma_wait3A_520 : memref<1x80xi32, #tpu.memory_space<vmem>> -> memref<80xi32, #tpu.memory_space<vmem>>
        %dma_wait3A_522 = arith.constant 0 : i32
        %dma_wait3A_523 = tpu.memref_slice %arg4[%dma_wait3A_522] : memref<320000xi32, #tpu.memory_space<hbm>> -> memref<80xi32, #tpu.memory_space<hbm>>
        tpu.wait_dma2 semaphore(%arg20 : memref<!tpu.dma_semaphore, #tpu.memory_space<semaphore_mem>>) src(%dma_wait3A_523 : memref<80xi32, #tpu.memory_space<hbm>>) dst(%dma_wait3A_521 : memref<80xi32, #tpu.memory_space<vmem>>)
        %dma_wait3A_524 = arith.constant 1 : i32
        %dma_wait3A_525 = arith.constant 0 : i32
        %dma_wait3A_526 = tpu.memref_slice %arg9[%dma_wait3A_524, %dma_wait3A_525] : memref<2x80xi32, #tpu.memory_space<vmem>> -> memref<1x80xi32, #tpu.memory_space<vmem>>
        %dma_wait3A_527 = tpu.memref_squeeze %dma_wait3A_526 : memref<1x80xi32, #tpu.memory_space<vmem>> -> memref<80xi32, #tpu.memory_space<vmem>>
        %dma_wait3A_528 = arith.constant 0 : i32
        %dma_wait3A_529 = tpu.memref_slice %arg4[%dma_wait3A_528] : memref<320000xi32, #tpu.memory_space<hbm>> -> memref<80xi32, #tpu.memory_space<hbm>>
        %dma_wait3A_530 = arith.constant 0 : i32
        %dma_wait3A_531 = tpu.memref_slice %arg9[%dma_wait3A_524, %dma_wait3A_530] : memref<2x80xi32, #tpu.memory_space<vmem>> -> memref<1x80xi32, #tpu.memory_space<vmem>>
        %dma_wait3A_532 = tpu.memref_squeeze %dma_wait3A_531 : memref<1x80xi32, #tpu.memory_space<vmem>> -> memref<80xi32, #tpu.memory_space<vmem>>
        %dma_wait3A_533 = arith.constant 0 : i32
        %dma_wait3A_534 = tpu.memref_slice %arg4[%dma_wait3A_533] : memref<320000xi32, #tpu.memory_space<hbm>> -> memref<80xi32, #tpu.memory_space<hbm>>
        tpu.wait_dma2 semaphore(%arg22 : memref<!tpu.dma_semaphore, #tpu.memory_space<semaphore_mem>>) src(%dma_wait3A_534 : memref<80xi32, #tpu.memory_space<hbm>>) dst(%dma_wait3A_532 : memref<80xi32, #tpu.memory_space<vmem>>)
      } else {
      }
      %add3A_236 = arith.constant 1 : i32
      %add3A_237 = arith.addi %mul3A_220, %add3A_236 : i32
      %lt3A_238 = arith.constant 125 : i32
      %lt3A_239 = arith.cmpi slt, %add3A_237, %lt3A_238 : i32
      %convert_element_type3A_240 = arith.extui %lt3A_239 : i1 to i32
      %cond3A_241 = arith.constant 0 : i32
      %cond3A_242 = arith.cmpi ne, %convert_element_type3A_240, %cond3A_241 : i32
      scf.if %cond3A_242 {
        %dma_start3A_513 = arith.constant 1 : i32
        %dma_start3A_514 = arith.constant 1 : i32
        %dma_start3A_515 = arith.constant 0 : i32
        %dma_start3A_516 = arith.constant 0 : i32
        %dma_start3A_517 = tpu.memref_slice %arg11[%dma_start3A_514, %dma_start3A_515, %dma_start3A_516] : memref<2x80x64xf32, #tpu.memory_space<vmem>> -> memref<1x80x64xf32, #tpu.memory_space<vmem>>
        %dma_start3A_518 = tpu.memref_squeeze %dma_start3A_517 : memref<1x80x64xf32, #tpu.memory_space<vmem>> -> memref<80x64xf32, #tpu.memory_space<vmem>>
        %dma_start3A_519 = arith.constant 0 : i32
        %dma_start3A_520 = tpu.memref_slice %arg8[%dma_start3A_513, %dma_start3A_519] : memref<2x80xi32, #tpu.memory_space<vmem>> -> memref<1x80xi32, #tpu.memory_space<vmem>>
        %dma_start3A_521 = tpu.memref_squeeze %dma_start3A_520 : memref<1x80xi32, #tpu.memory_space<vmem>> -> memref<80xi32, #tpu.memory_space<vmem>>
        %dma_start3A_522 = arith.constant 0 : i32
        %dma_start3A_523 = arith.constant 0 : i32
        %dma_start3A_524 = tpu.memref_slice %arg2[%dma_start3A_522, %dma_start3A_523] : memref<10000x64xf32, #tpu.memory_space<hbm>> -> memref<10000x64xf32, #tpu.memory_space<hbm>>
        tpu.enqueue_indirect_dma source(%dma_start3A_524 : memref<10000x64xf32, #tpu.memory_space<hbm>>) target(%dma_start3A_518 : memref<80x64xf32, #tpu.memory_space<vmem>>) offsets(%dma_start3A_521 : memref<80xi32, #tpu.memory_space<vmem>>) semaphore(%arg16 : memref<!tpu.dma_semaphore, #tpu.memory_space<semaphore_mem>>)
        %dma_start3A_525 = arith.constant 1 : i32
        %dma_start3A_526 = arith.constant 1 : i32
        %dma_start3A_527 = arith.constant 0 : i32
        %dma_start3A_528 = arith.constant 0 : i32
        %dma_start3A_529 = tpu.memref_slice %arg12[%dma_start3A_526, %dma_start3A_527, %dma_start3A_528] : memref<2x80x64xf32, #tpu.memory_space<vmem>> -> memref<1x80x64xf32, #tpu.memory_space<vmem>>
        %dma_start3A_530 = tpu.memref_squeeze %dma_start3A_529 : memref<1x80x64xf32, #tpu.memory_space<vmem>> -> memref<80x64xf32, #tpu.memory_space<vmem>>
        %dma_start3A_531 = arith.constant 0 : i32
        %dma_start3A_532 = tpu.memref_slice %arg9[%dma_start3A_525, %dma_start3A_531] : memref<2x80xi32, #tpu.memory_space<vmem>> -> memref<1x80xi32, #tpu.memory_space<vmem>>
        %dma_start3A_533 = tpu.memref_squeeze %dma_start3A_532 : memref<1x80xi32, #tpu.memory_space<vmem>> -> memref<80xi32, #tpu.memory_space<vmem>>
        %dma_start3A_534 = arith.constant 0 : i32
        %dma_start3A_535 = arith.constant 0 : i32
        %dma_start3A_536 = tpu.memref_slice %arg3[%dma_start3A_534, %dma_start3A_535] : memref<10000x64xf32, #tpu.memory_space<hbm>> -> memref<10000x64xf32, #tpu.memory_space<hbm>>
        tpu.enqueue_indirect_dma source(%dma_start3A_536 : memref<10000x64xf32, #tpu.memory_space<hbm>>) target(%dma_start3A_530 : memref<80x64xf32, #tpu.memory_space<vmem>>) offsets(%dma_start3A_533 : memref<80xi32, #tpu.memory_space<vmem>>) semaphore(%arg18 : memref<!tpu.dma_semaphore, #tpu.memory_space<semaphore_mem>>)
      } else {
      }
      %dma_wait3A_243 = arith.constant 0 : i32
      %dma_wait3A_244 = arith.constant 0 : i32
      %dma_wait3A_245 = arith.constant 0 : i32
      %dma_wait3A_246 = tpu.memref_slice %arg11[%dma_wait3A_243, %dma_wait3A_244, %dma_wait3A_245] : memref<2x80x64xf32, #tpu.memory_space<vmem>> -> memref<1x80x64xf32, #tpu.memory_space<vmem>>
      %dma_wait3A_247 = tpu.memref_squeeze %dma_wait3A_246 : memref<1x80x64xf32, #tpu.memory_space<vmem>> -> memref<80x64xf32, #tpu.memory_space<vmem>>
      %dma_wait3A_248 = arith.constant 0 : i32
      %dma_wait3A_249 = arith.constant 0 : i32
      %dma_wait3A_250 = tpu.memref_slice %arg2[%dma_wait3A_248, %dma_wait3A_249] : memref<10000x64xf32, #tpu.memory_space<hbm>> -> memref<80x64xf32, #tpu.memory_space<hbm>>
      %dma_wait3A_251 = arith.constant 0 : i32
      %dma_wait3A_252 = arith.constant 0 : i32
      %dma_wait3A_253 = tpu.memref_slice %arg11[%dma_wait3A_243, %dma_wait3A_251, %dma_wait3A_252] : memref<2x80x64xf32, #tpu.memory_space<vmem>> -> memref<1x80x64xf32, #tpu.memory_space<vmem>>
      %dma_wait3A_254 = tpu.memref_squeeze %dma_wait3A_253 : memref<1x80x64xf32, #tpu.memory_space<vmem>> -> memref<80x64xf32, #tpu.memory_space<vmem>>
      %dma_wait3A_255 = arith.constant 0 : i32
      %dma_wait3A_256 = arith.constant 0 : i32
      %dma_wait3A_257 = tpu.memref_slice %arg2[%dma_wait3A_255, %dma_wait3A_256] : memref<10000x64xf32, #tpu.memory_space<hbm>> -> memref<80x64xf32, #tpu.memory_space<hbm>>
      tpu.wait_dma2 semaphore(%arg15 : memref<!tpu.dma_semaphore, #tpu.memory_space<semaphore_mem>>) src(%dma_wait3A_257 : memref<80x64xf32, #tpu.memory_space<hbm>>) dst(%dma_wait3A_254 : memref<80x64xf32, #tpu.memory_space<vmem>>)
      %dma_wait3A_258 = arith.constant 0 : i32
      %dma_wait3A_259 = arith.constant 0 : i32
      %dma_wait3A_260 = arith.constant 0 : i32
      %dma_wait3A_261 = tpu.memref_slice %arg12[%dma_wait3A_258, %dma_wait3A_259, %dma_wait3A_260] : memref<2x80x64xf32, #tpu.memory_space<vmem>> -> memref<1x80x64xf32, #tpu.memory_space<vmem>>
      %dma_wait3A_262 = tpu.memref_squeeze %dma_wait3A_261 : memref<1x80x64xf32, #tpu.memory_space<vmem>> -> memref<80x64xf32, #tpu.memory_space<vmem>>
      %dma_wait3A_263 = arith.constant 0 : i32
      %dma_wait3A_264 = arith.constant 0 : i32
      %dma_wait3A_265 = tpu.memref_slice %arg2[%dma_wait3A_263, %dma_wait3A_264] : memref<10000x64xf32, #tpu.memory_space<hbm>> -> memref<80x64xf32, #tpu.memory_space<hbm>>
      %dma_wait3A_266 = arith.constant 0 : i32
      %dma_wait3A_267 = arith.constant 0 : i32
      %dma_wait3A_268 = tpu.memref_slice %arg12[%dma_wait3A_258, %dma_wait3A_266, %dma_wait3A_267] : memref<2x80x64xf32, #tpu.memory_space<vmem>> -> memref<1x80x64xf32, #tpu.memory_space<vmem>>
      %dma_wait3A_269 = tpu.memref_squeeze %dma_wait3A_268 : memref<1x80x64xf32, #tpu.memory_space<vmem>> -> memref<80x64xf32, #tpu.memory_space<vmem>>
      %dma_wait3A_270 = arith.constant 0 : i32
      %dma_wait3A_271 = arith.constant 0 : i32
      %dma_wait3A_272 = tpu.memref_slice %arg2[%dma_wait3A_270, %dma_wait3A_271] : memref<10000x64xf32, #tpu.memory_space<hbm>> -> memref<80x64xf32, #tpu.memory_space<hbm>>
      tpu.wait_dma2 semaphore(%arg17 : memref<!tpu.dma_semaphore, #tpu.memory_space<semaphore_mem>>) src(%dma_wait3A_272 : memref<80x64xf32, #tpu.memory_space<hbm>>) dst(%dma_wait3A_269 : memref<80x64xf32, #tpu.memory_space<vmem>>)
      %get3A_273 = arith.constant 0 : i32
      %get3A_274 = arith.index_cast %get3A_273 : i32 to index
      %get3A_275 = arith.constant 0 : index
      %get3A_276 = tpu.vector_load %arg9[%get3A_274, %get3A_275] {strides = array<i32>} : memref<2x80xi32, #tpu.memory_space<vmem>>, vector<1x16xi32>,
      %get3A_277 = vector.shape_cast %get3A_276 : vector<1x16xi32> to vector<16xi32>
      %swap3A_278 = arith.constant 0 : i32
      %swap3A_279 = arith.index_cast %swap3A_278 : i32 to index
      %swap3A_280 = arith.constant 0 : index
      %swap3A_281 = tpu.vector_load %arg10[%swap3A_279, %swap3A_280] {strides = array<i32>} : memref<2x80xi32, #tpu.memory_space<vmem>>, vector<1x16xi32>,
      %swap3A_282 = vector.shape_cast %swap3A_281 : vector<1x16xi32> to vector<16xi32>
      %swap3A_283 = vector.shape_cast %get3A_277 : vector<16xi32> to vector<1x16xi32>
      tpu.vector_store %arg10[%swap3A_279, %swap3A_280], %swap3A_283 {strides = array<i32>} : memref<2x80xi32, #tpu.memory_space<vmem>>, vector<1x16xi32>,
      %get3A_284 = arith.constant 0 : i32
      %get3A_285 = arith.index_cast %get3A_284 : i32 to index
      %get3A_286 = arith.constant 16 : index
      %get3A_287 = tpu.vector_load %arg9[%get3A_285, %get3A_286] {strides = array<i32>} : memref<2x80xi32, #tpu.memory_space<vmem>>, vector<1x16xi32>,
      %get3A_288 = vector.shape_cast %get3A_287 : vector<1x16xi32> to vector<16xi32>
      %swap3A_289 = arith.constant 0 : i32
      %swap3A_290 = arith.index_cast %swap3A_289 : i32 to index
      %swap3A_291 = arith.constant 16 : index
      %swap3A_292 = tpu.vector_load %arg10[%swap3A_290, %swap3A_291] {strides = array<i32>} : memref<2x80xi32, #tpu.memory_space<vmem>>, vector<1x16xi32>,
      %swap3A_293 = vector.shape_cast %swap3A_292 : vector<1x16xi32> to vector<16xi32>
      %swap3A_294 = vector.shape_cast %get3A_288 : vector<16xi32> to vector<1x16xi32>
      tpu.vector_store %arg10[%swap3A_290, %swap3A_291], %swap3A_294 {strides = array<i32>} : memref<2x80xi32, #tpu.memory_space<vmem>>, vector<1x16xi32>,
      %get3A_295 = arith.constant 0 : i32
      %get3A_296 = arith.index_cast %get3A_295 : i32 to index
      %get3A_297 = arith.constant 32 : index
      %get3A_298 = tpu.vector_load %arg9[%get3A_296, %get3A_297] {strides = array<i32>} : memref<2x80xi32, #tpu.memory_space<vmem>>, vector<1x16xi32>,
      %get3A_299 = vector.shape_cast %get3A_298 : vector<1x16xi32> to vector<16xi32>
      %swap3A_300 = arith.constant 0 : i32
      %swap3A_301 = arith.index_cast %swap3A_300 : i32 to index
      %swap3A_302 = arith.constant 32 : index
      %swap3A_303 = tpu.vector_load %arg10[%swap3A_301, %swap3A_302] {strides = array<i32>} : memref<2x80xi32, #tpu.memory_space<vmem>>, vector<1x16xi32>,
      %swap3A_304 = vector.shape_cast %swap3A_303 : vector<1x16xi32> to vector<16xi32>
      %swap3A_305 = vector.shape_cast %get3A_299 : vector<16xi32> to vector<1x16xi32>
      tpu.vector_store %arg10[%swap3A_301, %swap3A_302], %swap3A_305 {strides = array<i32>} : memref<2x80xi32, #tpu.memory_space<vmem>>, vector<1x16xi32>,
      %get3A_306 = arith.constant 0 : i32
      %get3A_307 = arith.index_cast %get3A_306 : i32 to index
      %get3A_308 = arith.constant 48 : index
      %get3A_309 = tpu.vector_load %arg9[%get3A_307, %get3A_308] {strides = array<i32>} : memref<2x80xi32, #tpu.memory_space<vmem>>, vector<1x16xi32>,
      %get3A_310 = vector.shape_cast %get3A_309 : vector<1x16xi32> to vector<16xi32>
      %swap3A_311 = arith.constant 0 : i32
      %swap3A_312 = arith.index_cast %swap3A_311 : i32 to index
      %swap3A_313 = arith.constant 48 : index
      %swap3A_314 = tpu.vector_load %arg10[%swap3A_312, %swap3A_313] {strides = array<i32>} : memref<2x80xi32, #tpu.memory_space<vmem>>, vector<1x16xi32>,
      %swap3A_315 = vector.shape_cast %swap3A_314 : vector<1x16xi32> to vector<16xi32>
      %swap3A_316 = vector.shape_cast %get3A_310 : vector<16xi32> to vector<1x16xi32>
      tpu.vector_store %arg10[%swap3A_312, %swap3A_313], %swap3A_316 {strides = array<i32>} : memref<2x80xi32, #tpu.memory_space<vmem>>, vector<1x16xi32>,
      %get3A_317 = arith.constant 0 : i32
      %get3A_318 = arith.index_cast %get3A_317 : i32 to index
      %get3A_319 = arith.constant 64 : index
      %get3A_320 = tpu.vector_load %arg9[%get3A_318, %get3A_319] {strides = array<i32>} : memref<2x80xi32, #tpu.memory_space<vmem>>, vector<1x16xi32>,
      %get3A_321 = vector.shape_cast %get3A_320 : vector<1x16xi32> to vector<16xi32>
      %swap3A_322 = arith.constant 0 : i32
      %swap3A_323 = arith.index_cast %swap3A_322 : i32 to index
      %swap3A_324 = arith.constant 64 : index
      %swap3A_325 = tpu.vector_load %arg10[%swap3A_323, %swap3A_324] {strides = array<i32>} : memref<2x80xi32, #tpu.memory_space<vmem>>, vector<1x16xi32>,
      %swap3A_326 = vector.shape_cast %swap3A_325 : vector<1x16xi32> to vector<16xi32>
      %swap3A_327 = vector.shape_cast %get3A_321 : vector<16xi32> to vector<1x16xi32>
      tpu.vector_store %arg10[%swap3A_323, %swap3A_324], %swap3A_327 {strides = array<i32>} : memref<2x80xi32, #tpu.memory_space<vmem>>, vector<1x16xi32>,
      %add3A_328 = arith.constant 2 : i32
      %add3A_329 = arith.addi %mul3A_220, %add3A_328 : i32
      %lt3A_330 = arith.constant 125 : i32
      %lt3A_331 = arith.cmpi slt, %add3A_329, %lt3A_330 : i32
      %convert_element_type3A_332 = arith.extui %lt3A_331 : i1 to i32
      %cond3A_333 = arith.constant 0 : i32
      %cond3A_334 = arith.cmpi ne, %convert_element_type3A_332, %cond3A_333 : i32
      scf.if %cond3A_334 {
        %add3A_513 = arith.constant 2 : i32
        %add3A_514 = arith.addi %mul3A_220, %add3A_513 : i32
        %mul3A_515 = arith.constant 80 : i32
        %mul3A_516 = arith.muli %add3A_514, %mul3A_515 : i32
        %add3A_517 = arith.addi %mul3A_2, %mul3A_516 : i32
        %dma_start3A_518 = arith.constant 0 : i32
        %dma_start3A_519 = arith.constant 0 : i32
        %dma_start3A_520 = tpu.memref_slice %arg8[%dma_start3A_518, %dma_start3A_519] : memref<2x80xi32, #tpu.memory_space<vmem>> -> memref<1x80xi32, #tpu.memory_space<vmem>>
        %dma_start3A_521 = tpu.memref_squeeze %dma_start3A_520 : memref<1x80xi32, #tpu.memory_space<vmem>> -> memref<80xi32, #tpu.memory_space<vmem>>
        %dma_start3A_522 = tpu.memref_slice %arg4[%add3A_517] : memref<320000xi32, #tpu.memory_space<hbm>> -> memref<80xi32, #tpu.memory_space<hbm>>
        %dma_start3A_523 = arith.constant 0 : i32
        %dma_start3A_524 = tpu.memref_slice %arg8[%dma_start3A_518, %dma_start3A_523] : memref<2x80xi32, #tpu.memory_space<vmem>> -> memref<1x80xi32, #tpu.memory_space<vmem>>
        %dma_start3A_525 = tpu.memref_squeeze %dma_start3A_524 : memref<1x80xi32, #tpu.memory_space<vmem>> -> memref<80xi32, #tpu.memory_space<vmem>>
        %dma_start3A_526 = tpu.memref_slice %arg4[%add3A_517] : memref<320000xi32, #tpu.memory_space<hbm>> -> memref<80xi32, #tpu.memory_space<hbm>>
        tpu.enqueue_dma source(%dma_start3A_526 : memref<80xi32, #tpu.memory_space<hbm>>) target(%dma_start3A_525 : memref<80xi32, #tpu.memory_space<vmem>>) target_semaphore(%arg19 : memref<!tpu.dma_semaphore, #tpu.memory_space<semaphore_mem>>)
        %dma_start3A_527 = arith.constant 0 : i32
        %dma_start3A_528 = arith.constant 0 : i32
        %dma_start3A_529 = tpu.memref_slice %arg9[%dma_start3A_527, %dma_start3A_528] : memref<2x80xi32, #tpu.memory_space<vmem>> -> memref<1x80xi32, #tpu.memory_space<vmem>>
        %dma_start3A_530 = tpu.memref_squeeze %dma_start3A_529 : memref<1x80xi32, #tpu.memory_space<vmem>> -> memref<80xi32, #tpu.memory_space<vmem>>
        %dma_start3A_531 = tpu.memref_slice %arg5[%add3A_517] : memref<320000xi32, #tpu.memory_space<hbm>> -> memref<80xi32, #tpu.memory_space<hbm>>
        %dma_start3A_532 = arith.constant 0 : i32
        %dma_start3A_533 = tpu.memref_slice %arg9[%dma_start3A_527, %dma_start3A_532] : memref<2x80xi32, #tpu.memory_space<vmem>> -> memref<1x80xi32, #tpu.memory_space<vmem>>
        %dma_start3A_534 = tpu.memref_squeeze %dma_start3A_533 : memref<1x80xi32, #tpu.memory_space<vmem>> -> memref<80xi32, #tpu.memory_space<vmem>>
        %dma_start3A_535 = tpu.memref_slice %arg5[%add3A_517] : memref<320000xi32, #tpu.memory_space<hbm>> -> memref<80xi32, #tpu.memory_space<hbm>>
        tpu.enqueue_dma source(%dma_start3A_535 : memref<80xi32, #tpu.memory_space<hbm>>) target(%dma_start3A_534 : memref<80xi32, #tpu.memory_space<vmem>>) target_semaphore(%arg21 : memref<!tpu.dma_semaphore, #tpu.memory_space<semaphore_mem>>)
      } else {
      }
      %scan3A_335 = arith.constant 0 : i32
      %scan3A_336 = arith.constant 0 : i32
      %scan3A_337 = arith.constant 80 : i32
      %scan3A_338 = arith.addi %scan3A_336, %scan3A_337 : i32
      %scan3A_339 = arith.constant 4 : i32
      scf.for %scan3A_513 = %scan3A_336 to %scan3A_338 step %scan3A_339  : i32 {
        %get3A_514 = arith.constant 0 : i32
        %get3A_515 = arith.index_cast %get3A_514 : i32 to index
        %get3A_516 = arith.index_cast %scan3A_513 : i32 to index
        %get3A_517 = arith.constant 0 : index
        %get3A_518 = tpu.vector_load %arg11[%get3A_515, %get3A_516, %get3A_517] {strides = array<i32>} : memref<2x80x64xf32, #tpu.memory_space<vmem>>, vector<1x1x16xf32>,
        %get3A_519 = vector.shape_cast %get3A_518 : vector<1x1x16xf32> to vector<16xf32>
        %bitcast_convert_type3A = tpu.bitcast %get3A_519 : vector<16xf32> -> vector<16xi32>
        %get3A_520 = arith.constant 0 : i32
        %get3A_521 = arith.index_cast %get3A_520 : i32 to index
        %get3A_522 = arith.index_cast %scan3A_513 : i32 to index
        %get3A_523 = arith.constant 0 : index
        %get3A_524 = tpu.vector_load %arg12[%get3A_521, %get3A_522, %get3A_523] {strides = array<i32>} : memref<2x80x64xf32, #tpu.memory_space<vmem>>, vector<1x1x16xf32>,
        %get3A_525 = vector.shape_cast %get3A_524 : vector<1x1x16xf32> to vector<16xf32>
        %bitcast_convert_type3A_526 = tpu.bitcast %get3A_525 : vector<16xf32> -> vector<16xi32>
        %shift_left3A = arith.constant 16 : i32
        %shift_left3A_527 = vector.broadcast %shift_left3A : i32 to vector<16xi32>
        %shift_left3A_528 = arith.shli %bitcast_convert_type3A, %shift_left3A_527 : vector<16xi32>
        %bitcast_convert_type3A_529 = tpu.bitcast %shift_left3A_528 : vector<16xi32> -> vector<16xf32>
        %shift_left3A_530 = arith.constant 16 : i32
        %shift_left3A_531 = vector.broadcast %shift_left3A_530 : i32 to vector<16xi32>
        %shift_left3A_532 = arith.shli %bitcast_convert_type3A_526, %shift_left3A_531 : vector<16xi32>
        %bitcast_convert_type3A_533 = tpu.bitcast %shift_left3A_532 : vector<16xi32> -> vector<16xf32>
        %and3A_534 = arith.constant -65536 : i32
        %and3A_535 = vector.broadcast %and3A_534 : i32 to vector<16xi32>
        %and3A_536 = arith.andi %bitcast_convert_type3A, %and3A_535 : vector<16xi32>
        %bitcast_convert_type3A_537 = tpu.bitcast %and3A_536 : vector<16xi32> -> vector<16xf32>
        %and3A_538 = arith.constant -65536 : i32
        %and3A_539 = vector.broadcast %and3A_538 : i32 to vector<16xi32>
        %and3A_540 = arith.andi %bitcast_convert_type3A_526, %and3A_539 : vector<16xi32>
        %bitcast_convert_type3A_541 = tpu.bitcast %and3A_540 : vector<16xi32> -> vector<16xf32>
        %add3A_542 = arith.addf %bitcast_convert_type3A_529, %bitcast_convert_type3A_533 : vector<16xf32>
        %max3A = arith.constant 0.000000e+00 : f32
        %max3A_543 = vector.broadcast %max3A : f32 to vector<16xf32>
        %max3A_544 = arith.maximumf %add3A_542, %max3A_543 : vector<16xf32>
        %swap3A_545 = arith.constant 0 : i32
        %swap3A_546 = arith.index_cast %swap3A_545 : i32 to index
        %swap3A_547 = arith.index_cast %scan3A_513 : i32 to index
        %swap3A_548 = arith.constant 0 : index
        %swap3A_549 = tpu.vector_load %arg11[%swap3A_546, %swap3A_547, %swap3A_548] {strides = array<i32>} : memref<2x80x64xf32, #tpu.memory_space<vmem>>, vector<1x1x16xf32>,
        %swap3A_550 = vector.shape_cast %swap3A_549 : vector<1x1x16xf32> to vector<16xf32>
        %swap3A_551 = vector.shape_cast %max3A_544 : vector<16xf32> to vector<1x1x16xf32>
        tpu.vector_store %arg11[%swap3A_546, %swap3A_547, %swap3A_548], %swap3A_551 {strides = array<i32>} : memref<2x80x64xf32, #tpu.memory_space<vmem>>, vector<1x1x16xf32>,
        %add3A_552 = arith.addf %bitcast_convert_type3A_537, %bitcast_convert_type3A_541 : vector<16xf32>
        %max3A_553 = arith.constant 0.000000e+00 : f32
        %max3A_554 = vector.broadcast %max3A_553 : f32 to vector<16xf32>
        %max3A_555 = arith.maximumf %add3A_552, %max3A_554 : vector<16xf32>
        %swap3A_556 = arith.constant 0 : i32
        %swap3A_557 = arith.index_cast %swap3A_556 : i32 to index
        %swap3A_558 = arith.index_cast %scan3A_513 : i32 to index
        %swap3A_559 = arith.constant 0 : index
        %swap3A_560 = tpu.vector_load %arg12[%swap3A_557, %swap3A_558, %swap3A_559] {strides = array<i32>} : memref<2x80x64xf32, #tpu.memory_space<vmem>>, vector<1x1x16xf32>,
        %swap3A_561 = vector.shape_cast %swap3A_560 : vector<1x1x16xf32> to vector<16xf32>
        %swap3A_562 = vector.shape_cast %max3A_555 : vector<16xf32> to vector<1x1x16xf32>
        tpu.vector_store %arg12[%swap3A_557, %swap3A_558, %swap3A_559], %swap3A_562 {strides = array<i32>} : memref<2x80x64xf32, #tpu.memory_space<vmem>>, vector<1x1x16xf32>,
        %get3A_563 = arith.constant 0 : i32
        %get3A_564 = arith.index_cast %get3A_563 : i32 to index
        %get3A_565 = arith.index_cast %scan3A_513 : i32 to index
        %get3A_566 = arith.constant 16 : index
        %get3A_567 = tpu.vector_load %arg11[%get3A_564, %get3A_565, %get3A_566] {strides = array<i32>} : memref<2x80x64xf32, #tpu.memory_space<vmem>>, vector<1x1x16xf32>,
        %get3A_568 = vector.shape_cast %get3A_567 : vector<1x1x16xf32> to vector<16xf32>
        %bitcast_convert_type3A_569 = tpu.bitcast %get3A_568 : vector<16xf32> -> vector<16xi32>
        %get3A_570 = arith.constant 0 : i32
        %get3A_571 = arith.index_cast %get3A_570 : i32 to index
        %get3A_572 = arith.index_cast %scan3A_513 : i32 to index
        %get3A_573 = arith.constant 16 : index
        %get3A_574 = tpu.vector_load %arg12[%get3A_571, %get3A_572, %get3A_573] {strides = array<i32>} : memref<2x80x64xf32, #tpu.memory_space<vmem>>, vector<1x1x16xf32>,
        %get3A_575 = vector.shape_cast %get3A_574 : vector<1x1x16xf32> to vector<16xf32>
        %bitcast_convert_type3A_576 = tpu.bitcast %get3A_575 : vector<16xf32> -> vector<16xi32>
        %shift_left3A_577 = arith.constant 16 : i32
        %shift_left3A_578 = vector.broadcast %shift_left3A_577 : i32 to vector<16xi32>
        %shift_left3A_579 = arith.shli %bitcast_convert_type3A_569, %shift_left3A_578 : vector<16xi32>
        %bitcast_convert_type3A_580 = tpu.bitcast %shift_left3A_579 : vector<16xi32> -> vector<16xf32>
        %shift_left3A_581 = arith.constant 16 : i32
        %shift_left3A_582 = vector.broadcast %shift_left3A_581 : i32 to vector<16xi32>
        %shift_left3A_583 = arith.shli %bitcast_convert_type3A_576, %shift_left3A_582 : vector<16xi32>
        %bitcast_convert_type3A_584 = tpu.bitcast %shift_left3A_583 : vector<16xi32> -> vector<16xf32>
        %and3A_585 = arith.constant -65536 : i32
        %and3A_586 = vector.broadcast %and3A_585 : i32 to vector<16xi32>
        %and3A_587 = arith.andi %bitcast_convert_type3A_569, %and3A_586 : vector<16xi32>
        %bitcast_convert_type3A_588 = tpu.bitcast %and3A_587 : vector<16xi32> -> vector<16xf32>
        %and3A_589 = arith.constant -65536 : i32
        %and3A_590 = vector.broadcast %and3A_589 : i32 to vector<16xi32>
        %and3A_591 = arith.andi %bitcast_convert_type3A_576, %and3A_590 : vector<16xi32>
        %bitcast_convert_type3A_592 = tpu.bitcast %and3A_591 : vector<16xi32> -> vector<16xf32>
        %add3A_593 = arith.addf %bitcast_convert_type3A_580, %bitcast_convert_type3A_584 : vector<16xf32>
        %max3A_594 = arith.constant 0.000000e+00 : f32
        %max3A_595 = vector.broadcast %max3A_594 : f32 to vector<16xf32>
        %max3A_596 = arith.maximumf %add3A_593, %max3A_595 : vector<16xf32>
        %swap3A_597 = arith.constant 0 : i32
        %swap3A_598 = arith.index_cast %swap3A_597 : i32 to index
        %swap3A_599 = arith.index_cast %scan3A_513 : i32 to index
        %swap3A_600 = arith.constant 16 : index
        %swap3A_601 = tpu.vector_load %arg11[%swap3A_598, %swap3A_599, %swap3A_600] {strides = array<i32>} : memref<2x80x64xf32, #tpu.memory_space<vmem>>, vector<1x1x16xf32>,
        %swap3A_602 = vector.shape_cast %swap3A_601 : vector<1x1x16xf32> to vector<16xf32>
        %swap3A_603 = vector.shape_cast %max3A_596 : vector<16xf32> to vector<1x1x16xf32>
        tpu.vector_store %arg11[%swap3A_598, %swap3A_599, %swap3A_600], %swap3A_603 {strides = array<i32>} : memref<2x80x64xf32, #tpu.memory_space<vmem>>, vector<1x1x16xf32>,
        %add3A_604 = arith.addf %bitcast_convert_type3A_588, %bitcast_convert_type3A_592 : vector<16xf32>
        %max3A_605 = arith.constant 0.000000e+00 : f32
        %max3A_606 = vector.broadcast %max3A_605 : f32 to vector<16xf32>
        %max3A_607 = arith.maximumf %add3A_604, %max3A_606 : vector<16xf32>
        %swap3A_608 = arith.constant 0 : i32
        %swap3A_609 = arith.index_cast %swap3A_608 : i32 to index
        %swap3A_610 = arith.index_cast %scan3A_513 : i32 to index
        %swap3A_611 = arith.constant 16 : index
        %swap3A_612 = tpu.vector_load %arg12[%swap3A_609, %swap3A_610, %swap3A_611] {strides = array<i32>} : memref<2x80x64xf32, #tpu.memory_space<vmem>>, vector<1x1x16xf32>,
        %swap3A_613 = vector.shape_cast %swap3A_612 : vector<1x1x16xf32> to vector<16xf32>
        %swap3A_614 = vector.shape_cast %max3A_607 : vector<16xf32> to vector<1x1x16xf32>
        tpu.vector_store %arg12[%swap3A_609, %swap3A_610, %swap3A_611], %swap3A_614 {strides = array<i32>} : memref<2x80x64xf32, #tpu.memory_space<vmem>>, vector<1x1x16xf32>,
        %get3A_615 = arith.constant 0 : i32
        %get3A_616 = arith.index_cast %get3A_615 : i32 to index
        %get3A_617 = arith.index_cast %scan3A_513 : i32 to index
        %get3A_618 = arith.constant 32 : index
        %get3A_619 = tpu.vector_load %arg11[%get3A_616, %get3A_617, %get3A_618] {strides = array<i32>} : memref<2x80x64xf32, #tpu.memory_space<vmem>>, vector<1x1x16xf32>,
        %get3A_620 = vector.shape_cast %get3A_619 : vector<1x1x16xf32> to vector<16xf32>
        %bitcast_convert_type3A_621 = tpu.bitcast %get3A_620 : vector<16xf32> -> vector<16xi32>
        %get3A_622 = arith.constant 0 : i32
        %get3A_623 = arith.index_cast %get3A_622 : i32 to index
        %get3A_624 = arith.index_cast %scan3A_513 : i32 to index
        %get3A_625 = arith.constant 32 : index
        %get3A_626 = tpu.vector_load %arg12[%get3A_623, %get3A_624, %get3A_625] {strides = array<i32>} : memref<2x80x64xf32, #tpu.memory_space<vmem>>, vector<1x1x16xf32>,
        %get3A_627 = vector.shape_cast %get3A_626 : vector<1x1x16xf32> to vector<16xf32>
        %bitcast_convert_type3A_628 = tpu.bitcast %get3A_627 : vector<16xf32> -> vector<16xi32>
        %shift_left3A_629 = arith.constant 16 : i32
        %shift_left3A_630 = vector.broadcast %shift_left3A_629 : i32 to vector<16xi32>
        %shift_left3A_631 = arith.shli %bitcast_convert_type3A_621, %shift_left3A_630 : vector<16xi32>
        %bitcast_convert_type3A_632 = tpu.bitcast %shift_left3A_631 : vector<16xi32> -> vector<16xf32>
        %shift_left3A_633 = arith.constant 16 : i32
        %shift_left3A_634 = vector.broadcast %shift_left3A_633 : i32 to vector<16xi32>
        %shift_left3A_635 = arith.shli %bitcast_convert_type3A_628, %shift_left3A_634 : vector<16xi32>
        %bitcast_convert_type3A_636 = tpu.bitcast %shift_left3A_635 : vector<16xi32> -> vector<16xf32>
        %and3A_637 = arith.constant -65536 : i32
        %and3A_638 = vector.broadcast %and3A_637 : i32 to vector<16xi32>
        %and3A_639 = arith.andi %bitcast_convert_type3A_621, %and3A_638 : vector<16xi32>
        %bitcast_convert_type3A_640 = tpu.bitcast %and3A_639 : vector<16xi32> -> vector<16xf32>
        %and3A_641 = arith.constant -65536 : i32
        %and3A_642 = vector.broadcast %and3A_641 : i32 to vector<16xi32>
        %and3A_643 = arith.andi %bitcast_convert_type3A_628, %and3A_642 : vector<16xi32>
        %bitcast_convert_type3A_644 = tpu.bitcast %and3A_643 : vector<16xi32> -> vector<16xf32>
        %add3A_645 = arith.addf %bitcast_convert_type3A_632, %bitcast_convert_type3A_636 : vector<16xf32>
        %max3A_646 = arith.constant 0.000000e+00 : f32
        %max3A_647 = vector.broadcast %max3A_646 : f32 to vector<16xf32>
        %max3A_648 = arith.maximumf %add3A_645, %max3A_647 : vector<16xf32>
        %swap3A_649 = arith.constant 0 : i32
        %swap3A_650 = arith.index_cast %swap3A_649 : i32 to index
        %swap3A_651 = arith.index_cast %scan3A_513 : i32 to index
        %swap3A_652 = arith.constant 32 : index
        %swap3A_653 = tpu.vector_load %arg11[%swap3A_650, %swap3A_651, %swap3A_652] {strides = array<i32>} : memref<2x80x64xf32, #tpu.memory_space<vmem>>, vector<1x1x16xf32>,
        %swap3A_654 = vector.shape_cast %swap3A_653 : vector<1x1x16xf32> to vector<16xf32>
        %swap3A_655 = vector.shape_cast %max3A_648 : vector<16xf32> to vector<1x1x16xf32>
        tpu.vector_store %arg11[%swap3A_650, %swap3A_651, %swap3A_652], %swap3A_655 {strides = array<i32>} : memref<2x80x64xf32, #tpu.memory_space<vmem>>, vector<1x1x16xf32>,
        %add3A_656 = arith.addf %bitcast_convert_type3A_640, %bitcast_convert_type3A_644 : vector<16xf32>
        %max3A_657 = arith.constant 0.000000e+00 : f32
        %max3A_658 = vector.broadcast %max3A_657 : f32 to vector<16xf32>
        %max3A_659 = arith.maximumf %add3A_656, %max3A_658 : vector<16xf32>
        %swap3A_660 = arith.constant 0 : i32
        %swap3A_661 = arith.index_cast %swap3A_660 : i32 to index
        %swap3A_662 = arith.index_cast %scan3A_513 : i32 to index
        %swap3A_663 = arith.constant 32 : index
        %swap3A_664 = tpu.vector_load %arg12[%swap3A_661, %swap3A_662, %swap3A_663] {strides = array<i32>} : memref<2x80x64xf32, #tpu.memory_space<vmem>>, vector<1x1x16xf32>,
        %swap3A_665 = vector.shape_cast %swap3A_664 : vector<1x1x16xf32> to vector<16xf32>
        %swap3A_666 = vector.shape_cast %max3A_659 : vector<16xf32> to vector<1x1x16xf32>
        tpu.vector_store %arg12[%swap3A_661, %swap3A_662, %swap3A_663], %swap3A_666 {strides = array<i32>} : memref<2x80x64xf32, #tpu.memory_space<vmem>>, vector<1x1x16xf32>,
        %get3A_667 = arith.constant 0 : i32
        %get3A_668 = arith.index_cast %get3A_667 : i32 to index
        %get3A_669 = arith.index_cast %scan3A_513 : i32 to index
        %get3A_670 = arith.constant 48 : index
        %get3A_671 = tpu.vector_load %arg11[%get3A_668, %get3A_669, %get3A_670] {strides = array<i32>} : memref<2x80x64xf32, #tpu.memory_space<vmem>>, vector<1x1x16xf32>,
        %get3A_672 = vector.shape_cast %get3A_671 : vector<1x1x16xf32> to vector<16xf32>
        %bitcast_convert_type3A_673 = tpu.bitcast %get3A_672 : vector<16xf32> -> vector<16xi32>
        %get3A_674 = arith.constant 0 : i32
        %get3A_675 = arith.index_cast %get3A_674 : i32 to index
        %get3A_676 = arith.index_cast %scan3A_513 : i32 to index
        %get3A_677 = arith.constant 48 : index
        %get3A_678 = tpu.vector_load %arg12[%get3A_675, %get3A_676, %get3A_677] {strides = array<i32>} : memref<2x80x64xf32, #tpu.memory_space<vmem>>, vector<1x1x16xf32>,
        %get3A_679 = vector.shape_cast %get3A_678 : vector<1x1x16xf32> to vector<16xf32>
        %bitcast_convert_type3A_680 = tpu.bitcast %get3A_679 : vector<16xf32> -> vector<16xi32>
        %shift_left3A_681 = arith.constant 16 : i32
        %shift_left3A_682 = vector.broadcast %shift_left3A_681 : i32 to vector<16xi32>
        %shift_left3A_683 = arith.shli %bitcast_convert_type3A_673, %shift_left3A_682 : vector<16xi32>
        %bitcast_convert_type3A_684 = tpu.bitcast %shift_left3A_683 : vector<16xi32> -> vector<16xf32>
        %shift_left3A_685 = arith.constant 16 : i32
        %shift_left3A_686 = vector.broadcast %shift_left3A_685 : i32 to vector<16xi32>
        %shift_left3A_687 = arith.shli %bitcast_convert_type3A_680, %shift_left3A_686 : vector<16xi32>
        %bitcast_convert_type3A_688 = tpu.bitcast %shift_left3A_687 : vector<16xi32> -> vector<16xf32>
        %and3A_689 = arith.constant -65536 : i32
        %and3A_690 = vector.broadcast %and3A_689 : i32 to vector<16xi32>
        %and3A_691 = arith.andi %bitcast_convert_type3A_673, %and3A_690 : vector<16xi32>
        %bitcast_convert_type3A_692 = tpu.bitcast %and3A_691 : vector<16xi32> -> vector<16xf32>
        %and3A_693 = arith.constant -65536 : i32
        %and3A_694 = vector.broadcast %and3A_693 : i32 to vector<16xi32>
        %and3A_695 = arith.andi %bitcast_convert_type3A_680, %and3A_694 : vector<16xi32>
        %bitcast_convert_type3A_696 = tpu.bitcast %and3A_695 : vector<16xi32> -> vector<16xf32>
        %add3A_697 = arith.addf %bitcast_convert_type3A_684, %bitcast_convert_type3A_688 : vector<16xf32>
        %max3A_698 = arith.constant 0.000000e+00 : f32
        %max3A_699 = vector.broadcast %max3A_698 : f32 to vector<16xf32>
        %max3A_700 = arith.maximumf %add3A_697, %max3A_699 : vector<16xf32>
        %swap3A_701 = arith.constant 0 : i32
        %swap3A_702 = arith.index_cast %swap3A_701 : i32 to index
        %swap3A_703 = arith.index_cast %scan3A_513 : i32 to index
        %swap3A_704 = arith.constant 48 : index
        %swap3A_705 = tpu.vector_load %arg11[%swap3A_702, %swap3A_703, %swap3A_704] {strides = array<i32>} : memref<2x80x64xf32, #tpu.memory_space<vmem>>, vector<1x1x16xf32>,
        %swap3A_706 = vector.shape_cast %swap3A_705 : vector<1x1x16xf32> to vector<16xf32>
        %swap3A_707 = vector.shape_cast %max3A_700 : vector<16xf32> to vector<1x1x16xf32>
        tpu.vector_store %arg11[%swap3A_702, %swap3A_703, %swap3A_704], %swap3A_707 {strides = array<i32>} : memref<2x80x64xf32, #tpu.memory_space<vmem>>, vector<1x1x16xf32>,
        %add3A_708 = arith.addf %bitcast_convert_type3A_692, %bitcast_convert_type3A_696 : vector<16xf32>
        %max3A_709 = arith.constant 0.000000e+00 : f32
        %max3A_710 = vector.broadcast %max3A_709 : f32 to vector<16xf32>
        %max3A_711 = arith.maximumf %add3A_708, %max3A_710 : vector<16xf32>
        %swap3A_712 = arith.constant 0 : i32
        %swap3A_713 = arith.index_cast %swap3A_712 : i32 to index
        %swap3A_714 = arith.index_cast %scan3A_513 : i32 to index
        %swap3A_715 = arith.constant 48 : index
        %swap3A_716 = tpu.vector_load %arg12[%swap3A_713, %swap3A_714, %swap3A_715] {strides = array<i32>} : memref<2x80x64xf32, #tpu.memory_space<vmem>>, vector<1x1x16xf32>,
        %swap3A_717 = vector.shape_cast %swap3A_716 : vector<1x1x16xf32> to vector<16xf32>
        %swap3A_718 = vector.shape_cast %max3A_711 : vector<16xf32> to vector<1x1x16xf32>
        tpu.vector_store %arg12[%swap3A_713, %swap3A_714, %swap3A_715], %swap3A_718 {strides = array<i32>} : memref<2x80x64xf32, #tpu.memory_space<vmem>>, vector<1x1x16xf32>,
        %scan3A_719 = arith.constant 1 : i32
        %scan3A_720 = arith.addi %scan3A_513, %scan3A_719 : i32
        %get3A_721 = arith.constant 0 : i32
        %get3A_722 = arith.index_cast %get3A_721 : i32 to index
        %get3A_723 = arith.index_cast %scan3A_720 : i32 to index
        %get3A_724 = arith.constant 0 : index
        %get3A_725 = tpu.vector_load %arg11[%get3A_722, %get3A_723, %get3A_724] {strides = array<i32>} : memref<2x80x64xf32, #tpu.memory_space<vmem>>, vector<1x1x16xf32>,
        %get3A_726 = vector.shape_cast %get3A_725 : vector<1x1x16xf32> to vector<16xf32>
        %bitcast_convert_type3A_727 = tpu.bitcast %get3A_726 : vector<16xf32> -> vector<16xi32>
        %get3A_728 = arith.constant 0 : i32
        %get3A_729 = arith.index_cast %get3A_728 : i32 to index
        %get3A_730 = arith.index_cast %scan3A_720 : i32 to index
        %get3A_731 = arith.constant 0 : index
        %get3A_732 = tpu.vector_load %arg12[%get3A_729, %get3A_730, %get3A_731] {strides = array<i32>} : memref<2x80x64xf32, #tpu.memory_space<vmem>>, vector<1x1x16xf32>,
        %get3A_733 = vector.shape_cast %get3A_732 : vector<1x1x16xf32> to vector<16xf32>
        %bitcast_convert_type3A_734 = tpu.bitcast %get3A_733 : vector<16xf32> -> vector<16xi32>
        %shift_left3A_735 = arith.constant 16 : i32
        %shift_left3A_736 = vector.broadcast %shift_left3A_735 : i32 to vector<16xi32>
        %shift_left3A_737 = arith.shli %bitcast_convert_type3A_727, %shift_left3A_736 : vector<16xi32>
        %bitcast_convert_type3A_738 = tpu.bitcast %shift_left3A_737 : vector<16xi32> -> vector<16xf32>
        %shift_left3A_739 = arith.constant 16 : i32
        %shift_left3A_740 = vector.broadcast %shift_left3A_739 : i32 to vector<16xi32>
        %shift_left3A_741 = arith.shli %bitcast_convert_type3A_734, %shift_left3A_740 : vector<16xi32>
        %bitcast_convert_type3A_742 = tpu.bitcast %shift_left3A_741 : vector<16xi32> -> vector<16xf32>
        %and3A_743 = arith.constant -65536 : i32
        %and3A_744 = vector.broadcast %and3A_743 : i32 to vector<16xi32>
        %and3A_745 = arith.andi %bitcast_convert_type3A_727, %and3A_744 : vector<16xi32>
        %bitcast_convert_type3A_746 = tpu.bitcast %and3A_745 : vector<16xi32> -> vector<16xf32>
        %and3A_747 = arith.constant -65536 : i32
        %and3A_748 = vector.broadcast %and3A_747 : i32 to vector<16xi32>
        %and3A_749 = arith.andi %bitcast_convert_type3A_734, %and3A_748 : vector<16xi32>
        %bitcast_convert_type3A_750 = tpu.bitcast %and3A_749 : vector<16xi32> -> vector<16xf32>
        %add3A_751 = arith.addf %bitcast_convert_type3A_738, %bitcast_convert_type3A_742 : vector<16xf32>
        %max3A_752 = arith.constant 0.000000e+00 : f32
        %max3A_753 = vector.broadcast %max3A_752 : f32 to vector<16xf32>
        %max3A_754 = arith.maximumf %add3A_751, %max3A_753 : vector<16xf32>
        %swap3A_755 = arith.constant 0 : i32
        %swap3A_756 = arith.index_cast %swap3A_755 : i32 to index
        %swap3A_757 = arith.index_cast %scan3A_720 : i32 to index
        %swap3A_758 = arith.constant 0 : index
        %swap3A_759 = tpu.vector_load %arg11[%swap3A_756, %swap3A_757, %swap3A_758] {strides = array<i32>} : memref<2x80x64xf32, #tpu.memory_space<vmem>>, vector<1x1x16xf32>,
        %swap3A_760 = vector.shape_cast %swap3A_759 : vector<1x1x16xf32> to vector<16xf32>
        %swap3A_761 = vector.shape_cast %max3A_754 : vector<16xf32> to vector<1x1x16xf32>
        tpu.vector_store %arg11[%swap3A_756, %swap3A_757, %swap3A_758], %swap3A_761 {strides = array<i32>} : memref<2x80x64xf32, #tpu.memory_space<vmem>>, vector<1x1x16xf32>,
        %add3A_762 = arith.addf %bitcast_convert_type3A_746, %bitcast_convert_type3A_750 : vector<16xf32>
        %max3A_763 = arith.constant 0.000000e+00 : f32
        %max3A_764 = vector.broadcast %max3A_763 : f32 to vector<16xf32>
        %max3A_765 = arith.maximumf %add3A_762, %max3A_764 : vector<16xf32>
        %swap3A_766 = arith.constant 0 : i32
        %swap3A_767 = arith.index_cast %swap3A_766 : i32 to index
        %swap3A_768 = arith.index_cast %scan3A_720 : i32 to index
        %swap3A_769 = arith.constant 0 : index
        %swap3A_770 = tpu.vector_load %arg12[%swap3A_767, %swap3A_768, %swap3A_769] {strides = array<i32>} : memref<2x80x64xf32, #tpu.memory_space<vmem>>, vector<1x1x16xf32>,
        %swap3A_771 = vector.shape_cast %swap3A_770 : vector<1x1x16xf32> to vector<16xf32>
        %swap3A_772 = vector.shape_cast %max3A_765 : vector<16xf32> to vector<1x1x16xf32>
        tpu.vector_store %arg12[%swap3A_767, %swap3A_768, %swap3A_769], %swap3A_772 {strides = array<i32>} : memref<2x80x64xf32, #tpu.memory_space<vmem>>, vector<1x1x16xf32>,
        %get3A_773 = arith.constant 0 : i32
        %get3A_774 = arith.index_cast %get3A_773 : i32 to index
        %get3A_775 = arith.index_cast %scan3A_720 : i32 to index
        %get3A_776 = arith.constant 16 : index
        %get3A_777 = tpu.vector_load %arg11[%get3A_774, %get3A_775, %get3A_776] {strides = array<i32>} : memref<2x80x64xf32, #tpu.memory_space<vmem>>, vector<1x1x16xf32>,
        %get3A_778 = vector.shape_cast %get3A_777 : vector<1x1x16xf32> to vector<16xf32>
        %bitcast_convert_type3A_779 = tpu.bitcast %get3A_778 : vector<16xf32> -> vector<16xi32>
        %get3A_780 = arith.constant 0 : i32
        %get3A_781 = arith.index_cast %get3A_780 : i32 to index
        %get3A_782 = arith.index_cast %scan3A_720 : i32 to index
        %get3A_783 = arith.constant 16 : index
        %get3A_784 = tpu.vector_load %arg12[%get3A_781, %get3A_782, %get3A_783] {strides = array<i32>} : memref<2x80x64xf32, #tpu.memory_space<vmem>>, vector<1x1x16xf32>,
        %get3A_785 = vector.shape_cast %get3A_784 : vector<1x1x16xf32> to vector<16xf32>
        %bitcast_convert_type3A_786 = tpu.bitcast %get3A_785 : vector<16xf32> -> vector<16xi32>
        %shift_left3A_787 = arith.constant 16 : i32
        %shift_left3A_788 = vector.broadcast %shift_left3A_787 : i32 to vector<16xi32>
        %shift_left3A_789 = arith.shli %bitcast_convert_type3A_779, %shift_left3A_788 : vector<16xi32>
        %bitcast_convert_type3A_790 = tpu.bitcast %shift_left3A_789 : vector<16xi32> -> vector<16xf32>
        %shift_left3A_791 = arith.constant 16 : i32
        %shift_left3A_792 = vector.broadcast %shift_left3A_791 : i32 to vector<16xi32>
        %shift_left3A_793 = arith.shli %bitcast_convert_type3A_786, %shift_left3A_792 : vector<16xi32>
        %bitcast_convert_type3A_794 = tpu.bitcast %shift_left3A_793 : vector<16xi32> -> vector<16xf32>
        %and3A_795 = arith.constant -65536 : i32
        %and3A_796 = vector.broadcast %and3A_795 : i32 to vector<16xi32>
        %and3A_797 = arith.andi %bitcast_convert_type3A_779, %and3A_796 : vector<16xi32>
        %bitcast_convert_type3A_798 = tpu.bitcast %and3A_797 : vector<16xi32> -> vector<16xf32>
        %and3A_799 = arith.constant -65536 : i32
        %and3A_800 = vector.broadcast %and3A_799 : i32 to vector<16xi32>
        %and3A_801 = arith.andi %bitcast_convert_type3A_786, %and3A_800 : vector<16xi32>
        %bitcast_convert_type3A_802 = tpu.bitcast %and3A_801 : vector<16xi32> -> vector<16xf32>
        %add3A_803 = arith.addf %bitcast_convert_type3A_790, %bitcast_convert_type3A_794 : vector<16xf32>
        %max3A_804 = arith.constant 0.000000e+00 : f32
        %max3A_805 = vector.broadcast %max3A_804 : f32 to vector<16xf32>
        %max3A_806 = arith.maximumf %add3A_803, %max3A_805 : vector<16xf32>
        %swap3A_807 = arith.constant 0 : i32
        %swap3A_808 = arith.index_cast %swap3A_807 : i32 to index
        %swap3A_809 = arith.index_cast %scan3A_720 : i32 to index
        %swap3A_810 = arith.constant 16 : index
        %swap3A_811 = tpu.vector_load %arg11[%swap3A_808, %swap3A_809, %swap3A_810] {strides = array<i32>} : memref<2x80x64xf32, #tpu.memory_space<vmem>>, vector<1x1x16xf32>,
        %swap3A_812 = vector.shape_cast %swap3A_811 : vector<1x1x16xf32> to vector<16xf32>
        %swap3A_813 = vector.shape_cast %max3A_806 : vector<16xf32> to vector<1x1x16xf32>
        tpu.vector_store %arg11[%swap3A_808, %swap3A_809, %swap3A_810], %swap3A_813 {strides = array<i32>} : memref<2x80x64xf32, #tpu.memory_space<vmem>>, vector<1x1x16xf32>,
        %add3A_814 = arith.addf %bitcast_convert_type3A_798, %bitcast_convert_type3A_802 : vector<16xf32>
        %max3A_815 = arith.constant 0.000000e+00 : f32
        %max3A_816 = vector.broadcast %max3A_815 : f32 to vector<16xf32>
        %max3A_817 = arith.maximumf %add3A_814, %max3A_816 : vector<16xf32>
        %swap3A_818 = arith.constant 0 : i32
        %swap3A_819 = arith.index_cast %swap3A_818 : i32 to index
        %swap3A_820 = arith.index_cast %scan3A_720 : i32 to index
        %swap3A_821 = arith.constant 16 : index
        %swap3A_822 = tpu.vector_load %arg12[%swap3A_819, %swap3A_820, %swap3A_821] {strides = array<i32>} : memref<2x80x64xf32, #tpu.memory_space<vmem>>, vector<1x1x16xf32>,
        %swap3A_823 = vector.shape_cast %swap3A_822 : vector<1x1x16xf32> to vector<16xf32>
        %swap3A_824 = vector.shape_cast %max3A_817 : vector<16xf32> to vector<1x1x16xf32>
        tpu.vector_store %arg12[%swap3A_819, %swap3A_820, %swap3A_821], %swap3A_824 {strides = array<i32>} : memref<2x80x64xf32, #tpu.memory_space<vmem>>, vector<1x1x16xf32>,
        %get3A_825 = arith.constant 0 : i32
        %get3A_826 = arith.index_cast %get3A_825 : i32 to index
        %get3A_827 = arith.index_cast %scan3A_720 : i32 to index
        %get3A_828 = arith.constant 32 : index
        %get3A_829 = tpu.vector_load %arg11[%get3A_826, %get3A_827, %get3A_828] {strides = array<i32>} : memref<2x80x64xf32, #tpu.memory_space<vmem>>, vector<1x1x16xf32>,
        %get3A_830 = vector.shape_cast %get3A_829 : vector<1x1x16xf32> to vector<16xf32>
        %bitcast_convert_type3A_831 = tpu.bitcast %get3A_830 : vector<16xf32> -> vector<16xi32>
        %get3A_832 = arith.constant 0 : i32
        %get3A_833 = arith.index_cast %get3A_832 : i32 to index
        %get3A_834 = arith.index_cast %scan3A_720 : i32 to index
        %get3A_835 = arith.constant 32 : index
        %get3A_836 = tpu.vector_load %arg12[%get3A_833, %get3A_834, %get3A_835] {strides = array<i32>} : memref<2x80x64xf32, #tpu.memory_space<vmem>>, vector<1x1x16xf32>,
        %get3A_837 = vector.shape_cast %get3A_836 : vector<1x1x16xf32> to vector<16xf32>
        %bitcast_convert_type3A_838 = tpu.bitcast %get3A_837 : vector<16xf32> -> vector<16xi32>
        %shift_left3A_839 = arith.constant 16 : i32
        %shift_left3A_840 = vector.broadcast %shift_left3A_839 : i32 to vector<16xi32>
        %shift_left3A_841 = arith.shli %bitcast_convert_type3A_831, %shift_left3A_840 : vector<16xi32>
        %bitcast_convert_type3A_842 = tpu.bitcast %shift_left3A_841 : vector<16xi32> -> vector<16xf32>
        %shift_left3A_843 = arith.constant 16 : i32
        %shift_left3A_844 = vector.broadcast %shift_left3A_843 : i32 to vector<16xi32>
        %shift_left3A_845 = arith.shli %bitcast_convert_type3A_838, %shift_left3A_844 : vector<16xi32>
        %bitcast_convert_type3A_846 = tpu.bitcast %shift_left3A_845 : vector<16xi32> -> vector<16xf32>
        %and3A_847 = arith.constant -65536 : i32
        %and3A_848 = vector.broadcast %and3A_847 : i32 to vector<16xi32>
        %and3A_849 = arith.andi %bitcast_convert_type3A_831, %and3A_848 : vector<16xi32>
        %bitcast_convert_type3A_850 = tpu.bitcast %and3A_849 : vector<16xi32> -> vector<16xf32>
        %and3A_851 = arith.constant -65536 : i32
        %and3A_852 = vector.broadcast %and3A_851 : i32 to vector<16xi32>
        %and3A_853 = arith.andi %bitcast_convert_type3A_838, %and3A_852 : vector<16xi32>
        %bitcast_convert_type3A_854 = tpu.bitcast %and3A_853 : vector<16xi32> -> vector<16xf32>
        %add3A_855 = arith.addf %bitcast_convert_type3A_842, %bitcast_convert_type3A_846 : vector<16xf32>
        %max3A_856 = arith.constant 0.000000e+00 : f32
        %max3A_857 = vector.broadcast %max3A_856 : f32 to vector<16xf32>
        %max3A_858 = arith.maximumf %add3A_855, %max3A_857 : vector<16xf32>
        %swap3A_859 = arith.constant 0 : i32
        %swap3A_860 = arith.index_cast %swap3A_859 : i32 to index
        %swap3A_861 = arith.index_cast %scan3A_720 : i32 to index
        %swap3A_862 = arith.constant 32 : index
        %swap3A_863 = tpu.vector_load %arg11[%swap3A_860, %swap3A_861, %swap3A_862] {strides = array<i32>} : memref<2x80x64xf32, #tpu.memory_space<vmem>>, vector<1x1x16xf32>,
        %swap3A_864 = vector.shape_cast %swap3A_863 : vector<1x1x16xf32> to vector<16xf32>
        %swap3A_865 = vector.shape_cast %max3A_858 : vector<16xf32> to vector<1x1x16xf32>
        tpu.vector_store %arg11[%swap3A_860, %swap3A_861, %swap3A_862], %swap3A_865 {strides = array<i32>} : memref<2x80x64xf32, #tpu.memory_space<vmem>>, vector<1x1x16xf32>,
        %add3A_866 = arith.addf %bitcast_convert_type3A_850, %bitcast_convert_type3A_854 : vector<16xf32>
        %max3A_867 = arith.constant 0.000000e+00 : f32
        %max3A_868 = vector.broadcast %max3A_867 : f32 to vector<16xf32>
        %max3A_869 = arith.maximumf %add3A_866, %max3A_868 : vector<16xf32>
        %swap3A_870 = arith.constant 0 : i32
        %swap3A_871 = arith.index_cast %swap3A_870 : i32 to index
        %swap3A_872 = arith.index_cast %scan3A_720 : i32 to index
        %swap3A_873 = arith.constant 32 : index
        %swap3A_874 = tpu.vector_load %arg12[%swap3A_871, %swap3A_872, %swap3A_873] {strides = array<i32>} : memref<2x80x64xf32, #tpu.memory_space<vmem>>, vector<1x1x16xf32>,
        %swap3A_875 = vector.shape_cast %swap3A_874 : vector<1x1x16xf32> to vector<16xf32>
        %swap3A_876 = vector.shape_cast %max3A_869 : vector<16xf32> to vector<1x1x16xf32>
        tpu.vector_store %arg12[%swap3A_871, %swap3A_872, %swap3A_873], %swap3A_876 {strides = array<i32>} : memref<2x80x64xf32, #tpu.memory_space<vmem>>, vector<1x1x16xf32>,
        %get3A_877 = arith.constant 0 : i32
        %get3A_878 = arith.index_cast %get3A_877 : i32 to index
        %get3A_879 = arith.index_cast %scan3A_720 : i32 to index
        %get3A_880 = arith.constant 48 : index
        %get3A_881 = tpu.vector_load %arg11[%get3A_878, %get3A_879, %get3A_880] {strides = array<i32>} : memref<2x80x64xf32, #tpu.memory_space<vmem>>, vector<1x1x16xf32>,
        %get3A_882 = vector.shape_cast %get3A_881 : vector<1x1x16xf32> to vector<16xf32>
        %bitcast_convert_type3A_883 = tpu.bitcast %get3A_882 : vector<16xf32> -> vector<16xi32>
        %get3A_884 = arith.constant 0 : i32
        %get3A_885 = arith.index_cast %get3A_884 : i32 to index
        %get3A_886 = arith.index_cast %scan3A_720 : i32 to index
        %get3A_887 = arith.constant 48 : index
        %get3A_888 = tpu.vector_load %arg12[%get3A_885, %get3A_886, %get3A_887] {strides = array<i32>} : memref<2x80x64xf32, #tpu.memory_space<vmem>>, vector<1x1x16xf32>,
        %get3A_889 = vector.shape_cast %get3A_888 : vector<1x1x16xf32> to vector<16xf32>
        %bitcast_convert_type3A_890 = tpu.bitcast %get3A_889 : vector<16xf32> -> vector<16xi32>
        %shift_left3A_891 = arith.constant 16 : i32
        %shift_left3A_892 = vector.broadcast %shift_left3A_891 : i32 to vector<16xi32>
        %shift_left3A_893 = arith.shli %bitcast_convert_type3A_883, %shift_left3A_892 : vector<16xi32>
        %bitcast_convert_type3A_894 = tpu.bitcast %shift_left3A_893 : vector<16xi32> -> vector<16xf32>
        %shift_left3A_895 = arith.constant 16 : i32
        %shift_left3A_896 = vector.broadcast %shift_left3A_895 : i32 to vector<16xi32>
        %shift_left3A_897 = arith.shli %bitcast_convert_type3A_890, %shift_left3A_896 : vector<16xi32>
        %bitcast_convert_type3A_898 = tpu.bitcast %shift_left3A_897 : vector<16xi32> -> vector<16xf32>
        %and3A_899 = arith.constant -65536 : i32
        %and3A_900 = vector.broadcast %and3A_899 : i32 to vector<16xi32>
        %and3A_901 = arith.andi %bitcast_convert_type3A_883, %and3A_900 : vector<16xi32>
        %bitcast_convert_type3A_902 = tpu.bitcast %and3A_901 : vector<16xi32> -> vector<16xf32>
        %and3A_903 = arith.constant -65536 : i32
        %and3A_904 = vector.broadcast %and3A_903 : i32 to vector<16xi32>
        %and3A_905 = arith.andi %bitcast_convert_type3A_890, %and3A_904 : vector<16xi32>
        %bitcast_convert_type3A_906 = tpu.bitcast %and3A_905 : vector<16xi32> -> vector<16xf32>
        %add3A_907 = arith.addf %bitcast_convert_type3A_894, %bitcast_convert_type3A_898 : vector<16xf32>
        %max3A_908 = arith.constant 0.000000e+00 : f32
        %max3A_909 = vector.broadcast %max3A_908 : f32 to vector<16xf32>
        %max3A_910 = arith.maximumf %add3A_907, %max3A_909 : vector<16xf32>
        %swap3A_911 = arith.constant 0 : i32
        %swap3A_912 = arith.index_cast %swap3A_911 : i32 to index
        %swap3A_913 = arith.index_cast %scan3A_720 : i32 to index
        %swap3A_914 = arith.constant 48 : index
        %swap3A_915 = tpu.vector_load %arg11[%swap3A_912, %swap3A_913, %swap3A_914] {strides = array<i32>} : memref<2x80x64xf32, #tpu.memory_space<vmem>>, vector<1x1x16xf32>,
        %swap3A_916 = vector.shape_cast %swap3A_915 : vector<1x1x16xf32> to vector<16xf32>
        %swap3A_917 = vector.shape_cast %max3A_910 : vector<16xf32> to vector<1x1x16xf32>
        tpu.vector_store %arg11[%swap3A_912, %swap3A_913, %swap3A_914], %swap3A_917 {strides = array<i32>} : memref<2x80x64xf32, #tpu.memory_space<vmem>>, vector<1x1x16xf32>,
        %add3A_918 = arith.addf %bitcast_convert_type3A_902, %bitcast_convert_type3A_906 : vector<16xf32>
        %max3A_919 = arith.constant 0.000000e+00 : f32
        %max3A_920 = vector.broadcast %max3A_919 : f32 to vector<16xf32>
        %max3A_921 = arith.maximumf %add3A_918, %max3A_920 : vector<16xf32>
        %swap3A_922 = arith.constant 0 : i32
        %swap3A_923 = arith.index_cast %swap3A_922 : i32 to index
        %swap3A_924 = arith.index_cast %scan3A_720 : i32 to index
        %swap3A_925 = arith.constant 48 : index
        %swap3A_926 = tpu.vector_load %arg12[%swap3A_923, %swap3A_924, %swap3A_925] {strides = array<i32>} : memref<2x80x64xf32, #tpu.memory_space<vmem>>, vector<1x1x16xf32>,
        %swap3A_927 = vector.shape_cast %swap3A_926 : vector<1x1x16xf32> to vector<16xf32>
        %swap3A_928 = vector.shape_cast %max3A_921 : vector<16xf32> to vector<1x1x16xf32>
        tpu.vector_store %arg12[%swap3A_923, %swap3A_924, %swap3A_925], %swap3A_928 {strides = array<i32>} : memref<2x80x64xf32, #tpu.memory_space<vmem>>, vector<1x1x16xf32>,
        %scan3A_929 = arith.constant 2 : i32
        %scan3A_930 = arith.addi %scan3A_513, %scan3A_929 : i32
        %get3A_931 = arith.constant 0 : i32
        %get3A_932 = arith.index_cast %get3A_931 : i32 to index
        %get3A_933 = arith.index_cast %scan3A_930 : i32 to index
        %get3A_934 = arith.constant 0 : index
        %get3A_935 = tpu.vector_load %arg11[%get3A_932, %get3A_933, %get3A_934] {strides = array<i32>} : memref<2x80x64xf32, #tpu.memory_space<vmem>>, vector<1x1x16xf32>,
        %get3A_936 = vector.shape_cast %get3A_935 : vector<1x1x16xf32> to vector<16xf32>
        %bitcast_convert_type3A_937 = tpu.bitcast %get3A_936 : vector<16xf32> -> vector<16xi32>
        %get3A_938 = arith.constant 0 : i32
        %get3A_939 = arith.index_cast %get3A_938 : i32 to index
        %get3A_940 = arith.index_cast %scan3A_930 : i32 to index
        %get3A_941 = arith.constant 0 : index
        %get3A_942 = tpu.vector_load %arg12[%get3A_939, %get3A_940, %get3A_941] {strides = array<i32>} : memref<2x80x64xf32, #tpu.memory_space<vmem>>, vector<1x1x16xf32>,
        %get3A_943 = vector.shape_cast %get3A_942 : vector<1x1x16xf32> to vector<16xf32>
        %bitcast_convert_type3A_944 = tpu.bitcast %get3A_943 : vector<16xf32> -> vector<16xi32>
        %shift_left3A_945 = arith.constant 16 : i32
        %shift_left3A_946 = vector.broadcast %shift_left3A_945 : i32 to vector<16xi32>
        %shift_left3A_947 = arith.shli %bitcast_convert_type3A_937, %shift_left3A_946 : vector<16xi32>
        %bitcast_convert_type3A_948 = tpu.bitcast %shift_left3A_947 : vector<16xi32> -> vector<16xf32>
        %shift_left3A_949 = arith.constant 16 : i32
        %shift_left3A_950 = vector.broadcast %shift_left3A_949 : i32 to vector<16xi32>
        %shift_left3A_951 = arith.shli %bitcast_convert_type3A_944, %shift_left3A_950 : vector<16xi32>
        %bitcast_convert_type3A_952 = tpu.bitcast %shift_left3A_951 : vector<16xi32> -> vector<16xf32>
        %and3A_953 = arith.constant -65536 : i32
        %and3A_954 = vector.broadcast %and3A_953 : i32 to vector<16xi32>
        %and3A_955 = arith.andi %bitcast_convert_type3A_937, %and3A_954 : vector<16xi32>
        %bitcast_convert_type3A_956 = tpu.bitcast %and3A_955 : vector<16xi32> -> vector<16xf32>
        %and3A_957 = arith.constant -65536 : i32
        %and3A_958 = vector.broadcast %and3A_957 : i32 to vector<16xi32>
        %and3A_959 = arith.andi %bitcast_convert_type3A_944, %and3A_958 : vector<16xi32>
        %bitcast_convert_type3A_960 = tpu.bitcast %and3A_959 : vector<16xi32> -> vector<16xf32>
        %add3A_961 = arith.addf %bitcast_convert_type3A_948, %bitcast_convert_type3A_952 : vector<16xf32>
        %max3A_962 = arith.constant 0.000000e+00 : f32
        %max3A_963 = vector.broadcast %max3A_962 : f32 to vector<16xf32>
        %max3A_964 = arith.maximumf %add3A_961, %max3A_963 : vector<16xf32>
        %swap3A_965 = arith.constant 0 : i32
        %swap3A_966 = arith.index_cast %swap3A_965 : i32 to index
        %swap3A_967 = arith.index_cast %scan3A_930 : i32 to index
        %swap3A_968 = arith.constant 0 : index
        %swap3A_969 = tpu.vector_load %arg11[%swap3A_966, %swap3A_967, %swap3A_968] {strides = array<i32>} : memref<2x80x64xf32, #tpu.memory_space<vmem>>, vector<1x1x16xf32>,
        %swap3A_970 = vector.shape_cast %swap3A_969 : vector<1x1x16xf32> to vector<16xf32>
        %swap3A_971 = vector.shape_cast %max3A_964 : vector<16xf32> to vector<1x1x16xf32>
        tpu.vector_store %arg11[%swap3A_966, %swap3A_967, %swap3A_968], %swap3A_971 {strides = array<i32>} : memref<2x80x64xf32, #tpu.memory_space<vmem>>, vector<1x1x16xf32>,
        %add3A_972 = arith.addf %bitcast_convert_type3A_956, %bitcast_convert_type3A_960 : vector<16xf32>
        %max3A_973 = arith.constant 0.000000e+00 : f32
        %max3A_974 = vector.broadcast %max3A_973 : f32 to vector<16xf32>
        %max3A_975 = arith.maximumf %add3A_972, %max3A_974 : vector<16xf32>
        %swap3A_976 = arith.constant 0 : i32
        %swap3A_977 = arith.index_cast %swap3A_976 : i32 to index
        %swap3A_978 = arith.index_cast %scan3A_930 : i32 to index
        %swap3A_979 = arith.constant 0 : index
        %swap3A_980 = tpu.vector_load %arg12[%swap3A_977, %swap3A_978, %swap3A_979] {strides = array<i32>} : memref<2x80x64xf32, #tpu.memory_space<vmem>>, vector<1x1x16xf32>,
        %swap3A_981 = vector.shape_cast %swap3A_980 : vector<1x1x16xf32> to vector<16xf32>
        %swap3A_982 = vector.shape_cast %max3A_975 : vector<16xf32> to vector<1x1x16xf32>
        tpu.vector_store %arg12[%swap3A_977, %swap3A_978, %swap3A_979], %swap3A_982 {strides = array<i32>} : memref<2x80x64xf32, #tpu.memory_space<vmem>>, vector<1x1x16xf32>,
        %get3A_983 = arith.constant 0 : i32
        %get3A_984 = arith.index_cast %get3A_983 : i32 to index
        %get3A_985 = arith.index_cast %scan3A_930 : i32 to index
        %get3A_986 = arith.constant 16 : index
        %get3A_987 = tpu.vector_load %arg11[%get3A_984, %get3A_985, %get3A_986] {strides = array<i32>} : memref<2x80x64xf32, #tpu.memory_space<vmem>>, vector<1x1x16xf32>,
        %get3A_988 = vector.shape_cast %get3A_987 : vector<1x1x16xf32> to vector<16xf32>
        %bitcast_convert_type3A_989 = tpu.bitcast %get3A_988 : vector<16xf32> -> vector<16xi32>
        %get3A_990 = arith.constant 0 : i32
        %get3A_991 = arith.index_cast %get3A_990 : i32 to index
        %get3A_992 = arith.index_cast %scan3A_930 : i32 to index
        %get3A_993 = arith.constant 16 : index
        %get3A_994 = tpu.vector_load %arg12[%get3A_991, %get3A_992, %get3A_993] {strides = array<i32>} : memref<2x80x64xf32, #tpu.memory_space<vmem>>, vector<1x1x16xf32>,
        %get3A_995 = vector.shape_cast %get3A_994 : vector<1x1x16xf32> to vector<16xf32>
        %bitcast_convert_type3A_996 = tpu.bitcast %get3A_995 : vector<16xf32> -> vector<16xi32>
        %shift_left3A_997 = arith.constant 16 : i32
        %shift_left3A_998 = vector.broadcast %shift_left3A_997 : i32 to vector<16xi32>
        %shift_left3A_999 = arith.shli %bitcast_convert_type3A_989, %shift_left3A_998 : vector<16xi32>
        %bitcast_convert_type3A_1000 = tpu.bitcast %shift_left3A_999 : vector<16xi32> -> vector<16xf32>
        %shift_left3A_1001 = arith.constant 16 : i32
        %shift_left3A_1002 = vector.broadcast %shift_left3A_1001 : i32 to vector<16xi32>
        %shift_left3A_1003 = arith.shli %bitcast_convert_type3A_996, %shift_left3A_1002 : vector<16xi32>
        %bitcast_convert_type3A_1004 = tpu.bitcast %shift_left3A_1003 : vector<16xi32> -> vector<16xf32>
        %and3A_1005 = arith.constant -65536 : i32
        %and3A_1006 = vector.broadcast %and3A_1005 : i32 to vector<16xi32>
        %and3A_1007 = arith.andi %bitcast_convert_type3A_989, %and3A_1006 : vector<16xi32>
        %bitcast_convert_type3A_1008 = tpu.bitcast %and3A_1007 : vector<16xi32> -> vector<16xf32>
        %and3A_1009 = arith.constant -65536 : i32
        %and3A_1010 = vector.broadcast %and3A_1009 : i32 to vector<16xi32>
        %and3A_1011 = arith.andi %bitcast_convert_type3A_996, %and3A_1010 : vector<16xi32>
        %bitcast_convert_type3A_1012 = tpu.bitcast %and3A_1011 : vector<16xi32> -> vector<16xf32>
        %add3A_1013 = arith.addf %bitcast_convert_type3A_1000, %bitcast_convert_type3A_1004 : vector<16xf32>
        %max3A_1014 = arith.constant 0.000000e+00 : f32
        %max3A_1015 = vector.broadcast %max3A_1014 : f32 to vector<16xf32>
        %max3A_1016 = arith.maximumf %add3A_1013, %max3A_1015 : vector<16xf32>
        %swap3A_1017 = arith.constant 0 : i32
        %swap3A_1018 = arith.index_cast %swap3A_1017 : i32 to index
        %swap3A_1019 = arith.index_cast %scan3A_930 : i32 to index
        %swap3A_1020 = arith.constant 16 : index
        %swap3A_1021 = tpu.vector_load %arg11[%swap3A_1018, %swap3A_1019, %swap3A_1020] {strides = array<i32>} : memref<2x80x64xf32, #tpu.memory_space<vmem>>, vector<1x1x16xf32>,
        %swap3A_1022 = vector.shape_cast %swap3A_1021 : vector<1x1x16xf32> to vector<16xf32>
        %swap3A_1023 = vector.shape_cast %max3A_1016 : vector<16xf32> to vector<1x1x16xf32>
        tpu.vector_store %arg11[%swap3A_1018, %swap3A_1019, %swap3A_1020], %swap3A_1023 {strides = array<i32>} : memref<2x80x64xf32, #tpu.memory_space<vmem>>, vector<1x1x16xf32>,
        %add3A_1024 = arith.addf %bitcast_convert_type3A_1008, %bitcast_convert_type3A_1012 : vector<16xf32>
        %max3A_1025 = arith.constant 0.000000e+00 : f32
        %max3A_1026 = vector.broadcast %max3A_1025 : f32 to vector<16xf32>
        %max3A_1027 = arith.maximumf %add3A_1024, %max3A_1026 : vector<16xf32>
        %swap3A_1028 = arith.constant 0 : i32
        %swap3A_1029 = arith.index_cast %swap3A_1028 : i32 to index
        %swap3A_1030 = arith.index_cast %scan3A_930 : i32 to index
        %swap3A_1031 = arith.constant 16 : index
        %swap3A_1032 = tpu.vector_load %arg12[%swap3A_1029, %swap3A_1030, %swap3A_1031] {strides = array<i32>} : memref<2x80x64xf32, #tpu.memory_space<vmem>>, vector<1x1x16xf32>,
        %swap3A_1033 = vector.shape_cast %swap3A_1032 : vector<1x1x16xf32> to vector<16xf32>
        %swap3A_1034 = vector.shape_cast %max3A_1027 : vector<16xf32> to vector<1x1x16xf32>
        tpu.vector_store %arg12[%swap3A_1029, %swap3A_1030, %swap3A_1031], %swap3A_1034 {strides = array<i32>} : memref<2x80x64xf32, #tpu.memory_space<vmem>>, vector<1x1x16xf32>,
        %get3A_1035 = arith.constant 0 : i32
        %get3A_1036 = arith.index_cast %get3A_1035 : i32 to index
        %get3A_1037 = arith.index_cast %scan3A_930 : i32 to index
        %get3A_1038 = arith.constant 32 : index
        %get3A_1039 = tpu.vector_load %arg11[%get3A_1036, %get3A_1037, %get3A_1038] {strides = array<i32>} : memref<2x80x64xf32, #tpu.memory_space<vmem>>, vector<1x1x16xf32>,
        %get3A_1040 = vector.shape_cast %get3A_1039 : vector<1x1x16xf32> to vector<16xf32>
        %bitcast_convert_type3A_1041 = tpu.bitcast %get3A_1040 : vector<16xf32> -> vector<16xi32>
        %get3A_1042 = arith.constant 0 : i32
        %get3A_1043 = arith.index_cast %get3A_1042 : i32 to index
        %get3A_1044 = arith.index_cast %scan3A_930 : i32 to index
        %get3A_1045 = arith.constant 32 : index
        %get3A_1046 = tpu.vector_load %arg12[%get3A_1043, %get3A_1044, %get3A_1045] {strides = array<i32>} : memref<2x80x64xf32, #tpu.memory_space<vmem>>, vector<1x1x16xf32>,
        %get3A_1047 = vector.shape_cast %get3A_1046 : vector<1x1x16xf32> to vector<16xf32>
        %bitcast_convert_type3A_1048 = tpu.bitcast %get3A_1047 : vector<16xf32> -> vector<16xi32>
        %shift_left3A_1049 = arith.constant 16 : i32
        %shift_left3A_1050 = vector.broadcast %shift_left3A_1049 : i32 to vector<16xi32>
        %shift_left3A_1051 = arith.shli %bitcast_convert_type3A_1041, %shift_left3A_1050 : vector<16xi32>
        %bitcast_convert_type3A_1052 = tpu.bitcast %shift_left3A_1051 : vector<16xi32> -> vector<16xf32>
        %shift_left3A_1053 = arith.constant 16 : i32
        %shift_left3A_1054 = vector.broadcast %shift_left3A_1053 : i32 to vector<16xi32>
        %shift_left3A_1055 = arith.shli %bitcast_convert_type3A_1048, %shift_left3A_1054 : vector<16xi32>
        %bitcast_convert_type3A_1056 = tpu.bitcast %shift_left3A_1055 : vector<16xi32> -> vector<16xf32>
        %and3A_1057 = arith.constant -65536 : i32
        %and3A_1058 = vector.broadcast %and3A_1057 : i32 to vector<16xi32>
        %and3A_1059 = arith.andi %bitcast_convert_type3A_1041, %and3A_1058 : vector<16xi32>
        %bitcast_convert_type3A_1060 = tpu.bitcast %and3A_1059 : vector<16xi32> -> vector<16xf32>
        %and3A_1061 = arith.constant -65536 : i32
        %and3A_1062 = vector.broadcast %and3A_1061 : i32 to vector<16xi32>
        %and3A_1063 = arith.andi %bitcast_convert_type3A_1048, %and3A_1062 : vector<16xi32>
        %bitcast_convert_type3A_1064 = tpu.bitcast %and3A_1063 : vector<16xi32> -> vector<16xf32>
        %add3A_1065 = arith.addf %bitcast_convert_type3A_1052, %bitcast_convert_type3A_1056 : vector<16xf32>
        %max3A_1066 = arith.constant 0.000000e+00 : f32
        %max3A_1067 = vector.broadcast %max3A_1066 : f32 to vector<16xf32>
        %max3A_1068 = arith.maximumf %add3A_1065, %max3A_1067 : vector<16xf32>
        %swap3A_1069 = arith.constant 0 : i32
        %swap3A_1070 = arith.index_cast %swap3A_1069 : i32 to index
        %swap3A_1071 = arith.index_cast %scan3A_930 : i32 to index
        %swap3A_1072 = arith.constant 32 : index
        %swap3A_1073 = tpu.vector_load %arg11[%swap3A_1070, %swap3A_1071, %swap3A_1072] {strides = array<i32>} : memref<2x80x64xf32, #tpu.memory_space<vmem>>, vector<1x1x16xf32>,
        %swap3A_1074 = vector.shape_cast %swap3A_1073 : vector<1x1x16xf32> to vector<16xf32>
        %swap3A_1075 = vector.shape_cast %max3A_1068 : vector<16xf32> to vector<1x1x16xf32>
        tpu.vector_store %arg11[%swap3A_1070, %swap3A_1071, %swap3A_1072], %swap3A_1075 {strides = array<i32>} : memref<2x80x64xf32, #tpu.memory_space<vmem>>, vector<1x1x16xf32>,
        %add3A_1076 = arith.addf %bitcast_convert_type3A_1060, %bitcast_convert_type3A_1064 : vector<16xf32>
        %max3A_1077 = arith.constant 0.000000e+00 : f32
        %max3A_1078 = vector.broadcast %max3A_1077 : f32 to vector<16xf32>
        %max3A_1079 = arith.maximumf %add3A_1076, %max3A_1078 : vector<16xf32>
        %swap3A_1080 = arith.constant 0 : i32
        %swap3A_1081 = arith.index_cast %swap3A_1080 : i32 to index
        %swap3A_1082 = arith.index_cast %scan3A_930 : i32 to index
        %swap3A_1083 = arith.constant 32 : index
        %swap3A_1084 = tpu.vector_load %arg12[%swap3A_1081, %swap3A_1082, %swap3A_1083] {strides = array<i32>} : memref<2x80x64xf32, #tpu.memory_space<vmem>>, vector<1x1x16xf32>,
        %swap3A_1085 = vector.shape_cast %swap3A_1084 : vector<1x1x16xf32> to vector<16xf32>
        %swap3A_1086 = vector.shape_cast %max3A_1079 : vector<16xf32> to vector<1x1x16xf32>
        tpu.vector_store %arg12[%swap3A_1081, %swap3A_1082, %swap3A_1083], %swap3A_1086 {strides = array<i32>} : memref<2x80x64xf32, #tpu.memory_space<vmem>>, vector<1x1x16xf32>,
        %get3A_1087 = arith.constant 0 : i32
        %get3A_1088 = arith.index_cast %get3A_1087 : i32 to index
        %get3A_1089 = arith.index_cast %scan3A_930 : i32 to index
        %get3A_1090 = arith.constant 48 : index
        %get3A_1091 = tpu.vector_load %arg11[%get3A_1088, %get3A_1089, %get3A_1090] {strides = array<i32>} : memref<2x80x64xf32, #tpu.memory_space<vmem>>, vector<1x1x16xf32>,
        %get3A_1092 = vector.shape_cast %get3A_1091 : vector<1x1x16xf32> to vector<16xf32>
        %bitcast_convert_type3A_1093 = tpu.bitcast %get3A_1092 : vector<16xf32> -> vector<16xi32>
        %get3A_1094 = arith.constant 0 : i32
        %get3A_1095 = arith.index_cast %get3A_1094 : i32 to index
        %get3A_1096 = arith.index_cast %scan3A_930 : i32 to index
        %get3A_1097 = arith.constant 48 : index
        %get3A_1098 = tpu.vector_load %arg12[%get3A_1095, %get3A_1096, %get3A_1097] {strides = array<i32>} : memref<2x80x64xf32, #tpu.memory_space<vmem>>, vector<1x1x16xf32>,
        %get3A_1099 = vector.shape_cast %get3A_1098 : vector<1x1x16xf32> to vector<16xf32>
        %bitcast_convert_type3A_1100 = tpu.bitcast %get3A_1099 : vector<16xf32> -> vector<16xi32>
        %shift_left3A_1101 = arith.constant 16 : i32
        %shift_left3A_1102 = vector.broadcast %shift_left3A_1101 : i32 to vector<16xi32>
        %shift_left3A_1103 = arith.shli %bitcast_convert_type3A_1093, %shift_left3A_1102 : vector<16xi32>
        %bitcast_convert_type3A_1104 = tpu.bitcast %shift_left3A_1103 : vector<16xi32> -> vector<16xf32>
        %shift_left3A_1105 = arith.constant 16 : i32
        %shift_left3A_1106 = vector.broadcast %shift_left3A_1105 : i32 to vector<16xi32>
        %shift_left3A_1107 = arith.shli %bitcast_convert_type3A_1100, %shift_left3A_1106 : vector<16xi32>
        %bitcast_convert_type3A_1108 = tpu.bitcast %shift_left3A_1107 : vector<16xi32> -> vector<16xf32>
        %and3A_1109 = arith.constant -65536 : i32
        %and3A_1110 = vector.broadcast %and3A_1109 : i32 to vector<16xi32>
        %and3A_1111 = arith.andi %bitcast_convert_type3A_1093, %and3A_1110 : vector<16xi32>
        %bitcast_convert_type3A_1112 = tpu.bitcast %and3A_1111 : vector<16xi32> -> vector<16xf32>
        %and3A_1113 = arith.constant -65536 : i32
        %and3A_1114 = vector.broadcast %and3A_1113 : i32 to vector<16xi32>
        %and3A_1115 = arith.andi %bitcast_convert_type3A_1100, %and3A_1114 : vector<16xi32>
        %bitcast_convert_type3A_1116 = tpu.bitcast %and3A_1115 : vector<16xi32> -> vector<16xf32>
        %add3A_1117 = arith.addf %bitcast_convert_type3A_1104, %bitcast_convert_type3A_1108 : vector<16xf32>
        %max3A_1118 = arith.constant 0.000000e+00 : f32
        %max3A_1119 = vector.broadcast %max3A_1118 : f32 to vector<16xf32>
        %max3A_1120 = arith.maximumf %add3A_1117, %max3A_1119 : vector<16xf32>
        %swap3A_1121 = arith.constant 0 : i32
        %swap3A_1122 = arith.index_cast %swap3A_1121 : i32 to index
        %swap3A_1123 = arith.index_cast %scan3A_930 : i32 to index
        %swap3A_1124 = arith.constant 48 : index
        %swap3A_1125 = tpu.vector_load %arg11[%swap3A_1122, %swap3A_1123, %swap3A_1124] {strides = array<i32>} : memref<2x80x64xf32, #tpu.memory_space<vmem>>, vector<1x1x16xf32>,
        %swap3A_1126 = vector.shape_cast %swap3A_1125 : vector<1x1x16xf32> to vector<16xf32>
        %swap3A_1127 = vector.shape_cast %max3A_1120 : vector<16xf32> to vector<1x1x16xf32>
        tpu.vector_store %arg11[%swap3A_1122, %swap3A_1123, %swap3A_1124], %swap3A_1127 {strides = array<i32>} : memref<2x80x64xf32, #tpu.memory_space<vmem>>, vector<1x1x16xf32>,
        %add3A_1128 = arith.addf %bitcast_convert_type3A_1112, %bitcast_convert_type3A_1116 : vector<16xf32>
        %max3A_1129 = arith.constant 0.000000e+00 : f32
        %max3A_1130 = vector.broadcast %max3A_1129 : f32 to vector<16xf32>
        %max3A_1131 = arith.maximumf %add3A_1128, %max3A_1130 : vector<16xf32>
        %swap3A_1132 = arith.constant 0 : i32
        %swap3A_1133 = arith.index_cast %swap3A_1132 : i32 to index
        %swap3A_1134 = arith.index_cast %scan3A_930 : i32 to index
        %swap3A_1135 = arith.constant 48 : index
        %swap3A_1136 = tpu.vector_load %arg12[%swap3A_1133, %swap3A_1134, %swap3A_1135] {strides = array<i32>} : memref<2x80x64xf32, #tpu.memory_space<vmem>>, vector<1x1x16xf32>,
        %swap3A_1137 = vector.shape_cast %swap3A_1136 : vector<1x1x16xf32> to vector<16xf32>
        %swap3A_1138 = vector.shape_cast %max3A_1131 : vector<16xf32> to vector<1x1x16xf32>
        tpu.vector_store %arg12[%swap3A_1133, %swap3A_1134, %swap3A_1135], %swap3A_1138 {strides = array<i32>} : memref<2x80x64xf32, #tpu.memory_space<vmem>>, vector<1x1x16xf32>,
        %scan3A_1139 = arith.constant 3 : i32
        %scan3A_1140 = arith.addi %scan3A_513, %scan3A_1139 : i32
        %get3A_1141 = arith.constant 0 : i32
        %get3A_1142 = arith.index_cast %get3A_1141 : i32 to index
        %get3A_1143 = arith.index_cast %scan3A_1140 : i32 to index
        %get3A_1144 = arith.constant 0 : index
        %get3A_1145 = tpu.vector_load %arg11[%get3A_1142, %get3A_1143, %get3A_1144] {strides = array<i32>} : memref<2x80x64xf32, #tpu.memory_space<vmem>>, vector<1x1x16xf32>,
        %get3A_1146 = vector.shape_cast %get3A_1145 : vector<1x1x16xf32> to vector<16xf32>
        %bitcast_convert_type3A_1147 = tpu.bitcast %get3A_1146 : vector<16xf32> -> vector<16xi32>
        %get3A_1148 = arith.constant 0 : i32
        %get3A_1149 = arith.index_cast %get3A_1148 : i32 to index
        %get3A_1150 = arith.index_cast %scan3A_1140 : i32 to index
        %get3A_1151 = arith.constant 0 : index
        %get3A_1152 = tpu.vector_load %arg12[%get3A_1149, %get3A_1150, %get3A_1151] {strides = array<i32>} : memref<2x80x64xf32, #tpu.memory_space<vmem>>, vector<1x1x16xf32>,
        %get3A_1153 = vector.shape_cast %get3A_1152 : vector<1x1x16xf32> to vector<16xf32>
        %bitcast_convert_type3A_1154 = tpu.bitcast %get3A_1153 : vector<16xf32> -> vector<16xi32>
        %shift_left3A_1155 = arith.constant 16 : i32
        %shift_left3A_1156 = vector.broadcast %shift_left3A_1155 : i32 to vector<16xi32>
        %shift_left3A_1157 = arith.shli %bitcast_convert_type3A_1147, %shift_left3A_1156 : vector<16xi32>
        %bitcast_convert_type3A_1158 = tpu.bitcast %shift_left3A_1157 : vector<16xi32> -> vector<16xf32>
        %shift_left3A_1159 = arith.constant 16 : i32
        %shift_left3A_1160 = vector.broadcast %shift_left3A_1159 : i32 to vector<16xi32>
        %shift_left3A_1161 = arith.shli %bitcast_convert_type3A_1154, %shift_left3A_1160 : vector<16xi32>
        %bitcast_convert_type3A_1162 = tpu.bitcast %shift_left3A_1161 : vector<16xi32> -> vector<16xf32>
        %and3A_1163 = arith.constant -65536 : i32
        %and3A_1164 = vector.broadcast %and3A_1163 : i32 to vector<16xi32>
        %and3A_1165 = arith.andi %bitcast_convert_type3A_1147, %and3A_1164 : vector<16xi32>
        %bitcast_convert_type3A_1166 = tpu.bitcast %and3A_1165 : vector<16xi32> -> vector<16xf32>
        %and3A_1167 = arith.constant -65536 : i32
        %and3A_1168 = vector.broadcast %and3A_1167 : i32 to vector<16xi32>
        %and3A_1169 = arith.andi %bitcast_convert_type3A_1154, %and3A_1168 : vector<16xi32>
        %bitcast_convert_type3A_1170 = tpu.bitcast %and3A_1169 : vector<16xi32> -> vector<16xf32>
        %add3A_1171 = arith.addf %bitcast_convert_type3A_1158, %bitcast_convert_type3A_1162 : vector<16xf32>
        %max3A_1172 = arith.constant 0.000000e+00 : f32
        %max3A_1173 = vector.broadcast %max3A_1172 : f32 to vector<16xf32>
        %max3A_1174 = arith.maximumf %add3A_1171, %max3A_1173 : vector<16xf32>
        %swap3A_1175 = arith.constant 0 : i32
        %swap3A_1176 = arith.index_cast %swap3A_1175 : i32 to index
        %swap3A_1177 = arith.index_cast %scan3A_1140 : i32 to index
        %swap3A_1178 = arith.constant 0 : index
        %swap3A_1179 = tpu.vector_load %arg11[%swap3A_1176, %swap3A_1177, %swap3A_1178] {strides = array<i32>} : memref<2x80x64xf32, #tpu.memory_space<vmem>>, vector<1x1x16xf32>,
        %swap3A_1180 = vector.shape_cast %swap3A_1179 : vector<1x1x16xf32> to vector<16xf32>
        %swap3A_1181 = vector.shape_cast %max3A_1174 : vector<16xf32> to vector<1x1x16xf32>
        tpu.vector_store %arg11[%swap3A_1176, %swap3A_1177, %swap3A_1178], %swap3A_1181 {strides = array<i32>} : memref<2x80x64xf32, #tpu.memory_space<vmem>>, vector<1x1x16xf32>,
        %add3A_1182 = arith.addf %bitcast_convert_type3A_1166, %bitcast_convert_type3A_1170 : vector<16xf32>
        %max3A_1183 = arith.constant 0.000000e+00 : f32
        %max3A_1184 = vector.broadcast %max3A_1183 : f32 to vector<16xf32>
        %max3A_1185 = arith.maximumf %add3A_1182, %max3A_1184 : vector<16xf32>
        %swap3A_1186 = arith.constant 0 : i32
        %swap3A_1187 = arith.index_cast %swap3A_1186 : i32 to index
        %swap3A_1188 = arith.index_cast %scan3A_1140 : i32 to index
        %swap3A_1189 = arith.constant 0 : index
        %swap3A_1190 = tpu.vector_load %arg12[%swap3A_1187, %swap3A_1188, %swap3A_1189] {strides = array<i32>} : memref<2x80x64xf32, #tpu.memory_space<vmem>>, vector<1x1x16xf32>,
        %swap3A_1191 = vector.shape_cast %swap3A_1190 : vector<1x1x16xf32> to vector<16xf32>
        %swap3A_1192 = vector.shape_cast %max3A_1185 : vector<16xf32> to vector<1x1x16xf32>
        tpu.vector_store %arg12[%swap3A_1187, %swap3A_1188, %swap3A_1189], %swap3A_1192 {strides = array<i32>} : memref<2x80x64xf32, #tpu.memory_space<vmem>>, vector<1x1x16xf32>,
        %get3A_1193 = arith.constant 0 : i32
        %get3A_1194 = arith.index_cast %get3A_1193 : i32 to index
        %get3A_1195 = arith.index_cast %scan3A_1140 : i32 to index
        %get3A_1196 = arith.constant 16 : index
        %get3A_1197 = tpu.vector_load %arg11[%get3A_1194, %get3A_1195, %get3A_1196] {strides = array<i32>} : memref<2x80x64xf32, #tpu.memory_space<vmem>>, vector<1x1x16xf32>,
        %get3A_1198 = vector.shape_cast %get3A_1197 : vector<1x1x16xf32> to vector<16xf32>
        %bitcast_convert_type3A_1199 = tpu.bitcast %get3A_1198 : vector<16xf32> -> vector<16xi32>
        %get3A_1200 = arith.constant 0 : i32
        %get3A_1201 = arith.index_cast %get3A_1200 : i32 to index
        %get3A_1202 = arith.index_cast %scan3A_1140 : i32 to index
        %get3A_1203 = arith.constant 16 : index
        %get3A_1204 = tpu.vector_load %arg12[%get3A_1201, %get3A_1202, %get3A_1203] {strides = array<i32>} : memref<2x80x64xf32, #tpu.memory_space<vmem>>, vector<1x1x16xf32>,
        %get3A_1205 = vector.shape_cast %get3A_1204 : vector<1x1x16xf32> to vector<16xf32>
        %bitcast_convert_type3A_1206 = tpu.bitcast %get3A_1205 : vector<16xf32> -> vector<16xi32>
        %shift_left3A_1207 = arith.constant 16 : i32
        %shift_left3A_1208 = vector.broadcast %shift_left3A_1207 : i32 to vector<16xi32>
        %shift_left3A_1209 = arith.shli %bitcast_convert_type3A_1199, %shift_left3A_1208 : vector<16xi32>
        %bitcast_convert_type3A_1210 = tpu.bitcast %shift_left3A_1209 : vector<16xi32> -> vector<16xf32>
        %shift_left3A_1211 = arith.constant 16 : i32
        %shift_left3A_1212 = vector.broadcast %shift_left3A_1211 : i32 to vector<16xi32>
        %shift_left3A_1213 = arith.shli %bitcast_convert_type3A_1206, %shift_left3A_1212 : vector<16xi32>
        %bitcast_convert_type3A_1214 = tpu.bitcast %shift_left3A_1213 : vector<16xi32> -> vector<16xf32>
        %and3A_1215 = arith.constant -65536 : i32
        %and3A_1216 = vector.broadcast %and3A_1215 : i32 to vector<16xi32>
        %and3A_1217 = arith.andi %bitcast_convert_type3A_1199, %and3A_1216 : vector<16xi32>
        %bitcast_convert_type3A_1218 = tpu.bitcast %and3A_1217 : vector<16xi32> -> vector<16xf32>
        %and3A_1219 = arith.constant -65536 : i32
        %and3A_1220 = vector.broadcast %and3A_1219 : i32 to vector<16xi32>
        %and3A_1221 = arith.andi %bitcast_convert_type3A_1206, %and3A_1220 : vector<16xi32>
        %bitcast_convert_type3A_1222 = tpu.bitcast %and3A_1221 : vector<16xi32> -> vector<16xf32>
        %add3A_1223 = arith.addf %bitcast_convert_type3A_1210, %bitcast_convert_type3A_1214 : vector<16xf32>
        %max3A_1224 = arith.constant 0.000000e+00 : f32
        %max3A_1225 = vector.broadcast %max3A_1224 : f32 to vector<16xf32>
        %max3A_1226 = arith.maximumf %add3A_1223, %max3A_1225 : vector<16xf32>
        %swap3A_1227 = arith.constant 0 : i32
        %swap3A_1228 = arith.index_cast %swap3A_1227 : i32 to index
        %swap3A_1229 = arith.index_cast %scan3A_1140 : i32 to index
        %swap3A_1230 = arith.constant 16 : index
        %swap3A_1231 = tpu.vector_load %arg11[%swap3A_1228, %swap3A_1229, %swap3A_1230] {strides = array<i32>} : memref<2x80x64xf32, #tpu.memory_space<vmem>>, vector<1x1x16xf32>,
        %swap3A_1232 = vector.shape_cast %swap3A_1231 : vector<1x1x16xf32> to vector<16xf32>
        %swap3A_1233 = vector.shape_cast %max3A_1226 : vector<16xf32> to vector<1x1x16xf32>
        tpu.vector_store %arg11[%swap3A_1228, %swap3A_1229, %swap3A_1230], %swap3A_1233 {strides = array<i32>} : memref<2x80x64xf32, #tpu.memory_space<vmem>>, vector<1x1x16xf32>,
        %add3A_1234 = arith.addf %bitcast_convert_type3A_1218, %bitcast_convert_type3A_1222 : vector<16xf32>
        %max3A_1235 = arith.constant 0.000000e+00 : f32
        %max3A_1236 = vector.broadcast %max3A_1235 : f32 to vector<16xf32>
        %max3A_1237 = arith.maximumf %add3A_1234, %max3A_1236 : vector<16xf32>
        %swap3A_1238 = arith.constant 0 : i32
        %swap3A_1239 = arith.index_cast %swap3A_1238 : i32 to index
        %swap3A_1240 = arith.index_cast %scan3A_1140 : i32 to index
        %swap3A_1241 = arith.constant 16 : index
        %swap3A_1242 = tpu.vector_load %arg12[%swap3A_1239, %swap3A_1240, %swap3A_1241] {strides = array<i32>} : memref<2x80x64xf32, #tpu.memory_space<vmem>>, vector<1x1x16xf32>,
        %swap3A_1243 = vector.shape_cast %swap3A_1242 : vector<1x1x16xf32> to vector<16xf32>
        %swap3A_1244 = vector.shape_cast %max3A_1237 : vector<16xf32> to vector<1x1x16xf32>
        tpu.vector_store %arg12[%swap3A_1239, %swap3A_1240, %swap3A_1241], %swap3A_1244 {strides = array<i32>} : memref<2x80x64xf32, #tpu.memory_space<vmem>>, vector<1x1x16xf32>,
        %get3A_1245 = arith.constant 0 : i32
        %get3A_1246 = arith.index_cast %get3A_1245 : i32 to index
        %get3A_1247 = arith.index_cast %scan3A_1140 : i32 to index
        %get3A_1248 = arith.constant 32 : index
        %get3A_1249 = tpu.vector_load %arg11[%get3A_1246, %get3A_1247, %get3A_1248] {strides = array<i32>} : memref<2x80x64xf32, #tpu.memory_space<vmem>>, vector<1x1x16xf32>,
        %get3A_1250 = vector.shape_cast %get3A_1249 : vector<1x1x16xf32> to vector<16xf32>
        %bitcast_convert_type3A_1251 = tpu.bitcast %get3A_1250 : vector<16xf32> -> vector<16xi32>
        %get3A_1252 = arith.constant 0 : i32
        %get3A_1253 = arith.index_cast %get3A_1252 : i32 to index
        %get3A_1254 = arith.index_cast %scan3A_1140 : i32 to index
        %get3A_1255 = arith.constant 32 : index
        %get3A_1256 = tpu.vector_load %arg12[%get3A_1253, %get3A_1254, %get3A_1255] {strides = array<i32>} : memref<2x80x64xf32, #tpu.memory_space<vmem>>, vector<1x1x16xf32>,
        %get3A_1257 = vector.shape_cast %get3A_1256 : vector<1x1x16xf32> to vector<16xf32>
        %bitcast_convert_type3A_1258 = tpu.bitcast %get3A_1257 : vector<16xf32> -> vector<16xi32>
        %shift_left3A_1259 = arith.constant 16 : i32
        %shift_left3A_1260 = vector.broadcast %shift_left3A_1259 : i32 to vector<16xi32>
        %shift_left3A_1261 = arith.shli %bitcast_convert_type3A_1251, %shift_left3A_1260 : vector<16xi32>
        %bitcast_convert_type3A_1262 = tpu.bitcast %shift_left3A_1261 : vector<16xi32> -> vector<16xf32>
        %shift_left3A_1263 = arith.constant 16 : i32
        %shift_left3A_1264 = vector.broadcast %shift_left3A_1263 : i32 to vector<16xi32>
        %shift_left3A_1265 = arith.shli %bitcast_convert_type3A_1258, %shift_left3A_1264 : vector<16xi32>
        %bitcast_convert_type3A_1266 = tpu.bitcast %shift_left3A_1265 : vector<16xi32> -> vector<16xf32>
        %and3A_1267 = arith.constant -65536 : i32
        %and3A_1268 = vector.broadcast %and3A_1267 : i32 to vector<16xi32>
        %and3A_1269 = arith.andi %bitcast_convert_type3A_1251, %and3A_1268 : vector<16xi32>
        %bitcast_convert_type3A_1270 = tpu.bitcast %and3A_1269 : vector<16xi32> -> vector<16xf32>
        %and3A_1271 = arith.constant -65536 : i32
        %and3A_1272 = vector.broadcast %and3A_1271 : i32 to vector<16xi32>
        %and3A_1273 = arith.andi %bitcast_convert_type3A_1258, %and3A_1272 : vector<16xi32>
        %bitcast_convert_type3A_1274 = tpu.bitcast %and3A_1273 : vector<16xi32> -> vector<16xf32>
        %add3A_1275 = arith.addf %bitcast_convert_type3A_1262, %bitcast_convert_type3A_1266 : vector<16xf32>
        %max3A_1276 = arith.constant 0.000000e+00 : f32
        %max3A_1277 = vector.broadcast %max3A_1276 : f32 to vector<16xf32>
        %max3A_1278 = arith.maximumf %add3A_1275, %max3A_1277 : vector<16xf32>
        %swap3A_1279 = arith.constant 0 : i32
        %swap3A_1280 = arith.index_cast %swap3A_1279 : i32 to index
        %swap3A_1281 = arith.index_cast %scan3A_1140 : i32 to index
        %swap3A_1282 = arith.constant 32 : index
        %swap3A_1283 = tpu.vector_load %arg11[%swap3A_1280, %swap3A_1281, %swap3A_1282] {strides = array<i32>} : memref<2x80x64xf32, #tpu.memory_space<vmem>>, vector<1x1x16xf32>,
        %swap3A_1284 = vector.shape_cast %swap3A_1283 : vector<1x1x16xf32> to vector<16xf32>
        %swap3A_1285 = vector.shape_cast %max3A_1278 : vector<16xf32> to vector<1x1x16xf32>
        tpu.vector_store %arg11[%swap3A_1280, %swap3A_1281, %swap3A_1282], %swap3A_1285 {strides = array<i32>} : memref<2x80x64xf32, #tpu.memory_space<vmem>>, vector<1x1x16xf32>,
        %add3A_1286 = arith.addf %bitcast_convert_type3A_1270, %bitcast_convert_type3A_1274 : vector<16xf32>
        %max3A_1287 = arith.constant 0.000000e+00 : f32
        %max3A_1288 = vector.broadcast %max3A_1287 : f32 to vector<16xf32>
        %max3A_1289 = arith.maximumf %add3A_1286, %max3A_1288 : vector<16xf32>
        %swap3A_1290 = arith.constant 0 : i32
        %swap3A_1291 = arith.index_cast %swap3A_1290 : i32 to index
        %swap3A_1292 = arith.index_cast %scan3A_1140 : i32 to index
        %swap3A_1293 = arith.constant 32 : index
        %swap3A_1294 = tpu.vector_load %arg12[%swap3A_1291, %swap3A_1292, %swap3A_1293] {strides = array<i32>} : memref<2x80x64xf32, #tpu.memory_space<vmem>>, vector<1x1x16xf32>,
        %swap3A_1295 = vector.shape_cast %swap3A_1294 : vector<1x1x16xf32> to vector<16xf32>
        %swap3A_1296 = vector.shape_cast %max3A_1289 : vector<16xf32> to vector<1x1x16xf32>
        tpu.vector_store %arg12[%swap3A_1291, %swap3A_1292, %swap3A_1293], %swap3A_1296 {strides = array<i32>} : memref<2x80x64xf32, #tpu.memory_space<vmem>>, vector<1x1x16xf32>,
        %get3A_1297 = arith.constant 0 : i32
        %get3A_1298 = arith.index_cast %get3A_1297 : i32 to index
        %get3A_1299 = arith.index_cast %scan3A_1140 : i32 to index
        %get3A_1300 = arith.constant 48 : index
        %get3A_1301 = tpu.vector_load %arg11[%get3A_1298, %get3A_1299, %get3A_1300] {strides = array<i32>} : memref<2x80x64xf32, #tpu.memory_space<vmem>>, vector<1x1x16xf32>,
        %get3A_1302 = vector.shape_cast %get3A_1301 : vector<1x1x16xf32> to vector<16xf32>
        %bitcast_convert_type3A_1303 = tpu.bitcast %get3A_1302 : vector<16xf32> -> vector<16xi32>
        %get3A_1304 = arith.constant 0 : i32
        %get3A_1305 = arith.index_cast %get3A_1304 : i32 to index
        %get3A_1306 = arith.index_cast %scan3A_1140 : i32 to index
        %get3A_1307 = arith.constant 48 : index
        %get3A_1308 = tpu.vector_load %arg12[%get3A_1305, %get3A_1306, %get3A_1307] {strides = array<i32>} : memref<2x80x64xf32, #tpu.memory_space<vmem>>, vector<1x1x16xf32>,
        %get3A_1309 = vector.shape_cast %get3A_1308 : vector<1x1x16xf32> to vector<16xf32>
        %bitcast_convert_type3A_1310 = tpu.bitcast %get3A_1309 : vector<16xf32> -> vector<16xi32>
        %shift_left3A_1311 = arith.constant 16 : i32
        %shift_left3A_1312 = vector.broadcast %shift_left3A_1311 : i32 to vector<16xi32>
        %shift_left3A_1313 = arith.shli %bitcast_convert_type3A_1303, %shift_left3A_1312 : vector<16xi32>
        %bitcast_convert_type3A_1314 = tpu.bitcast %shift_left3A_1313 : vector<16xi32> -> vector<16xf32>
        %shift_left3A_1315 = arith.constant 16 : i32
        %shift_left3A_1316 = vector.broadcast %shift_left3A_1315 : i32 to vector<16xi32>
        %shift_left3A_1317 = arith.shli %bitcast_convert_type3A_1310, %shift_left3A_1316 : vector<16xi32>
        %bitcast_convert_type3A_1318 = tpu.bitcast %shift_left3A_1317 : vector<16xi32> -> vector<16xf32>
        %and3A_1319 = arith.constant -65536 : i32
        %and3A_1320 = vector.broadcast %and3A_1319 : i32 to vector<16xi32>
        %and3A_1321 = arith.andi %bitcast_convert_type3A_1303, %and3A_1320 : vector<16xi32>
        %bitcast_convert_type3A_1322 = tpu.bitcast %and3A_1321 : vector<16xi32> -> vector<16xf32>
        %and3A_1323 = arith.constant -65536 : i32
        %and3A_1324 = vector.broadcast %and3A_1323 : i32 to vector<16xi32>
        %and3A_1325 = arith.andi %bitcast_convert_type3A_1310, %and3A_1324 : vector<16xi32>
        %bitcast_convert_type3A_1326 = tpu.bitcast %and3A_1325 : vector<16xi32> -> vector<16xf32>
        %add3A_1327 = arith.addf %bitcast_convert_type3A_1314, %bitcast_convert_type3A_1318 : vector<16xf32>
        %max3A_1328 = arith.constant 0.000000e+00 : f32
        %max3A_1329 = vector.broadcast %max3A_1328 : f32 to vector<16xf32>
        %max3A_1330 = arith.maximumf %add3A_1327, %max3A_1329 : vector<16xf32>
        %swap3A_1331 = arith.constant 0 : i32
        %swap3A_1332 = arith.index_cast %swap3A_1331 : i32 to index
        %swap3A_1333 = arith.index_cast %scan3A_1140 : i32 to index
        %swap3A_1334 = arith.constant 48 : index
        %swap3A_1335 = tpu.vector_load %arg11[%swap3A_1332, %swap3A_1333, %swap3A_1334] {strides = array<i32>} : memref<2x80x64xf32, #tpu.memory_space<vmem>>, vector<1x1x16xf32>,
        %swap3A_1336 = vector.shape_cast %swap3A_1335 : vector<1x1x16xf32> to vector<16xf32>
        %swap3A_1337 = vector.shape_cast %max3A_1330 : vector<16xf32> to vector<1x1x16xf32>
        tpu.vector_store %arg11[%swap3A_1332, %swap3A_1333, %swap3A_1334], %swap3A_1337 {strides = array<i32>} : memref<2x80x64xf32, #tpu.memory_space<vmem>>, vector<1x1x16xf32>,
        %add3A_1338 = arith.addf %bitcast_convert_type3A_1322, %bitcast_convert_type3A_1326 : vector<16xf32>
        %max3A_1339 = arith.constant 0.000000e+00 : f32
        %max3A_1340 = vector.broadcast %max3A_1339 : f32 to vector<16xf32>
        %max3A_1341 = arith.maximumf %add3A_1338, %max3A_1340 : vector<16xf32>
        %swap3A_1342 = arith.constant 0 : i32
        %swap3A_1343 = arith.index_cast %swap3A_1342 : i32 to index
        %swap3A_1344 = arith.index_cast %scan3A_1140 : i32 to index
        %swap3A_1345 = arith.constant 48 : index
        %swap3A_1346 = tpu.vector_load %arg12[%swap3A_1343, %swap3A_1344, %swap3A_1345] {strides = array<i32>} : memref<2x80x64xf32, #tpu.memory_space<vmem>>, vector<1x1x16xf32>,
        %swap3A_1347 = vector.shape_cast %swap3A_1346 : vector<1x1x16xf32> to vector<16xf32>
        %swap3A_1348 = vector.shape_cast %max3A_1341 : vector<16xf32> to vector<1x1x16xf32>
        tpu.vector_store %arg12[%swap3A_1343, %swap3A_1344, %swap3A_1345], %swap3A_1348 {strides = array<i32>} : memref<2x80x64xf32, #tpu.memory_space<vmem>>, vector<1x1x16xf32>,
      }
      %scan3A_340 = arith.constant 80 : i32
      %dma_start3A_341 = arith.constant 0 : i32
      %dma_start3A_342 = arith.constant 0 : i32
      %dma_start3A_343 = arith.constant 0 : i32
      %dma_start3A_344 = arith.constant 0 : i32
      %dma_start3A_345 = tpu.memref_slice %arg11[%dma_start3A_341, %dma_start3A_343, %dma_start3A_344] : memref<2x80x64xf32, #tpu.memory_space<vmem>> -> memref<1x80x64xf32, #tpu.memory_space<vmem>>
      %dma_start3A_346 = tpu.memref_squeeze %dma_start3A_345 : memref<1x80x64xf32, #tpu.memory_space<vmem>> -> memref<80x64xf32, #tpu.memory_space<vmem>>
      %dma_start3A_347 = arith.constant 0 : i32
      %dma_start3A_348 = tpu.memref_slice %arg10[%dma_start3A_342, %dma_start3A_347] : memref<2x80xi32, #tpu.memory_space<vmem>> -> memref<1x80xi32, #tpu.memory_space<vmem>>
      %dma_start3A_349 = tpu.memref_squeeze %dma_start3A_348 : memref<1x80xi32, #tpu.memory_space<vmem>> -> memref<80xi32, #tpu.memory_space<vmem>>
      %dma_start3A_350 = arith.constant 0 : i32
      %dma_start3A_351 = arith.constant 0 : i32
      %dma_start3A_352 = tpu.memref_slice %arg13[%dma_start3A_350, %dma_start3A_351] : memref<10240x64xf32, #tpu.memory_space<vmem_shared>> -> memref<10240x64xf32, #tpu.memory_space<vmem_shared>>
      tpu.enqueue_indirect_dma source(%dma_start3A_346 : memref<80x64xf32, #tpu.memory_space<vmem>>) target(%dma_start3A_352 : memref<10240x64xf32, #tpu.memory_space<vmem_shared>>) offsets(%dma_start3A_349 : memref<80xi32, #tpu.memory_space<vmem>>) semaphore(%arg23 : memref<!tpu.dma_semaphore, #tpu.memory_space<semaphore_mem>>) {add = true}
      %dma_start3A_353 = arith.constant 0 : i32
      %dma_start3A_354 = arith.constant 0 : i32
      %dma_start3A_355 = arith.constant 0 : i32
      %dma_start3A_356 = arith.constant 0 : i32
      %dma_start3A_357 = tpu.memref_slice %arg12[%dma_start3A_353, %dma_start3A_355, %dma_start3A_356] : memref<2x80x64xf32, #tpu.memory_space<vmem>> -> memref<1x80x64xf32, #tpu.memory_space<vmem>>
      %dma_start3A_358 = tpu.memref_squeeze %dma_start3A_357 : memref<1x80x64xf32, #tpu.memory_space<vmem>> -> memref<80x64xf32, #tpu.memory_space<vmem>>
      %dma_start3A_359 = arith.constant 0 : i32
      %dma_start3A_360 = tpu.memref_slice %arg10[%dma_start3A_354, %dma_start3A_359] : memref<2x80xi32, #tpu.memory_space<vmem>> -> memref<1x80xi32, #tpu.memory_space<vmem>>
      %dma_start3A_361 = tpu.memref_squeeze %dma_start3A_360 : memref<1x80xi32, #tpu.memory_space<vmem>> -> memref<80xi32, #tpu.memory_space<vmem>>
      %dma_start3A_362 = arith.constant 0 : i32
      %dma_start3A_363 = arith.constant 0 : i32
      %dma_start3A_364 = tpu.memref_slice %arg14[%dma_start3A_362, %dma_start3A_363] : memref<10240x64xf32, #tpu.memory_space<vmem_shared>> -> memref<10240x64xf32, #tpu.memory_space<vmem_shared>>
      tpu.enqueue_indirect_dma source(%dma_start3A_358 : memref<80x64xf32, #tpu.memory_space<vmem>>) target(%dma_start3A_364 : memref<10240x64xf32, #tpu.memory_space<vmem_shared>>) offsets(%dma_start3A_361 : memref<80xi32, #tpu.memory_space<vmem>>) semaphore(%arg23 : memref<!tpu.dma_semaphore, #tpu.memory_space<semaphore_mem>>) {add = true}
      %mul3A_365 = arith.constant 2 : i32
      %mul3A_366 = arith.muli %mul3A_365, %scan3A_218 : i32
      %add3A_367 = arith.constant 1 : i32
      %add3A_368 = arith.addi %mul3A_366, %add3A_367 : i32
      %ge3A_369 = arith.constant 1 : i32
      %ge3A_370 = arith.cmpi sge, %add3A_368, %ge3A_369 : i32
      %convert_element_type3A_371 = arith.extui %ge3A_370 : i1 to i32
      %cond3A_372 = arith.constant 0 : i32
      %cond3A_373 = arith.cmpi ne, %convert_element_type3A_371, %cond3A_372 : i32
      scf.if %cond3A_373 {
        %dma_wait3A_513 = arith.constant 0 : i32
        %dma_wait3A_514 = arith.constant 0 : i32
        %dma_wait3A_515 = arith.constant 0 : i32
        %dma_wait3A_516 = tpu.memref_slice %arg11[%dma_wait3A_513, %dma_wait3A_514, %dma_wait3A_515] : memref<2x80x64xf32, #tpu.memory_space<vmem>> -> memref<1x80x64xf32, #tpu.memory_space<vmem>>
        %dma_wait3A_517 = tpu.memref_squeeze %dma_wait3A_516 : memref<1x80x64xf32, #tpu.memory_space<vmem>> -> memref<80x64xf32, #tpu.memory_space<vmem>>
        %dma_wait3A_518 = arith.constant 0 : i32
        %dma_wait3A_519 = arith.constant 0 : i32
        %dma_wait3A_520 = tpu.memref_slice %arg2[%dma_wait3A_518, %dma_wait3A_519] : memref<10000x64xf32, #tpu.memory_space<hbm>> -> memref<80x64xf32, #tpu.memory_space<hbm>>
        %dma_wait3A_521 = arith.constant 0 : i32
        %dma_wait3A_522 = arith.constant 0 : i32
        %dma_wait3A_523 = tpu.memref_slice %arg11[%dma_wait3A_513, %dma_wait3A_521, %dma_wait3A_522] : memref<2x80x64xf32, #tpu.memory_space<vmem>> -> memref<1x80x64xf32, #tpu.memory_space<vmem>>
        %dma_wait3A_524 = tpu.memref_squeeze %dma_wait3A_523 : memref<1x80x64xf32, #tpu.memory_space<vmem>> -> memref<80x64xf32, #tpu.memory_space<vmem>>
        %dma_wait3A_525 = arith.constant 0 : i32
        %dma_wait3A_526 = arith.constant 0 : i32
        %dma_wait3A_527 = tpu.memref_slice %arg2[%dma_wait3A_525, %dma_wait3A_526] : memref<10000x64xf32, #tpu.memory_space<hbm>> -> memref<80x64xf32, #tpu.memory_space<hbm>>
        tpu.wait_dma2 semaphore(%arg23 : memref<!tpu.dma_semaphore, #tpu.memory_space<semaphore_mem>>) src(%dma_wait3A_527 : memref<80x64xf32, #tpu.memory_space<hbm>>) dst(%dma_wait3A_524 : memref<80x64xf32, #tpu.memory_space<vmem>>)
        %dma_wait3A_528 = arith.constant 0 : i32
        %dma_wait3A_529 = arith.constant 0 : i32
        %dma_wait3A_530 = arith.constant 0 : i32
        %dma_wait3A_531 = tpu.memref_slice %arg12[%dma_wait3A_528, %dma_wait3A_529, %dma_wait3A_530] : memref<2x80x64xf32, #tpu.memory_space<vmem>> -> memref<1x80x64xf32, #tpu.memory_space<vmem>>
        %dma_wait3A_532 = tpu.memref_squeeze %dma_wait3A_531 : memref<1x80x64xf32, #tpu.memory_space<vmem>> -> memref<80x64xf32, #tpu.memory_space<vmem>>
        %dma_wait3A_533 = arith.constant 0 : i32
        %dma_wait3A_534 = arith.constant 0 : i32
        %dma_wait3A_535 = tpu.memref_slice %arg2[%dma_wait3A_533, %dma_wait3A_534] : memref<10000x64xf32, #tpu.memory_space<hbm>> -> memref<80x64xf32, #tpu.memory_space<hbm>>
        %dma_wait3A_536 = arith.constant 0 : i32
        %dma_wait3A_537 = arith.constant 0 : i32
        %dma_wait3A_538 = tpu.memref_slice %arg12[%dma_wait3A_528, %dma_wait3A_536, %dma_wait3A_537] : memref<2x80x64xf32, #tpu.memory_space<vmem>> -> memref<1x80x64xf32, #tpu.memory_space<vmem>>
        %dma_wait3A_539 = tpu.memref_squeeze %dma_wait3A_538 : memref<1x80x64xf32, #tpu.memory_space<vmem>> -> memref<80x64xf32, #tpu.memory_space<vmem>>
        %dma_wait3A_540 = arith.constant 0 : i32
        %dma_wait3A_541 = arith.constant 0 : i32
        %dma_wait3A_542 = tpu.memref_slice %arg2[%dma_wait3A_540, %dma_wait3A_541] : memref<10000x64xf32, #tpu.memory_space<hbm>> -> memref<80x64xf32, #tpu.memory_space<hbm>>
        tpu.wait_dma2 semaphore(%arg23 : memref<!tpu.dma_semaphore, #tpu.memory_space<semaphore_mem>>) src(%dma_wait3A_542 : memref<80x64xf32, #tpu.memory_space<hbm>>) dst(%dma_wait3A_539 : memref<80x64xf32, #tpu.memory_space<vmem>>)
      } else {
      }
      %ge3A_374 = arith.constant 1 : i32
      %ge3A_375 = arith.cmpi sge, %add3A_368, %ge3A_374 : i32
      %add3A_376 = arith.constant 1 : i32
      %add3A_377 = arith.addi %add3A_368, %add3A_376 : i32
      %lt3A_378 = arith.constant 125 : i32
      %lt3A_379 = arith.cmpi slt, %add3A_377, %lt3A_378 : i32
      %and3A_380 = arith.andi %ge3A_375, %lt3A_379 : i1
      %convert_element_type3A_381 = arith.extui %and3A_380 : i1 to i32
      %cond3A_382 = arith.constant 0 : i32
      %cond3A_383 = arith.cmpi ne, %convert_element_type3A_381, %cond3A_382 : i32
      scf.if %cond3A_383 {
        %dma_wait3A_513 = arith.constant 0 : i32
        %dma_wait3A_514 = arith.constant 0 : i32
        %dma_wait3A_515 = tpu.memref_slice %arg8[%dma_wait3A_513, %dma_wait3A_514] : memref<2x80xi32, #tpu.memory_space<vmem>> -> memref<1x80xi32, #tpu.memory_space<vmem>>
        %dma_wait3A_516 = tpu.memref_squeeze %dma_wait3A_515 : memref<1x80xi32, #tpu.memory_space<vmem>> -> memref<80xi32, #tpu.memory_space<vmem>>
        %dma_wait3A_517 = arith.constant 0 : i32
        %dma_wait3A_518 = tpu.memref_slice %arg4[%dma_wait3A_517] : memref<320000xi32, #tpu.memory_space<hbm>> -> memref<80xi32, #tpu.memory_space<hbm>>
        %dma_wait3A_519 = arith.constant 0 : i32
        %dma_wait3A_520 = tpu.memref_slice %arg8[%dma_wait3A_513, %dma_wait3A_519] : memref<2x80xi32, #tpu.memory_space<vmem>> -> memref<1x80xi32, #tpu.memory_space<vmem>>
        %dma_wait3A_521 = tpu.memref_squeeze %dma_wait3A_520 : memref<1x80xi32, #tpu.memory_space<vmem>> -> memref<80xi32, #tpu.memory_space<vmem>>
        %dma_wait3A_522 = arith.constant 0 : i32
        %dma_wait3A_523 = tpu.memref_slice %arg4[%dma_wait3A_522] : memref<320000xi32, #tpu.memory_space<hbm>> -> memref<80xi32, #tpu.memory_space<hbm>>
        tpu.wait_dma2 semaphore(%arg19 : memref<!tpu.dma_semaphore, #tpu.memory_space<semaphore_mem>>) src(%dma_wait3A_523 : memref<80xi32, #tpu.memory_space<hbm>>) dst(%dma_wait3A_521 : memref<80xi32, #tpu.memory_space<vmem>>)
        %dma_wait3A_524 = arith.constant 0 : i32
        %dma_wait3A_525 = arith.constant 0 : i32
        %dma_wait3A_526 = tpu.memref_slice %arg9[%dma_wait3A_524, %dma_wait3A_525] : memref<2x80xi32, #tpu.memory_space<vmem>> -> memref<1x80xi32, #tpu.memory_space<vmem>>
        %dma_wait3A_527 = tpu.memref_squeeze %dma_wait3A_526 : memref<1x80xi32, #tpu.memory_space<vmem>> -> memref<80xi32, #tpu.memory_space<vmem>>
        %dma_wait3A_528 = arith.constant 0 : i32
        %dma_wait3A_529 = tpu.memref_slice %arg4[%dma_wait3A_528] : memref<320000xi32, #tpu.memory_space<hbm>> -> memref<80xi32, #tpu.memory_space<hbm>>
        %dma_wait3A_530 = arith.constant 0 : i32
        %dma_wait3A_531 = tpu.memref_slice %arg9[%dma_wait3A_524, %dma_wait3A_530] : memref<2x80xi32, #tpu.memory_space<vmem>> -> memref<1x80xi32, #tpu.memory_space<vmem>>
        %dma_wait3A_532 = tpu.memref_squeeze %dma_wait3A_531 : memref<1x80xi32, #tpu.memory_space<vmem>> -> memref<80xi32, #tpu.memory_space<vmem>>
        %dma_wait3A_533 = arith.constant 0 : i32
        %dma_wait3A_534 = tpu.memref_slice %arg4[%dma_wait3A_533] : memref<320000xi32, #tpu.memory_space<hbm>> -> memref<80xi32, #tpu.memory_space<hbm>>
        tpu.wait_dma2 semaphore(%arg21 : memref<!tpu.dma_semaphore, #tpu.memory_space<semaphore_mem>>) src(%dma_wait3A_534 : memref<80xi32, #tpu.memory_space<hbm>>) dst(%dma_wait3A_532 : memref<80xi32, #tpu.memory_space<vmem>>)
      } else {
      }
      %add3A_384 = arith.constant 1 : i32
      %add3A_385 = arith.addi %add3A_368, %add3A_384 : i32
      %lt3A_386 = arith.constant 125 : i32
      %lt3A_387 = arith.cmpi slt, %add3A_385, %lt3A_386 : i32
      %convert_element_type3A_388 = arith.extui %lt3A_387 : i1 to i32
      %cond3A_389 = arith.constant 0 : i32
      %cond3A_390 = arith.cmpi ne, %convert_element_type3A_388, %cond3A_389 : i32
      scf.if %cond3A_390 {
        %dma_start3A_513 = arith.constant 0 : i32
        %dma_start3A_514 = arith.constant 0 : i32
        %dma_start3A_515 = arith.constant 0 : i32
        %dma_start3A_516 = arith.constant 0 : i32
        %dma_start3A_517 = tpu.memref_slice %arg11[%dma_start3A_514, %dma_start3A_515, %dma_start3A_516] : memref<2x80x64xf32, #tpu.memory_space<vmem>> -> memref<1x80x64xf32, #tpu.memory_space<vmem>>
        %dma_start3A_518 = tpu.memref_squeeze %dma_start3A_517 : memref<1x80x64xf32, #tpu.memory_space<vmem>> -> memref<80x64xf32, #tpu.memory_space<vmem>>
        %dma_start3A_519 = arith.constant 0 : i32
        %dma_start3A_520 = tpu.memref_slice %arg8[%dma_start3A_513, %dma_start3A_519] : memref<2x80xi32, #tpu.memory_space<vmem>> -> memref<1x80xi32, #tpu.memory_space<vmem>>
        %dma_start3A_521 = tpu.memref_squeeze %dma_start3A_520 : memref<1x80xi32, #tpu.memory_space<vmem>> -> memref<80xi32, #tpu.memory_space<vmem>>
        %dma_start3A_522 = arith.constant 0 : i32
        %dma_start3A_523 = arith.constant 0 : i32
        %dma_start3A_524 = tpu.memref_slice %arg2[%dma_start3A_522, %dma_start3A_523] : memref<10000x64xf32, #tpu.memory_space<hbm>> -> memref<10000x64xf32, #tpu.memory_space<hbm>>
        tpu.enqueue_indirect_dma source(%dma_start3A_524 : memref<10000x64xf32, #tpu.memory_space<hbm>>) target(%dma_start3A_518 : memref<80x64xf32, #tpu.memory_space<vmem>>) offsets(%dma_start3A_521 : memref<80xi32, #tpu.memory_space<vmem>>) semaphore(%arg15 : memref<!tpu.dma_semaphore, #tpu.memory_space<semaphore_mem>>)
        %dma_start3A_525 = arith.constant 0 : i32
        %dma_start3A_526 = arith.constant 0 : i32
        %dma_start3A_527 = arith.constant 0 : i32
        %dma_start3A_528 = arith.constant 0 : i32
        %dma_start3A_529 = tpu.memref_slice %arg12[%dma_start3A_526, %dma_start3A_527, %dma_start3A_528] : memref<2x80x64xf32, #tpu.memory_space<vmem>> -> memref<1x80x64xf32, #tpu.memory_space<vmem>>
        %dma_start3A_530 = tpu.memref_squeeze %dma_start3A_529 : memref<1x80x64xf32, #tpu.memory_space<vmem>> -> memref<80x64xf32, #tpu.memory_space<vmem>>
        %dma_start3A_531 = arith.constant 0 : i32
        %dma_start3A_532 = tpu.memref_slice %arg9[%dma_start3A_525, %dma_start3A_531] : memref<2x80xi32, #tpu.memory_space<vmem>> -> memref<1x80xi32, #tpu.memory_space<vmem>>
        %dma_start3A_533 = tpu.memref_squeeze %dma_start3A_532 : memref<1x80xi32, #tpu.memory_space<vmem>> -> memref<80xi32, #tpu.memory_space<vmem>>
        %dma_start3A_534 = arith.constant 0 : i32
        %dma_start3A_535 = arith.constant 0 : i32
        %dma_start3A_536 = tpu.memref_slice %arg3[%dma_start3A_534, %dma_start3A_535] : memref<10000x64xf32, #tpu.memory_space<hbm>> -> memref<10000x64xf32, #tpu.memory_space<hbm>>
        tpu.enqueue_indirect_dma source(%dma_start3A_536 : memref<10000x64xf32, #tpu.memory_space<hbm>>) target(%dma_start3A_530 : memref<80x64xf32, #tpu.memory_space<vmem>>) offsets(%dma_start3A_533 : memref<80xi32, #tpu.memory_space<vmem>>) semaphore(%arg17 : memref<!tpu.dma_semaphore, #tpu.memory_space<semaphore_mem>>)
      } else {
      }
      %dma_wait3A_391 = arith.constant 1 : i32
      %dma_wait3A_392 = arith.constant 0 : i32
      %dma_wait3A_393 = arith.constant 0 : i32
      %dma_wait3A_394 = tpu.memref_slice %arg11[%dma_wait3A_391, %dma_wait3A_392, %dma_wait3A_393] : memref<2x80x64xf32, #tpu.memory_space<vmem>> -> memref<1x80x64xf32, #tpu.memory_space<vmem>>
      %dma_wait3A_395 = tpu.memref_squeeze %dma_wait3A_394 : memref<1x80x64xf32, #tpu.memory_space<vmem>> -> memref<80x64xf32, #tpu.memory_space<vmem>>
      %dma_wait3A_396 = arith.constant 0 : i32
      %dma_wait3A_397 = arith.constant 0 : i32
      %dma_wait3A_398 = tpu.memref_slice %arg2[%dma_wait3A_396, %dma_wait3A_397] : memref<10000x64xf32, #tpu.memory_space<hbm>> -> memref<80x64xf32, #tpu.memory_space<hbm>>
      %dma_wait3A_399 = arith.constant 0 : i32
      %dma_wait3A_400 = arith.constant 0 : i32
      %dma_wait3A_401 = tpu.memref_slice %arg11[%dma_wait3A_391, %dma_wait3A_399, %dma_wait3A_400] : memref<2x80x64xf32, #tpu.memory_space<vmem>> -> memref<1x80x64xf32, #tpu.memory_space<vmem>>
      %dma_wait3A_402 = tpu.memref_squeeze %dma_wait3A_401 : memref<1x80x64xf32, #tpu.memory_space<vmem>> -> memref<80x64xf32, #tpu.memory_space<vmem>>
      %dma_wait3A_403 = arith.constant 0 : i32
      %dma_wait3A_404 = arith.constant 0 : i32
      %dma_wait3A_405 = tpu.memref_slice %arg2[%dma_wait3A_403, %dma_wait3A_404] : memref<10000x64xf32, #tpu.memory_space<hbm>> -> memref<80x64xf32, #tpu.memory_space<hbm>>
      tpu.wait_dma2 semaphore(%arg16 : memref<!tpu.dma_semaphore, #tpu.memory_space<semaphore_mem>>) src(%dma_wait3A_405 : memref<80x64xf32, #tpu.memory_space<hbm>>) dst(%dma_wait3A_402 : memref<80x64xf32, #tpu.memory_space<vmem>>)
      %dma_wait3A_406 = arith.constant 1 : i32
      %dma_wait3A_407 = arith.constant 0 : i32
      %dma_wait3A_408 = arith.constant 0 : i32
      %dma_wait3A_409 = tpu.memref_slice %arg12[%dma_wait3A_406, %dma_wait3A_407, %dma_wait3A_408] : memref<2x80x64xf32, #tpu.memory_space<vmem>> -> memref<1x80x64xf32, #tpu.memory_space<vmem>>
      %dma_wait3A_410 = tpu.memref_squeeze %dma_wait3A_409 : memref<1x80x64xf32, #tpu.memory_space<vmem>> -> memref<80x64xf32, #tpu.memory_space<vmem>>
      %dma_wait3A_411 = arith.constant 0 : i32
      %dma_wait3A_412 = arith.constant 0 : i32
      %dma_wait3A_413 = tpu.memref_slice %arg2[%dma_wait3A_411, %dma_wait3A_412] : memref<10000x64xf32, #tpu.memory_space<hbm>> -> memref<80x64xf32, #tpu.memory_space<hbm>>
      %dma_wait3A_414 = arith.constant 0 : i32
      %dma_wait3A_415 = arith.constant 0 : i32
      %dma_wait3A_416 = tpu.memref_slice %arg12[%dma_wait3A_406, %dma_wait3A_414, %dma_wait3A_415] : memref<2x80x64xf32, #tpu.memory_space<vmem>> -> memref<1x80x64xf32, #tpu.memory_space<vmem>>
      %dma_wait3A_417 = tpu.memref_squeeze %dma_wait3A_416 : memref<1x80x64xf32, #tpu.memory_space<vmem>> -> memref<80x64xf32, #tpu.memory_space<vmem>>
      %dma_wait3A_418 = arith.constant 0 : i32
      %dma_wait3A_419 = arith.constant 0 : i32
      %dma_wait3A_420 = tpu.memref_slice %arg2[%dma_wait3A_418, %dma_wait3A_419] : memref<10000x64xf32, #tpu.memory_space<hbm>> -> memref<80x64xf32, #tpu.memory_space<hbm>>
      tpu.wait_dma2 semaphore(%arg18 : memref<!tpu.dma_semaphore, #tpu.memory_space<semaphore_mem>>) src(%dma_wait3A_420 : memref<80x64xf32, #tpu.memory_space<hbm>>) dst(%dma_wait3A_417 : memref<80x64xf32, #tpu.memory_space<vmem>>)
      %get3A_421 = arith.constant 1 : i32
      %get3A_422 = arith.index_cast %get3A_421 : i32 to index
      %get3A_423 = arith.constant 0 : index
      %get3A_424 = tpu.vector_load %arg9[%get3A_422, %get3A_423] {strides = array<i32>} : memref<2x80xi32, #tpu.memory_space<vmem>>, vector<1x16xi32>,
      %get3A_425 = vector.shape_cast %get3A_424 : vector<1x16xi32> to vector<16xi32>
      %swap3A_426 = arith.constant 1 : i32
      %swap3A_427 = arith.index_cast %swap3A_426 : i32 to index
      %swap3A_428 = arith.constant 0 : index
      %swap3A_429 = tpu.vector_load %arg10[%swap3A_427, %swap3A_428] {strides = array<i32>} : memref<2x80xi32, #tpu.memory_space<vmem>>, vector<1x16xi32>,
      %swap3A_430 = vector.shape_cast %swap3A_429 : vector<1x16xi32> to vector<16xi32>
      %swap3A_431 = vector.shape_cast %get3A_425 : vector<16xi32> to vector<1x16xi32>
      tpu.vector_store %arg10[%swap3A_427, %swap3A_428], %swap3A_431 {strides = array<i32>} : memref<2x80xi32, #tpu.memory_space<vmem>>, vector<1x16xi32>,
      %get3A_432 = arith.constant 1 : i32
      %get3A_433 = arith.index_cast %get3A_432 : i32 to index
      %get3A_434 = arith.constant 16 : index
      %get3A_435 = tpu.vector_load %arg9[%get3A_433, %get3A_434] {strides = array<i32>} : memref<2x80xi32, #tpu.memory_space<vmem>>, vector<1x16xi32>,
      %get3A_436 = vector.shape_cast %get3A_435 : vector<1x16xi32> to vector<16xi32>
      %swap3A_437 = arith.constant 1 : i32
      %swap3A_438 = arith.index_cast %swap3A_437 : i32 to index
      %swap3A_439 = arith.constant 16 : index
      %swap3A_440 = tpu.vector_load %arg10[%swap3A_438, %swap3A_439] {strides = array<i32>} : memref<2x80xi32, #tpu.memory_space<vmem>>, vector<1x16xi32>,
      %swap3A_441 = vector.shape_cast %swap3A_440 : vector<1x16xi32> to vector<16xi32>
      %swap3A_442 = vector.shape_cast %get3A_436 : vector<16xi32> to vector<1x16xi32>
      tpu.vector_store %arg10[%swap3A_438, %swap3A_439], %swap3A_442 {strides = array<i32>} : memref<2x80xi32, #tpu.memory_space<vmem>>, vector<1x16xi32>,
      %get3A_443 = arith.constant 1 : i32
      %get3A_444 = arith.index_cast %get3A_443 : i32 to index
      %get3A_445 = arith.constant 32 : index
      %get3A_446 = tpu.vector_load %arg9[%get3A_444, %get3A_445] {strides = array<i32>} : memref<2x80xi32, #tpu.memory_space<vmem>>, vector<1x16xi32>,
      %get3A_447 = vector.shape_cast %get3A_446 : vector<1x16xi32> to vector<16xi32>
      %swap3A_448 = arith.constant 1 : i32
      %swap3A_449 = arith.index_cast %swap3A_448 : i32 to index
      %swap3A_450 = arith.constant 32 : index
      %swap3A_451 = tpu.vector_load %arg10[%swap3A_449, %swap3A_450] {strides = array<i32>} : memref<2x80xi32, #tpu.memory_space<vmem>>, vector<1x16xi32>,
      %swap3A_452 = vector.shape_cast %swap3A_451 : vector<1x16xi32> to vector<16xi32>
      %swap3A_453 = vector.shape_cast %get3A_447 : vector<16xi32> to vector<1x16xi32>
      tpu.vector_store %arg10[%swap3A_449, %swap3A_450], %swap3A_453 {strides = array<i32>} : memref<2x80xi32, #tpu.memory_space<vmem>>, vector<1x16xi32>,
      %get3A_454 = arith.constant 1 : i32
      %get3A_455 = arith.index_cast %get3A_454 : i32 to index
      %get3A_456 = arith.constant 48 : index
      %get3A_457 = tpu.vector_load %arg9[%get3A_455, %get3A_456] {strides = array<i32>} : memref<2x80xi32, #tpu.memory_space<vmem>>, vector<1x16xi32>,
      %get3A_458 = vector.shape_cast %get3A_457 : vector<1x16xi32> to vector<16xi32>
      %swap3A_459 = arith.constant 1 : i32
      %swap3A_460 = arith.index_cast %swap3A_459 : i32 to index
      %swap3A_461 = arith.constant 48 : index
      %swap3A_462 = tpu.vector_load %arg10[%swap3A_460, %swap3A_461] {strides = array<i32>} : memref<2x80xi32, #tpu.memory_space<vmem>>, vector<1x16xi32>,
      %swap3A_463 = vector.shape_cast %swap3A_462 : vector<1x16xi32> to vector<16xi32>
      %swap3A_464 = vector.shape_cast %get3A_458 : vector<16xi32> to vector<1x16xi32>
      tpu.vector_store %arg10[%swap3A_460, %swap3A_461], %swap3A_464 {strides = array<i32>} : memref<2x80xi32, #tpu.memory_space<vmem>>, vector<1x16xi32>,
      %get3A_465 = arith.constant 1 : i32
      %get3A_466 = arith.index_cast %get3A_465 : i32 to index
      %get3A_467 = arith.constant 64 : index
      %get3A_468 = tpu.vector_load %arg9[%get3A_466, %get3A_467] {strides = array<i32>} : memref<2x80xi32, #tpu.memory_space<vmem>>, vector<1x16xi32>,
      %get3A_469 = vector.shape_cast %get3A_468 : vector<1x16xi32> to vector<16xi32>
      %swap3A_470 = arith.constant 1 : i32
      %swap3A_471 = arith.index_cast %swap3A_470 : i32 to index
      %swap3A_472 = arith.constant 64 : index
      %swap3A_473 = tpu.vector_load %arg10[%swap3A_471, %swap3A_472] {strides = array<i32>} : memref<2x80xi32, #tpu.memory_space<vmem>>, vector<1x16xi32>,
      %swap3A_474 = vector.shape_cast %swap3A_473 : vector<1x16xi32> to vector<16xi32>
      %swap3A_475 = vector.shape_cast %get3A_469 : vector<16xi32> to vector<1x16xi32>
      tpu.vector_store %arg10[%swap3A_471, %swap3A_472], %swap3A_475 {strides = array<i32>} : memref<2x80xi32, #tpu.memory_space<vmem>>, vector<1x16xi32>,
      %add3A_476 = arith.constant 2 : i32
      %add3A_477 = arith.addi %add3A_368, %add3A_476 : i32
      %lt3A_478 = arith.constant 125 : i32
      %lt3A_479 = arith.cmpi slt, %add3A_477, %lt3A_478 : i32
      %convert_element_type3A_480 = arith.extui %lt3A_479 : i1 to i32
      %cond3A_481 = arith.constant 0 : i32
      %cond3A_482 = arith.cmpi ne, %convert_element_type3A_480, %cond3A_481 : i32
      scf.if %cond3A_482 {
        %add3A_513 = arith.constant 2 : i32
        %add3A_514 = arith.addi %add3A_368, %add3A_513 : i32
        %mul3A_515 = arith.constant 80 : i32
        %mul3A_516 = arith.muli %add3A_514, %mul3A_515 : i32
        %add3A_517 = arith.addi %mul3A_2, %mul3A_516 : i32
        %dma_start3A_518 = arith.constant 1 : i32
        %dma_start3A_519 = arith.constant 0 : i32
        %dma_start3A_520 = tpu.memref_slice %arg8[%dma_start3A_518, %dma_start3A_519] : memref<2x80xi32, #tpu.memory_space<vmem>> -> memref<1x80xi32, #tpu.memory_space<vmem>>
        %dma_start3A_521 = tpu.memref_squeeze %dma_start3A_520 : memref<1x80xi32, #tpu.memory_space<vmem>> -> memref<80xi32, #tpu.memory_space<vmem>>
        %dma_start3A_522 = tpu.memref_slice %arg4[%add3A_517] : memref<320000xi32, #tpu.memory_space<hbm>> -> memref<80xi32, #tpu.memory_space<hbm>>
        %dma_start3A_523 = arith.constant 0 : i32
        %dma_start3A_524 = tpu.memref_slice %arg8[%dma_start3A_518, %dma_start3A_523] : memref<2x80xi32, #tpu.memory_space<vmem>> -> memref<1x80xi32, #tpu.memory_space<vmem>>
        %dma_start3A_525 = tpu.memref_squeeze %dma_start3A_524 : memref<1x80xi32, #tpu.memory_space<vmem>> -> memref<80xi32, #tpu.memory_space<vmem>>
        %dma_start3A_526 = tpu.memref_slice %arg4[%add3A_517] : memref<320000xi32, #tpu.memory_space<hbm>> -> memref<80xi32, #tpu.memory_space<hbm>>
        tpu.enqueue_dma source(%dma_start3A_526 : memref<80xi32, #tpu.memory_space<hbm>>) target(%dma_start3A_525 : memref<80xi32, #tpu.memory_space<vmem>>) target_semaphore(%arg20 : memref<!tpu.dma_semaphore, #tpu.memory_space<semaphore_mem>>)
        %dma_start3A_527 = arith.constant 1 : i32
        %dma_start3A_528 = arith.constant 0 : i32
        %dma_start3A_529 = tpu.memref_slice %arg9[%dma_start3A_527, %dma_start3A_528] : memref<2x80xi32, #tpu.memory_space<vmem>> -> memref<1x80xi32, #tpu.memory_space<vmem>>
        %dma_start3A_530 = tpu.memref_squeeze %dma_start3A_529 : memref<1x80xi32, #tpu.memory_space<vmem>> -> memref<80xi32, #tpu.memory_space<vmem>>
        %dma_start3A_531 = tpu.memref_slice %arg5[%add3A_517] : memref<320000xi32, #tpu.memory_space<hbm>> -> memref<80xi32, #tpu.memory_space<hbm>>
        %dma_start3A_532 = arith.constant 0 : i32
        %dma_start3A_533 = tpu.memref_slice %arg9[%dma_start3A_527, %dma_start3A_532] : memref<2x80xi32, #tpu.memory_space<vmem>> -> memref<1x80xi32, #tpu.memory_space<vmem>>
        %dma_start3A_534 = tpu.memref_squeeze %dma_start3A_533 : memref<1x80xi32, #tpu.memory_space<vmem>> -> memref<80xi32, #tpu.memory_space<vmem>>
        %dma_start3A_535 = tpu.memref_slice %arg5[%add3A_517] : memref<320000xi32, #tpu.memory_space<hbm>> -> memref<80xi32, #tpu.memory_space<hbm>>
        tpu.enqueue_dma source(%dma_start3A_535 : memref<80xi32, #tpu.memory_space<hbm>>) target(%dma_start3A_534 : memref<80xi32, #tpu.memory_space<vmem>>) target_semaphore(%arg22 : memref<!tpu.dma_semaphore, #tpu.memory_space<semaphore_mem>>)
      } else {
      }
      %scan3A_483 = arith.constant 0 : i32
      %scan3A_484 = arith.constant 0 : i32
      %scan3A_485 = arith.constant 80 : i32
      %scan3A_486 = arith.addi %scan3A_484, %scan3A_485 : i32
      %scan3A_487 = arith.constant 4 : i32
      scf.for %scan3A_513 = %scan3A_484 to %scan3A_486 step %scan3A_487  : i32 {
        %get3A_514 = arith.constant 1 : i32
        %get3A_515 = arith.index_cast %get3A_514 : i32 to index
        %get3A_516 = arith.index_cast %scan3A_513 : i32 to index
        %get3A_517 = arith.constant 0 : index
        %get3A_518 = tpu.vector_load %arg11[%get3A_515, %get3A_516, %get3A_517] {strides = array<i32>} : memref<2x80x64xf32, #tpu.memory_space<vmem>>, vector<1x1x16xf32>,
        %get3A_519 = vector.shape_cast %get3A_518 : vector<1x1x16xf32> to vector<16xf32>
        %bitcast_convert_type3A = tpu.bitcast %get3A_519 : vector<16xf32> -> vector<16xi32>
        %get3A_520 = arith.constant 1 : i32
        %get3A_521 = arith.index_cast %get3A_520 : i32 to index
        %get3A_522 = arith.index_cast %scan3A_513 : i32 to index
        %get3A_523 = arith.constant 0 : index
        %get3A_524 = tpu.vector_load %arg12[%get3A_521, %get3A_522, %get3A_523] {strides = array<i32>} : memref<2x80x64xf32, #tpu.memory_space<vmem>>, vector<1x1x16xf32>,
        %get3A_525 = vector.shape_cast %get3A_524 : vector<1x1x16xf32> to vector<16xf32>
        %bitcast_convert_type3A_526 = tpu.bitcast %get3A_525 : vector<16xf32> -> vector<16xi32>
        %shift_left3A = arith.constant 16 : i32
        %shift_left3A_527 = vector.broadcast %shift_left3A : i32 to vector<16xi32>
        %shift_left3A_528 = arith.shli %bitcast_convert_type3A, %shift_left3A_527 : vector<16xi32>
        %bitcast_convert_type3A_529 = tpu.bitcast %shift_left3A_528 : vector<16xi32> -> vector<16xf32>
        %shift_left3A_530 = arith.constant 16 : i32
        %shift_left3A_531 = vector.broadcast %shift_left3A_530 : i32 to vector<16xi32>
        %shift_left3A_532 = arith.shli %bitcast_convert_type3A_526, %shift_left3A_531 : vector<16xi32>
        %bitcast_convert_type3A_533 = tpu.bitcast %shift_left3A_532 : vector<16xi32> -> vector<16xf32>
        %and3A_534 = arith.constant -65536 : i32
        %and3A_535 = vector.broadcast %and3A_534 : i32 to vector<16xi32>
        %and3A_536 = arith.andi %bitcast_convert_type3A, %and3A_535 : vector<16xi32>
        %bitcast_convert_type3A_537 = tpu.bitcast %and3A_536 : vector<16xi32> -> vector<16xf32>
        %and3A_538 = arith.constant -65536 : i32
        %and3A_539 = vector.broadcast %and3A_538 : i32 to vector<16xi32>
        %and3A_540 = arith.andi %bitcast_convert_type3A_526, %and3A_539 : vector<16xi32>
        %bitcast_convert_type3A_541 = tpu.bitcast %and3A_540 : vector<16xi32> -> vector<16xf32>
        %add3A_542 = arith.addf %bitcast_convert_type3A_529, %bitcast_convert_type3A_533 : vector<16xf32>
        %max3A = arith.constant 0.000000e+00 : f32
        %max3A_543 = vector.broadcast %max3A : f32 to vector<16xf32>
        %max3A_544 = arith.maximumf %add3A_542, %max3A_543 : vector<16xf32>
        %swap3A_545 = arith.constant 1 : i32
        %swap3A_546 = arith.index_cast %swap3A_545 : i32 to index
        %swap3A_547 = arith.index_cast %scan3A_513 : i32 to index
        %swap3A_548 = arith.constant 0 : index
        %swap3A_549 = tpu.vector_load %arg11[%swap3A_546, %swap3A_547, %swap3A_548] {strides = array<i32>} : memref<2x80x64xf32, #tpu.memory_space<vmem>>, vector<1x1x16xf32>,
        %swap3A_550 = vector.shape_cast %swap3A_549 : vector<1x1x16xf32> to vector<16xf32>
        %swap3A_551 = vector.shape_cast %max3A_544 : vector<16xf32> to vector<1x1x16xf32>
        tpu.vector_store %arg11[%swap3A_546, %swap3A_547, %swap3A_548], %swap3A_551 {strides = array<i32>} : memref<2x80x64xf32, #tpu.memory_space<vmem>>, vector<1x1x16xf32>,
        %add3A_552 = arith.addf %bitcast_convert_type3A_537, %bitcast_convert_type3A_541 : vector<16xf32>
        %max3A_553 = arith.constant 0.000000e+00 : f32
        %max3A_554 = vector.broadcast %max3A_553 : f32 to vector<16xf32>
        %max3A_555 = arith.maximumf %add3A_552, %max3A_554 : vector<16xf32>
        %swap3A_556 = arith.constant 1 : i32
        %swap3A_557 = arith.index_cast %swap3A_556 : i32 to index
        %swap3A_558 = arith.index_cast %scan3A_513 : i32 to index
        %swap3A_559 = arith.constant 0 : index
        %swap3A_560 = tpu.vector_load %arg12[%swap3A_557, %swap3A_558, %swap3A_559] {strides = array<i32>} : memref<2x80x64xf32, #tpu.memory_space<vmem>>, vector<1x1x16xf32>,
        %swap3A_561 = vector.shape_cast %swap3A_560 : vector<1x1x16xf32> to vector<16xf32>
        %swap3A_562 = vector.shape_cast %max3A_555 : vector<16xf32> to vector<1x1x16xf32>
        tpu.vector_store %arg12[%swap3A_557, %swap3A_558, %swap3A_559], %swap3A_562 {strides = array<i32>} : memref<2x80x64xf32, #tpu.memory_space<vmem>>, vector<1x1x16xf32>,
        %get3A_563 = arith.constant 1 : i32
        %get3A_564 = arith.index_cast %get3A_563 : i32 to index
        %get3A_565 = arith.index_cast %scan3A_513 : i32 to index
        %get3A_566 = arith.constant 16 : index
        %get3A_567 = tpu.vector_load %arg11[%get3A_564, %get3A_565, %get3A_566] {strides = array<i32>} : memref<2x80x64xf32, #tpu.memory_space<vmem>>, vector<1x1x16xf32>,
        %get3A_568 = vector.shape_cast %get3A_567 : vector<1x1x16xf32> to vector<16xf32>
        %bitcast_convert_type3A_569 = tpu.bitcast %get3A_568 : vector<16xf32> -> vector<16xi32>
        %get3A_570 = arith.constant 1 : i32
        %get3A_571 = arith.index_cast %get3A_570 : i32 to index
        %get3A_572 = arith.index_cast %scan3A_513 : i32 to index
        %get3A_573 = arith.constant 16 : index
        %get3A_574 = tpu.vector_load %arg12[%get3A_571, %get3A_572, %get3A_573] {strides = array<i32>} : memref<2x80x64xf32, #tpu.memory_space<vmem>>, vector<1x1x16xf32>,
        %get3A_575 = vector.shape_cast %get3A_574 : vector<1x1x16xf32> to vector<16xf32>
        %bitcast_convert_type3A_576 = tpu.bitcast %get3A_575 : vector<16xf32> -> vector<16xi32>
        %shift_left3A_577 = arith.constant 16 : i32
        %shift_left3A_578 = vector.broadcast %shift_left3A_577 : i32 to vector<16xi32>
        %shift_left3A_579 = arith.shli %bitcast_convert_type3A_569, %shift_left3A_578 : vector<16xi32>
        %bitcast_convert_type3A_580 = tpu.bitcast %shift_left3A_579 : vector<16xi32> -> vector<16xf32>
        %shift_left3A_581 = arith.constant 16 : i32
        %shift_left3A_582 = vector.broadcast %shift_left3A_581 : i32 to vector<16xi32>
        %shift_left3A_583 = arith.shli %bitcast_convert_type3A_576, %shift_left3A_582 : vector<16xi32>
        %bitcast_convert_type3A_584 = tpu.bitcast %shift_left3A_583 : vector<16xi32> -> vector<16xf32>
        %and3A_585 = arith.constant -65536 : i32
        %and3A_586 = vector.broadcast %and3A_585 : i32 to vector<16xi32>
        %and3A_587 = arith.andi %bitcast_convert_type3A_569, %and3A_586 : vector<16xi32>
        %bitcast_convert_type3A_588 = tpu.bitcast %and3A_587 : vector<16xi32> -> vector<16xf32>
        %and3A_589 = arith.constant -65536 : i32
        %and3A_590 = vector.broadcast %and3A_589 : i32 to vector<16xi32>
        %and3A_591 = arith.andi %bitcast_convert_type3A_576, %and3A_590 : vector<16xi32>
        %bitcast_convert_type3A_592 = tpu.bitcast %and3A_591 : vector<16xi32> -> vector<16xf32>
        %add3A_593 = arith.addf %bitcast_convert_type3A_580, %bitcast_convert_type3A_584 : vector<16xf32>
        %max3A_594 = arith.constant 0.000000e+00 : f32
        %max3A_595 = vector.broadcast %max3A_594 : f32 to vector<16xf32>
        %max3A_596 = arith.maximumf %add3A_593, %max3A_595 : vector<16xf32>
        %swap3A_597 = arith.constant 1 : i32
        %swap3A_598 = arith.index_cast %swap3A_597 : i32 to index
        %swap3A_599 = arith.index_cast %scan3A_513 : i32 to index
        %swap3A_600 = arith.constant 16 : index
        %swap3A_601 = tpu.vector_load %arg11[%swap3A_598, %swap3A_599, %swap3A_600] {strides = array<i32>} : memref<2x80x64xf32, #tpu.memory_space<vmem>>, vector<1x1x16xf32>,
        %swap3A_602 = vector.shape_cast %swap3A_601 : vector<1x1x16xf32> to vector<16xf32>
        %swap3A_603 = vector.shape_cast %max3A_596 : vector<16xf32> to vector<1x1x16xf32>
        tpu.vector_store %arg11[%swap3A_598, %swap3A_599, %swap3A_600], %swap3A_603 {strides = array<i32>} : memref<2x80x64xf32, #tpu.memory_space<vmem>>, vector<1x1x16xf32>,
        %add3A_604 = arith.addf %bitcast_convert_type3A_588, %bitcast_convert_type3A_592 : vector<16xf32>
        %max3A_605 = arith.constant 0.000000e+00 : f32
        %max3A_606 = vector.broadcast %max3A_605 : f32 to vector<16xf32>
        %max3A_607 = arith.maximumf %add3A_604, %max3A_606 : vector<16xf32>
        %swap3A_608 = arith.constant 1 : i32
        %swap3A_609 = arith.index_cast %swap3A_608 : i32 to index
        %swap3A_610 = arith.index_cast %scan3A_513 : i32 to index
        %swap3A_611 = arith.constant 16 : index
        %swap3A_612 = tpu.vector_load %arg12[%swap3A_609, %swap3A_610, %swap3A_611] {strides = array<i32>} : memref<2x80x64xf32, #tpu.memory_space<vmem>>, vector<1x1x16xf32>,
        %swap3A_613 = vector.shape_cast %swap3A_612 : vector<1x1x16xf32> to vector<16xf32>
        %swap3A_614 = vector.shape_cast %max3A_607 : vector<16xf32> to vector<1x1x16xf32>
        tpu.vector_store %arg12[%swap3A_609, %swap3A_610, %swap3A_611], %swap3A_614 {strides = array<i32>} : memref<2x80x64xf32, #tpu.memory_space<vmem>>, vector<1x1x16xf32>,
        %get3A_615 = arith.constant 1 : i32
        %get3A_616 = arith.index_cast %get3A_615 : i32 to index
        %get3A_617 = arith.index_cast %scan3A_513 : i32 to index
        %get3A_618 = arith.constant 32 : index
        %get3A_619 = tpu.vector_load %arg11[%get3A_616, %get3A_617, %get3A_618] {strides = array<i32>} : memref<2x80x64xf32, #tpu.memory_space<vmem>>, vector<1x1x16xf32>,
        %get3A_620 = vector.shape_cast %get3A_619 : vector<1x1x16xf32> to vector<16xf32>
        %bitcast_convert_type3A_621 = tpu.bitcast %get3A_620 : vector<16xf32> -> vector<16xi32>
        %get3A_622 = arith.constant 1 : i32
        %get3A_623 = arith.index_cast %get3A_622 : i32 to index
        %get3A_624 = arith.index_cast %scan3A_513 : i32 to index
        %get3A_625 = arith.constant 32 : index
        %get3A_626 = tpu.vector_load %arg12[%get3A_623, %get3A_624, %get3A_625] {strides = array<i32>} : memref<2x80x64xf32, #tpu.memory_space<vmem>>, vector<1x1x16xf32>,
        %get3A_627 = vector.shape_cast %get3A_626 : vector<1x1x16xf32> to vector<16xf32>
        %bitcast_convert_type3A_628 = tpu.bitcast %get3A_627 : vector<16xf32> -> vector<16xi32>
        %shift_left3A_629 = arith.constant 16 : i32
        %shift_left3A_630 = vector.broadcast %shift_left3A_629 : i32 to vector<16xi32>
        %shift_left3A_631 = arith.shli %bitcast_convert_type3A_621, %shift_left3A_630 : vector<16xi32>
        %bitcast_convert_type3A_632 = tpu.bitcast %shift_left3A_631 : vector<16xi32> -> vector<16xf32>
        %shift_left3A_633 = arith.constant 16 : i32
        %shift_left3A_634 = vector.broadcast %shift_left3A_633 : i32 to vector<16xi32>
        %shift_left3A_635 = arith.shli %bitcast_convert_type3A_628, %shift_left3A_634 : vector<16xi32>
        %bitcast_convert_type3A_636 = tpu.bitcast %shift_left3A_635 : vector<16xi32> -> vector<16xf32>
        %and3A_637 = arith.constant -65536 : i32
        %and3A_638 = vector.broadcast %and3A_637 : i32 to vector<16xi32>
        %and3A_639 = arith.andi %bitcast_convert_type3A_621, %and3A_638 : vector<16xi32>
        %bitcast_convert_type3A_640 = tpu.bitcast %and3A_639 : vector<16xi32> -> vector<16xf32>
        %and3A_641 = arith.constant -65536 : i32
        %and3A_642 = vector.broadcast %and3A_641 : i32 to vector<16xi32>
        %and3A_643 = arith.andi %bitcast_convert_type3A_628, %and3A_642 : vector<16xi32>
        %bitcast_convert_type3A_644 = tpu.bitcast %and3A_643 : vector<16xi32> -> vector<16xf32>
        %add3A_645 = arith.addf %bitcast_convert_type3A_632, %bitcast_convert_type3A_636 : vector<16xf32>
        %max3A_646 = arith.constant 0.000000e+00 : f32
        %max3A_647 = vector.broadcast %max3A_646 : f32 to vector<16xf32>
        %max3A_648 = arith.maximumf %add3A_645, %max3A_647 : vector<16xf32>
        %swap3A_649 = arith.constant 1 : i32
        %swap3A_650 = arith.index_cast %swap3A_649 : i32 to index
        %swap3A_651 = arith.index_cast %scan3A_513 : i32 to index
        %swap3A_652 = arith.constant 32 : index
        %swap3A_653 = tpu.vector_load %arg11[%swap3A_650, %swap3A_651, %swap3A_652] {strides = array<i32>} : memref<2x80x64xf32, #tpu.memory_space<vmem>>, vector<1x1x16xf32>,
        %swap3A_654 = vector.shape_cast %swap3A_653 : vector<1x1x16xf32> to vector<16xf32>
        %swap3A_655 = vector.shape_cast %max3A_648 : vector<16xf32> to vector<1x1x16xf32>
        tpu.vector_store %arg11[%swap3A_650, %swap3A_651, %swap3A_652], %swap3A_655 {strides = array<i32>} : memref<2x80x64xf32, #tpu.memory_space<vmem>>, vector<1x1x16xf32>,
        %add3A_656 = arith.addf %bitcast_convert_type3A_640, %bitcast_convert_type3A_644 : vector<16xf32>
        %max3A_657 = arith.constant 0.000000e+00 : f32
        %max3A_658 = vector.broadcast %max3A_657 : f32 to vector<16xf32>
        %max3A_659 = arith.maximumf %add3A_656, %max3A_658 : vector<16xf32>
        %swap3A_660 = arith.constant 1 : i32
        %swap3A_661 = arith.index_cast %swap3A_660 : i32 to index
        %swap3A_662 = arith.index_cast %scan3A_513 : i32 to index
        %swap3A_663 = arith.constant 32 : index
        %swap3A_664 = tpu.vector_load %arg12[%swap3A_661, %swap3A_662, %swap3A_663] {strides = array<i32>} : memref<2x80x64xf32, #tpu.memory_space<vmem>>, vector<1x1x16xf32>,
        %swap3A_665 = vector.shape_cast %swap3A_664 : vector<1x1x16xf32> to vector<16xf32>
        %swap3A_666 = vector.shape_cast %max3A_659 : vector<16xf32> to vector<1x1x16xf32>
        tpu.vector_store %arg12[%swap3A_661, %swap3A_662, %swap3A_663], %swap3A_666 {strides = array<i32>} : memref<2x80x64xf32, #tpu.memory_space<vmem>>, vector<1x1x16xf32>,
        %get3A_667 = arith.constant 1 : i32
        %get3A_668 = arith.index_cast %get3A_667 : i32 to index
        %get3A_669 = arith.index_cast %scan3A_513 : i32 to index
        %get3A_670 = arith.constant 48 : index
        %get3A_671 = tpu.vector_load %arg11[%get3A_668, %get3A_669, %get3A_670] {strides = array<i32>} : memref<2x80x64xf32, #tpu.memory_space<vmem>>, vector<1x1x16xf32>,
        %get3A_672 = vector.shape_cast %get3A_671 : vector<1x1x16xf32> to vector<16xf32>
        %bitcast_convert_type3A_673 = tpu.bitcast %get3A_672 : vector<16xf32> -> vector<16xi32>
        %get3A_674 = arith.constant 1 : i32
        %get3A_675 = arith.index_cast %get3A_674 : i32 to index
        %get3A_676 = arith.index_cast %scan3A_513 : i32 to index
        %get3A_677 = arith.constant 48 : index
        %get3A_678 = tpu.vector_load %arg12[%get3A_675, %get3A_676, %get3A_677] {strides = array<i32>} : memref<2x80x64xf32, #tpu.memory_space<vmem>>, vector<1x1x16xf32>,
        %get3A_679 = vector.shape_cast %get3A_678 : vector<1x1x16xf32> to vector<16xf32>
        %bitcast_convert_type3A_680 = tpu.bitcast %get3A_679 : vector<16xf32> -> vector<16xi32>
        %shift_left3A_681 = arith.constant 16 : i32
        %shift_left3A_682 = vector.broadcast %shift_left3A_681 : i32 to vector<16xi32>
        %shift_left3A_683 = arith.shli %bitcast_convert_type3A_673, %shift_left3A_682 : vector<16xi32>
        %bitcast_convert_type3A_684 = tpu.bitcast %shift_left3A_683 : vector<16xi32> -> vector<16xf32>
        %shift_left3A_685 = arith.constant 16 : i32
        %shift_left3A_686 = vector.broadcast %shift_left3A_685 : i32 to vector<16xi32>
        %shift_left3A_687 = arith.shli %bitcast_convert_type3A_680, %shift_left3A_686 : vector<16xi32>
        %bitcast_convert_type3A_688 = tpu.bitcast %shift_left3A_687 : vector<16xi32> -> vector<16xf32>
        %and3A_689 = arith.constant -65536 : i32
        %and3A_690 = vector.broadcast %and3A_689 : i32 to vector<16xi32>
        %and3A_691 = arith.andi %bitcast_convert_type3A_673, %and3A_690 : vector<16xi32>
        %bitcast_convert_type3A_692 = tpu.bitcast %and3A_691 : vector<16xi32> -> vector<16xf32>
        %and3A_693 = arith.constant -65536 : i32
        %and3A_694 = vector.broadcast %and3A_693 : i32 to vector<16xi32>
        %and3A_695 = arith.andi %bitcast_convert_type3A_680, %and3A_694 : vector<16xi32>
        %bitcast_convert_type3A_696 = tpu.bitcast %and3A_695 : vector<16xi32> -> vector<16xf32>
        %add3A_697 = arith.addf %bitcast_convert_type3A_684, %bitcast_convert_type3A_688 : vector<16xf32>
        %max3A_698 = arith.constant 0.000000e+00 : f32
        %max3A_699 = vector.broadcast %max3A_698 : f32 to vector<16xf32>
        %max3A_700 = arith.maximumf %add3A_697, %max3A_699 : vector<16xf32>
        %swap3A_701 = arith.constant 1 : i32
        %swap3A_702 = arith.index_cast %swap3A_701 : i32 to index
        %swap3A_703 = arith.index_cast %scan3A_513 : i32 to index
        %swap3A_704 = arith.constant 48 : index
        %swap3A_705 = tpu.vector_load %arg11[%swap3A_702, %swap3A_703, %swap3A_704] {strides = array<i32>} : memref<2x80x64xf32, #tpu.memory_space<vmem>>, vector<1x1x16xf32>,
        %swap3A_706 = vector.shape_cast %swap3A_705 : vector<1x1x16xf32> to vector<16xf32>
        %swap3A_707 = vector.shape_cast %max3A_700 : vector<16xf32> to vector<1x1x16xf32>
        tpu.vector_store %arg11[%swap3A_702, %swap3A_703, %swap3A_704], %swap3A_707 {strides = array<i32>} : memref<2x80x64xf32, #tpu.memory_space<vmem>>, vector<1x1x16xf32>,
        %add3A_708 = arith.addf %bitcast_convert_type3A_692, %bitcast_convert_type3A_696 : vector<16xf32>
        %max3A_709 = arith.constant 0.000000e+00 : f32
        %max3A_710 = vector.broadcast %max3A_709 : f32 to vector<16xf32>
        %max3A_711 = arith.maximumf %add3A_708, %max3A_710 : vector<16xf32>
        %swap3A_712 = arith.constant 1 : i32
        %swap3A_713 = arith.index_cast %swap3A_712 : i32 to index
        %swap3A_714 = arith.index_cast %scan3A_513 : i32 to index
        %swap3A_715 = arith.constant 48 : index
        %swap3A_716 = tpu.vector_load %arg12[%swap3A_713, %swap3A_714, %swap3A_715] {strides = array<i32>} : memref<2x80x64xf32, #tpu.memory_space<vmem>>, vector<1x1x16xf32>,
        %swap3A_717 = vector.shape_cast %swap3A_716 : vector<1x1x16xf32> to vector<16xf32>
        %swap3A_718 = vector.shape_cast %max3A_711 : vector<16xf32> to vector<1x1x16xf32>
        tpu.vector_store %arg12[%swap3A_713, %swap3A_714, %swap3A_715], %swap3A_718 {strides = array<i32>} : memref<2x80x64xf32, #tpu.memory_space<vmem>>, vector<1x1x16xf32>,
        %scan3A_719 = arith.constant 1 : i32
        %scan3A_720 = arith.addi %scan3A_513, %scan3A_719 : i32
        %get3A_721 = arith.constant 1 : i32
        %get3A_722 = arith.index_cast %get3A_721 : i32 to index
        %get3A_723 = arith.index_cast %scan3A_720 : i32 to index
        %get3A_724 = arith.constant 0 : index
        %get3A_725 = tpu.vector_load %arg11[%get3A_722, %get3A_723, %get3A_724] {strides = array<i32>} : memref<2x80x64xf32, #tpu.memory_space<vmem>>, vector<1x1x16xf32>,
        %get3A_726 = vector.shape_cast %get3A_725 : vector<1x1x16xf32> to vector<16xf32>
        %bitcast_convert_type3A_727 = tpu.bitcast %get3A_726 : vector<16xf32> -> vector<16xi32>
        %get3A_728 = arith.constant 1 : i32
        %get3A_729 = arith.index_cast %get3A_728 : i32 to index
        %get3A_730 = arith.index_cast %scan3A_720 : i32 to index
        %get3A_731 = arith.constant 0 : index
        %get3A_732 = tpu.vector_load %arg12[%get3A_729, %get3A_730, %get3A_731] {strides = array<i32>} : memref<2x80x64xf32, #tpu.memory_space<vmem>>, vector<1x1x16xf32>,
        %get3A_733 = vector.shape_cast %get3A_732 : vector<1x1x16xf32> to vector<16xf32>
        %bitcast_convert_type3A_734 = tpu.bitcast %get3A_733 : vector<16xf32> -> vector<16xi32>
        %shift_left3A_735 = arith.constant 16 : i32
        %shift_left3A_736 = vector.broadcast %shift_left3A_735 : i32 to vector<16xi32>
        %shift_left3A_737 = arith.shli %bitcast_convert_type3A_727, %shift_left3A_736 : vector<16xi32>
        %bitcast_convert_type3A_738 = tpu.bitcast %shift_left3A_737 : vector<16xi32> -> vector<16xf32>
        %shift_left3A_739 = arith.constant 16 : i32
        %shift_left3A_740 = vector.broadcast %shift_left3A_739 : i32 to vector<16xi32>
        %shift_left3A_741 = arith.shli %bitcast_convert_type3A_734, %shift_left3A_740 : vector<16xi32>
        %bitcast_convert_type3A_742 = tpu.bitcast %shift_left3A_741 : vector<16xi32> -> vector<16xf32>
        %and3A_743 = arith.constant -65536 : i32
        %and3A_744 = vector.broadcast %and3A_743 : i32 to vector<16xi32>
        %and3A_745 = arith.andi %bitcast_convert_type3A_727, %and3A_744 : vector<16xi32>
        %bitcast_convert_type3A_746 = tpu.bitcast %and3A_745 : vector<16xi32> -> vector<16xf32>
        %and3A_747 = arith.constant -65536 : i32
        %and3A_748 = vector.broadcast %and3A_747 : i32 to vector<16xi32>
        %and3A_749 = arith.andi %bitcast_convert_type3A_734, %and3A_748 : vector<16xi32>
        %bitcast_convert_type3A_750 = tpu.bitcast %and3A_749 : vector<16xi32> -> vector<16xf32>
        %add3A_751 = arith.addf %bitcast_convert_type3A_738, %bitcast_convert_type3A_742 : vector<16xf32>
        %max3A_752 = arith.constant 0.000000e+00 : f32
        %max3A_753 = vector.broadcast %max3A_752 : f32 to vector<16xf32>
        %max3A_754 = arith.maximumf %add3A_751, %max3A_753 : vector<16xf32>
        %swap3A_755 = arith.constant 1 : i32
        %swap3A_756 = arith.index_cast %swap3A_755 : i32 to index
        %swap3A_757 = arith.index_cast %scan3A_720 : i32 to index
        %swap3A_758 = arith.constant 0 : index
        %swap3A_759 = tpu.vector_load %arg11[%swap3A_756, %swap3A_757, %swap3A_758] {strides = array<i32>} : memref<2x80x64xf32, #tpu.memory_space<vmem>>, vector<1x1x16xf32>,
        %swap3A_760 = vector.shape_cast %swap3A_759 : vector<1x1x16xf32> to vector<16xf32>
        %swap3A_761 = vector.shape_cast %max3A_754 : vector<16xf32> to vector<1x1x16xf32>
        tpu.vector_store %arg11[%swap3A_756, %swap3A_757, %swap3A_758], %swap3A_761 {strides = array<i32>} : memref<2x80x64xf32, #tpu.memory_space<vmem>>, vector<1x1x16xf32>,
        %add3A_762 = arith.addf %bitcast_convert_type3A_746, %bitcast_convert_type3A_750 : vector<16xf32>
        %max3A_763 = arith.constant 0.000000e+00 : f32
        %max3A_764 = vector.broadcast %max3A_763 : f32 to vector<16xf32>
        %max3A_765 = arith.maximumf %add3A_762, %max3A_764 : vector<16xf32>
        %swap3A_766 = arith.constant 1 : i32
        %swap3A_767 = arith.index_cast %swap3A_766 : i32 to index
        %swap3A_768 = arith.index_cast %scan3A_720 : i32 to index
        %swap3A_769 = arith.constant 0 : index
        %swap3A_770 = tpu.vector_load %arg12[%swap3A_767, %swap3A_768, %swap3A_769] {strides = array<i32>} : memref<2x80x64xf32, #tpu.memory_space<vmem>>, vector<1x1x16xf32>,
        %swap3A_771 = vector.shape_cast %swap3A_770 : vector<1x1x16xf32> to vector<16xf32>
        %swap3A_772 = vector.shape_cast %max3A_765 : vector<16xf32> to vector<1x1x16xf32>
        tpu.vector_store %arg12[%swap3A_767, %swap3A_768, %swap3A_769], %swap3A_772 {strides = array<i32>} : memref<2x80x64xf32, #tpu.memory_space<vmem>>, vector<1x1x16xf32>,
        %get3A_773 = arith.constant 1 : i32
        %get3A_774 = arith.index_cast %get3A_773 : i32 to index
        %get3A_775 = arith.index_cast %scan3A_720 : i32 to index
        %get3A_776 = arith.constant 16 : index
        %get3A_777 = tpu.vector_load %arg11[%get3A_774, %get3A_775, %get3A_776] {strides = array<i32>} : memref<2x80x64xf32, #tpu.memory_space<vmem>>, vector<1x1x16xf32>,
        %get3A_778 = vector.shape_cast %get3A_777 : vector<1x1x16xf32> to vector<16xf32>
        %bitcast_convert_type3A_779 = tpu.bitcast %get3A_778 : vector<16xf32> -> vector<16xi32>
        %get3A_780 = arith.constant 1 : i32
        %get3A_781 = arith.index_cast %get3A_780 : i32 to index
        %get3A_782 = arith.index_cast %scan3A_720 : i32 to index
        %get3A_783 = arith.constant 16 : index
        %get3A_784 = tpu.vector_load %arg12[%get3A_781, %get3A_782, %get3A_783] {strides = array<i32>} : memref<2x80x64xf32, #tpu.memory_space<vmem>>, vector<1x1x16xf32>,
        %get3A_785 = vector.shape_cast %get3A_784 : vector<1x1x16xf32> to vector<16xf32>
        %bitcast_convert_type3A_786 = tpu.bitcast %get3A_785 : vector<16xf32> -> vector<16xi32>
        %shift_left3A_787 = arith.constant 16 : i32
        %shift_left3A_788 = vector.broadcast %shift_left3A_787 : i32 to vector<16xi32>
        %shift_left3A_789 = arith.shli %bitcast_convert_type3A_779, %shift_left3A_788 : vector<16xi32>
        %bitcast_convert_type3A_790 = tpu.bitcast %shift_left3A_789 : vector<16xi32> -> vector<16xf32>
        %shift_left3A_791 = arith.constant 16 : i32
        %shift_left3A_792 = vector.broadcast %shift_left3A_791 : i32 to vector<16xi32>
        %shift_left3A_793 = arith.shli %bitcast_convert_type3A_786, %shift_left3A_792 : vector<16xi32>
        %bitcast_convert_type3A_794 = tpu.bitcast %shift_left3A_793 : vector<16xi32> -> vector<16xf32>
        %and3A_795 = arith.constant -65536 : i32
        %and3A_796 = vector.broadcast %and3A_795 : i32 to vector<16xi32>
        %and3A_797 = arith.andi %bitcast_convert_type3A_779, %and3A_796 : vector<16xi32>
        %bitcast_convert_type3A_798 = tpu.bitcast %and3A_797 : vector<16xi32> -> vector<16xf32>
        %and3A_799 = arith.constant -65536 : i32
        %and3A_800 = vector.broadcast %and3A_799 : i32 to vector<16xi32>
        %and3A_801 = arith.andi %bitcast_convert_type3A_786, %and3A_800 : vector<16xi32>
        %bitcast_convert_type3A_802 = tpu.bitcast %and3A_801 : vector<16xi32> -> vector<16xf32>
        %add3A_803 = arith.addf %bitcast_convert_type3A_790, %bitcast_convert_type3A_794 : vector<16xf32>
        %max3A_804 = arith.constant 0.000000e+00 : f32
        %max3A_805 = vector.broadcast %max3A_804 : f32 to vector<16xf32>
        %max3A_806 = arith.maximumf %add3A_803, %max3A_805 : vector<16xf32>
        %swap3A_807 = arith.constant 1 : i32
        %swap3A_808 = arith.index_cast %swap3A_807 : i32 to index
        %swap3A_809 = arith.index_cast %scan3A_720 : i32 to index
        %swap3A_810 = arith.constant 16 : index
        %swap3A_811 = tpu.vector_load %arg11[%swap3A_808, %swap3A_809, %swap3A_810] {strides = array<i32>} : memref<2x80x64xf32, #tpu.memory_space<vmem>>, vector<1x1x16xf32>,
        %swap3A_812 = vector.shape_cast %swap3A_811 : vector<1x1x16xf32> to vector<16xf32>
        %swap3A_813 = vector.shape_cast %max3A_806 : vector<16xf32> to vector<1x1x16xf32>
        tpu.vector_store %arg11[%swap3A_808, %swap3A_809, %swap3A_810], %swap3A_813 {strides = array<i32>} : memref<2x80x64xf32, #tpu.memory_space<vmem>>, vector<1x1x16xf32>,
        %add3A_814 = arith.addf %bitcast_convert_type3A_798, %bitcast_convert_type3A_802 : vector<16xf32>
        %max3A_815 = arith.constant 0.000000e+00 : f32
        %max3A_816 = vector.broadcast %max3A_815 : f32 to vector<16xf32>
        %max3A_817 = arith.maximumf %add3A_814, %max3A_816 : vector<16xf32>
        %swap3A_818 = arith.constant 1 : i32
        %swap3A_819 = arith.index_cast %swap3A_818 : i32 to index
        %swap3A_820 = arith.index_cast %scan3A_720 : i32 to index
        %swap3A_821 = arith.constant 16 : index
        %swap3A_822 = tpu.vector_load %arg12[%swap3A_819, %swap3A_820, %swap3A_821] {strides = array<i32>} : memref<2x80x64xf32, #tpu.memory_space<vmem>>, vector<1x1x16xf32>,
        %swap3A_823 = vector.shape_cast %swap3A_822 : vector<1x1x16xf32> to vector<16xf32>
        %swap3A_824 = vector.shape_cast %max3A_817 : vector<16xf32> to vector<1x1x16xf32>
        tpu.vector_store %arg12[%swap3A_819, %swap3A_820, %swap3A_821], %swap3A_824 {strides = array<i32>} : memref<2x80x64xf32, #tpu.memory_space<vmem>>, vector<1x1x16xf32>,
        %get3A_825 = arith.constant 1 : i32
        %get3A_826 = arith.index_cast %get3A_825 : i32 to index
        %get3A_827 = arith.index_cast %scan3A_720 : i32 to index
        %get3A_828 = arith.constant 32 : index
        %get3A_829 = tpu.vector_load %arg11[%get3A_826, %get3A_827, %get3A_828] {strides = array<i32>} : memref<2x80x64xf32, #tpu.memory_space<vmem>>, vector<1x1x16xf32>,
        %get3A_830 = vector.shape_cast %get3A_829 : vector<1x1x16xf32> to vector<16xf32>
        %bitcast_convert_type3A_831 = tpu.bitcast %get3A_830 : vector<16xf32> -> vector<16xi32>
        %get3A_832 = arith.constant 1 : i32
        %get3A_833 = arith.index_cast %get3A_832 : i32 to index
        %get3A_834 = arith.index_cast %scan3A_720 : i32 to index
        %get3A_835 = arith.constant 32 : index
        %get3A_836 = tpu.vector_load %arg12[%get3A_833, %get3A_834, %get3A_835] {strides = array<i32>} : memref<2x80x64xf32, #tpu.memory_space<vmem>>, vector<1x1x16xf32>,
        %get3A_837 = vector.shape_cast %get3A_836 : vector<1x1x16xf32> to vector<16xf32>
        %bitcast_convert_type3A_838 = tpu.bitcast %get3A_837 : vector<16xf32> -> vector<16xi32>
        %shift_left3A_839 = arith.constant 16 : i32
        %shift_left3A_840 = vector.broadcast %shift_left3A_839 : i32 to vector<16xi32>
        %shift_left3A_841 = arith.shli %bitcast_convert_type3A_831, %shift_left3A_840 : vector<16xi32>
        %bitcast_convert_type3A_842 = tpu.bitcast %shift_left3A_841 : vector<16xi32> -> vector<16xf32>
        %shift_left3A_843 = arith.constant 16 : i32
        %shift_left3A_844 = vector.broadcast %shift_left3A_843 : i32 to vector<16xi32>
        %shift_left3A_845 = arith.shli %bitcast_convert_type3A_838, %shift_left3A_844 : vector<16xi32>
        %bitcast_convert_type3A_846 = tpu.bitcast %shift_left3A_845 : vector<16xi32> -> vector<16xf32>
        %and3A_847 = arith.constant -65536 : i32
        %and3A_848 = vector.broadcast %and3A_847 : i32 to vector<16xi32>
        %and3A_849 = arith.andi %bitcast_convert_type3A_831, %and3A_848 : vector<16xi32>
        %bitcast_convert_type3A_850 = tpu.bitcast %and3A_849 : vector<16xi32> -> vector<16xf32>
        %and3A_851 = arith.constant -65536 : i32
        %and3A_852 = vector.broadcast %and3A_851 : i32 to vector<16xi32>
        %and3A_853 = arith.andi %bitcast_convert_type3A_838, %and3A_852 : vector<16xi32>
        %bitcast_convert_type3A_854 = tpu.bitcast %and3A_853 : vector<16xi32> -> vector<16xf32>
        %add3A_855 = arith.addf %bitcast_convert_type3A_842, %bitcast_convert_type3A_846 : vector<16xf32>
        %max3A_856 = arith.constant 0.000000e+00 : f32
        %max3A_857 = vector.broadcast %max3A_856 : f32 to vector<16xf32>
        %max3A_858 = arith.maximumf %add3A_855, %max3A_857 : vector<16xf32>
        %swap3A_859 = arith.constant 1 : i32
        %swap3A_860 = arith.index_cast %swap3A_859 : i32 to index
        %swap3A_861 = arith.index_cast %scan3A_720 : i32 to index
        %swap3A_862 = arith.constant 32 : index
        %swap3A_863 = tpu.vector_load %arg11[%swap3A_860, %swap3A_861, %swap3A_862] {strides = array<i32>} : memref<2x80x64xf32, #tpu.memory_space<vmem>>, vector<1x1x16xf32>,
        %swap3A_864 = vector.shape_cast %swap3A_863 : vector<1x1x16xf32> to vector<16xf32>
        %swap3A_865 = vector.shape_cast %max3A_858 : vector<16xf32> to vector<1x1x16xf32>
        tpu.vector_store %arg11[%swap3A_860, %swap3A_861, %swap3A_862], %swap3A_865 {strides = array<i32>} : memref<2x80x64xf32, #tpu.memory_space<vmem>>, vector<1x1x16xf32>,
        %add3A_866 = arith.addf %bitcast_convert_type3A_850, %bitcast_convert_type3A_854 : vector<16xf32>
        %max3A_867 = arith.constant 0.000000e+00 : f32
        %max3A_868 = vector.broadcast %max3A_867 : f32 to vector<16xf32>
        %max3A_869 = arith.maximumf %add3A_866, %max3A_868 : vector<16xf32>
        %swap3A_870 = arith.constant 1 : i32
        %swap3A_871 = arith.index_cast %swap3A_870 : i32 to index
        %swap3A_872 = arith.index_cast %scan3A_720 : i32 to index
        %swap3A_873 = arith.constant 32 : index
        %swap3A_874 = tpu.vector_load %arg12[%swap3A_871, %swap3A_872, %swap3A_873] {strides = array<i32>} : memref<2x80x64xf32, #tpu.memory_space<vmem>>, vector<1x1x16xf32>,
        %swap3A_875 = vector.shape_cast %swap3A_874 : vector<1x1x16xf32> to vector<16xf32>
        %swap3A_876 = vector.shape_cast %max3A_869 : vector<16xf32> to vector<1x1x16xf32>
        tpu.vector_store %arg12[%swap3A_871, %swap3A_872, %swap3A_873], %swap3A_876 {strides = array<i32>} : memref<2x80x64xf32, #tpu.memory_space<vmem>>, vector<1x1x16xf32>,
        %get3A_877 = arith.constant 1 : i32
        %get3A_878 = arith.index_cast %get3A_877 : i32 to index
        %get3A_879 = arith.index_cast %scan3A_720 : i32 to index
        %get3A_880 = arith.constant 48 : index
        %get3A_881 = tpu.vector_load %arg11[%get3A_878, %get3A_879, %get3A_880] {strides = array<i32>} : memref<2x80x64xf32, #tpu.memory_space<vmem>>, vector<1x1x16xf32>,
        %get3A_882 = vector.shape_cast %get3A_881 : vector<1x1x16xf32> to vector<16xf32>
        %bitcast_convert_type3A_883 = tpu.bitcast %get3A_882 : vector<16xf32> -> vector<16xi32>
        %get3A_884 = arith.constant 1 : i32
        %get3A_885 = arith.index_cast %get3A_884 : i32 to index
        %get3A_886 = arith.index_cast %scan3A_720 : i32 to index
        %get3A_887 = arith.constant 48 : index
        %get3A_888 = tpu.vector_load %arg12[%get3A_885, %get3A_886, %get3A_887] {strides = array<i32>} : memref<2x80x64xf32, #tpu.memory_space<vmem>>, vector<1x1x16xf32>,
        %get3A_889 = vector.shape_cast %get3A_888 : vector<1x1x16xf32> to vector<16xf32>
        %bitcast_convert_type3A_890 = tpu.bitcast %get3A_889 : vector<16xf32> -> vector<16xi32>
        %shift_left3A_891 = arith.constant 16 : i32
        %shift_left3A_892 = vector.broadcast %shift_left3A_891 : i32 to vector<16xi32>
        %shift_left3A_893 = arith.shli %bitcast_convert_type3A_883, %shift_left3A_892 : vector<16xi32>
        %bitcast_convert_type3A_894 = tpu.bitcast %shift_left3A_893 : vector<16xi32> -> vector<16xf32>
        %shift_left3A_895 = arith.constant 16 : i32
        %shift_left3A_896 = vector.broadcast %shift_left3A_895 : i32 to vector<16xi32>
        %shift_left3A_897 = arith.shli %bitcast_convert_type3A_890, %shift_left3A_896 : vector<16xi32>
        %bitcast_convert_type3A_898 = tpu.bitcast %shift_left3A_897 : vector<16xi32> -> vector<16xf32>
        %and3A_899 = arith.constant -65536 : i32
        %and3A_900 = vector.broadcast %and3A_899 : i32 to vector<16xi32>
        %and3A_901 = arith.andi %bitcast_convert_type3A_883, %and3A_900 : vector<16xi32>
        %bitcast_convert_type3A_902 = tpu.bitcast %and3A_901 : vector<16xi32> -> vector<16xf32>
        %and3A_903 = arith.constant -65536 : i32
        %and3A_904 = vector.broadcast %and3A_903 : i32 to vector<16xi32>
        %and3A_905 = arith.andi %bitcast_convert_type3A_890, %and3A_904 : vector<16xi32>
        %bitcast_convert_type3A_906 = tpu.bitcast %and3A_905 : vector<16xi32> -> vector<16xf32>
        %add3A_907 = arith.addf %bitcast_convert_type3A_894, %bitcast_convert_type3A_898 : vector<16xf32>
        %max3A_908 = arith.constant 0.000000e+00 : f32
        %max3A_909 = vector.broadcast %max3A_908 : f32 to vector<16xf32>
        %max3A_910 = arith.maximumf %add3A_907, %max3A_909 : vector<16xf32>
        %swap3A_911 = arith.constant 1 : i32
        %swap3A_912 = arith.index_cast %swap3A_911 : i32 to index
        %swap3A_913 = arith.index_cast %scan3A_720 : i32 to index
        %swap3A_914 = arith.constant 48 : index
        %swap3A_915 = tpu.vector_load %arg11[%swap3A_912, %swap3A_913, %swap3A_914] {strides = array<i32>} : memref<2x80x64xf32, #tpu.memory_space<vmem>>, vector<1x1x16xf32>,
        %swap3A_916 = vector.shape_cast %swap3A_915 : vector<1x1x16xf32> to vector<16xf32>
        %swap3A_917 = vector.shape_cast %max3A_910 : vector<16xf32> to vector<1x1x16xf32>
        tpu.vector_store %arg11[%swap3A_912, %swap3A_913, %swap3A_914], %swap3A_917 {strides = array<i32>} : memref<2x80x64xf32, #tpu.memory_space<vmem>>, vector<1x1x16xf32>,
        %add3A_918 = arith.addf %bitcast_convert_type3A_902, %bitcast_convert_type3A_906 : vector<16xf32>
        %max3A_919 = arith.constant 0.000000e+00 : f32
        %max3A_920 = vector.broadcast %max3A_919 : f32 to vector<16xf32>
        %max3A_921 = arith.maximumf %add3A_918, %max3A_920 : vector<16xf32>
        %swap3A_922 = arith.constant 1 : i32
        %swap3A_923 = arith.index_cast %swap3A_922 : i32 to index
        %swap3A_924 = arith.index_cast %scan3A_720 : i32 to index
        %swap3A_925 = arith.constant 48 : index
        %swap3A_926 = tpu.vector_load %arg12[%swap3A_923, %swap3A_924, %swap3A_925] {strides = array<i32>} : memref<2x80x64xf32, #tpu.memory_space<vmem>>, vector<1x1x16xf32>,
        %swap3A_927 = vector.shape_cast %swap3A_926 : vector<1x1x16xf32> to vector<16xf32>
        %swap3A_928 = vector.shape_cast %max3A_921 : vector<16xf32> to vector<1x1x16xf32>
        tpu.vector_store %arg12[%swap3A_923, %swap3A_924, %swap3A_925], %swap3A_928 {strides = array<i32>} : memref<2x80x64xf32, #tpu.memory_space<vmem>>, vector<1x1x16xf32>,
        %scan3A_929 = arith.constant 2 : i32
        %scan3A_930 = arith.addi %scan3A_513, %scan3A_929 : i32
        %get3A_931 = arith.constant 1 : i32
        %get3A_932 = arith.index_cast %get3A_931 : i32 to index
        %get3A_933 = arith.index_cast %scan3A_930 : i32 to index
        %get3A_934 = arith.constant 0 : index
        %get3A_935 = tpu.vector_load %arg11[%get3A_932, %get3A_933, %get3A_934] {strides = array<i32>} : memref<2x80x64xf32, #tpu.memory_space<vmem>>, vector<1x1x16xf32>,
        %get3A_936 = vector.shape_cast %get3A_935 : vector<1x1x16xf32> to vector<16xf32>
        %bitcast_convert_type3A_937 = tpu.bitcast %get3A_936 : vector<16xf32> -> vector<16xi32>
        %get3A_938 = arith.constant 1 : i32
        %get3A_939 = arith.index_cast %get3A_938 : i32 to index
        %get3A_940 = arith.index_cast %scan3A_930 : i32 to index
        %get3A_941 = arith.constant 0 : index
        %get3A_942 = tpu.vector_load %arg12[%get3A_939, %get3A_940, %get3A_941] {strides = array<i32>} : memref<2x80x64xf32, #tpu.memory_space<vmem>>, vector<1x1x16xf32>,
        %get3A_943 = vector.shape_cast %get3A_942 : vector<1x1x16xf32> to vector<16xf32>
        %bitcast_convert_type3A_944 = tpu.bitcast %get3A_943 : vector<16xf32> -> vector<16xi32>
        %shift_left3A_945 = arith.constant 16 : i32
        %shift_left3A_946 = vector.broadcast %shift_left3A_945 : i32 to vector<16xi32>
        %shift_left3A_947 = arith.shli %bitcast_convert_type3A_937, %shift_left3A_946 : vector<16xi32>
        %bitcast_convert_type3A_948 = tpu.bitcast %shift_left3A_947 : vector<16xi32> -> vector<16xf32>
        %shift_left3A_949 = arith.constant 16 : i32
        %shift_left3A_950 = vector.broadcast %shift_left3A_949 : i32 to vector<16xi32>
        %shift_left3A_951 = arith.shli %bitcast_convert_type3A_944, %shift_left3A_950 : vector<16xi32>
        %bitcast_convert_type3A_952 = tpu.bitcast %shift_left3A_951 : vector<16xi32> -> vector<16xf32>
        %and3A_953 = arith.constant -65536 : i32
        %and3A_954 = vector.broadcast %and3A_953 : i32 to vector<16xi32>
        %and3A_955 = arith.andi %bitcast_convert_type3A_937, %and3A_954 : vector<16xi32>
        %bitcast_convert_type3A_956 = tpu.bitcast %and3A_955 : vector<16xi32> -> vector<16xf32>
        %and3A_957 = arith.constant -65536 : i32
        %and3A_958 = vector.broadcast %and3A_957 : i32 to vector<16xi32>
        %and3A_959 = arith.andi %bitcast_convert_type3A_944, %and3A_958 : vector<16xi32>
        %bitcast_convert_type3A_960 = tpu.bitcast %and3A_959 : vector<16xi32> -> vector<16xf32>
        %add3A_961 = arith.addf %bitcast_convert_type3A_948, %bitcast_convert_type3A_952 : vector<16xf32>
        %max3A_962 = arith.constant 0.000000e+00 : f32
        %max3A_963 = vector.broadcast %max3A_962 : f32 to vector<16xf32>
        %max3A_964 = arith.maximumf %add3A_961, %max3A_963 : vector<16xf32>
        %swap3A_965 = arith.constant 1 : i32
        %swap3A_966 = arith.index_cast %swap3A_965 : i32 to index
        %swap3A_967 = arith.index_cast %scan3A_930 : i32 to index
        %swap3A_968 = arith.constant 0 : index
        %swap3A_969 = tpu.vector_load %arg11[%swap3A_966, %swap3A_967, %swap3A_968] {strides = array<i32>} : memref<2x80x64xf32, #tpu.memory_space<vmem>>, vector<1x1x16xf32>,
        %swap3A_970 = vector.shape_cast %swap3A_969 : vector<1x1x16xf32> to vector<16xf32>
        %swap3A_971 = vector.shape_cast %max3A_964 : vector<16xf32> to vector<1x1x16xf32>
        tpu.vector_store %arg11[%swap3A_966, %swap3A_967, %swap3A_968], %swap3A_971 {strides = array<i32>} : memref<2x80x64xf32, #tpu.memory_space<vmem>>, vector<1x1x16xf32>,
        %add3A_972 = arith.addf %bitcast_convert_type3A_956, %bitcast_convert_type3A_960 : vector<16xf32>
        %max3A_973 = arith.constant 0.000000e+00 : f32
        %max3A_974 = vector.broadcast %max3A_973 : f32 to vector<16xf32>
        %max3A_975 = arith.maximumf %add3A_972, %max3A_974 : vector<16xf32>
        %swap3A_976 = arith.constant 1 : i32
        %swap3A_977 = arith.index_cast %swap3A_976 : i32 to index
        %swap3A_978 = arith.index_cast %scan3A_930 : i32 to index
        %swap3A_979 = arith.constant 0 : index
        %swap3A_980 = tpu.vector_load %arg12[%swap3A_977, %swap3A_978, %swap3A_979] {strides = array<i32>} : memref<2x80x64xf32, #tpu.memory_space<vmem>>, vector<1x1x16xf32>,
        %swap3A_981 = vector.shape_cast %swap3A_980 : vector<1x1x16xf32> to vector<16xf32>
        %swap3A_982 = vector.shape_cast %max3A_975 : vector<16xf32> to vector<1x1x16xf32>
        tpu.vector_store %arg12[%swap3A_977, %swap3A_978, %swap3A_979], %swap3A_982 {strides = array<i32>} : memref<2x80x64xf32, #tpu.memory_space<vmem>>, vector<1x1x16xf32>,
        %get3A_983 = arith.constant 1 : i32
        %get3A_984 = arith.index_cast %get3A_983 : i32 to index
        %get3A_985 = arith.index_cast %scan3A_930 : i32 to index
        %get3A_986 = arith.constant 16 : index
        %get3A_987 = tpu.vector_load %arg11[%get3A_984, %get3A_985, %get3A_986] {strides = array<i32>} : memref<2x80x64xf32, #tpu.memory_space<vmem>>, vector<1x1x16xf32>,
        %get3A_988 = vector.shape_cast %get3A_987 : vector<1x1x16xf32> to vector<16xf32>
        %bitcast_convert_type3A_989 = tpu.bitcast %get3A_988 : vector<16xf32> -> vector<16xi32>
        %get3A_990 = arith.constant 1 : i32
        %get3A_991 = arith.index_cast %get3A_990 : i32 to index
        %get3A_992 = arith.index_cast %scan3A_930 : i32 to index
        %get3A_993 = arith.constant 16 : index
        %get3A_994 = tpu.vector_load %arg12[%get3A_991, %get3A_992, %get3A_993] {strides = array<i32>} : memref<2x80x64xf32, #tpu.memory_space<vmem>>, vector<1x1x16xf32>,
        %get3A_995 = vector.shape_cast %get3A_994 : vector<1x1x16xf32> to vector<16xf32>
        %bitcast_convert_type3A_996 = tpu.bitcast %get3A_995 : vector<16xf32> -> vector<16xi32>
        %shift_left3A_997 = arith.constant 16 : i32
        %shift_left3A_998 = vector.broadcast %shift_left3A_997 : i32 to vector<16xi32>
        %shift_left3A_999 = arith.shli %bitcast_convert_type3A_989, %shift_left3A_998 : vector<16xi32>
        %bitcast_convert_type3A_1000 = tpu.bitcast %shift_left3A_999 : vector<16xi32> -> vector<16xf32>
        %shift_left3A_1001 = arith.constant 16 : i32
        %shift_left3A_1002 = vector.broadcast %shift_left3A_1001 : i32 to vector<16xi32>
        %shift_left3A_1003 = arith.shli %bitcast_convert_type3A_996, %shift_left3A_1002 : vector<16xi32>
        %bitcast_convert_type3A_1004 = tpu.bitcast %shift_left3A_1003 : vector<16xi32> -> vector<16xf32>
        %and3A_1005 = arith.constant -65536 : i32
        %and3A_1006 = vector.broadcast %and3A_1005 : i32 to vector<16xi32>
        %and3A_1007 = arith.andi %bitcast_convert_type3A_989, %and3A_1006 : vector<16xi32>
        %bitcast_convert_type3A_1008 = tpu.bitcast %and3A_1007 : vector<16xi32> -> vector<16xf32>
        %and3A_1009 = arith.constant -65536 : i32
        %and3A_1010 = vector.broadcast %and3A_1009 : i32 to vector<16xi32>
        %and3A_1011 = arith.andi %bitcast_convert_type3A_996, %and3A_1010 : vector<16xi32>
        %bitcast_convert_type3A_1012 = tpu.bitcast %and3A_1011 : vector<16xi32> -> vector<16xf32>
        %add3A_1013 = arith.addf %bitcast_convert_type3A_1000, %bitcast_convert_type3A_1004 : vector<16xf32>
        %max3A_1014 = arith.constant 0.000000e+00 : f32
        %max3A_1015 = vector.broadcast %max3A_1014 : f32 to vector<16xf32>
        %max3A_1016 = arith.maximumf %add3A_1013, %max3A_1015 : vector<16xf32>
        %swap3A_1017 = arith.constant 1 : i32
        %swap3A_1018 = arith.index_cast %swap3A_1017 : i32 to index
        %swap3A_1019 = arith.index_cast %scan3A_930 : i32 to index
        %swap3A_1020 = arith.constant 16 : index
        %swap3A_1021 = tpu.vector_load %arg11[%swap3A_1018, %swap3A_1019, %swap3A_1020] {strides = array<i32>} : memref<2x80x64xf32, #tpu.memory_space<vmem>>, vector<1x1x16xf32>,
        %swap3A_1022 = vector.shape_cast %swap3A_1021 : vector<1x1x16xf32> to vector<16xf32>
        %swap3A_1023 = vector.shape_cast %max3A_1016 : vector<16xf32> to vector<1x1x16xf32>
        tpu.vector_store %arg11[%swap3A_1018, %swap3A_1019, %swap3A_1020], %swap3A_1023 {strides = array<i32>} : memref<2x80x64xf32, #tpu.memory_space<vmem>>, vector<1x1x16xf32>,
        %add3A_1024 = arith.addf %bitcast_convert_type3A_1008, %bitcast_convert_type3A_1012 : vector<16xf32>
        %max3A_1025 = arith.constant 0.000000e+00 : f32
        %max3A_1026 = vector.broadcast %max3A_1025 : f32 to vector<16xf32>
        %max3A_1027 = arith.maximumf %add3A_1024, %max3A_1026 : vector<16xf32>
        %swap3A_1028 = arith.constant 1 : i32
        %swap3A_1029 = arith.index_cast %swap3A_1028 : i32 to index
        %swap3A_1030 = arith.index_cast %scan3A_930 : i32 to index
        %swap3A_1031 = arith.constant 16 : index
        %swap3A_1032 = tpu.vector_load %arg12[%swap3A_1029, %swap3A_1030, %swap3A_1031] {strides = array<i32>} : memref<2x80x64xf32, #tpu.memory_space<vmem>>, vector<1x1x16xf32>,
        %swap3A_1033 = vector.shape_cast %swap3A_1032 : vector<1x1x16xf32> to vector<16xf32>
        %swap3A_1034 = vector.shape_cast %max3A_1027 : vector<16xf32> to vector<1x1x16xf32>
        tpu.vector_store %arg12[%swap3A_1029, %swap3A_1030, %swap3A_1031], %swap3A_1034 {strides = array<i32>} : memref<2x80x64xf32, #tpu.memory_space<vmem>>, vector<1x1x16xf32>,
        %get3A_1035 = arith.constant 1 : i32
        %get3A_1036 = arith.index_cast %get3A_1035 : i32 to index
        %get3A_1037 = arith.index_cast %scan3A_930 : i32 to index
        %get3A_1038 = arith.constant 32 : index
        %get3A_1039 = tpu.vector_load %arg11[%get3A_1036, %get3A_1037, %get3A_1038] {strides = array<i32>} : memref<2x80x64xf32, #tpu.memory_space<vmem>>, vector<1x1x16xf32>,
        %get3A_1040 = vector.shape_cast %get3A_1039 : vector<1x1x16xf32> to vector<16xf32>
        %bitcast_convert_type3A_1041 = tpu.bitcast %get3A_1040 : vector<16xf32> -> vector<16xi32>
        %get3A_1042 = arith.constant 1 : i32
        %get3A_1043 = arith.index_cast %get3A_1042 : i32 to index
        %get3A_1044 = arith.index_cast %scan3A_930 : i32 to index
        %get3A_1045 = arith.constant 32 : index
        %get3A_1046 = tpu.vector_load %arg12[%get3A_1043, %get3A_1044, %get3A_1045] {strides = array<i32>} : memref<2x80x64xf32, #tpu.memory_space<vmem>>, vector<1x1x16xf32>,
        %get3A_1047 = vector.shape_cast %get3A_1046 : vector<1x1x16xf32> to vector<16xf32>
        %bitcast_convert_type3A_1048 = tpu.bitcast %get3A_1047 : vector<16xf32> -> vector<16xi32>
        %shift_left3A_1049 = arith.constant 16 : i32
        %shift_left3A_1050 = vector.broadcast %shift_left3A_1049 : i32 to vector<16xi32>
        %shift_left3A_1051 = arith.shli %bitcast_convert_type3A_1041, %shift_left3A_1050 : vector<16xi32>
        %bitcast_convert_type3A_1052 = tpu.bitcast %shift_left3A_1051 : vector<16xi32> -> vector<16xf32>
        %shift_left3A_1053 = arith.constant 16 : i32
        %shift_left3A_1054 = vector.broadcast %shift_left3A_1053 : i32 to vector<16xi32>
        %shift_left3A_1055 = arith.shli %bitcast_convert_type3A_1048, %shift_left3A_1054 : vector<16xi32>
        %bitcast_convert_type3A_1056 = tpu.bitcast %shift_left3A_1055 : vector<16xi32> -> vector<16xf32>
        %and3A_1057 = arith.constant -65536 : i32
        %and3A_1058 = vector.broadcast %and3A_1057 : i32 to vector<16xi32>
        %and3A_1059 = arith.andi %bitcast_convert_type3A_1041, %and3A_1058 : vector<16xi32>
        %bitcast_convert_type3A_1060 = tpu.bitcast %and3A_1059 : vector<16xi32> -> vector<16xf32>
        %and3A_1061 = arith.constant -65536 : i32
        %and3A_1062 = vector.broadcast %and3A_1061 : i32 to vector<16xi32>
        %and3A_1063 = arith.andi %bitcast_convert_type3A_1048, %and3A_1062 : vector<16xi32>
        %bitcast_convert_type3A_1064 = tpu.bitcast %and3A_1063 : vector<16xi32> -> vector<16xf32>
        %add3A_1065 = arith.addf %bitcast_convert_type3A_1052, %bitcast_convert_type3A_1056 : vector<16xf32>
        %max3A_1066 = arith.constant 0.000000e+00 : f32
        %max3A_1067 = vector.broadcast %max3A_1066 : f32 to vector<16xf32>
        %max3A_1068 = arith.maximumf %add3A_1065, %max3A_1067 : vector<16xf32>
        %swap3A_1069 = arith.constant 1 : i32
        %swap3A_1070 = arith.index_cast %swap3A_1069 : i32 to index
        %swap3A_1071 = arith.index_cast %scan3A_930 : i32 to index
        %swap3A_1072 = arith.constant 32 : index
        %swap3A_1073 = tpu.vector_load %arg11[%swap3A_1070, %swap3A_1071, %swap3A_1072] {strides = array<i32>} : memref<2x80x64xf32, #tpu.memory_space<vmem>>, vector<1x1x16xf32>,
        %swap3A_1074 = vector.shape_cast %swap3A_1073 : vector<1x1x16xf32> to vector<16xf32>
        %swap3A_1075 = vector.shape_cast %max3A_1068 : vector<16xf32> to vector<1x1x16xf32>
        tpu.vector_store %arg11[%swap3A_1070, %swap3A_1071, %swap3A_1072], %swap3A_1075 {strides = array<i32>} : memref<2x80x64xf32, #tpu.memory_space<vmem>>, vector<1x1x16xf32>,
        %add3A_1076 = arith.addf %bitcast_convert_type3A_1060, %bitcast_convert_type3A_1064 : vector<16xf32>
        %max3A_1077 = arith.constant 0.000000e+00 : f32
        %max3A_1078 = vector.broadcast %max3A_1077 : f32 to vector<16xf32>
        %max3A_1079 = arith.maximumf %add3A_1076, %max3A_1078 : vector<16xf32>
        %swap3A_1080 = arith.constant 1 : i32
        %swap3A_1081 = arith.index_cast %swap3A_1080 : i32 to index
        %swap3A_1082 = arith.index_cast %scan3A_930 : i32 to index
        %swap3A_1083 = arith.constant 32 : index
        %swap3A_1084 = tpu.vector_load %arg12[%swap3A_1081, %swap3A_1082, %swap3A_1083] {strides = array<i32>} : memref<2x80x64xf32, #tpu.memory_space<vmem>>, vector<1x1x16xf32>,
        %swap3A_1085 = vector.shape_cast %swap3A_1084 : vector<1x1x16xf32> to vector<16xf32>
        %swap3A_1086 = vector.shape_cast %max3A_1079 : vector<16xf32> to vector<1x1x16xf32>
        tpu.vector_store %arg12[%swap3A_1081, %swap3A_1082, %swap3A_1083], %swap3A_1086 {strides = array<i32>} : memref<2x80x64xf32, #tpu.memory_space<vmem>>, vector<1x1x16xf32>,
        %get3A_1087 = arith.constant 1 : i32
        %get3A_1088 = arith.index_cast %get3A_1087 : i32 to index
        %get3A_1089 = arith.index_cast %scan3A_930 : i32 to index
        %get3A_1090 = arith.constant 48 : index
        %get3A_1091 = tpu.vector_load %arg11[%get3A_1088, %get3A_1089, %get3A_1090] {strides = array<i32>} : memref<2x80x64xf32, #tpu.memory_space<vmem>>, vector<1x1x16xf32>,
        %get3A_1092 = vector.shape_cast %get3A_1091 : vector<1x1x16xf32> to vector<16xf32>
        %bitcast_convert_type3A_1093 = tpu.bitcast %get3A_1092 : vector<16xf32> -> vector<16xi32>
        %get3A_1094 = arith.constant 1 : i32
        %get3A_1095 = arith.index_cast %get3A_1094 : i32 to index
        %get3A_1096 = arith.index_cast %scan3A_930 : i32 to index
        %get3A_1097 = arith.constant 48 : index
        %get3A_1098 = tpu.vector_load %arg12[%get3A_1095, %get3A_1096, %get3A_1097] {strides = array<i32>} : memref<2x80x64xf32, #tpu.memory_space<vmem>>, vector<1x1x16xf32>,
        %get3A_1099 = vector.shape_cast %get3A_1098 : vector<1x1x16xf32> to vector<16xf32>
        %bitcast_convert_type3A_1100 = tpu.bitcast %get3A_1099 : vector<16xf32> -> vector<16xi32>
        %shift_left3A_1101 = arith.constant 16 : i32
        %shift_left3A_1102 = vector.broadcast %shift_left3A_1101 : i32 to vector<16xi32>
        %shift_left3A_1103 = arith.shli %bitcast_convert_type3A_1093, %shift_left3A_1102 : vector<16xi32>
        %bitcast_convert_type3A_1104 = tpu.bitcast %shift_left3A_1103 : vector<16xi32> -> vector<16xf32>
        %shift_left3A_1105 = arith.constant 16 : i32
        %shift_left3A_1106 = vector.broadcast %shift_left3A_1105 : i32 to vector<16xi32>
        %shift_left3A_1107 = arith.shli %bitcast_convert_type3A_1100, %shift_left3A_1106 : vector<16xi32>
        %bitcast_convert_type3A_1108 = tpu.bitcast %shift_left3A_1107 : vector<16xi32> -> vector<16xf32>
        %and3A_1109 = arith.constant -65536 : i32
        %and3A_1110 = vector.broadcast %and3A_1109 : i32 to vector<16xi32>
        %and3A_1111 = arith.andi %bitcast_convert_type3A_1093, %and3A_1110 : vector<16xi32>
        %bitcast_convert_type3A_1112 = tpu.bitcast %and3A_1111 : vector<16xi32> -> vector<16xf32>
        %and3A_1113 = arith.constant -65536 : i32
        %and3A_1114 = vector.broadcast %and3A_1113 : i32 to vector<16xi32>
        %and3A_1115 = arith.andi %bitcast_convert_type3A_1100, %and3A_1114 : vector<16xi32>
        %bitcast_convert_type3A_1116 = tpu.bitcast %and3A_1115 : vector<16xi32> -> vector<16xf32>
        %add3A_1117 = arith.addf %bitcast_convert_type3A_1104, %bitcast_convert_type3A_1108 : vector<16xf32>
        %max3A_1118 = arith.constant 0.000000e+00 : f32
        %max3A_1119 = vector.broadcast %max3A_1118 : f32 to vector<16xf32>
        %max3A_1120 = arith.maximumf %add3A_1117, %max3A_1119 : vector<16xf32>
        %swap3A_1121 = arith.constant 1 : i32
        %swap3A_1122 = arith.index_cast %swap3A_1121 : i32 to index
        %swap3A_1123 = arith.index_cast %scan3A_930 : i32 to index
        %swap3A_1124 = arith.constant 48 : index
        %swap3A_1125 = tpu.vector_load %arg11[%swap3A_1122, %swap3A_1123, %swap3A_1124] {strides = array<i32>} : memref<2x80x64xf32, #tpu.memory_space<vmem>>, vector<1x1x16xf32>,
        %swap3A_1126 = vector.shape_cast %swap3A_1125 : vector<1x1x16xf32> to vector<16xf32>
        %swap3A_1127 = vector.shape_cast %max3A_1120 : vector<16xf32> to vector<1x1x16xf32>
        tpu.vector_store %arg11[%swap3A_1122, %swap3A_1123, %swap3A_1124], %swap3A_1127 {strides = array<i32>} : memref<2x80x64xf32, #tpu.memory_space<vmem>>, vector<1x1x16xf32>,
        %add3A_1128 = arith.addf %bitcast_convert_type3A_1112, %bitcast_convert_type3A_1116 : vector<16xf32>
        %max3A_1129 = arith.constant 0.000000e+00 : f32
        %max3A_1130 = vector.broadcast %max3A_1129 : f32 to vector<16xf32>
        %max3A_1131 = arith.maximumf %add3A_1128, %max3A_1130 : vector<16xf32>
        %swap3A_1132 = arith.constant 1 : i32
        %swap3A_1133 = arith.index_cast %swap3A_1132 : i32 to index
        %swap3A_1134 = arith.index_cast %scan3A_930 : i32 to index
        %swap3A_1135 = arith.constant 48 : index
        %swap3A_1136 = tpu.vector_load %arg12[%swap3A_1133, %swap3A_1134, %swap3A_1135] {strides = array<i32>} : memref<2x80x64xf32, #tpu.memory_space<vmem>>, vector<1x1x16xf32>,
        %swap3A_1137 = vector.shape_cast %swap3A_1136 : vector<1x1x16xf32> to vector<16xf32>
        %swap3A_1138 = vector.shape_cast %max3A_1131 : vector<16xf32> to vector<1x1x16xf32>
        tpu.vector_store %arg12[%swap3A_1133, %swap3A_1134, %swap3A_1135], %swap3A_1138 {strides = array<i32>} : memref<2x80x64xf32, #tpu.memory_space<vmem>>, vector<1x1x16xf32>,
        %scan3A_1139 = arith.constant 3 : i32
        %scan3A_1140 = arith.addi %scan3A_513, %scan3A_1139 : i32
        %get3A_1141 = arith.constant 1 : i32
        %get3A_1142 = arith.index_cast %get3A_1141 : i32 to index
        %get3A_1143 = arith.index_cast %scan3A_1140 : i32 to index
        %get3A_1144 = arith.constant 0 : index
        %get3A_1145 = tpu.vector_load %arg11[%get3A_1142, %get3A_1143, %get3A_1144] {strides = array<i32>} : memref<2x80x64xf32, #tpu.memory_space<vmem>>, vector<1x1x16xf32>,
        %get3A_1146 = vector.shape_cast %get3A_1145 : vector<1x1x16xf32> to vector<16xf32>
        %bitcast_convert_type3A_1147 = tpu.bitcast %get3A_1146 : vector<16xf32> -> vector<16xi32>
        %get3A_1148 = arith.constant 1 : i32
        %get3A_1149 = arith.index_cast %get3A_1148 : i32 to index
        %get3A_1150 = arith.index_cast %scan3A_1140 : i32 to index
        %get3A_1151 = arith.constant 0 : index
        %get3A_1152 = tpu.vector_load %arg12[%get3A_1149, %get3A_1150, %get3A_1151] {strides = array<i32>} : memref<2x80x64xf32, #tpu.memory_space<vmem>>, vector<1x1x16xf32>,
        %get3A_1153 = vector.shape_cast %get3A_1152 : vector<1x1x16xf32> to vector<16xf32>
        %bitcast_convert_type3A_1154 = tpu.bitcast %get3A_1153 : vector<16xf32> -> vector<16xi32>
        %shift_left3A_1155 = arith.constant 16 : i32
        %shift_left3A_1156 = vector.broadcast %shift_left3A_1155 : i32 to vector<16xi32>
        %shift_left3A_1157 = arith.shli %bitcast_convert_type3A_1147, %shift_left3A_1156 : vector<16xi32>
        %bitcast_convert_type3A_1158 = tpu.bitcast %shift_left3A_1157 : vector<16xi32> -> vector<16xf32>
        %shift_left3A_1159 = arith.constant 16 : i32
        %shift_left3A_1160 = vector.broadcast %shift_left3A_1159 : i32 to vector<16xi32>
        %shift_left3A_1161 = arith.shli %bitcast_convert_type3A_1154, %shift_left3A_1160 : vector<16xi32>
        %bitcast_convert_type3A_1162 = tpu.bitcast %shift_left3A_1161 : vector<16xi32> -> vector<16xf32>
        %and3A_1163 = arith.constant -65536 : i32
        %and3A_1164 = vector.broadcast %and3A_1163 : i32 to vector<16xi32>
        %and3A_1165 = arith.andi %bitcast_convert_type3A_1147, %and3A_1164 : vector<16xi32>
        %bitcast_convert_type3A_1166 = tpu.bitcast %and3A_1165 : vector<16xi32> -> vector<16xf32>
        %and3A_1167 = arith.constant -65536 : i32
        %and3A_1168 = vector.broadcast %and3A_1167 : i32 to vector<16xi32>
        %and3A_1169 = arith.andi %bitcast_convert_type3A_1154, %and3A_1168 : vector<16xi32>
        %bitcast_convert_type3A_1170 = tpu.bitcast %and3A_1169 : vector<16xi32> -> vector<16xf32>
        %add3A_1171 = arith.addf %bitcast_convert_type3A_1158, %bitcast_convert_type3A_1162 : vector<16xf32>
        %max3A_1172 = arith.constant 0.000000e+00 : f32
        %max3A_1173 = vector.broadcast %max3A_1172 : f32 to vector<16xf32>
        %max3A_1174 = arith.maximumf %add3A_1171, %max3A_1173 : vector<16xf32>
        %swap3A_1175 = arith.constant 1 : i32
        %swap3A_1176 = arith.index_cast %swap3A_1175 : i32 to index
        %swap3A_1177 = arith.index_cast %scan3A_1140 : i32 to index
        %swap3A_1178 = arith.constant 0 : index
        %swap3A_1179 = tpu.vector_load %arg11[%swap3A_1176, %swap3A_1177, %swap3A_1178] {strides = array<i32>} : memref<2x80x64xf32, #tpu.memory_space<vmem>>, vector<1x1x16xf32>,
        %swap3A_1180 = vector.shape_cast %swap3A_1179 : vector<1x1x16xf32> to vector<16xf32>
        %swap3A_1181 = vector.shape_cast %max3A_1174 : vector<16xf32> to vector<1x1x16xf32>
        tpu.vector_store %arg11[%swap3A_1176, %swap3A_1177, %swap3A_1178], %swap3A_1181 {strides = array<i32>} : memref<2x80x64xf32, #tpu.memory_space<vmem>>, vector<1x1x16xf32>,
        %add3A_1182 = arith.addf %bitcast_convert_type3A_1166, %bitcast_convert_type3A_1170 : vector<16xf32>
        %max3A_1183 = arith.constant 0.000000e+00 : f32
        %max3A_1184 = vector.broadcast %max3A_1183 : f32 to vector<16xf32>
        %max3A_1185 = arith.maximumf %add3A_1182, %max3A_1184 : vector<16xf32>
        %swap3A_1186 = arith.constant 1 : i32
        %swap3A_1187 = arith.index_cast %swap3A_1186 : i32 to index
        %swap3A_1188 = arith.index_cast %scan3A_1140 : i32 to index
        %swap3A_1189 = arith.constant 0 : index
        %swap3A_1190 = tpu.vector_load %arg12[%swap3A_1187, %swap3A_1188, %swap3A_1189] {strides = array<i32>} : memref<2x80x64xf32, #tpu.memory_space<vmem>>, vector<1x1x16xf32>,
        %swap3A_1191 = vector.shape_cast %swap3A_1190 : vector<1x1x16xf32> to vector<16xf32>
        %swap3A_1192 = vector.shape_cast %max3A_1185 : vector<16xf32> to vector<1x1x16xf32>
        tpu.vector_store %arg12[%swap3A_1187, %swap3A_1188, %swap3A_1189], %swap3A_1192 {strides = array<i32>} : memref<2x80x64xf32, #tpu.memory_space<vmem>>, vector<1x1x16xf32>,
        %get3A_1193 = arith.constant 1 : i32
        %get3A_1194 = arith.index_cast %get3A_1193 : i32 to index
        %get3A_1195 = arith.index_cast %scan3A_1140 : i32 to index
        %get3A_1196 = arith.constant 16 : index
        %get3A_1197 = tpu.vector_load %arg11[%get3A_1194, %get3A_1195, %get3A_1196] {strides = array<i32>} : memref<2x80x64xf32, #tpu.memory_space<vmem>>, vector<1x1x16xf32>,
        %get3A_1198 = vector.shape_cast %get3A_1197 : vector<1x1x16xf32> to vector<16xf32>
        %bitcast_convert_type3A_1199 = tpu.bitcast %get3A_1198 : vector<16xf32> -> vector<16xi32>
        %get3A_1200 = arith.constant 1 : i32
        %get3A_1201 = arith.index_cast %get3A_1200 : i32 to index
        %get3A_1202 = arith.index_cast %scan3A_1140 : i32 to index
        %get3A_1203 = arith.constant 16 : index
        %get3A_1204 = tpu.vector_load %arg12[%get3A_1201, %get3A_1202, %get3A_1203] {strides = array<i32>} : memref<2x80x64xf32, #tpu.memory_space<vmem>>, vector<1x1x16xf32>,
        %get3A_1205 = vector.shape_cast %get3A_1204 : vector<1x1x16xf32> to vector<16xf32>
        %bitcast_convert_type3A_1206 = tpu.bitcast %get3A_1205 : vector<16xf32> -> vector<16xi32>
        %shift_left3A_1207 = arith.constant 16 : i32
        %shift_left3A_1208 = vector.broadcast %shift_left3A_1207 : i32 to vector<16xi32>
        %shift_left3A_1209 = arith.shli %bitcast_convert_type3A_1199, %shift_left3A_1208 : vector<16xi32>
        %bitcast_convert_type3A_1210 = tpu.bitcast %shift_left3A_1209 : vector<16xi32> -> vector<16xf32>
        %shift_left3A_1211 = arith.constant 16 : i32
        %shift_left3A_1212 = vector.broadcast %shift_left3A_1211 : i32 to vector<16xi32>
        %shift_left3A_1213 = arith.shli %bitcast_convert_type3A_1206, %shift_left3A_1212 : vector<16xi32>
        %bitcast_convert_type3A_1214 = tpu.bitcast %shift_left3A_1213 : vector<16xi32> -> vector<16xf32>
        %and3A_1215 = arith.constant -65536 : i32
        %and3A_1216 = vector.broadcast %and3A_1215 : i32 to vector<16xi32>
        %and3A_1217 = arith.andi %bitcast_convert_type3A_1199, %and3A_1216 : vector<16xi32>
        %bitcast_convert_type3A_1218 = tpu.bitcast %and3A_1217 : vector<16xi32> -> vector<16xf32>
        %and3A_1219 = arith.constant -65536 : i32
        %and3A_1220 = vector.broadcast %and3A_1219 : i32 to vector<16xi32>
        %and3A_1221 = arith.andi %bitcast_convert_type3A_1206, %and3A_1220 : vector<16xi32>
        %bitcast_convert_type3A_1222 = tpu.bitcast %and3A_1221 : vector<16xi32> -> vector<16xf32>
        %add3A_1223 = arith.addf %bitcast_convert_type3A_1210, %bitcast_convert_type3A_1214 : vector<16xf32>
        %max3A_1224 = arith.constant 0.000000e+00 : f32
        %max3A_1225 = vector.broadcast %max3A_1224 : f32 to vector<16xf32>
        %max3A_1226 = arith.maximumf %add3A_1223, %max3A_1225 : vector<16xf32>
        %swap3A_1227 = arith.constant 1 : i32
        %swap3A_1228 = arith.index_cast %swap3A_1227 : i32 to index
        %swap3A_1229 = arith.index_cast %scan3A_1140 : i32 to index
        %swap3A_1230 = arith.constant 16 : index
        %swap3A_1231 = tpu.vector_load %arg11[%swap3A_1228, %swap3A_1229, %swap3A_1230] {strides = array<i32>} : memref<2x80x64xf32, #tpu.memory_space<vmem>>, vector<1x1x16xf32>,
        %swap3A_1232 = vector.shape_cast %swap3A_1231 : vector<1x1x16xf32> to vector<16xf32>
        %swap3A_1233 = vector.shape_cast %max3A_1226 : vector<16xf32> to vector<1x1x16xf32>
        tpu.vector_store %arg11[%swap3A_1228, %swap3A_1229, %swap3A_1230], %swap3A_1233 {strides = array<i32>} : memref<2x80x64xf32, #tpu.memory_space<vmem>>, vector<1x1x16xf32>,
        %add3A_1234 = arith.addf %bitcast_convert_type3A_1218, %bitcast_convert_type3A_1222 : vector<16xf32>
        %max3A_1235 = arith.constant 0.000000e+00 : f32
        %max3A_1236 = vector.broadcast %max3A_1235 : f32 to vector<16xf32>
        %max3A_1237 = arith.maximumf %add3A_1234, %max3A_1236 : vector<16xf32>
        %swap3A_1238 = arith.constant 1 : i32
        %swap3A_1239 = arith.index_cast %swap3A_1238 : i32 to index
        %swap3A_1240 = arith.index_cast %scan3A_1140 : i32 to index
        %swap3A_1241 = arith.constant 16 : index
        %swap3A_1242 = tpu.vector_load %arg12[%swap3A_1239, %swap3A_1240, %swap3A_1241] {strides = array<i32>} : memref<2x80x64xf32, #tpu.memory_space<vmem>>, vector<1x1x16xf32>,
        %swap3A_1243 = vector.shape_cast %swap3A_1242 : vector<1x1x16xf32> to vector<16xf32>
        %swap3A_1244 = vector.shape_cast %max3A_1237 : vector<16xf32> to vector<1x1x16xf32>
        tpu.vector_store %arg12[%swap3A_1239, %swap3A_1240, %swap3A_1241], %swap3A_1244 {strides = array<i32>} : memref<2x80x64xf32, #tpu.memory_space<vmem>>, vector<1x1x16xf32>,
        %get3A_1245 = arith.constant 1 : i32
        %get3A_1246 = arith.index_cast %get3A_1245 : i32 to index
        %get3A_1247 = arith.index_cast %scan3A_1140 : i32 to index
        %get3A_1248 = arith.constant 32 : index
        %get3A_1249 = tpu.vector_load %arg11[%get3A_1246, %get3A_1247, %get3A_1248] {strides = array<i32>} : memref<2x80x64xf32, #tpu.memory_space<vmem>>, vector<1x1x16xf32>,
        %get3A_1250 = vector.shape_cast %get3A_1249 : vector<1x1x16xf32> to vector<16xf32>
        %bitcast_convert_type3A_1251 = tpu.bitcast %get3A_1250 : vector<16xf32> -> vector<16xi32>
        %get3A_1252 = arith.constant 1 : i32
        %get3A_1253 = arith.index_cast %get3A_1252 : i32 to index
        %get3A_1254 = arith.index_cast %scan3A_1140 : i32 to index
        %get3A_1255 = arith.constant 32 : index
        %get3A_1256 = tpu.vector_load %arg12[%get3A_1253, %get3A_1254, %get3A_1255] {strides = array<i32>} : memref<2x80x64xf32, #tpu.memory_space<vmem>>, vector<1x1x16xf32>,
        %get3A_1257 = vector.shape_cast %get3A_1256 : vector<1x1x16xf32> to vector<16xf32>
        %bitcast_convert_type3A_1258 = tpu.bitcast %get3A_1257 : vector<16xf32> -> vector<16xi32>
        %shift_left3A_1259 = arith.constant 16 : i32
        %shift_left3A_1260 = vector.broadcast %shift_left3A_1259 : i32 to vector<16xi32>
        %shift_left3A_1261 = arith.shli %bitcast_convert_type3A_1251, %shift_left3A_1260 : vector<16xi32>
        %bitcast_convert_type3A_1262 = tpu.bitcast %shift_left3A_1261 : vector<16xi32> -> vector<16xf32>
        %shift_left3A_1263 = arith.constant 16 : i32
        %shift_left3A_1264 = vector.broadcast %shift_left3A_1263 : i32 to vector<16xi32>
        %shift_left3A_1265 = arith.shli %bitcast_convert_type3A_1258, %shift_left3A_1264 : vector<16xi32>
        %bitcast_convert_type3A_1266 = tpu.bitcast %shift_left3A_1265 : vector<16xi32> -> vector<16xf32>
        %and3A_1267 = arith.constant -65536 : i32
        %and3A_1268 = vector.broadcast %and3A_1267 : i32 to vector<16xi32>
        %and3A_1269 = arith.andi %bitcast_convert_type3A_1251, %and3A_1268 : vector<16xi32>
        %bitcast_convert_type3A_1270 = tpu.bitcast %and3A_1269 : vector<16xi32> -> vector<16xf32>
        %and3A_1271 = arith.constant -65536 : i32
        %and3A_1272 = vector.broadcast %and3A_1271 : i32 to vector<16xi32>
        %and3A_1273 = arith.andi %bitcast_convert_type3A_1258, %and3A_1272 : vector<16xi32>
        %bitcast_convert_type3A_1274 = tpu.bitcast %and3A_1273 : vector<16xi32> -> vector<16xf32>
        %add3A_1275 = arith.addf %bitcast_convert_type3A_1262, %bitcast_convert_type3A_1266 : vector<16xf32>
        %max3A_1276 = arith.constant 0.000000e+00 : f32
        %max3A_1277 = vector.broadcast %max3A_1276 : f32 to vector<16xf32>
        %max3A_1278 = arith.maximumf %add3A_1275, %max3A_1277 : vector<16xf32>
        %swap3A_1279 = arith.constant 1 : i32
        %swap3A_1280 = arith.index_cast %swap3A_1279 : i32 to index
        %swap3A_1281 = arith.index_cast %scan3A_1140 : i32 to index
        %swap3A_1282 = arith.constant 32 : index
        %swap3A_1283 = tpu.vector_load %arg11[%swap3A_1280, %swap3A_1281, %swap3A_1282] {strides = array<i32>} : memref<2x80x64xf32, #tpu.memory_space<vmem>>, vector<1x1x16xf32>,
        %swap3A_1284 = vector.shape_cast %swap3A_1283 : vector<1x1x16xf32> to vector<16xf32>
        %swap3A_1285 = vector.shape_cast %max3A_1278 : vector<16xf32> to vector<1x1x16xf32>
        tpu.vector_store %arg11[%swap3A_1280, %swap3A_1281, %swap3A_1282], %swap3A_1285 {strides = array<i32>} : memref<2x80x64xf32, #tpu.memory_space<vmem>>, vector<1x1x16xf32>,
        %add3A_1286 = arith.addf %bitcast_convert_type3A_1270, %bitcast_convert_type3A_1274 : vector<16xf32>
        %max3A_1287 = arith.constant 0.000000e+00 : f32
        %max3A_1288 = vector.broadcast %max3A_1287 : f32 to vector<16xf32>
        %max3A_1289 = arith.maximumf %add3A_1286, %max3A_1288 : vector<16xf32>
        %swap3A_1290 = arith.constant 1 : i32
        %swap3A_1291 = arith.index_cast %swap3A_1290 : i32 to index
        %swap3A_1292 = arith.index_cast %scan3A_1140 : i32 to index
        %swap3A_1293 = arith.constant 32 : index
        %swap3A_1294 = tpu.vector_load %arg12[%swap3A_1291, %swap3A_1292, %swap3A_1293] {strides = array<i32>} : memref<2x80x64xf32, #tpu.memory_space<vmem>>, vector<1x1x16xf32>,
        %swap3A_1295 = vector.shape_cast %swap3A_1294 : vector<1x1x16xf32> to vector<16xf32>
        %swap3A_1296 = vector.shape_cast %max3A_1289 : vector<16xf32> to vector<1x1x16xf32>
        tpu.vector_store %arg12[%swap3A_1291, %swap3A_1292, %swap3A_1293], %swap3A_1296 {strides = array<i32>} : memref<2x80x64xf32, #tpu.memory_space<vmem>>, vector<1x1x16xf32>,
        %get3A_1297 = arith.constant 1 : i32
        %get3A_1298 = arith.index_cast %get3A_1297 : i32 to index
        %get3A_1299 = arith.index_cast %scan3A_1140 : i32 to index
        %get3A_1300 = arith.constant 48 : index
        %get3A_1301 = tpu.vector_load %arg11[%get3A_1298, %get3A_1299, %get3A_1300] {strides = array<i32>} : memref<2x80x64xf32, #tpu.memory_space<vmem>>, vector<1x1x16xf32>,
        %get3A_1302 = vector.shape_cast %get3A_1301 : vector<1x1x16xf32> to vector<16xf32>
        %bitcast_convert_type3A_1303 = tpu.bitcast %get3A_1302 : vector<16xf32> -> vector<16xi32>
        %get3A_1304 = arith.constant 1 : i32
        %get3A_1305 = arith.index_cast %get3A_1304 : i32 to index
        %get3A_1306 = arith.index_cast %scan3A_1140 : i32 to index
        %get3A_1307 = arith.constant 48 : index
        %get3A_1308 = tpu.vector_load %arg12[%get3A_1305, %get3A_1306, %get3A_1307] {strides = array<i32>} : memref<2x80x64xf32, #tpu.memory_space<vmem>>, vector<1x1x16xf32>,
        %get3A_1309 = vector.shape_cast %get3A_1308 : vector<1x1x16xf32> to vector<16xf32>
        %bitcast_convert_type3A_1310 = tpu.bitcast %get3A_1309 : vector<16xf32> -> vector<16xi32>
        %shift_left3A_1311 = arith.constant 16 : i32
        %shift_left3A_1312 = vector.broadcast %shift_left3A_1311 : i32 to vector<16xi32>
        %shift_left3A_1313 = arith.shli %bitcast_convert_type3A_1303, %shift_left3A_1312 : vector<16xi32>
        %bitcast_convert_type3A_1314 = tpu.bitcast %shift_left3A_1313 : vector<16xi32> -> vector<16xf32>
        %shift_left3A_1315 = arith.constant 16 : i32
        %shift_left3A_1316 = vector.broadcast %shift_left3A_1315 : i32 to vector<16xi32>
        %shift_left3A_1317 = arith.shli %bitcast_convert_type3A_1310, %shift_left3A_1316 : vector<16xi32>
        %bitcast_convert_type3A_1318 = tpu.bitcast %shift_left3A_1317 : vector<16xi32> -> vector<16xf32>
        %and3A_1319 = arith.constant -65536 : i32
        %and3A_1320 = vector.broadcast %and3A_1319 : i32 to vector<16xi32>
        %and3A_1321 = arith.andi %bitcast_convert_type3A_1303, %and3A_1320 : vector<16xi32>
        %bitcast_convert_type3A_1322 = tpu.bitcast %and3A_1321 : vector<16xi32> -> vector<16xf32>
        %and3A_1323 = arith.constant -65536 : i32
        %and3A_1324 = vector.broadcast %and3A_1323 : i32 to vector<16xi32>
        %and3A_1325 = arith.andi %bitcast_convert_type3A_1310, %and3A_1324 : vector<16xi32>
        %bitcast_convert_type3A_1326 = tpu.bitcast %and3A_1325 : vector<16xi32> -> vector<16xf32>
        %add3A_1327 = arith.addf %bitcast_convert_type3A_1314, %bitcast_convert_type3A_1318 : vector<16xf32>
        %max3A_1328 = arith.constant 0.000000e+00 : f32
        %max3A_1329 = vector.broadcast %max3A_1328 : f32 to vector<16xf32>
        %max3A_1330 = arith.maximumf %add3A_1327, %max3A_1329 : vector<16xf32>
        %swap3A_1331 = arith.constant 1 : i32
        %swap3A_1332 = arith.index_cast %swap3A_1331 : i32 to index
        %swap3A_1333 = arith.index_cast %scan3A_1140 : i32 to index
        %swap3A_1334 = arith.constant 48 : index
        %swap3A_1335 = tpu.vector_load %arg11[%swap3A_1332, %swap3A_1333, %swap3A_1334] {strides = array<i32>} : memref<2x80x64xf32, #tpu.memory_space<vmem>>, vector<1x1x16xf32>,
        %swap3A_1336 = vector.shape_cast %swap3A_1335 : vector<1x1x16xf32> to vector<16xf32>
        %swap3A_1337 = vector.shape_cast %max3A_1330 : vector<16xf32> to vector<1x1x16xf32>
        tpu.vector_store %arg11[%swap3A_1332, %swap3A_1333, %swap3A_1334], %swap3A_1337 {strides = array<i32>} : memref<2x80x64xf32, #tpu.memory_space<vmem>>, vector<1x1x16xf32>,
        %add3A_1338 = arith.addf %bitcast_convert_type3A_1322, %bitcast_convert_type3A_1326 : vector<16xf32>
        %max3A_1339 = arith.constant 0.000000e+00 : f32
        %max3A_1340 = vector.broadcast %max3A_1339 : f32 to vector<16xf32>
        %max3A_1341 = arith.maximumf %add3A_1338, %max3A_1340 : vector<16xf32>
        %swap3A_1342 = arith.constant 1 : i32
        %swap3A_1343 = arith.index_cast %swap3A_1342 : i32 to index
        %swap3A_1344 = arith.index_cast %scan3A_1140 : i32 to index
        %swap3A_1345 = arith.constant 48 : index
        %swap3A_1346 = tpu.vector_load %arg12[%swap3A_1343, %swap3A_1344, %swap3A_1345] {strides = array<i32>} : memref<2x80x64xf32, #tpu.memory_space<vmem>>, vector<1x1x16xf32>,
        %swap3A_1347 = vector.shape_cast %swap3A_1346 : vector<1x1x16xf32> to vector<16xf32>
        %swap3A_1348 = vector.shape_cast %max3A_1341 : vector<16xf32> to vector<1x1x16xf32>
        tpu.vector_store %arg12[%swap3A_1343, %swap3A_1344, %swap3A_1345], %swap3A_1348 {strides = array<i32>} : memref<2x80x64xf32, #tpu.memory_space<vmem>>, vector<1x1x16xf32>,
      }
      %scan3A_488 = arith.constant 80 : i32
      %dma_start3A_489 = arith.constant 1 : i32
      %dma_start3A_490 = arith.constant 1 : i32
      %dma_start3A_491 = arith.constant 0 : i32
      %dma_start3A_492 = arith.constant 0 : i32
      %dma_start3A_493 = tpu.memref_slice %arg11[%dma_start3A_489, %dma_start3A_491, %dma_start3A_492] : memref<2x80x64xf32, #tpu.memory_space<vmem>> -> memref<1x80x64xf32, #tpu.memory_space<vmem>>
      %dma_start3A_494 = tpu.memref_squeeze %dma_start3A_493 : memref<1x80x64xf32, #tpu.memory_space<vmem>> -> memref<80x64xf32, #tpu.memory_space<vmem>>
      %dma_start3A_495 = arith.constant 0 : i32
      %dma_start3A_496 = tpu.memref_slice %arg10[%dma_start3A_490, %dma_start3A_495] : memref<2x80xi32, #tpu.memory_space<vmem>> -> memref<1x80xi32, #tpu.memory_space<vmem>>
      %dma_start3A_497 = tpu.memref_squeeze %dma_start3A_496 : memref<1x80xi32, #tpu.memory_space<vmem>> -> memref<80xi32, #tpu.memory_space<vmem>>
      %dma_start3A_498 = arith.constant 0 : i32
      %dma_start3A_499 = arith.constant 0 : i32
      %dma_start3A_500 = tpu.memref_slice %arg13[%dma_start3A_498, %dma_start3A_499] : memref<10240x64xf32, #tpu.memory_space<vmem_shared>> -> memref<10240x64xf32, #tpu.memory_space<vmem_shared>>
      tpu.enqueue_indirect_dma source(%dma_start3A_494 : memref<80x64xf32, #tpu.memory_space<vmem>>) target(%dma_start3A_500 : memref<10240x64xf32, #tpu.memory_space<vmem_shared>>) offsets(%dma_start3A_497 : memref<80xi32, #tpu.memory_space<vmem>>) semaphore(%arg24 : memref<!tpu.dma_semaphore, #tpu.memory_space<semaphore_mem>>) {add = true}
      %dma_start3A_501 = arith.constant 1 : i32
      %dma_start3A_502 = arith.constant 1 : i32
      %dma_start3A_503 = arith.constant 0 : i32
      %dma_start3A_504 = arith.constant 0 : i32
      %dma_start3A_505 = tpu.memref_slice %arg12[%dma_start3A_501, %dma_start3A_503, %dma_start3A_504] : memref<2x80x64xf32, #tpu.memory_space<vmem>> -> memref<1x80x64xf32, #tpu.memory_space<vmem>>
      %dma_start3A_506 = tpu.memref_squeeze %dma_start3A_505 : memref<1x80x64xf32, #tpu.memory_space<vmem>> -> memref<80x64xf32, #tpu.memory_space<vmem>>
      %dma_start3A_507 = arith.constant 0 : i32
      %dma_start3A_508 = tpu.memref_slice %arg10[%dma_start3A_502, %dma_start3A_507] : memref<2x80xi32, #tpu.memory_space<vmem>> -> memref<1x80xi32, #tpu.memory_space<vmem>>
      %dma_start3A_509 = tpu.memref_squeeze %dma_start3A_508 : memref<1x80xi32, #tpu.memory_space<vmem>> -> memref<80xi32, #tpu.memory_space<vmem>>
      %dma_start3A_510 = arith.constant 0 : i32
      %dma_start3A_511 = arith.constant 0 : i32
      %dma_start3A_512 = tpu.memref_slice %arg14[%dma_start3A_510, %dma_start3A_511] : memref<10240x64xf32, #tpu.memory_space<vmem_shared>> -> memref<10240x64xf32, #tpu.memory_space<vmem_shared>>
      tpu.enqueue_indirect_dma source(%dma_start3A_506 : memref<80x64xf32, #tpu.memory_space<vmem>>) target(%dma_start3A_512 : memref<10240x64xf32, #tpu.memory_space<vmem_shared>>) offsets(%dma_start3A_509 : memref<80xi32, #tpu.memory_space<vmem>>) semaphore(%arg24 : memref<!tpu.dma_semaphore, #tpu.memory_space<semaphore_mem>>) {add = true}
    }
    %scan3A_94 = arith.constant 62 : i32
    %ge3A = arith.constant 124 : i32
    %ge3A_95 = arith.constant 1 : i32
    %ge3A_96 = arith.cmpi sge, %ge3A, %ge3A_95 : i32
    %convert_element_type3A = arith.extui %ge3A_96 : i1 to i32
    %cond3A = arith.constant 0 : i32
    %cond3A_97 = arith.cmpi ne, %convert_element_type3A, %cond3A : i32
    scf.if %cond3A_97 {
      %dma_wait3A_218 = arith.constant 1 : i32
      %dma_wait3A_219 = arith.constant 0 : i32
      %dma_wait3A_220 = arith.constant 0 : i32
      %dma_wait3A_221 = tpu.memref_slice %arg11[%dma_wait3A_218, %dma_wait3A_219, %dma_wait3A_220] : memref<2x80x64xf32, #tpu.memory_space<vmem>> -> memref<1x80x64xf32, #tpu.memory_space<vmem>>
      %dma_wait3A_222 = tpu.memref_squeeze %dma_wait3A_221 : memref<1x80x64xf32, #tpu.memory_space<vmem>> -> memref<80x64xf32, #tpu.memory_space<vmem>>
      %dma_wait3A_223 = arith.constant 0 : i32
      %dma_wait3A_224 = arith.constant 0 : i32
      %dma_wait3A_225 = tpu.memref_slice %arg2[%dma_wait3A_223, %dma_wait3A_224] : memref<10000x64xf32, #tpu.memory_space<hbm>> -> memref<80x64xf32, #tpu.memory_space<hbm>>
      %dma_wait3A_226 = arith.constant 0 : i32
      %dma_wait3A_227 = arith.constant 0 : i32
      %dma_wait3A_228 = tpu.memref_slice %arg11[%dma_wait3A_218, %dma_wait3A_226, %dma_wait3A_227] : memref<2x80x64xf32, #tpu.memory_space<vmem>> -> memref<1x80x64xf32, #tpu.memory_space<vmem>>
      %dma_wait3A_229 = tpu.memref_squeeze %dma_wait3A_228 : memref<1x80x64xf32, #tpu.memory_space<vmem>> -> memref<80x64xf32, #tpu.memory_space<vmem>>
      %dma_wait3A_230 = arith.constant 0 : i32
      %dma_wait3A_231 = arith.constant 0 : i32
      %dma_wait3A_232 = tpu.memref_slice %arg2[%dma_wait3A_230, %dma_wait3A_231] : memref<10000x64xf32, #tpu.memory_space<hbm>> -> memref<80x64xf32, #tpu.memory_space<hbm>>
      tpu.wait_dma2 semaphore(%arg24 : memref<!tpu.dma_semaphore, #tpu.memory_space<semaphore_mem>>) src(%dma_wait3A_232 : memref<80x64xf32, #tpu.memory_space<hbm>>) dst(%dma_wait3A_229 : memref<80x64xf32, #tpu.memory_space<vmem>>)
      %dma_wait3A_233 = arith.constant 1 : i32
      %dma_wait3A_234 = arith.constant 0 : i32
      %dma_wait3A_235 = arith.constant 0 : i32
      %dma_wait3A_236 = tpu.memref_slice %arg12[%dma_wait3A_233, %dma_wait3A_234, %dma_wait3A_235] : memref<2x80x64xf32, #tpu.memory_space<vmem>> -> memref<1x80x64xf32, #tpu.memory_space<vmem>>
      %dma_wait3A_237 = tpu.memref_squeeze %dma_wait3A_236 : memref<1x80x64xf32, #tpu.memory_space<vmem>> -> memref<80x64xf32, #tpu.memory_space<vmem>>
      %dma_wait3A_238 = arith.constant 0 : i32
      %dma_wait3A_239 = arith.constant 0 : i32
      %dma_wait3A_240 = tpu.memref_slice %arg2[%dma_wait3A_238, %dma_wait3A_239] : memref<10000x64xf32, #tpu.memory_space<hbm>> -> memref<80x64xf32, #tpu.memory_space<hbm>>
      %dma_wait3A_241 = arith.constant 0 : i32
      %dma_wait3A_242 = arith.constant 0 : i32
      %dma_wait3A_243 = tpu.memref_slice %arg12[%dma_wait3A_233, %dma_wait3A_241, %dma_wait3A_242] : memref<2x80x64xf32, #tpu.memory_space<vmem>> -> memref<1x80x64xf32, #tpu.memory_space<vmem>>
      %dma_wait3A_244 = tpu.memref_squeeze %dma_wait3A_243 : memref<1x80x64xf32, #tpu.memory_space<vmem>> -> memref<80x64xf32, #tpu.memory_space<vmem>>
      %dma_wait3A_245 = arith.constant 0 : i32
      %dma_wait3A_246 = arith.constant 0 : i32
      %dma_wait3A_247 = tpu.memref_slice %arg2[%dma_wait3A_245, %dma_wait3A_246] : memref<10000x64xf32, #tpu.memory_space<hbm>> -> memref<80x64xf32, #tpu.memory_space<hbm>>
      tpu.wait_dma2 semaphore(%arg24 : memref<!tpu.dma_semaphore, #tpu.memory_space<semaphore_mem>>) src(%dma_wait3A_247 : memref<80x64xf32, #tpu.memory_space<hbm>>) dst(%dma_wait3A_244 : memref<80x64xf32, #tpu.memory_space<vmem>>)
    } else {
    }
    %ge3A_98 = arith.constant 124 : i32
    %ge3A_99 = arith.constant 1 : i32
    %ge3A_100 = arith.cmpi sge, %ge3A_98, %ge3A_99 : i32
    %add3A_101 = arith.constant 124 : i32
    %add3A_102 = arith.constant 1 : i32
    %add3A_103 = arith.addi %add3A_101, %add3A_102 : i32
    %lt3A = arith.constant 125 : i32
    %lt3A_104 = arith.cmpi slt, %add3A_103, %lt3A : i32
    %and3A = arith.andi %ge3A_100, %lt3A_104 : i1
    %convert_element_type3A_105 = arith.extui %and3A : i1 to i32
    %cond3A_106 = arith.constant 0 : i32
    %cond3A_107 = arith.cmpi ne, %convert_element_type3A_105, %cond3A_106 : i32
    scf.if %cond3A_107 {
      %dma_wait3A_218 = arith.constant 1 : i32
      %dma_wait3A_219 = arith.constant 0 : i32
      %dma_wait3A_220 = tpu.memref_slice %arg8[%dma_wait3A_218, %dma_wait3A_219] : memref<2x80xi32, #tpu.memory_space<vmem>> -> memref<1x80xi32, #tpu.memory_space<vmem>>
      %dma_wait3A_221 = tpu.memref_squeeze %dma_wait3A_220 : memref<1x80xi32, #tpu.memory_space<vmem>> -> memref<80xi32, #tpu.memory_space<vmem>>
      %dma_wait3A_222 = arith.constant 0 : i32
      %dma_wait3A_223 = tpu.memref_slice %arg4[%dma_wait3A_222] : memref<320000xi32, #tpu.memory_space<hbm>> -> memref<80xi32, #tpu.memory_space<hbm>>
      %dma_wait3A_224 = arith.constant 0 : i32
      %dma_wait3A_225 = tpu.memref_slice %arg8[%dma_wait3A_218, %dma_wait3A_224] : memref<2x80xi32, #tpu.memory_space<vmem>> -> memref<1x80xi32, #tpu.memory_space<vmem>>
      %dma_wait3A_226 = tpu.memref_squeeze %dma_wait3A_225 : memref<1x80xi32, #tpu.memory_space<vmem>> -> memref<80xi32, #tpu.memory_space<vmem>>
      %dma_wait3A_227 = arith.constant 0 : i32
      %dma_wait3A_228 = tpu.memref_slice %arg4[%dma_wait3A_227] : memref<320000xi32, #tpu.memory_space<hbm>> -> memref<80xi32, #tpu.memory_space<hbm>>
      tpu.wait_dma2 semaphore(%arg20 : memref<!tpu.dma_semaphore, #tpu.memory_space<semaphore_mem>>) src(%dma_wait3A_228 : memref<80xi32, #tpu.memory_space<hbm>>) dst(%dma_wait3A_226 : memref<80xi32, #tpu.memory_space<vmem>>)
      %dma_wait3A_229 = arith.constant 1 : i32
      %dma_wait3A_230 = arith.constant 0 : i32
      %dma_wait3A_231 = tpu.memref_slice %arg9[%dma_wait3A_229, %dma_wait3A_230] : memref<2x80xi32, #tpu.memory_space<vmem>> -> memref<1x80xi32, #tpu.memory_space<vmem>>
      %dma_wait3A_232 = tpu.memref_squeeze %dma_wait3A_231 : memref<1x80xi32, #tpu.memory_space<vmem>> -> memref<80xi32, #tpu.memory_space<vmem>>
      %dma_wait3A_233 = arith.constant 0 : i32
      %dma_wait3A_234 = tpu.memref_slice %arg4[%dma_wait3A_233] : memref<320000xi32, #tpu.memory_space<hbm>> -> memref<80xi32, #tpu.memory_space<hbm>>
      %dma_wait3A_235 = arith.constant 0 : i32
      %dma_wait3A_236 = tpu.memref_slice %arg9[%dma_wait3A_229, %dma_wait3A_235] : memref<2x80xi32, #tpu.memory_space<vmem>> -> memref<1x80xi32, #tpu.memory_space<vmem>>
      %dma_wait3A_237 = tpu.memref_squeeze %dma_wait3A_236 : memref<1x80xi32, #tpu.memory_space<vmem>> -> memref<80xi32, #tpu.memory_space<vmem>>
      %dma_wait3A_238 = arith.constant 0 : i32
      %dma_wait3A_239 = tpu.memref_slice %arg4[%dma_wait3A_238] : memref<320000xi32, #tpu.memory_space<hbm>> -> memref<80xi32, #tpu.memory_space<hbm>>
      tpu.wait_dma2 semaphore(%arg22 : memref<!tpu.dma_semaphore, #tpu.memory_space<semaphore_mem>>) src(%dma_wait3A_239 : memref<80xi32, #tpu.memory_space<hbm>>) dst(%dma_wait3A_237 : memref<80xi32, #tpu.memory_space<vmem>>)
    } else {
    }
    %add3A_108 = arith.constant 124 : i32
    %add3A_109 = arith.constant 1 : i32
    %add3A_110 = arith.addi %add3A_108, %add3A_109 : i32
    %lt3A_111 = arith.constant 125 : i32
    %lt3A_112 = arith.cmpi slt, %add3A_110, %lt3A_111 : i32
    %convert_element_type3A_113 = arith.extui %lt3A_112 : i1 to i32
    %cond3A_114 = arith.constant 0 : i32
    %cond3A_115 = arith.cmpi ne, %convert_element_type3A_113, %cond3A_114 : i32
    scf.if %cond3A_115 {
      %dma_start3A_218 = arith.constant 1 : i32
      %dma_start3A_219 = arith.constant 1 : i32
      %dma_start3A_220 = arith.constant 0 : i32
      %dma_start3A_221 = arith.constant 0 : i32
      %dma_start3A_222 = tpu.memref_slice %arg11[%dma_start3A_219, %dma_start3A_220, %dma_start3A_221] : memref<2x80x64xf32, #tpu.memory_space<vmem>> -> memref<1x80x64xf32, #tpu.memory_space<vmem>>
      %dma_start3A_223 = tpu.memref_squeeze %dma_start3A_222 : memref<1x80x64xf32, #tpu.memory_space<vmem>> -> memref<80x64xf32, #tpu.memory_space<vmem>>
      %dma_start3A_224 = arith.constant 0 : i32
      %dma_start3A_225 = tpu.memref_slice %arg8[%dma_start3A_218, %dma_start3A_224] : memref<2x80xi32, #tpu.memory_space<vmem>> -> memref<1x80xi32, #tpu.memory_space<vmem>>
      %dma_start3A_226 = tpu.memref_squeeze %dma_start3A_225 : memref<1x80xi32, #tpu.memory_space<vmem>> -> memref<80xi32, #tpu.memory_space<vmem>>
      %dma_start3A_227 = arith.constant 0 : i32
      %dma_start3A_228 = arith.constant 0 : i32
      %dma_start3A_229 = tpu.memref_slice %arg2[%dma_start3A_227, %dma_start3A_228] : memref<10000x64xf32, #tpu.memory_space<hbm>> -> memref<10000x64xf32, #tpu.memory_space<hbm>>
      tpu.enqueue_indirect_dma source(%dma_start3A_229 : memref<10000x64xf32, #tpu.memory_space<hbm>>) target(%dma_start3A_223 : memref<80x64xf32, #tpu.memory_space<vmem>>) offsets(%dma_start3A_226 : memref<80xi32, #tpu.memory_space<vmem>>) semaphore(%arg16 : memref<!tpu.dma_semaphore, #tpu.memory_space<semaphore_mem>>)
      %dma_start3A_230 = arith.constant 1 : i32
      %dma_start3A_231 = arith.constant 1 : i32
      %dma_start3A_232 = arith.constant 0 : i32
      %dma_start3A_233 = arith.constant 0 : i32
      %dma_start3A_234 = tpu.memref_slice %arg12[%dma_start3A_231, %dma_start3A_232, %dma_start3A_233] : memref<2x80x64xf32, #tpu.memory_space<vmem>> -> memref<1x80x64xf32, #tpu.memory_space<vmem>>
      %dma_start3A_235 = tpu.memref_squeeze %dma_start3A_234 : memref<1x80x64xf32, #tpu.memory_space<vmem>> -> memref<80x64xf32, #tpu.memory_space<vmem>>
      %dma_start3A_236 = arith.constant 0 : i32
      %dma_start3A_237 = tpu.memref_slice %arg9[%dma_start3A_230, %dma_start3A_236] : memref<2x80xi32, #tpu.memory_space<vmem>> -> memref<1x80xi32, #tpu.memory_space<vmem>>
      %dma_start3A_238 = tpu.memref_squeeze %dma_start3A_237 : memref<1x80xi32, #tpu.memory_space<vmem>> -> memref<80xi32, #tpu.memory_space<vmem>>
      %dma_start3A_239 = arith.constant 0 : i32
      %dma_start3A_240 = arith.constant 0 : i32
      %dma_start3A_241 = tpu.memref_slice %arg3[%dma_start3A_239, %dma_start3A_240] : memref<10000x64xf32, #tpu.memory_space<hbm>> -> memref<10000x64xf32, #tpu.memory_space<hbm>>
      tpu.enqueue_indirect_dma source(%dma_start3A_241 : memref<10000x64xf32, #tpu.memory_space<hbm>>) target(%dma_start3A_235 : memref<80x64xf32, #tpu.memory_space<vmem>>) offsets(%dma_start3A_238 : memref<80xi32, #tpu.memory_space<vmem>>) semaphore(%arg18 : memref<!tpu.dma_semaphore, #tpu.memory_space<semaphore_mem>>)
    } else {
    }
    %dma_wait3A = arith.constant 0 : i32
    %dma_wait3A_116 = arith.constant 0 : i32
    %dma_wait3A_117 = arith.constant 0 : i32
    %dma_wait3A_118 = tpu.memref_slice %arg11[%dma_wait3A, %dma_wait3A_116, %dma_wait3A_117] : memref<2x80x64xf32, #tpu.memory_space<vmem>> -> memref<1x80x64xf32, #tpu.memory_space<vmem>>
    %dma_wait3A_119 = tpu.memref_squeeze %dma_wait3A_118 : memref<1x80x64xf32, #tpu.memory_space<vmem>> -> memref<80x64xf32, #tpu.memory_space<vmem>>
    %dma_wait3A_120 = arith.constant 0 : i32
    %dma_wait3A_121 = arith.constant 0 : i32
    %dma_wait3A_122 = tpu.memref_slice %arg2[%dma_wait3A_120, %dma_wait3A_121] : memref<10000x64xf32, #tpu.memory_space<hbm>> -> memref<80x64xf32, #tpu.memory_space<hbm>>
    %dma_wait3A_123 = arith.constant 0 : i32
    %dma_wait3A_124 = arith.constant 0 : i32
    %dma_wait3A_125 = tpu.memref_slice %arg11[%dma_wait3A, %dma_wait3A_123, %dma_wait3A_124] : memref<2x80x64xf32, #tpu.memory_space<vmem>> -> memref<1x80x64xf32, #tpu.memory_space<vmem>>
    %dma_wait3A_126 = tpu.memref_squeeze %dma_wait3A_125 : memref<1x80x64xf32, #tpu.memory_space<vmem>> -> memref<80x64xf32, #tpu.memory_space<vmem>>
    %dma_wait3A_127 = arith.constant 0 : i32
    %dma_wait3A_128 = arith.constant 0 : i32
    %dma_wait3A_129 = tpu.memref_slice %arg2[%dma_wait3A_127, %dma_wait3A_128] : memref<10000x64xf32, #tpu.memory_space<hbm>> -> memref<80x64xf32, #tpu.memory_space<hbm>>
    tpu.wait_dma2 semaphore(%arg15 : memref<!tpu.dma_semaphore, #tpu.memory_space<semaphore_mem>>) src(%dma_wait3A_129 : memref<80x64xf32, #tpu.memory_space<hbm>>) dst(%dma_wait3A_126 : memref<80x64xf32, #tpu.memory_space<vmem>>)
    %dma_wait3A_130 = arith.constant 0 : i32
    %dma_wait3A_131 = arith.constant 0 : i32
    %dma_wait3A_132 = arith.constant 0 : i32
    %dma_wait3A_133 = tpu.memref_slice %arg12[%dma_wait3A_130, %dma_wait3A_131, %dma_wait3A_132] : memref<2x80x64xf32, #tpu.memory_space<vmem>> -> memref<1x80x64xf32, #tpu.memory_space<vmem>>
    %dma_wait3A_134 = tpu.memref_squeeze %dma_wait3A_133 : memref<1x80x64xf32, #tpu.memory_space<vmem>> -> memref<80x64xf32, #tpu.memory_space<vmem>>
    %dma_wait3A_135 = arith.constant 0 : i32
    %dma_wait3A_136 = arith.constant 0 : i32
    %dma_wait3A_137 = tpu.memref_slice %arg2[%dma_wait3A_135, %dma_wait3A_136] : memref<10000x64xf32, #tpu.memory_space<hbm>> -> memref<80x64xf32, #tpu.memory_space<hbm>>
    %dma_wait3A_138 = arith.constant 0 : i32
    %dma_wait3A_139 = arith.constant 0 : i32
    %dma_wait3A_140 = tpu.memref_slice %arg12[%dma_wait3A_130, %dma_wait3A_138, %dma_wait3A_139] : memref<2x80x64xf32, #tpu.memory_space<vmem>> -> memref<1x80x64xf32, #tpu.memory_space<vmem>>
    %dma_wait3A_141 = tpu.memref_squeeze %dma_wait3A_140 : memref<1x80x64xf32, #tpu.memory_space<vmem>> -> memref<80x64xf32, #tpu.memory_space<vmem>>
    %dma_wait3A_142 = arith.constant 0 : i32
    %dma_wait3A_143 = arith.constant 0 : i32
    %dma_wait3A_144 = tpu.memref_slice %arg2[%dma_wait3A_142, %dma_wait3A_143] : memref<10000x64xf32, #tpu.memory_space<hbm>> -> memref<80x64xf32, #tpu.memory_space<hbm>>
    tpu.wait_dma2 semaphore(%arg17 : memref<!tpu.dma_semaphore, #tpu.memory_space<semaphore_mem>>) src(%dma_wait3A_144 : memref<80x64xf32, #tpu.memory_space<hbm>>) dst(%dma_wait3A_141 : memref<80x64xf32, #tpu.memory_space<vmem>>)
    %get3A = arith.constant 0 : i32
    %get3A_145 = arith.index_cast %get3A : i32 to index
    %get3A_146 = arith.constant 0 : index
    %get3A_147 = tpu.vector_load %arg9[%get3A_145, %get3A_146] {strides = array<i32>} : memref<2x80xi32, #tpu.memory_space<vmem>>, vector<1x16xi32>,
    %get3A_148 = vector.shape_cast %get3A_147 : vector<1x16xi32> to vector<16xi32>
    %swap3A = arith.constant 0 : i32
    %swap3A_149 = arith.index_cast %swap3A : i32 to index
    %swap3A_150 = arith.constant 0 : index
    %swap3A_151 = tpu.vector_load %arg10[%swap3A_149, %swap3A_150] {strides = array<i32>} : memref<2x80xi32, #tpu.memory_space<vmem>>, vector<1x16xi32>,
    %swap3A_152 = vector.shape_cast %swap3A_151 : vector<1x16xi32> to vector<16xi32>
    %swap3A_153 = vector.shape_cast %get3A_148 : vector<16xi32> to vector<1x16xi32>
    tpu.vector_store %arg10[%swap3A_149, %swap3A_150], %swap3A_153 {strides = array<i32>} : memref<2x80xi32, #tpu.memory_space<vmem>>, vector<1x16xi32>,
    %get3A_154 = arith.constant 0 : i32
    %get3A_155 = arith.index_cast %get3A_154 : i32 to index
    %get3A_156 = arith.constant 16 : index
    %get3A_157 = tpu.vector_load %arg9[%get3A_155, %get3A_156] {strides = array<i32>} : memref<2x80xi32, #tpu.memory_space<vmem>>, vector<1x16xi32>,
    %get3A_158 = vector.shape_cast %get3A_157 : vector<1x16xi32> to vector<16xi32>
    %swap3A_159 = arith.constant 0 : i32
    %swap3A_160 = arith.index_cast %swap3A_159 : i32 to index
    %swap3A_161 = arith.constant 16 : index
    %swap3A_162 = tpu.vector_load %arg10[%swap3A_160, %swap3A_161] {strides = array<i32>} : memref<2x80xi32, #tpu.memory_space<vmem>>, vector<1x16xi32>,
    %swap3A_163 = vector.shape_cast %swap3A_162 : vector<1x16xi32> to vector<16xi32>
    %swap3A_164 = vector.shape_cast %get3A_158 : vector<16xi32> to vector<1x16xi32>
    tpu.vector_store %arg10[%swap3A_160, %swap3A_161], %swap3A_164 {strides = array<i32>} : memref<2x80xi32, #tpu.memory_space<vmem>>, vector<1x16xi32>,
    %get3A_165 = arith.constant 0 : i32
    %get3A_166 = arith.index_cast %get3A_165 : i32 to index
    %get3A_167 = arith.constant 32 : index
    %get3A_168 = tpu.vector_load %arg9[%get3A_166, %get3A_167] {strides = array<i32>} : memref<2x80xi32, #tpu.memory_space<vmem>>, vector<1x16xi32>,
    %get3A_169 = vector.shape_cast %get3A_168 : vector<1x16xi32> to vector<16xi32>
    %swap3A_170 = arith.constant 0 : i32
    %swap3A_171 = arith.index_cast %swap3A_170 : i32 to index
    %swap3A_172 = arith.constant 32 : index
    %swap3A_173 = tpu.vector_load %arg10[%swap3A_171, %swap3A_172] {strides = array<i32>} : memref<2x80xi32, #tpu.memory_space<vmem>>, vector<1x16xi32>,
    %swap3A_174 = vector.shape_cast %swap3A_173 : vector<1x16xi32> to vector<16xi32>
    %swap3A_175 = vector.shape_cast %get3A_169 : vector<16xi32> to vector<1x16xi32>
    tpu.vector_store %arg10[%swap3A_171, %swap3A_172], %swap3A_175 {strides = array<i32>} : memref<2x80xi32, #tpu.memory_space<vmem>>, vector<1x16xi32>,
    %get3A_176 = arith.constant 0 : i32
    %get3A_177 = arith.index_cast %get3A_176 : i32 to index
    %get3A_178 = arith.constant 48 : index
    %get3A_179 = tpu.vector_load %arg9[%get3A_177, %get3A_178] {strides = array<i32>} : memref<2x80xi32, #tpu.memory_space<vmem>>, vector<1x16xi32>,
    %get3A_180 = vector.shape_cast %get3A_179 : vector<1x16xi32> to vector<16xi32>
    %swap3A_181 = arith.constant 0 : i32
    %swap3A_182 = arith.index_cast %swap3A_181 : i32 to index
    %swap3A_183 = arith.constant 48 : index
    %swap3A_184 = tpu.vector_load %arg10[%swap3A_182, %swap3A_183] {strides = array<i32>} : memref<2x80xi32, #tpu.memory_space<vmem>>, vector<1x16xi32>,
    %swap3A_185 = vector.shape_cast %swap3A_184 : vector<1x16xi32> to vector<16xi32>
    %swap3A_186 = vector.shape_cast %get3A_180 : vector<16xi32> to vector<1x16xi32>
    tpu.vector_store %arg10[%swap3A_182, %swap3A_183], %swap3A_186 {strides = array<i32>} : memref<2x80xi32, #tpu.memory_space<vmem>>, vector<1x16xi32>,
    %get3A_187 = arith.constant 0 : i32
    %get3A_188 = arith.index_cast %get3A_187 : i32 to index
    %get3A_189 = arith.constant 64 : index
    %get3A_190 = tpu.vector_load %arg9[%get3A_188, %get3A_189] {strides = array<i32>} : memref<2x80xi32, #tpu.memory_space<vmem>>, vector<1x16xi32>,
    %get3A_191 = vector.shape_cast %get3A_190 : vector<1x16xi32> to vector<16xi32>
    %swap3A_192 = arith.constant 0 : i32
    %swap3A_193 = arith.index_cast %swap3A_192 : i32 to index
    %swap3A_194 = arith.constant 64 : index
    %swap3A_195 = tpu.vector_load %arg10[%swap3A_193, %swap3A_194] {strides = array<i32>} : memref<2x80xi32, #tpu.memory_space<vmem>>, vector<1x16xi32>,
    %swap3A_196 = vector.shape_cast %swap3A_195 : vector<1x16xi32> to vector<16xi32>
    %swap3A_197 = vector.shape_cast %get3A_191 : vector<16xi32> to vector<1x16xi32>
    tpu.vector_store %arg10[%swap3A_193, %swap3A_194], %swap3A_197 {strides = array<i32>} : memref<2x80xi32, #tpu.memory_space<vmem>>, vector<1x16xi32>,
    %add3A_198 = arith.constant 124 : i32
    %add3A_199 = arith.constant 2 : i32
    %add3A_200 = arith.addi %add3A_198, %add3A_199 : i32
    %lt3A_201 = arith.constant 125 : i32
    %lt3A_202 = arith.cmpi slt, %add3A_200, %lt3A_201 : i32
    %convert_element_type3A_203 = arith.extui %lt3A_202 : i1 to i32
    %cond3A_204 = arith.constant 124 : i32
    %cond3A_205 = arith.constant 0 : i32
    %cond3A_206 = arith.cmpi ne, %convert_element_type3A_203, %cond3A_205 : i32
    scf.if %cond3A_206 {
      %add3A_218 = arith.constant 2 : i32
      %add3A_219 = arith.addi %cond3A_204, %add3A_218 : i32
      %mul3A_220 = arith.constant 80 : i32
      %mul3A_221 = arith.muli %add3A_219, %mul3A_220 : i32
      %add3A_222 = arith.addi %mul3A_2, %mul3A_221 : i32
      %dma_start3A_223 = arith.constant 0 : i32
      %dma_start3A_224 = arith.constant 0 : i32
      %dma_start3A_225 = tpu.memref_slice %arg8[%dma_start3A_223, %dma_start3A_224] : memref<2x80xi32, #tpu.memory_space<vmem>> -> memref<1x80xi32, #tpu.memory_space<vmem>>
      %dma_start3A_226 = tpu.memref_squeeze %dma_start3A_225 : memref<1x80xi32, #tpu.memory_space<vmem>> -> memref<80xi32, #tpu.memory_space<vmem>>
      %dma_start3A_227 = tpu.memref_slice %arg4[%add3A_222] : memref<320000xi32, #tpu.memory_space<hbm>> -> memref<80xi32, #tpu.memory_space<hbm>>
      %dma_start3A_228 = arith.constant 0 : i32
      %dma_start3A_229 = tpu.memref_slice %arg8[%dma_start3A_223, %dma_start3A_228] : memref<2x80xi32, #tpu.memory_space<vmem>> -> memref<1x80xi32, #tpu.memory_space<vmem>>
      %dma_start3A_230 = tpu.memref_squeeze %dma_start3A_229 : memref<1x80xi32, #tpu.memory_space<vmem>> -> memref<80xi32, #tpu.memory_space<vmem>>
      %dma_start3A_231 = tpu.memref_slice %arg4[%add3A_222] : memref<320000xi32, #tpu.memory_space<hbm>> -> memref<80xi32, #tpu.memory_space<hbm>>
      tpu.enqueue_dma source(%dma_start3A_231 : memref<80xi32, #tpu.memory_space<hbm>>) target(%dma_start3A_230 : memref<80xi32, #tpu.memory_space<vmem>>) target_semaphore(%arg19 : memref<!tpu.dma_semaphore, #tpu.memory_space<semaphore_mem>>)
      %dma_start3A_232 = arith.constant 0 : i32
      %dma_start3A_233 = arith.constant 0 : i32
      %dma_start3A_234 = tpu.memref_slice %arg9[%dma_start3A_232, %dma_start3A_233] : memref<2x80xi32, #tpu.memory_space<vmem>> -> memref<1x80xi32, #tpu.memory_space<vmem>>
      %dma_start3A_235 = tpu.memref_squeeze %dma_start3A_234 : memref<1x80xi32, #tpu.memory_space<vmem>> -> memref<80xi32, #tpu.memory_space<vmem>>
      %dma_start3A_236 = tpu.memref_slice %arg5[%add3A_222] : memref<320000xi32, #tpu.memory_space<hbm>> -> memref<80xi32, #tpu.memory_space<hbm>>
      %dma_start3A_237 = arith.constant 0 : i32
      %dma_start3A_238 = tpu.memref_slice %arg9[%dma_start3A_232, %dma_start3A_237] : memref<2x80xi32, #tpu.memory_space<vmem>> -> memref<1x80xi32, #tpu.memory_space<vmem>>
      %dma_start3A_239 = tpu.memref_squeeze %dma_start3A_238 : memref<1x80xi32, #tpu.memory_space<vmem>> -> memref<80xi32, #tpu.memory_space<vmem>>
      %dma_start3A_240 = tpu.memref_slice %arg5[%add3A_222] : memref<320000xi32, #tpu.memory_space<hbm>> -> memref<80xi32, #tpu.memory_space<hbm>>
      tpu.enqueue_dma source(%dma_start3A_240 : memref<80xi32, #tpu.memory_space<hbm>>) target(%dma_start3A_239 : memref<80xi32, #tpu.memory_space<vmem>>) target_semaphore(%arg21 : memref<!tpu.dma_semaphore, #tpu.memory_space<semaphore_mem>>)
    } else {
    }
    %scan3A_207 = arith.constant 0 : i32
    %scan3A_208 = arith.constant 0 : i32
    %scan3A_209 = arith.constant 80 : i32
    %scan3A_210 = arith.addi %scan3A_208, %scan3A_209 : i32
    %scan3A_211 = arith.constant 4 : i32
    scf.for %scan3A_218 = %scan3A_208 to %scan3A_210 step %scan3A_211  : i32 {
      %get3A_219 = arith.constant 0 : i32
      %get3A_220 = arith.index_cast %get3A_219 : i32 to index
      %get3A_221 = arith.index_cast %scan3A_218 : i32 to index
      %get3A_222 = arith.constant 0 : index
      %get3A_223 = tpu.vector_load %arg11[%get3A_220, %get3A_221, %get3A_222] {strides = array<i32>} : memref<2x80x64xf32, #tpu.memory_space<vmem>>, vector<1x1x16xf32>,
      %get3A_224 = vector.shape_cast %get3A_223 : vector<1x1x16xf32> to vector<16xf32>
      %bitcast_convert_type3A = tpu.bitcast %get3A_224 : vector<16xf32> -> vector<16xi32>
      %get3A_225 = arith.constant 0 : i32
      %get3A_226 = arith.index_cast %get3A_225 : i32 to index
      %get3A_227 = arith.index_cast %scan3A_218 : i32 to index
      %get3A_228 = arith.constant 0 : index
      %get3A_229 = tpu.vector_load %arg12[%get3A_226, %get3A_227, %get3A_228] {strides = array<i32>} : memref<2x80x64xf32, #tpu.memory_space<vmem>>, vector<1x1x16xf32>,
      %get3A_230 = vector.shape_cast %get3A_229 : vector<1x1x16xf32> to vector<16xf32>
      %bitcast_convert_type3A_231 = tpu.bitcast %get3A_230 : vector<16xf32> -> vector<16xi32>
      %shift_left3A = arith.constant 16 : i32
      %shift_left3A_232 = vector.broadcast %shift_left3A : i32 to vector<16xi32>
      %shift_left3A_233 = arith.shli %bitcast_convert_type3A, %shift_left3A_232 : vector<16xi32>
      %bitcast_convert_type3A_234 = tpu.bitcast %shift_left3A_233 : vector<16xi32> -> vector<16xf32>
      %shift_left3A_235 = arith.constant 16 : i32
      %shift_left3A_236 = vector.broadcast %shift_left3A_235 : i32 to vector<16xi32>
      %shift_left3A_237 = arith.shli %bitcast_convert_type3A_231, %shift_left3A_236 : vector<16xi32>
      %bitcast_convert_type3A_238 = tpu.bitcast %shift_left3A_237 : vector<16xi32> -> vector<16xf32>
      %and3A_239 = arith.constant -65536 : i32
      %and3A_240 = vector.broadcast %and3A_239 : i32 to vector<16xi32>
      %and3A_241 = arith.andi %bitcast_convert_type3A, %and3A_240 : vector<16xi32>
      %bitcast_convert_type3A_242 = tpu.bitcast %and3A_241 : vector<16xi32> -> vector<16xf32>
      %and3A_243 = arith.constant -65536 : i32
      %and3A_244 = vector.broadcast %and3A_243 : i32 to vector<16xi32>
      %and3A_245 = arith.andi %bitcast_convert_type3A_231, %and3A_244 : vector<16xi32>
      %bitcast_convert_type3A_246 = tpu.bitcast %and3A_245 : vector<16xi32> -> vector<16xf32>
      %add3A_247 = arith.addf %bitcast_convert_type3A_234, %bitcast_convert_type3A_238 : vector<16xf32>
      %max3A = arith.constant 0.000000e+00 : f32
      %max3A_248 = vector.broadcast %max3A : f32 to vector<16xf32>
      %max3A_249 = arith.maximumf %add3A_247, %max3A_248 : vector<16xf32>
      %swap3A_250 = arith.constant 0 : i32
      %swap3A_251 = arith.index_cast %swap3A_250 : i32 to index
      %swap3A_252 = arith.index_cast %scan3A_218 : i32 to index
      %swap3A_253 = arith.constant 0 : index
      %swap3A_254 = tpu.vector_load %arg11[%swap3A_251, %swap3A_252, %swap3A_253] {strides = array<i32>} : memref<2x80x64xf32, #tpu.memory_space<vmem>>, vector<1x1x16xf32>,
      %swap3A_255 = vector.shape_cast %swap3A_254 : vector<1x1x16xf32> to vector<16xf32>
      %swap3A_256 = vector.shape_cast %max3A_249 : vector<16xf32> to vector<1x1x16xf32>
      tpu.vector_store %arg11[%swap3A_251, %swap3A_252, %swap3A_253], %swap3A_256 {strides = array<i32>} : memref<2x80x64xf32, #tpu.memory_space<vmem>>, vector<1x1x16xf32>,
      %add3A_257 = arith.addf %bitcast_convert_type3A_242, %bitcast_convert_type3A_246 : vector<16xf32>
      %max3A_258 = arith.constant 0.000000e+00 : f32
      %max3A_259 = vector.broadcast %max3A_258 : f32 to vector<16xf32>
      %max3A_260 = arith.maximumf %add3A_257, %max3A_259 : vector<16xf32>
      %swap3A_261 = arith.constant 0 : i32
      %swap3A_262 = arith.index_cast %swap3A_261 : i32 to index
      %swap3A_263 = arith.index_cast %scan3A_218 : i32 to index
      %swap3A_264 = arith.constant 0 : index
      %swap3A_265 = tpu.vector_load %arg12[%swap3A_262, %swap3A_263, %swap3A_264] {strides = array<i32>} : memref<2x80x64xf32, #tpu.memory_space<vmem>>, vector<1x1x16xf32>,
      %swap3A_266 = vector.shape_cast %swap3A_265 : vector<1x1x16xf32> to vector<16xf32>
      %swap3A_267 = vector.shape_cast %max3A_260 : vector<16xf32> to vector<1x1x16xf32>
      tpu.vector_store %arg12[%swap3A_262, %swap3A_263, %swap3A_264], %swap3A_267 {strides = array<i32>} : memref<2x80x64xf32, #tpu.memory_space<vmem>>, vector<1x1x16xf32>,
      %get3A_268 = arith.constant 0 : i32
      %get3A_269 = arith.index_cast %get3A_268 : i32 to index
      %get3A_270 = arith.index_cast %scan3A_218 : i32 to index
      %get3A_271 = arith.constant 16 : index
      %get3A_272 = tpu.vector_load %arg11[%get3A_269, %get3A_270, %get3A_271] {strides = array<i32>} : memref<2x80x64xf32, #tpu.memory_space<vmem>>, vector<1x1x16xf32>,
      %get3A_273 = vector.shape_cast %get3A_272 : vector<1x1x16xf32> to vector<16xf32>
      %bitcast_convert_type3A_274 = tpu.bitcast %get3A_273 : vector<16xf32> -> vector<16xi32>
      %get3A_275 = arith.constant 0 : i32
      %get3A_276 = arith.index_cast %get3A_275 : i32 to index
      %get3A_277 = arith.index_cast %scan3A_218 : i32 to index
      %get3A_278 = arith.constant 16 : index
      %get3A_279 = tpu.vector_load %arg12[%get3A_276, %get3A_277, %get3A_278] {strides = array<i32>} : memref<2x80x64xf32, #tpu.memory_space<vmem>>, vector<1x1x16xf32>,
      %get3A_280 = vector.shape_cast %get3A_279 : vector<1x1x16xf32> to vector<16xf32>
      %bitcast_convert_type3A_281 = tpu.bitcast %get3A_280 : vector<16xf32> -> vector<16xi32>
      %shift_left3A_282 = arith.constant 16 : i32
      %shift_left3A_283 = vector.broadcast %shift_left3A_282 : i32 to vector<16xi32>
      %shift_left3A_284 = arith.shli %bitcast_convert_type3A_274, %shift_left3A_283 : vector<16xi32>
      %bitcast_convert_type3A_285 = tpu.bitcast %shift_left3A_284 : vector<16xi32> -> vector<16xf32>
      %shift_left3A_286 = arith.constant 16 : i32
      %shift_left3A_287 = vector.broadcast %shift_left3A_286 : i32 to vector<16xi32>
      %shift_left3A_288 = arith.shli %bitcast_convert_type3A_281, %shift_left3A_287 : vector<16xi32>
      %bitcast_convert_type3A_289 = tpu.bitcast %shift_left3A_288 : vector<16xi32> -> vector<16xf32>
      %and3A_290 = arith.constant -65536 : i32
      %and3A_291 = vector.broadcast %and3A_290 : i32 to vector<16xi32>
      %and3A_292 = arith.andi %bitcast_convert_type3A_274, %and3A_291 : vector<16xi32>
      %bitcast_convert_type3A_293 = tpu.bitcast %and3A_292 : vector<16xi32> -> vector<16xf32>
      %and3A_294 = arith.constant -65536 : i32
      %and3A_295 = vector.broadcast %and3A_294 : i32 to vector<16xi32>
      %and3A_296 = arith.andi %bitcast_convert_type3A_281, %and3A_295 : vector<16xi32>
      %bitcast_convert_type3A_297 = tpu.bitcast %and3A_296 : vector<16xi32> -> vector<16xf32>
      %add3A_298 = arith.addf %bitcast_convert_type3A_285, %bitcast_convert_type3A_289 : vector<16xf32>
      %max3A_299 = arith.constant 0.000000e+00 : f32
      %max3A_300 = vector.broadcast %max3A_299 : f32 to vector<16xf32>
      %max3A_301 = arith.maximumf %add3A_298, %max3A_300 : vector<16xf32>
      %swap3A_302 = arith.constant 0 : i32
      %swap3A_303 = arith.index_cast %swap3A_302 : i32 to index
      %swap3A_304 = arith.index_cast %scan3A_218 : i32 to index
      %swap3A_305 = arith.constant 16 : index
      %swap3A_306 = tpu.vector_load %arg11[%swap3A_303, %swap3A_304, %swap3A_305] {strides = array<i32>} : memref<2x80x64xf32, #tpu.memory_space<vmem>>, vector<1x1x16xf32>,
      %swap3A_307 = vector.shape_cast %swap3A_306 : vector<1x1x16xf32> to vector<16xf32>
      %swap3A_308 = vector.shape_cast %max3A_301 : vector<16xf32> to vector<1x1x16xf32>
      tpu.vector_store %arg11[%swap3A_303, %swap3A_304, %swap3A_305], %swap3A_308 {strides = array<i32>} : memref<2x80x64xf32, #tpu.memory_space<vmem>>, vector<1x1x16xf32>,
      %add3A_309 = arith.addf %bitcast_convert_type3A_293, %bitcast_convert_type3A_297 : vector<16xf32>
      %max3A_310 = arith.constant 0.000000e+00 : f32
      %max3A_311 = vector.broadcast %max3A_310 : f32 to vector<16xf32>
      %max3A_312 = arith.maximumf %add3A_309, %max3A_311 : vector<16xf32>
      %swap3A_313 = arith.constant 0 : i32
      %swap3A_314 = arith.index_cast %swap3A_313 : i32 to index
      %swap3A_315 = arith.index_cast %scan3A_218 : i32 to index
      %swap3A_316 = arith.constant 16 : index
      %swap3A_317 = tpu.vector_load %arg12[%swap3A_314, %swap3A_315, %swap3A_316] {strides = array<i32>} : memref<2x80x64xf32, #tpu.memory_space<vmem>>, vector<1x1x16xf32>,
      %swap3A_318 = vector.shape_cast %swap3A_317 : vector<1x1x16xf32> to vector<16xf32>
      %swap3A_319 = vector.shape_cast %max3A_312 : vector<16xf32> to vector<1x1x16xf32>
      tpu.vector_store %arg12[%swap3A_314, %swap3A_315, %swap3A_316], %swap3A_319 {strides = array<i32>} : memref<2x80x64xf32, #tpu.memory_space<vmem>>, vector<1x1x16xf32>,
      %get3A_320 = arith.constant 0 : i32
      %get3A_321 = arith.index_cast %get3A_320 : i32 to index
      %get3A_322 = arith.index_cast %scan3A_218 : i32 to index
      %get3A_323 = arith.constant 32 : index
      %get3A_324 = tpu.vector_load %arg11[%get3A_321, %get3A_322, %get3A_323] {strides = array<i32>} : memref<2x80x64xf32, #tpu.memory_space<vmem>>, vector<1x1x16xf32>,
      %get3A_325 = vector.shape_cast %get3A_324 : vector<1x1x16xf32> to vector<16xf32>
      %bitcast_convert_type3A_326 = tpu.bitcast %get3A_325 : vector<16xf32> -> vector<16xi32>
      %get3A_327 = arith.constant 0 : i32
      %get3A_328 = arith.index_cast %get3A_327 : i32 to index
      %get3A_329 = arith.index_cast %scan3A_218 : i32 to index
      %get3A_330 = arith.constant 32 : index
      %get3A_331 = tpu.vector_load %arg12[%get3A_328, %get3A_329, %get3A_330] {strides = array<i32>} : memref<2x80x64xf32, #tpu.memory_space<vmem>>, vector<1x1x16xf32>,
      %get3A_332 = vector.shape_cast %get3A_331 : vector<1x1x16xf32> to vector<16xf32>
      %bitcast_convert_type3A_333 = tpu.bitcast %get3A_332 : vector<16xf32> -> vector<16xi32>
      %shift_left3A_334 = arith.constant 16 : i32
      %shift_left3A_335 = vector.broadcast %shift_left3A_334 : i32 to vector<16xi32>
      %shift_left3A_336 = arith.shli %bitcast_convert_type3A_326, %shift_left3A_335 : vector<16xi32>
      %bitcast_convert_type3A_337 = tpu.bitcast %shift_left3A_336 : vector<16xi32> -> vector<16xf32>
      %shift_left3A_338 = arith.constant 16 : i32
      %shift_left3A_339 = vector.broadcast %shift_left3A_338 : i32 to vector<16xi32>
      %shift_left3A_340 = arith.shli %bitcast_convert_type3A_333, %shift_left3A_339 : vector<16xi32>
      %bitcast_convert_type3A_341 = tpu.bitcast %shift_left3A_340 : vector<16xi32> -> vector<16xf32>
      %and3A_342 = arith.constant -65536 : i32
      %and3A_343 = vector.broadcast %and3A_342 : i32 to vector<16xi32>
      %and3A_344 = arith.andi %bitcast_convert_type3A_326, %and3A_343 : vector<16xi32>
      %bitcast_convert_type3A_345 = tpu.bitcast %and3A_344 : vector<16xi32> -> vector<16xf32>
      %and3A_346 = arith.constant -65536 : i32
      %and3A_347 = vector.broadcast %and3A_346 : i32 to vector<16xi32>
      %and3A_348 = arith.andi %bitcast_convert_type3A_333, %and3A_347 : vector<16xi32>
      %bitcast_convert_type3A_349 = tpu.bitcast %and3A_348 : vector<16xi32> -> vector<16xf32>
      %add3A_350 = arith.addf %bitcast_convert_type3A_337, %bitcast_convert_type3A_341 : vector<16xf32>
      %max3A_351 = arith.constant 0.000000e+00 : f32
      %max3A_352 = vector.broadcast %max3A_351 : f32 to vector<16xf32>
      %max3A_353 = arith.maximumf %add3A_350, %max3A_352 : vector<16xf32>
      %swap3A_354 = arith.constant 0 : i32
      %swap3A_355 = arith.index_cast %swap3A_354 : i32 to index
      %swap3A_356 = arith.index_cast %scan3A_218 : i32 to index
      %swap3A_357 = arith.constant 32 : index
      %swap3A_358 = tpu.vector_load %arg11[%swap3A_355, %swap3A_356, %swap3A_357] {strides = array<i32>} : memref<2x80x64xf32, #tpu.memory_space<vmem>>, vector<1x1x16xf32>,
      %swap3A_359 = vector.shape_cast %swap3A_358 : vector<1x1x16xf32> to vector<16xf32>
      %swap3A_360 = vector.shape_cast %max3A_353 : vector<16xf32> to vector<1x1x16xf32>
      tpu.vector_store %arg11[%swap3A_355, %swap3A_356, %swap3A_357], %swap3A_360 {strides = array<i32>} : memref<2x80x64xf32, #tpu.memory_space<vmem>>, vector<1x1x16xf32>,
      %add3A_361 = arith.addf %bitcast_convert_type3A_345, %bitcast_convert_type3A_349 : vector<16xf32>
      %max3A_362 = arith.constant 0.000000e+00 : f32
      %max3A_363 = vector.broadcast %max3A_362 : f32 to vector<16xf32>
      %max3A_364 = arith.maximumf %add3A_361, %max3A_363 : vector<16xf32>
      %swap3A_365 = arith.constant 0 : i32
      %swap3A_366 = arith.index_cast %swap3A_365 : i32 to index
      %swap3A_367 = arith.index_cast %scan3A_218 : i32 to index
      %swap3A_368 = arith.constant 32 : index
      %swap3A_369 = tpu.vector_load %arg12[%swap3A_366, %swap3A_367, %swap3A_368] {strides = array<i32>} : memref<2x80x64xf32, #tpu.memory_space<vmem>>, vector<1x1x16xf32>,
      %swap3A_370 = vector.shape_cast %swap3A_369 : vector<1x1x16xf32> to vector<16xf32>
      %swap3A_371 = vector.shape_cast %max3A_364 : vector<16xf32> to vector<1x1x16xf32>
      tpu.vector_store %arg12[%swap3A_366, %swap3A_367, %swap3A_368], %swap3A_371 {strides = array<i32>} : memref<2x80x64xf32, #tpu.memory_space<vmem>>, vector<1x1x16xf32>,
      %get3A_372 = arith.constant 0 : i32
      %get3A_373 = arith.index_cast %get3A_372 : i32 to index
      %get3A_374 = arith.index_cast %scan3A_218 : i32 to index
      %get3A_375 = arith.constant 48 : index
      %get3A_376 = tpu.vector_load %arg11[%get3A_373, %get3A_374, %get3A_375] {strides = array<i32>} : memref<2x80x64xf32, #tpu.memory_space<vmem>>, vector<1x1x16xf32>,
      %get3A_377 = vector.shape_cast %get3A_376 : vector<1x1x16xf32> to vector<16xf32>
      %bitcast_convert_type3A_378 = tpu.bitcast %get3A_377 : vector<16xf32> -> vector<16xi32>
      %get3A_379 = arith.constant 0 : i32
      %get3A_380 = arith.index_cast %get3A_379 : i32 to index
      %get3A_381 = arith.index_cast %scan3A_218 : i32 to index
      %get3A_382 = arith.constant 48 : index
      %get3A_383 = tpu.vector_load %arg12[%get3A_380, %get3A_381, %get3A_382] {strides = array<i32>} : memref<2x80x64xf32, #tpu.memory_space<vmem>>, vector<1x1x16xf32>,
      %get3A_384 = vector.shape_cast %get3A_383 : vector<1x1x16xf32> to vector<16xf32>
      %bitcast_convert_type3A_385 = tpu.bitcast %get3A_384 : vector<16xf32> -> vector<16xi32>
      %shift_left3A_386 = arith.constant 16 : i32
      %shift_left3A_387 = vector.broadcast %shift_left3A_386 : i32 to vector<16xi32>
      %shift_left3A_388 = arith.shli %bitcast_convert_type3A_378, %shift_left3A_387 : vector<16xi32>
      %bitcast_convert_type3A_389 = tpu.bitcast %shift_left3A_388 : vector<16xi32> -> vector<16xf32>
      %shift_left3A_390 = arith.constant 16 : i32
      %shift_left3A_391 = vector.broadcast %shift_left3A_390 : i32 to vector<16xi32>
      %shift_left3A_392 = arith.shli %bitcast_convert_type3A_385, %shift_left3A_391 : vector<16xi32>
      %bitcast_convert_type3A_393 = tpu.bitcast %shift_left3A_392 : vector<16xi32> -> vector<16xf32>
      %and3A_394 = arith.constant -65536 : i32
      %and3A_395 = vector.broadcast %and3A_394 : i32 to vector<16xi32>
      %and3A_396 = arith.andi %bitcast_convert_type3A_378, %and3A_395 : vector<16xi32>
      %bitcast_convert_type3A_397 = tpu.bitcast %and3A_396 : vector<16xi32> -> vector<16xf32>
      %and3A_398 = arith.constant -65536 : i32
      %and3A_399 = vector.broadcast %and3A_398 : i32 to vector<16xi32>
      %and3A_400 = arith.andi %bitcast_convert_type3A_385, %and3A_399 : vector<16xi32>
      %bitcast_convert_type3A_401 = tpu.bitcast %and3A_400 : vector<16xi32> -> vector<16xf32>
      %add3A_402 = arith.addf %bitcast_convert_type3A_389, %bitcast_convert_type3A_393 : vector<16xf32>
      %max3A_403 = arith.constant 0.000000e+00 : f32
      %max3A_404 = vector.broadcast %max3A_403 : f32 to vector<16xf32>
      %max3A_405 = arith.maximumf %add3A_402, %max3A_404 : vector<16xf32>
      %swap3A_406 = arith.constant 0 : i32
      %swap3A_407 = arith.index_cast %swap3A_406 : i32 to index
      %swap3A_408 = arith.index_cast %scan3A_218 : i32 to index
      %swap3A_409 = arith.constant 48 : index
      %swap3A_410 = tpu.vector_load %arg11[%swap3A_407, %swap3A_408, %swap3A_409] {strides = array<i32>} : memref<2x80x64xf32, #tpu.memory_space<vmem>>, vector<1x1x16xf32>,
      %swap3A_411 = vector.shape_cast %swap3A_410 : vector<1x1x16xf32> to vector<16xf32>
      %swap3A_412 = vector.shape_cast %max3A_405 : vector<16xf32> to vector<1x1x16xf32>
      tpu.vector_store %arg11[%swap3A_407, %swap3A_408, %swap3A_409], %swap3A_412 {strides = array<i32>} : memref<2x80x64xf32, #tpu.memory_space<vmem>>, vector<1x1x16xf32>,
      %add3A_413 = arith.addf %bitcast_convert_type3A_397, %bitcast_convert_type3A_401 : vector<16xf32>
      %max3A_414 = arith.constant 0.000000e+00 : f32
      %max3A_415 = vector.broadcast %max3A_414 : f32 to vector<16xf32>
      %max3A_416 = arith.maximumf %add3A_413, %max3A_415 : vector<16xf32>
      %swap3A_417 = arith.constant 0 : i32
      %swap3A_418 = arith.index_cast %swap3A_417 : i32 to index
      %swap3A_419 = arith.index_cast %scan3A_218 : i32 to index
      %swap3A_420 = arith.constant 48 : index
      %swap3A_421 = tpu.vector_load %arg12[%swap3A_418, %swap3A_419, %swap3A_420] {strides = array<i32>} : memref<2x80x64xf32, #tpu.memory_space<vmem>>, vector<1x1x16xf32>,
      %swap3A_422 = vector.shape_cast %swap3A_421 : vector<1x1x16xf32> to vector<16xf32>
      %swap3A_423 = vector.shape_cast %max3A_416 : vector<16xf32> to vector<1x1x16xf32>
      tpu.vector_store %arg12[%swap3A_418, %swap3A_419, %swap3A_420], %swap3A_423 {strides = array<i32>} : memref<2x80x64xf32, #tpu.memory_space<vmem>>, vector<1x1x16xf32>,
      %scan3A_424 = arith.constant 1 : i32
      %scan3A_425 = arith.addi %scan3A_218, %scan3A_424 : i32
      %get3A_426 = arith.constant 0 : i32
      %get3A_427 = arith.index_cast %get3A_426 : i32 to index
      %get3A_428 = arith.index_cast %scan3A_425 : i32 to index
      %get3A_429 = arith.constant 0 : index
      %get3A_430 = tpu.vector_load %arg11[%get3A_427, %get3A_428, %get3A_429] {strides = array<i32>} : memref<2x80x64xf32, #tpu.memory_space<vmem>>, vector<1x1x16xf32>,
      %get3A_431 = vector.shape_cast %get3A_430 : vector<1x1x16xf32> to vector<16xf32>
      %bitcast_convert_type3A_432 = tpu.bitcast %get3A_431 : vector<16xf32> -> vector<16xi32>
      %get3A_433 = arith.constant 0 : i32
      %get3A_434 = arith.index_cast %get3A_433 : i32 to index
      %get3A_435 = arith.index_cast %scan3A_425 : i32 to index
      %get3A_436 = arith.constant 0 : index
      %get3A_437 = tpu.vector_load %arg12[%get3A_434, %get3A_435, %get3A_436] {strides = array<i32>} : memref<2x80x64xf32, #tpu.memory_space<vmem>>, vector<1x1x16xf32>,
      %get3A_438 = vector.shape_cast %get3A_437 : vector<1x1x16xf32> to vector<16xf32>
      %bitcast_convert_type3A_439 = tpu.bitcast %get3A_438 : vector<16xf32> -> vector<16xi32>
      %shift_left3A_440 = arith.constant 16 : i32
      %shift_left3A_441 = vector.broadcast %shift_left3A_440 : i32 to vector<16xi32>
      %shift_left3A_442 = arith.shli %bitcast_convert_type3A_432, %shift_left3A_441 : vector<16xi32>
      %bitcast_convert_type3A_443 = tpu.bitcast %shift_left3A_442 : vector<16xi32> -> vector<16xf32>
      %shift_left3A_444 = arith.constant 16 : i32
      %shift_left3A_445 = vector.broadcast %shift_left3A_444 : i32 to vector<16xi32>
      %shift_left3A_446 = arith.shli %bitcast_convert_type3A_439, %shift_left3A_445 : vector<16xi32>
      %bitcast_convert_type3A_447 = tpu.bitcast %shift_left3A_446 : vector<16xi32> -> vector<16xf32>
      %and3A_448 = arith.constant -65536 : i32
      %and3A_449 = vector.broadcast %and3A_448 : i32 to vector<16xi32>
      %and3A_450 = arith.andi %bitcast_convert_type3A_432, %and3A_449 : vector<16xi32>
      %bitcast_convert_type3A_451 = tpu.bitcast %and3A_450 : vector<16xi32> -> vector<16xf32>
      %and3A_452 = arith.constant -65536 : i32
      %and3A_453 = vector.broadcast %and3A_452 : i32 to vector<16xi32>
      %and3A_454 = arith.andi %bitcast_convert_type3A_439, %and3A_453 : vector<16xi32>
      %bitcast_convert_type3A_455 = tpu.bitcast %and3A_454 : vector<16xi32> -> vector<16xf32>
      %add3A_456 = arith.addf %bitcast_convert_type3A_443, %bitcast_convert_type3A_447 : vector<16xf32>
      %max3A_457 = arith.constant 0.000000e+00 : f32
      %max3A_458 = vector.broadcast %max3A_457 : f32 to vector<16xf32>
      %max3A_459 = arith.maximumf %add3A_456, %max3A_458 : vector<16xf32>
      %swap3A_460 = arith.constant 0 : i32
      %swap3A_461 = arith.index_cast %swap3A_460 : i32 to index
      %swap3A_462 = arith.index_cast %scan3A_425 : i32 to index
      %swap3A_463 = arith.constant 0 : index
      %swap3A_464 = tpu.vector_load %arg11[%swap3A_461, %swap3A_462, %swap3A_463] {strides = array<i32>} : memref<2x80x64xf32, #tpu.memory_space<vmem>>, vector<1x1x16xf32>,
      %swap3A_465 = vector.shape_cast %swap3A_464 : vector<1x1x16xf32> to vector<16xf32>
      %swap3A_466 = vector.shape_cast %max3A_459 : vector<16xf32> to vector<1x1x16xf32>
      tpu.vector_store %arg11[%swap3A_461, %swap3A_462, %swap3A_463], %swap3A_466 {strides = array<i32>} : memref<2x80x64xf32, #tpu.memory_space<vmem>>, vector<1x1x16xf32>,
      %add3A_467 = arith.addf %bitcast_convert_type3A_451, %bitcast_convert_type3A_455 : vector<16xf32>
      %max3A_468 = arith.constant 0.000000e+00 : f32
      %max3A_469 = vector.broadcast %max3A_468 : f32 to vector<16xf32>
      %max3A_470 = arith.maximumf %add3A_467, %max3A_469 : vector<16xf32>
      %swap3A_471 = arith.constant 0 : i32
      %swap3A_472 = arith.index_cast %swap3A_471 : i32 to index
      %swap3A_473 = arith.index_cast %scan3A_425 : i32 to index
      %swap3A_474 = arith.constant 0 : index
      %swap3A_475 = tpu.vector_load %arg12[%swap3A_472, %swap3A_473, %swap3A_474] {strides = array<i32>} : memref<2x80x64xf32, #tpu.memory_space<vmem>>, vector<1x1x16xf32>,
      %swap3A_476 = vector.shape_cast %swap3A_475 : vector<1x1x16xf32> to vector<16xf32>
      %swap3A_477 = vector.shape_cast %max3A_470 : vector<16xf32> to vector<1x1x16xf32>
      tpu.vector_store %arg12[%swap3A_472, %swap3A_473, %swap3A_474], %swap3A_477 {strides = array<i32>} : memref<2x80x64xf32, #tpu.memory_space<vmem>>, vector<1x1x16xf32>,
      %get3A_478 = arith.constant 0 : i32
      %get3A_479 = arith.index_cast %get3A_478 : i32 to index
      %get3A_480 = arith.index_cast %scan3A_425 : i32 to index
      %get3A_481 = arith.constant 16 : index
      %get3A_482 = tpu.vector_load %arg11[%get3A_479, %get3A_480, %get3A_481] {strides = array<i32>} : memref<2x80x64xf32, #tpu.memory_space<vmem>>, vector<1x1x16xf32>,
      %get3A_483 = vector.shape_cast %get3A_482 : vector<1x1x16xf32> to vector<16xf32>
      %bitcast_convert_type3A_484 = tpu.bitcast %get3A_483 : vector<16xf32> -> vector<16xi32>
      %get3A_485 = arith.constant 0 : i32
      %get3A_486 = arith.index_cast %get3A_485 : i32 to index
      %get3A_487 = arith.index_cast %scan3A_425 : i32 to index
      %get3A_488 = arith.constant 16 : index
      %get3A_489 = tpu.vector_load %arg12[%get3A_486, %get3A_487, %get3A_488] {strides = array<i32>} : memref<2x80x64xf32, #tpu.memory_space<vmem>>, vector<1x1x16xf32>,
      %get3A_490 = vector.shape_cast %get3A_489 : vector<1x1x16xf32> to vector<16xf32>
      %bitcast_convert_type3A_491 = tpu.bitcast %get3A_490 : vector<16xf32> -> vector<16xi32>
      %shift_left3A_492 = arith.constant 16 : i32
      %shift_left3A_493 = vector.broadcast %shift_left3A_492 : i32 to vector<16xi32>
      %shift_left3A_494 = arith.shli %bitcast_convert_type3A_484, %shift_left3A_493 : vector<16xi32>
      %bitcast_convert_type3A_495 = tpu.bitcast %shift_left3A_494 : vector<16xi32> -> vector<16xf32>
      %shift_left3A_496 = arith.constant 16 : i32
      %shift_left3A_497 = vector.broadcast %shift_left3A_496 : i32 to vector<16xi32>
      %shift_left3A_498 = arith.shli %bitcast_convert_type3A_491, %shift_left3A_497 : vector<16xi32>
      %bitcast_convert_type3A_499 = tpu.bitcast %shift_left3A_498 : vector<16xi32> -> vector<16xf32>
      %and3A_500 = arith.constant -65536 : i32
      %and3A_501 = vector.broadcast %and3A_500 : i32 to vector<16xi32>
      %and3A_502 = arith.andi %bitcast_convert_type3A_484, %and3A_501 : vector<16xi32>
      %bitcast_convert_type3A_503 = tpu.bitcast %and3A_502 : vector<16xi32> -> vector<16xf32>
      %and3A_504 = arith.constant -65536 : i32
      %and3A_505 = vector.broadcast %and3A_504 : i32 to vector<16xi32>
      %and3A_506 = arith.andi %bitcast_convert_type3A_491, %and3A_505 : vector<16xi32>
      %bitcast_convert_type3A_507 = tpu.bitcast %and3A_506 : vector<16xi32> -> vector<16xf32>
      %add3A_508 = arith.addf %bitcast_convert_type3A_495, %bitcast_convert_type3A_499 : vector<16xf32>
      %max3A_509 = arith.constant 0.000000e+00 : f32
      %max3A_510 = vector.broadcast %max3A_509 : f32 to vector<16xf32>
      %max3A_511 = arith.maximumf %add3A_508, %max3A_510 : vector<16xf32>
      %swap3A_512 = arith.constant 0 : i32
      %swap3A_513 = arith.index_cast %swap3A_512 : i32 to index
      %swap3A_514 = arith.index_cast %scan3A_425 : i32 to index
      %swap3A_515 = arith.constant 16 : index
      %swap3A_516 = tpu.vector_load %arg11[%swap3A_513, %swap3A_514, %swap3A_515] {strides = array<i32>} : memref<2x80x64xf32, #tpu.memory_space<vmem>>, vector<1x1x16xf32>,
      %swap3A_517 = vector.shape_cast %swap3A_516 : vector<1x1x16xf32> to vector<16xf32>
      %swap3A_518 = vector.shape_cast %max3A_511 : vector<16xf32> to vector<1x1x16xf32>
      tpu.vector_store %arg11[%swap3A_513, %swap3A_514, %swap3A_515], %swap3A_518 {strides = array<i32>} : memref<2x80x64xf32, #tpu.memory_space<vmem>>, vector<1x1x16xf32>,
      %add3A_519 = arith.addf %bitcast_convert_type3A_503, %bitcast_convert_type3A_507 : vector<16xf32>
      %max3A_520 = arith.constant 0.000000e+00 : f32
      %max3A_521 = vector.broadcast %max3A_520 : f32 to vector<16xf32>
      %max3A_522 = arith.maximumf %add3A_519, %max3A_521 : vector<16xf32>
      %swap3A_523 = arith.constant 0 : i32
      %swap3A_524 = arith.index_cast %swap3A_523 : i32 to index
      %swap3A_525 = arith.index_cast %scan3A_425 : i32 to index
      %swap3A_526 = arith.constant 16 : index
      %swap3A_527 = tpu.vector_load %arg12[%swap3A_524, %swap3A_525, %swap3A_526] {strides = array<i32>} : memref<2x80x64xf32, #tpu.memory_space<vmem>>, vector<1x1x16xf32>,
      %swap3A_528 = vector.shape_cast %swap3A_527 : vector<1x1x16xf32> to vector<16xf32>
      %swap3A_529 = vector.shape_cast %max3A_522 : vector<16xf32> to vector<1x1x16xf32>
      tpu.vector_store %arg12[%swap3A_524, %swap3A_525, %swap3A_526], %swap3A_529 {strides = array<i32>} : memref<2x80x64xf32, #tpu.memory_space<vmem>>, vector<1x1x16xf32>,
      %get3A_530 = arith.constant 0 : i32
      %get3A_531 = arith.index_cast %get3A_530 : i32 to index
      %get3A_532 = arith.index_cast %scan3A_425 : i32 to index
      %get3A_533 = arith.constant 32 : index
      %get3A_534 = tpu.vector_load %arg11[%get3A_531, %get3A_532, %get3A_533] {strides = array<i32>} : memref<2x80x64xf32, #tpu.memory_space<vmem>>, vector<1x1x16xf32>,
      %get3A_535 = vector.shape_cast %get3A_534 : vector<1x1x16xf32> to vector<16xf32>
      %bitcast_convert_type3A_536 = tpu.bitcast %get3A_535 : vector<16xf32> -> vector<16xi32>
      %get3A_537 = arith.constant 0 : i32
      %get3A_538 = arith.index_cast %get3A_537 : i32 to index
      %get3A_539 = arith.index_cast %scan3A_425 : i32 to index
      %get3A_540 = arith.constant 32 : index
      %get3A_541 = tpu.vector_load %arg12[%get3A_538, %get3A_539, %get3A_540] {strides = array<i32>} : memref<2x80x64xf32, #tpu.memory_space<vmem>>, vector<1x1x16xf32>,
      %get3A_542 = vector.shape_cast %get3A_541 : vector<1x1x16xf32> to vector<16xf32>
      %bitcast_convert_type3A_543 = tpu.bitcast %get3A_542 : vector<16xf32> -> vector<16xi32>
      %shift_left3A_544 = arith.constant 16 : i32
      %shift_left3A_545 = vector.broadcast %shift_left3A_544 : i32 to vector<16xi32>
      %shift_left3A_546 = arith.shli %bitcast_convert_type3A_536, %shift_left3A_545 : vector<16xi32>
      %bitcast_convert_type3A_547 = tpu.bitcast %shift_left3A_546 : vector<16xi32> -> vector<16xf32>
      %shift_left3A_548 = arith.constant 16 : i32
      %shift_left3A_549 = vector.broadcast %shift_left3A_548 : i32 to vector<16xi32>
      %shift_left3A_550 = arith.shli %bitcast_convert_type3A_543, %shift_left3A_549 : vector<16xi32>
      %bitcast_convert_type3A_551 = tpu.bitcast %shift_left3A_550 : vector<16xi32> -> vector<16xf32>
      %and3A_552 = arith.constant -65536 : i32
      %and3A_553 = vector.broadcast %and3A_552 : i32 to vector<16xi32>
      %and3A_554 = arith.andi %bitcast_convert_type3A_536, %and3A_553 : vector<16xi32>
      %bitcast_convert_type3A_555 = tpu.bitcast %and3A_554 : vector<16xi32> -> vector<16xf32>
      %and3A_556 = arith.constant -65536 : i32
      %and3A_557 = vector.broadcast %and3A_556 : i32 to vector<16xi32>
      %and3A_558 = arith.andi %bitcast_convert_type3A_543, %and3A_557 : vector<16xi32>
      %bitcast_convert_type3A_559 = tpu.bitcast %and3A_558 : vector<16xi32> -> vector<16xf32>
      %add3A_560 = arith.addf %bitcast_convert_type3A_547, %bitcast_convert_type3A_551 : vector<16xf32>
      %max3A_561 = arith.constant 0.000000e+00 : f32
      %max3A_562 = vector.broadcast %max3A_561 : f32 to vector<16xf32>
      %max3A_563 = arith.maximumf %add3A_560, %max3A_562 : vector<16xf32>
      %swap3A_564 = arith.constant 0 : i32
      %swap3A_565 = arith.index_cast %swap3A_564 : i32 to index
      %swap3A_566 = arith.index_cast %scan3A_425 : i32 to index
      %swap3A_567 = arith.constant 32 : index
      %swap3A_568 = tpu.vector_load %arg11[%swap3A_565, %swap3A_566, %swap3A_567] {strides = array<i32>} : memref<2x80x64xf32, #tpu.memory_space<vmem>>, vector<1x1x16xf32>,
      %swap3A_569 = vector.shape_cast %swap3A_568 : vector<1x1x16xf32> to vector<16xf32>
      %swap3A_570 = vector.shape_cast %max3A_563 : vector<16xf32> to vector<1x1x16xf32>
      tpu.vector_store %arg11[%swap3A_565, %swap3A_566, %swap3A_567], %swap3A_570 {strides = array<i32>} : memref<2x80x64xf32, #tpu.memory_space<vmem>>, vector<1x1x16xf32>,
      %add3A_571 = arith.addf %bitcast_convert_type3A_555, %bitcast_convert_type3A_559 : vector<16xf32>
      %max3A_572 = arith.constant 0.000000e+00 : f32
      %max3A_573 = vector.broadcast %max3A_572 : f32 to vector<16xf32>
      %max3A_574 = arith.maximumf %add3A_571, %max3A_573 : vector<16xf32>
      %swap3A_575 = arith.constant 0 : i32
      %swap3A_576 = arith.index_cast %swap3A_575 : i32 to index
      %swap3A_577 = arith.index_cast %scan3A_425 : i32 to index
      %swap3A_578 = arith.constant 32 : index
      %swap3A_579 = tpu.vector_load %arg12[%swap3A_576, %swap3A_577, %swap3A_578] {strides = array<i32>} : memref<2x80x64xf32, #tpu.memory_space<vmem>>, vector<1x1x16xf32>,
      %swap3A_580 = vector.shape_cast %swap3A_579 : vector<1x1x16xf32> to vector<16xf32>
      %swap3A_581 = vector.shape_cast %max3A_574 : vector<16xf32> to vector<1x1x16xf32>
      tpu.vector_store %arg12[%swap3A_576, %swap3A_577, %swap3A_578], %swap3A_581 {strides = array<i32>} : memref<2x80x64xf32, #tpu.memory_space<vmem>>, vector<1x1x16xf32>,
      %get3A_582 = arith.constant 0 : i32
      %get3A_583 = arith.index_cast %get3A_582 : i32 to index
      %get3A_584 = arith.index_cast %scan3A_425 : i32 to index
      %get3A_585 = arith.constant 48 : index
      %get3A_586 = tpu.vector_load %arg11[%get3A_583, %get3A_584, %get3A_585] {strides = array<i32>} : memref<2x80x64xf32, #tpu.memory_space<vmem>>, vector<1x1x16xf32>,
      %get3A_587 = vector.shape_cast %get3A_586 : vector<1x1x16xf32> to vector<16xf32>
      %bitcast_convert_type3A_588 = tpu.bitcast %get3A_587 : vector<16xf32> -> vector<16xi32>
      %get3A_589 = arith.constant 0 : i32
      %get3A_590 = arith.index_cast %get3A_589 : i32 to index
      %get3A_591 = arith.index_cast %scan3A_425 : i32 to index
      %get3A_592 = arith.constant 48 : index
      %get3A_593 = tpu.vector_load %arg12[%get3A_590, %get3A_591, %get3A_592] {strides = array<i32>} : memref<2x80x64xf32, #tpu.memory_space<vmem>>, vector<1x1x16xf32>,
      %get3A_594 = vector.shape_cast %get3A_593 : vector<1x1x16xf32> to vector<16xf32>
      %bitcast_convert_type3A_595 = tpu.bitcast %get3A_594 : vector<16xf32> -> vector<16xi32>
      %shift_left3A_596 = arith.constant 16 : i32
      %shift_left3A_597 = vector.broadcast %shift_left3A_596 : i32 to vector<16xi32>
      %shift_left3A_598 = arith.shli %bitcast_convert_type3A_588, %shift_left3A_597 : vector<16xi32>
      %bitcast_convert_type3A_599 = tpu.bitcast %shift_left3A_598 : vector<16xi32> -> vector<16xf32>
      %shift_left3A_600 = arith.constant 16 : i32
      %shift_left3A_601 = vector.broadcast %shift_left3A_600 : i32 to vector<16xi32>
      %shift_left3A_602 = arith.shli %bitcast_convert_type3A_595, %shift_left3A_601 : vector<16xi32>
      %bitcast_convert_type3A_603 = tpu.bitcast %shift_left3A_602 : vector<16xi32> -> vector<16xf32>
      %and3A_604 = arith.constant -65536 : i32
      %and3A_605 = vector.broadcast %and3A_604 : i32 to vector<16xi32>
      %and3A_606 = arith.andi %bitcast_convert_type3A_588, %and3A_605 : vector<16xi32>
      %bitcast_convert_type3A_607 = tpu.bitcast %and3A_606 : vector<16xi32> -> vector<16xf32>
      %and3A_608 = arith.constant -65536 : i32
      %and3A_609 = vector.broadcast %and3A_608 : i32 to vector<16xi32>
      %and3A_610 = arith.andi %bitcast_convert_type3A_595, %and3A_609 : vector<16xi32>
      %bitcast_convert_type3A_611 = tpu.bitcast %and3A_610 : vector<16xi32> -> vector<16xf32>
      %add3A_612 = arith.addf %bitcast_convert_type3A_599, %bitcast_convert_type3A_603 : vector<16xf32>
      %max3A_613 = arith.constant 0.000000e+00 : f32
      %max3A_614 = vector.broadcast %max3A_613 : f32 to vector<16xf32>
      %max3A_615 = arith.maximumf %add3A_612, %max3A_614 : vector<16xf32>
      %swap3A_616 = arith.constant 0 : i32
      %swap3A_617 = arith.index_cast %swap3A_616 : i32 to index
      %swap3A_618 = arith.index_cast %scan3A_425 : i32 to index
      %swap3A_619 = arith.constant 48 : index
      %swap3A_620 = tpu.vector_load %arg11[%swap3A_617, %swap3A_618, %swap3A_619] {strides = array<i32>} : memref<2x80x64xf32, #tpu.memory_space<vmem>>, vector<1x1x16xf32>,
      %swap3A_621 = vector.shape_cast %swap3A_620 : vector<1x1x16xf32> to vector<16xf32>
      %swap3A_622 = vector.shape_cast %max3A_615 : vector<16xf32> to vector<1x1x16xf32>
      tpu.vector_store %arg11[%swap3A_617, %swap3A_618, %swap3A_619], %swap3A_622 {strides = array<i32>} : memref<2x80x64xf32, #tpu.memory_space<vmem>>, vector<1x1x16xf32>,
      %add3A_623 = arith.addf %bitcast_convert_type3A_607, %bitcast_convert_type3A_611 : vector<16xf32>
      %max3A_624 = arith.constant 0.000000e+00 : f32
      %max3A_625 = vector.broadcast %max3A_624 : f32 to vector<16xf32>
      %max3A_626 = arith.maximumf %add3A_623, %max3A_625 : vector<16xf32>
      %swap3A_627 = arith.constant 0 : i32
      %swap3A_628 = arith.index_cast %swap3A_627 : i32 to index
      %swap3A_629 = arith.index_cast %scan3A_425 : i32 to index
      %swap3A_630 = arith.constant 48 : index
      %swap3A_631 = tpu.vector_load %arg12[%swap3A_628, %swap3A_629, %swap3A_630] {strides = array<i32>} : memref<2x80x64xf32, #tpu.memory_space<vmem>>, vector<1x1x16xf32>,
      %swap3A_632 = vector.shape_cast %swap3A_631 : vector<1x1x16xf32> to vector<16xf32>
      %swap3A_633 = vector.shape_cast %max3A_626 : vector<16xf32> to vector<1x1x16xf32>
      tpu.vector_store %arg12[%swap3A_628, %swap3A_629, %swap3A_630], %swap3A_633 {strides = array<i32>} : memref<2x80x64xf32, #tpu.memory_space<vmem>>, vector<1x1x16xf32>,
      %scan3A_634 = arith.constant 2 : i32
      %scan3A_635 = arith.addi %scan3A_218, %scan3A_634 : i32
      %get3A_636 = arith.constant 0 : i32
      %get3A_637 = arith.index_cast %get3A_636 : i32 to index
      %get3A_638 = arith.index_cast %scan3A_635 : i32 to index
      %get3A_639 = arith.constant 0 : index
      %get3A_640 = tpu.vector_load %arg11[%get3A_637, %get3A_638, %get3A_639] {strides = array<i32>} : memref<2x80x64xf32, #tpu.memory_space<vmem>>, vector<1x1x16xf32>,
      %get3A_641 = vector.shape_cast %get3A_640 : vector<1x1x16xf32> to vector<16xf32>
      %bitcast_convert_type3A_642 = tpu.bitcast %get3A_641 : vector<16xf32> -> vector<16xi32>
      %get3A_643 = arith.constant 0 : i32
      %get3A_644 = arith.index_cast %get3A_643 : i32 to index
      %get3A_645 = arith.index_cast %scan3A_635 : i32 to index
      %get3A_646 = arith.constant 0 : index
      %get3A_647 = tpu.vector_load %arg12[%get3A_644, %get3A_645, %get3A_646] {strides = array<i32>} : memref<2x80x64xf32, #tpu.memory_space<vmem>>, vector<1x1x16xf32>,
      %get3A_648 = vector.shape_cast %get3A_647 : vector<1x1x16xf32> to vector<16xf32>
      %bitcast_convert_type3A_649 = tpu.bitcast %get3A_648 : vector<16xf32> -> vector<16xi32>
      %shift_left3A_650 = arith.constant 16 : i32
      %shift_left3A_651 = vector.broadcast %shift_left3A_650 : i32 to vector<16xi32>
      %shift_left3A_652 = arith.shli %bitcast_convert_type3A_642, %shift_left3A_651 : vector<16xi32>
      %bitcast_convert_type3A_653 = tpu.bitcast %shift_left3A_652 : vector<16xi32> -> vector<16xf32>
      %shift_left3A_654 = arith.constant 16 : i32
      %shift_left3A_655 = vector.broadcast %shift_left3A_654 : i32 to vector<16xi32>
      %shift_left3A_656 = arith.shli %bitcast_convert_type3A_649, %shift_left3A_655 : vector<16xi32>
      %bitcast_convert_type3A_657 = tpu.bitcast %shift_left3A_656 : vector<16xi32> -> vector<16xf32>
      %and3A_658 = arith.constant -65536 : i32
      %and3A_659 = vector.broadcast %and3A_658 : i32 to vector<16xi32>
      %and3A_660 = arith.andi %bitcast_convert_type3A_642, %and3A_659 : vector<16xi32>
      %bitcast_convert_type3A_661 = tpu.bitcast %and3A_660 : vector<16xi32> -> vector<16xf32>
      %and3A_662 = arith.constant -65536 : i32
      %and3A_663 = vector.broadcast %and3A_662 : i32 to vector<16xi32>
      %and3A_664 = arith.andi %bitcast_convert_type3A_649, %and3A_663 : vector<16xi32>
      %bitcast_convert_type3A_665 = tpu.bitcast %and3A_664 : vector<16xi32> -> vector<16xf32>
      %add3A_666 = arith.addf %bitcast_convert_type3A_653, %bitcast_convert_type3A_657 : vector<16xf32>
      %max3A_667 = arith.constant 0.000000e+00 : f32
      %max3A_668 = vector.broadcast %max3A_667 : f32 to vector<16xf32>
      %max3A_669 = arith.maximumf %add3A_666, %max3A_668 : vector<16xf32>
      %swap3A_670 = arith.constant 0 : i32
      %swap3A_671 = arith.index_cast %swap3A_670 : i32 to index
      %swap3A_672 = arith.index_cast %scan3A_635 : i32 to index
      %swap3A_673 = arith.constant 0 : index
      %swap3A_674 = tpu.vector_load %arg11[%swap3A_671, %swap3A_672, %swap3A_673] {strides = array<i32>} : memref<2x80x64xf32, #tpu.memory_space<vmem>>, vector<1x1x16xf32>,
      %swap3A_675 = vector.shape_cast %swap3A_674 : vector<1x1x16xf32> to vector<16xf32>
      %swap3A_676 = vector.shape_cast %max3A_669 : vector<16xf32> to vector<1x1x16xf32>
      tpu.vector_store %arg11[%swap3A_671, %swap3A_672, %swap3A_673], %swap3A_676 {strides = array<i32>} : memref<2x80x64xf32, #tpu.memory_space<vmem>>, vector<1x1x16xf32>,
      %add3A_677 = arith.addf %bitcast_convert_type3A_661, %bitcast_convert_type3A_665 : vector<16xf32>
      %max3A_678 = arith.constant 0.000000e+00 : f32
      %max3A_679 = vector.broadcast %max3A_678 : f32 to vector<16xf32>
      %max3A_680 = arith.maximumf %add3A_677, %max3A_679 : vector<16xf32>
      %swap3A_681 = arith.constant 0 : i32
      %swap3A_682 = arith.index_cast %swap3A_681 : i32 to index
      %swap3A_683 = arith.index_cast %scan3A_635 : i32 to index
      %swap3A_684 = arith.constant 0 : index
      %swap3A_685 = tpu.vector_load %arg12[%swap3A_682, %swap3A_683, %swap3A_684] {strides = array<i32>} : memref<2x80x64xf32, #tpu.memory_space<vmem>>, vector<1x1x16xf32>,
      %swap3A_686 = vector.shape_cast %swap3A_685 : vector<1x1x16xf32> to vector<16xf32>
      %swap3A_687 = vector.shape_cast %max3A_680 : vector<16xf32> to vector<1x1x16xf32>
      tpu.vector_store %arg12[%swap3A_682, %swap3A_683, %swap3A_684], %swap3A_687 {strides = array<i32>} : memref<2x80x64xf32, #tpu.memory_space<vmem>>, vector<1x1x16xf32>,
      %get3A_688 = arith.constant 0 : i32
      %get3A_689 = arith.index_cast %get3A_688 : i32 to index
      %get3A_690 = arith.index_cast %scan3A_635 : i32 to index
      %get3A_691 = arith.constant 16 : index
      %get3A_692 = tpu.vector_load %arg11[%get3A_689, %get3A_690, %get3A_691] {strides = array<i32>} : memref<2x80x64xf32, #tpu.memory_space<vmem>>, vector<1x1x16xf32>,
      %get3A_693 = vector.shape_cast %get3A_692 : vector<1x1x16xf32> to vector<16xf32>
      %bitcast_convert_type3A_694 = tpu.bitcast %get3A_693 : vector<16xf32> -> vector<16xi32>
      %get3A_695 = arith.constant 0 : i32
      %get3A_696 = arith.index_cast %get3A_695 : i32 to index
      %get3A_697 = arith.index_cast %scan3A_635 : i32 to index
      %get3A_698 = arith.constant 16 : index
      %get3A_699 = tpu.vector_load %arg12[%get3A_696, %get3A_697, %get3A_698] {strides = array<i32>} : memref<2x80x64xf32, #tpu.memory_space<vmem>>, vector<1x1x16xf32>,
      %get3A_700 = vector.shape_cast %get3A_699 : vector<1x1x16xf32> to vector<16xf32>
      %bitcast_convert_type3A_701 = tpu.bitcast %get3A_700 : vector<16xf32> -> vector<16xi32>
      %shift_left3A_702 = arith.constant 16 : i32
      %shift_left3A_703 = vector.broadcast %shift_left3A_702 : i32 to vector<16xi32>
      %shift_left3A_704 = arith.shli %bitcast_convert_type3A_694, %shift_left3A_703 : vector<16xi32>
      %bitcast_convert_type3A_705 = tpu.bitcast %shift_left3A_704 : vector<16xi32> -> vector<16xf32>
      %shift_left3A_706 = arith.constant 16 : i32
      %shift_left3A_707 = vector.broadcast %shift_left3A_706 : i32 to vector<16xi32>
      %shift_left3A_708 = arith.shli %bitcast_convert_type3A_701, %shift_left3A_707 : vector<16xi32>
      %bitcast_convert_type3A_709 = tpu.bitcast %shift_left3A_708 : vector<16xi32> -> vector<16xf32>
      %and3A_710 = arith.constant -65536 : i32
      %and3A_711 = vector.broadcast %and3A_710 : i32 to vector<16xi32>
      %and3A_712 = arith.andi %bitcast_convert_type3A_694, %and3A_711 : vector<16xi32>
      %bitcast_convert_type3A_713 = tpu.bitcast %and3A_712 : vector<16xi32> -> vector<16xf32>
      %and3A_714 = arith.constant -65536 : i32
      %and3A_715 = vector.broadcast %and3A_714 : i32 to vector<16xi32>
      %and3A_716 = arith.andi %bitcast_convert_type3A_701, %and3A_715 : vector<16xi32>
      %bitcast_convert_type3A_717 = tpu.bitcast %and3A_716 : vector<16xi32> -> vector<16xf32>
      %add3A_718 = arith.addf %bitcast_convert_type3A_705, %bitcast_convert_type3A_709 : vector<16xf32>
      %max3A_719 = arith.constant 0.000000e+00 : f32
      %max3A_720 = vector.broadcast %max3A_719 : f32 to vector<16xf32>
      %max3A_721 = arith.maximumf %add3A_718, %max3A_720 : vector<16xf32>
      %swap3A_722 = arith.constant 0 : i32
      %swap3A_723 = arith.index_cast %swap3A_722 : i32 to index
      %swap3A_724 = arith.index_cast %scan3A_635 : i32 to index
      %swap3A_725 = arith.constant 16 : index
      %swap3A_726 = tpu.vector_load %arg11[%swap3A_723, %swap3A_724, %swap3A_725] {strides = array<i32>} : memref<2x80x64xf32, #tpu.memory_space<vmem>>, vector<1x1x16xf32>,
      %swap3A_727 = vector.shape_cast %swap3A_726 : vector<1x1x16xf32> to vector<16xf32>
      %swap3A_728 = vector.shape_cast %max3A_721 : vector<16xf32> to vector<1x1x16xf32>
      tpu.vector_store %arg11[%swap3A_723, %swap3A_724, %swap3A_725], %swap3A_728 {strides = array<i32>} : memref<2x80x64xf32, #tpu.memory_space<vmem>>, vector<1x1x16xf32>,
      %add3A_729 = arith.addf %bitcast_convert_type3A_713, %bitcast_convert_type3A_717 : vector<16xf32>
      %max3A_730 = arith.constant 0.000000e+00 : f32
      %max3A_731 = vector.broadcast %max3A_730 : f32 to vector<16xf32>
      %max3A_732 = arith.maximumf %add3A_729, %max3A_731 : vector<16xf32>
      %swap3A_733 = arith.constant 0 : i32
      %swap3A_734 = arith.index_cast %swap3A_733 : i32 to index
      %swap3A_735 = arith.index_cast %scan3A_635 : i32 to index
      %swap3A_736 = arith.constant 16 : index
      %swap3A_737 = tpu.vector_load %arg12[%swap3A_734, %swap3A_735, %swap3A_736] {strides = array<i32>} : memref<2x80x64xf32, #tpu.memory_space<vmem>>, vector<1x1x16xf32>,
      %swap3A_738 = vector.shape_cast %swap3A_737 : vector<1x1x16xf32> to vector<16xf32>
      %swap3A_739 = vector.shape_cast %max3A_732 : vector<16xf32> to vector<1x1x16xf32>
      tpu.vector_store %arg12[%swap3A_734, %swap3A_735, %swap3A_736], %swap3A_739 {strides = array<i32>} : memref<2x80x64xf32, #tpu.memory_space<vmem>>, vector<1x1x16xf32>,
      %get3A_740 = arith.constant 0 : i32
      %get3A_741 = arith.index_cast %get3A_740 : i32 to index
      %get3A_742 = arith.index_cast %scan3A_635 : i32 to index
      %get3A_743 = arith.constant 32 : index
      %get3A_744 = tpu.vector_load %arg11[%get3A_741, %get3A_742, %get3A_743] {strides = array<i32>} : memref<2x80x64xf32, #tpu.memory_space<vmem>>, vector<1x1x16xf32>,
      %get3A_745 = vector.shape_cast %get3A_744 : vector<1x1x16xf32> to vector<16xf32>
      %bitcast_convert_type3A_746 = tpu.bitcast %get3A_745 : vector<16xf32> -> vector<16xi32>
      %get3A_747 = arith.constant 0 : i32
      %get3A_748 = arith.index_cast %get3A_747 : i32 to index
      %get3A_749 = arith.index_cast %scan3A_635 : i32 to index
      %get3A_750 = arith.constant 32 : index
      %get3A_751 = tpu.vector_load %arg12[%get3A_748, %get3A_749, %get3A_750] {strides = array<i32>} : memref<2x80x64xf32, #tpu.memory_space<vmem>>, vector<1x1x16xf32>,
      %get3A_752 = vector.shape_cast %get3A_751 : vector<1x1x16xf32> to vector<16xf32>
      %bitcast_convert_type3A_753 = tpu.bitcast %get3A_752 : vector<16xf32> -> vector<16xi32>
      %shift_left3A_754 = arith.constant 16 : i32
      %shift_left3A_755 = vector.broadcast %shift_left3A_754 : i32 to vector<16xi32>
      %shift_left3A_756 = arith.shli %bitcast_convert_type3A_746, %shift_left3A_755 : vector<16xi32>
      %bitcast_convert_type3A_757 = tpu.bitcast %shift_left3A_756 : vector<16xi32> -> vector<16xf32>
      %shift_left3A_758 = arith.constant 16 : i32
      %shift_left3A_759 = vector.broadcast %shift_left3A_758 : i32 to vector<16xi32>
      %shift_left3A_760 = arith.shli %bitcast_convert_type3A_753, %shift_left3A_759 : vector<16xi32>
      %bitcast_convert_type3A_761 = tpu.bitcast %shift_left3A_760 : vector<16xi32> -> vector<16xf32>
      %and3A_762 = arith.constant -65536 : i32
      %and3A_763 = vector.broadcast %and3A_762 : i32 to vector<16xi32>
      %and3A_764 = arith.andi %bitcast_convert_type3A_746, %and3A_763 : vector<16xi32>
      %bitcast_convert_type3A_765 = tpu.bitcast %and3A_764 : vector<16xi32> -> vector<16xf32>
      %and3A_766 = arith.constant -65536 : i32
      %and3A_767 = vector.broadcast %and3A_766 : i32 to vector<16xi32>
      %and3A_768 = arith.andi %bitcast_convert_type3A_753, %and3A_767 : vector<16xi32>
      %bitcast_convert_type3A_769 = tpu.bitcast %and3A_768 : vector<16xi32> -> vector<16xf32>
      %add3A_770 = arith.addf %bitcast_convert_type3A_757, %bitcast_convert_type3A_761 : vector<16xf32>
      %max3A_771 = arith.constant 0.000000e+00 : f32
      %max3A_772 = vector.broadcast %max3A_771 : f32 to vector<16xf32>
      %max3A_773 = arith.maximumf %add3A_770, %max3A_772 : vector<16xf32>
      %swap3A_774 = arith.constant 0 : i32
      %swap3A_775 = arith.index_cast %swap3A_774 : i32 to index
      %swap3A_776 = arith.index_cast %scan3A_635 : i32 to index
      %swap3A_777 = arith.constant 32 : index
      %swap3A_778 = tpu.vector_load %arg11[%swap3A_775, %swap3A_776, %swap3A_777] {strides = array<i32>} : memref<2x80x64xf32, #tpu.memory_space<vmem>>, vector<1x1x16xf32>,
      %swap3A_779 = vector.shape_cast %swap3A_778 : vector<1x1x16xf32> to vector<16xf32>
      %swap3A_780 = vector.shape_cast %max3A_773 : vector<16xf32> to vector<1x1x16xf32>
      tpu.vector_store %arg11[%swap3A_775, %swap3A_776, %swap3A_777], %swap3A_780 {strides = array<i32>} : memref<2x80x64xf32, #tpu.memory_space<vmem>>, vector<1x1x16xf32>,
      %add3A_781 = arith.addf %bitcast_convert_type3A_765, %bitcast_convert_type3A_769 : vector<16xf32>
      %max3A_782 = arith.constant 0.000000e+00 : f32
      %max3A_783 = vector.broadcast %max3A_782 : f32 to vector<16xf32>
      %max3A_784 = arith.maximumf %add3A_781, %max3A_783 : vector<16xf32>
      %swap3A_785 = arith.constant 0 : i32
      %swap3A_786 = arith.index_cast %swap3A_785 : i32 to index
      %swap3A_787 = arith.index_cast %scan3A_635 : i32 to index
      %swap3A_788 = arith.constant 32 : index
      %swap3A_789 = tpu.vector_load %arg12[%swap3A_786, %swap3A_787, %swap3A_788] {strides = array<i32>} : memref<2x80x64xf32, #tpu.memory_space<vmem>>, vector<1x1x16xf32>,
      %swap3A_790 = vector.shape_cast %swap3A_789 : vector<1x1x16xf32> to vector<16xf32>
      %swap3A_791 = vector.shape_cast %max3A_784 : vector<16xf32> to vector<1x1x16xf32>
      tpu.vector_store %arg12[%swap3A_786, %swap3A_787, %swap3A_788], %swap3A_791 {strides = array<i32>} : memref<2x80x64xf32, #tpu.memory_space<vmem>>, vector<1x1x16xf32>,
      %get3A_792 = arith.constant 0 : i32
      %get3A_793 = arith.index_cast %get3A_792 : i32 to index
      %get3A_794 = arith.index_cast %scan3A_635 : i32 to index
      %get3A_795 = arith.constant 48 : index
      %get3A_796 = tpu.vector_load %arg11[%get3A_793, %get3A_794, %get3A_795] {strides = array<i32>} : memref<2x80x64xf32, #tpu.memory_space<vmem>>, vector<1x1x16xf32>,
      %get3A_797 = vector.shape_cast %get3A_796 : vector<1x1x16xf32> to vector<16xf32>
      %bitcast_convert_type3A_798 = tpu.bitcast %get3A_797 : vector<16xf32> -> vector<16xi32>
      %get3A_799 = arith.constant 0 : i32
      %get3A_800 = arith.index_cast %get3A_799 : i32 to index
      %get3A_801 = arith.index_cast %scan3A_635 : i32 to index
      %get3A_802 = arith.constant 48 : index
      %get3A_803 = tpu.vector_load %arg12[%get3A_800, %get3A_801, %get3A_802] {strides = array<i32>} : memref<2x80x64xf32, #tpu.memory_space<vmem>>, vector<1x1x16xf32>,
      %get3A_804 = vector.shape_cast %get3A_803 : vector<1x1x16xf32> to vector<16xf32>
      %bitcast_convert_type3A_805 = tpu.bitcast %get3A_804 : vector<16xf32> -> vector<16xi32>
      %shift_left3A_806 = arith.constant 16 : i32
      %shift_left3A_807 = vector.broadcast %shift_left3A_806 : i32 to vector<16xi32>
      %shift_left3A_808 = arith.shli %bitcast_convert_type3A_798, %shift_left3A_807 : vector<16xi32>
      %bitcast_convert_type3A_809 = tpu.bitcast %shift_left3A_808 : vector<16xi32> -> vector<16xf32>
      %shift_left3A_810 = arith.constant 16 : i32
      %shift_left3A_811 = vector.broadcast %shift_left3A_810 : i32 to vector<16xi32>
      %shift_left3A_812 = arith.shli %bitcast_convert_type3A_805, %shift_left3A_811 : vector<16xi32>
      %bitcast_convert_type3A_813 = tpu.bitcast %shift_left3A_812 : vector<16xi32> -> vector<16xf32>
      %and3A_814 = arith.constant -65536 : i32
      %and3A_815 = vector.broadcast %and3A_814 : i32 to vector<16xi32>
      %and3A_816 = arith.andi %bitcast_convert_type3A_798, %and3A_815 : vector<16xi32>
      %bitcast_convert_type3A_817 = tpu.bitcast %and3A_816 : vector<16xi32> -> vector<16xf32>
      %and3A_818 = arith.constant -65536 : i32
      %and3A_819 = vector.broadcast %and3A_818 : i32 to vector<16xi32>
      %and3A_820 = arith.andi %bitcast_convert_type3A_805, %and3A_819 : vector<16xi32>
      %bitcast_convert_type3A_821 = tpu.bitcast %and3A_820 : vector<16xi32> -> vector<16xf32>
      %add3A_822 = arith.addf %bitcast_convert_type3A_809, %bitcast_convert_type3A_813 : vector<16xf32>
      %max3A_823 = arith.constant 0.000000e+00 : f32
      %max3A_824 = vector.broadcast %max3A_823 : f32 to vector<16xf32>
      %max3A_825 = arith.maximumf %add3A_822, %max3A_824 : vector<16xf32>
      %swap3A_826 = arith.constant 0 : i32
      %swap3A_827 = arith.index_cast %swap3A_826 : i32 to index
      %swap3A_828 = arith.index_cast %scan3A_635 : i32 to index
      %swap3A_829 = arith.constant 48 : index
      %swap3A_830 = tpu.vector_load %arg11[%swap3A_827, %swap3A_828, %swap3A_829] {strides = array<i32>} : memref<2x80x64xf32, #tpu.memory_space<vmem>>, vector<1x1x16xf32>,
      %swap3A_831 = vector.shape_cast %swap3A_830 : vector<1x1x16xf32> to vector<16xf32>
      %swap3A_832 = vector.shape_cast %max3A_825 : vector<16xf32> to vector<1x1x16xf32>
      tpu.vector_store %arg11[%swap3A_827, %swap3A_828, %swap3A_829], %swap3A_832 {strides = array<i32>} : memref<2x80x64xf32, #tpu.memory_space<vmem>>, vector<1x1x16xf32>,
      %add3A_833 = arith.addf %bitcast_convert_type3A_817, %bitcast_convert_type3A_821 : vector<16xf32>
      %max3A_834 = arith.constant 0.000000e+00 : f32
      %max3A_835 = vector.broadcast %max3A_834 : f32 to vector<16xf32>
      %max3A_836 = arith.maximumf %add3A_833, %max3A_835 : vector<16xf32>
      %swap3A_837 = arith.constant 0 : i32
      %swap3A_838 = arith.index_cast %swap3A_837 : i32 to index
      %swap3A_839 = arith.index_cast %scan3A_635 : i32 to index
      %swap3A_840 = arith.constant 48 : index
      %swap3A_841 = tpu.vector_load %arg12[%swap3A_838, %swap3A_839, %swap3A_840] {strides = array<i32>} : memref<2x80x64xf32, #tpu.memory_space<vmem>>, vector<1x1x16xf32>,
      %swap3A_842 = vector.shape_cast %swap3A_841 : vector<1x1x16xf32> to vector<16xf32>
      %swap3A_843 = vector.shape_cast %max3A_836 : vector<16xf32> to vector<1x1x16xf32>
      tpu.vector_store %arg12[%swap3A_838, %swap3A_839, %swap3A_840], %swap3A_843 {strides = array<i32>} : memref<2x80x64xf32, #tpu.memory_space<vmem>>, vector<1x1x16xf32>,
      %scan3A_844 = arith.constant 3 : i32
      %scan3A_845 = arith.addi %scan3A_218, %scan3A_844 : i32
      %get3A_846 = arith.constant 0 : i32
      %get3A_847 = arith.index_cast %get3A_846 : i32 to index
      %get3A_848 = arith.index_cast %scan3A_845 : i32 to index
      %get3A_849 = arith.constant 0 : index
      %get3A_850 = tpu.vector_load %arg11[%get3A_847, %get3A_848, %get3A_849] {strides = array<i32>} : memref<2x80x64xf32, #tpu.memory_space<vmem>>, vector<1x1x16xf32>,
      %get3A_851 = vector.shape_cast %get3A_850 : vector<1x1x16xf32> to vector<16xf32>
      %bitcast_convert_type3A_852 = tpu.bitcast %get3A_851 : vector<16xf32> -> vector<16xi32>
      %get3A_853 = arith.constant 0 : i32
      %get3A_854 = arith.index_cast %get3A_853 : i32 to index
      %get3A_855 = arith.index_cast %scan3A_845 : i32 to index
      %get3A_856 = arith.constant 0 : index
      %get3A_857 = tpu.vector_load %arg12[%get3A_854, %get3A_855, %get3A_856] {strides = array<i32>} : memref<2x80x64xf32, #tpu.memory_space<vmem>>, vector<1x1x16xf32>,
      %get3A_858 = vector.shape_cast %get3A_857 : vector<1x1x16xf32> to vector<16xf32>
      %bitcast_convert_type3A_859 = tpu.bitcast %get3A_858 : vector<16xf32> -> vector<16xi32>
      %shift_left3A_860 = arith.constant 16 : i32
      %shift_left3A_861 = vector.broadcast %shift_left3A_860 : i32 to vector<16xi32>
      %shift_left3A_862 = arith.shli %bitcast_convert_type3A_852, %shift_left3A_861 : vector<16xi32>
      %bitcast_convert_type3A_863 = tpu.bitcast %shift_left3A_862 : vector<16xi32> -> vector<16xf32>
      %shift_left3A_864 = arith.constant 16 : i32
      %shift_left3A_865 = vector.broadcast %shift_left3A_864 : i32 to vector<16xi32>
      %shift_left3A_866 = arith.shli %bitcast_convert_type3A_859, %shift_left3A_865 : vector<16xi32>
      %bitcast_convert_type3A_867 = tpu.bitcast %shift_left3A_866 : vector<16xi32> -> vector<16xf32>
      %and3A_868 = arith.constant -65536 : i32
      %and3A_869 = vector.broadcast %and3A_868 : i32 to vector<16xi32>
      %and3A_870 = arith.andi %bitcast_convert_type3A_852, %and3A_869 : vector<16xi32>
      %bitcast_convert_type3A_871 = tpu.bitcast %and3A_870 : vector<16xi32> -> vector<16xf32>
      %and3A_872 = arith.constant -65536 : i32
      %and3A_873 = vector.broadcast %and3A_872 : i32 to vector<16xi32>
      %and3A_874 = arith.andi %bitcast_convert_type3A_859, %and3A_873 : vector<16xi32>
      %bitcast_convert_type3A_875 = tpu.bitcast %and3A_874 : vector<16xi32> -> vector<16xf32>
      %add3A_876 = arith.addf %bitcast_convert_type3A_863, %bitcast_convert_type3A_867 : vector<16xf32>
      %max3A_877 = arith.constant 0.000000e+00 : f32
      %max3A_878 = vector.broadcast %max3A_877 : f32 to vector<16xf32>
      %max3A_879 = arith.maximumf %add3A_876, %max3A_878 : vector<16xf32>
      %swap3A_880 = arith.constant 0 : i32
      %swap3A_881 = arith.index_cast %swap3A_880 : i32 to index
      %swap3A_882 = arith.index_cast %scan3A_845 : i32 to index
      %swap3A_883 = arith.constant 0 : index
      %swap3A_884 = tpu.vector_load %arg11[%swap3A_881, %swap3A_882, %swap3A_883] {strides = array<i32>} : memref<2x80x64xf32, #tpu.memory_space<vmem>>, vector<1x1x16xf32>,
      %swap3A_885 = vector.shape_cast %swap3A_884 : vector<1x1x16xf32> to vector<16xf32>
      %swap3A_886 = vector.shape_cast %max3A_879 : vector<16xf32> to vector<1x1x16xf32>
      tpu.vector_store %arg11[%swap3A_881, %swap3A_882, %swap3A_883], %swap3A_886 {strides = array<i32>} : memref<2x80x64xf32, #tpu.memory_space<vmem>>, vector<1x1x16xf32>,
      %add3A_887 = arith.addf %bitcast_convert_type3A_871, %bitcast_convert_type3A_875 : vector<16xf32>
      %max3A_888 = arith.constant 0.000000e+00 : f32
      %max3A_889 = vector.broadcast %max3A_888 : f32 to vector<16xf32>
      %max3A_890 = arith.maximumf %add3A_887, %max3A_889 : vector<16xf32>
      %swap3A_891 = arith.constant 0 : i32
      %swap3A_892 = arith.index_cast %swap3A_891 : i32 to index
      %swap3A_893 = arith.index_cast %scan3A_845 : i32 to index
      %swap3A_894 = arith.constant 0 : index
      %swap3A_895 = tpu.vector_load %arg12[%swap3A_892, %swap3A_893, %swap3A_894] {strides = array<i32>} : memref<2x80x64xf32, #tpu.memory_space<vmem>>, vector<1x1x16xf32>,
      %swap3A_896 = vector.shape_cast %swap3A_895 : vector<1x1x16xf32> to vector<16xf32>
      %swap3A_897 = vector.shape_cast %max3A_890 : vector<16xf32> to vector<1x1x16xf32>
      tpu.vector_store %arg12[%swap3A_892, %swap3A_893, %swap3A_894], %swap3A_897 {strides = array<i32>} : memref<2x80x64xf32, #tpu.memory_space<vmem>>, vector<1x1x16xf32>,
      %get3A_898 = arith.constant 0 : i32
      %get3A_899 = arith.index_cast %get3A_898 : i32 to index
      %get3A_900 = arith.index_cast %scan3A_845 : i32 to index
      %get3A_901 = arith.constant 16 : index
      %get3A_902 = tpu.vector_load %arg11[%get3A_899, %get3A_900, %get3A_901] {strides = array<i32>} : memref<2x80x64xf32, #tpu.memory_space<vmem>>, vector<1x1x16xf32>,
      %get3A_903 = vector.shape_cast %get3A_902 : vector<1x1x16xf32> to vector<16xf32>
      %bitcast_convert_type3A_904 = tpu.bitcast %get3A_903 : vector<16xf32> -> vector<16xi32>
      %get3A_905 = arith.constant 0 : i32
      %get3A_906 = arith.index_cast %get3A_905 : i32 to index
      %get3A_907 = arith.index_cast %scan3A_845 : i32 to index
      %get3A_908 = arith.constant 16 : index
      %get3A_909 = tpu.vector_load %arg12[%get3A_906, %get3A_907, %get3A_908] {strides = array<i32>} : memref<2x80x64xf32, #tpu.memory_space<vmem>>, vector<1x1x16xf32>,
      %get3A_910 = vector.shape_cast %get3A_909 : vector<1x1x16xf32> to vector<16xf32>
      %bitcast_convert_type3A_911 = tpu.bitcast %get3A_910 : vector<16xf32> -> vector<16xi32>
      %shift_left3A_912 = arith.constant 16 : i32
      %shift_left3A_913 = vector.broadcast %shift_left3A_912 : i32 to vector<16xi32>
      %shift_left3A_914 = arith.shli %bitcast_convert_type3A_904, %shift_left3A_913 : vector<16xi32>
      %bitcast_convert_type3A_915 = tpu.bitcast %shift_left3A_914 : vector<16xi32> -> vector<16xf32>
      %shift_left3A_916 = arith.constant 16 : i32
      %shift_left3A_917 = vector.broadcast %shift_left3A_916 : i32 to vector<16xi32>
      %shift_left3A_918 = arith.shli %bitcast_convert_type3A_911, %shift_left3A_917 : vector<16xi32>
      %bitcast_convert_type3A_919 = tpu.bitcast %shift_left3A_918 : vector<16xi32> -> vector<16xf32>
      %and3A_920 = arith.constant -65536 : i32
      %and3A_921 = vector.broadcast %and3A_920 : i32 to vector<16xi32>
      %and3A_922 = arith.andi %bitcast_convert_type3A_904, %and3A_921 : vector<16xi32>
      %bitcast_convert_type3A_923 = tpu.bitcast %and3A_922 : vector<16xi32> -> vector<16xf32>
      %and3A_924 = arith.constant -65536 : i32
      %and3A_925 = vector.broadcast %and3A_924 : i32 to vector<16xi32>
      %and3A_926 = arith.andi %bitcast_convert_type3A_911, %and3A_925 : vector<16xi32>
      %bitcast_convert_type3A_927 = tpu.bitcast %and3A_926 : vector<16xi32> -> vector<16xf32>
      %add3A_928 = arith.addf %bitcast_convert_type3A_915, %bitcast_convert_type3A_919 : vector<16xf32>
      %max3A_929 = arith.constant 0.000000e+00 : f32
      %max3A_930 = vector.broadcast %max3A_929 : f32 to vector<16xf32>
      %max3A_931 = arith.maximumf %add3A_928, %max3A_930 : vector<16xf32>
      %swap3A_932 = arith.constant 0 : i32
      %swap3A_933 = arith.index_cast %swap3A_932 : i32 to index
      %swap3A_934 = arith.index_cast %scan3A_845 : i32 to index
      %swap3A_935 = arith.constant 16 : index
      %swap3A_936 = tpu.vector_load %arg11[%swap3A_933, %swap3A_934, %swap3A_935] {strides = array<i32>} : memref<2x80x64xf32, #tpu.memory_space<vmem>>, vector<1x1x16xf32>,
      %swap3A_937 = vector.shape_cast %swap3A_936 : vector<1x1x16xf32> to vector<16xf32>
      %swap3A_938 = vector.shape_cast %max3A_931 : vector<16xf32> to vector<1x1x16xf32>
      tpu.vector_store %arg11[%swap3A_933, %swap3A_934, %swap3A_935], %swap3A_938 {strides = array<i32>} : memref<2x80x64xf32, #tpu.memory_space<vmem>>, vector<1x1x16xf32>,
      %add3A_939 = arith.addf %bitcast_convert_type3A_923, %bitcast_convert_type3A_927 : vector<16xf32>
      %max3A_940 = arith.constant 0.000000e+00 : f32
      %max3A_941 = vector.broadcast %max3A_940 : f32 to vector<16xf32>
      %max3A_942 = arith.maximumf %add3A_939, %max3A_941 : vector<16xf32>
      %swap3A_943 = arith.constant 0 : i32
      %swap3A_944 = arith.index_cast %swap3A_943 : i32 to index
      %swap3A_945 = arith.index_cast %scan3A_845 : i32 to index
      %swap3A_946 = arith.constant 16 : index
      %swap3A_947 = tpu.vector_load %arg12[%swap3A_944, %swap3A_945, %swap3A_946] {strides = array<i32>} : memref<2x80x64xf32, #tpu.memory_space<vmem>>, vector<1x1x16xf32>,
      %swap3A_948 = vector.shape_cast %swap3A_947 : vector<1x1x16xf32> to vector<16xf32>
      %swap3A_949 = vector.shape_cast %max3A_942 : vector<16xf32> to vector<1x1x16xf32>
      tpu.vector_store %arg12[%swap3A_944, %swap3A_945, %swap3A_946], %swap3A_949 {strides = array<i32>} : memref<2x80x64xf32, #tpu.memory_space<vmem>>, vector<1x1x16xf32>,
      %get3A_950 = arith.constant 0 : i32
      %get3A_951 = arith.index_cast %get3A_950 : i32 to index
      %get3A_952 = arith.index_cast %scan3A_845 : i32 to index
      %get3A_953 = arith.constant 32 : index
      %get3A_954 = tpu.vector_load %arg11[%get3A_951, %get3A_952, %get3A_953] {strides = array<i32>} : memref<2x80x64xf32, #tpu.memory_space<vmem>>, vector<1x1x16xf32>,
      %get3A_955 = vector.shape_cast %get3A_954 : vector<1x1x16xf32> to vector<16xf32>
      %bitcast_convert_type3A_956 = tpu.bitcast %get3A_955 : vector<16xf32> -> vector<16xi32>
      %get3A_957 = arith.constant 0 : i32
      %get3A_958 = arith.index_cast %get3A_957 : i32 to index
      %get3A_959 = arith.index_cast %scan3A_845 : i32 to index
      %get3A_960 = arith.constant 32 : index
      %get3A_961 = tpu.vector_load %arg12[%get3A_958, %get3A_959, %get3A_960] {strides = array<i32>} : memref<2x80x64xf32, #tpu.memory_space<vmem>>, vector<1x1x16xf32>,
      %get3A_962 = vector.shape_cast %get3A_961 : vector<1x1x16xf32> to vector<16xf32>
      %bitcast_convert_type3A_963 = tpu.bitcast %get3A_962 : vector<16xf32> -> vector<16xi32>
      %shift_left3A_964 = arith.constant 16 : i32
      %shift_left3A_965 = vector.broadcast %shift_left3A_964 : i32 to vector<16xi32>
      %shift_left3A_966 = arith.shli %bitcast_convert_type3A_956, %shift_left3A_965 : vector<16xi32>
      %bitcast_convert_type3A_967 = tpu.bitcast %shift_left3A_966 : vector<16xi32> -> vector<16xf32>
      %shift_left3A_968 = arith.constant 16 : i32
      %shift_left3A_969 = vector.broadcast %shift_left3A_968 : i32 to vector<16xi32>
      %shift_left3A_970 = arith.shli %bitcast_convert_type3A_963, %shift_left3A_969 : vector<16xi32>
      %bitcast_convert_type3A_971 = tpu.bitcast %shift_left3A_970 : vector<16xi32> -> vector<16xf32>
      %and3A_972 = arith.constant -65536 : i32
      %and3A_973 = vector.broadcast %and3A_972 : i32 to vector<16xi32>
      %and3A_974 = arith.andi %bitcast_convert_type3A_956, %and3A_973 : vector<16xi32>
      %bitcast_convert_type3A_975 = tpu.bitcast %and3A_974 : vector<16xi32> -> vector<16xf32>
      %and3A_976 = arith.constant -65536 : i32
      %and3A_977 = vector.broadcast %and3A_976 : i32 to vector<16xi32>
      %and3A_978 = arith.andi %bitcast_convert_type3A_963, %and3A_977 : vector<16xi32>
      %bitcast_convert_type3A_979 = tpu.bitcast %and3A_978 : vector<16xi32> -> vector<16xf32>
      %add3A_980 = arith.addf %bitcast_convert_type3A_967, %bitcast_convert_type3A_971 : vector<16xf32>
      %max3A_981 = arith.constant 0.000000e+00 : f32
      %max3A_982 = vector.broadcast %max3A_981 : f32 to vector<16xf32>
      %max3A_983 = arith.maximumf %add3A_980, %max3A_982 : vector<16xf32>
      %swap3A_984 = arith.constant 0 : i32
      %swap3A_985 = arith.index_cast %swap3A_984 : i32 to index
      %swap3A_986 = arith.index_cast %scan3A_845 : i32 to index
      %swap3A_987 = arith.constant 32 : index
      %swap3A_988 = tpu.vector_load %arg11[%swap3A_985, %swap3A_986, %swap3A_987] {strides = array<i32>} : memref<2x80x64xf32, #tpu.memory_space<vmem>>, vector<1x1x16xf32>,
      %swap3A_989 = vector.shape_cast %swap3A_988 : vector<1x1x16xf32> to vector<16xf32>
      %swap3A_990 = vector.shape_cast %max3A_983 : vector<16xf32> to vector<1x1x16xf32>
      tpu.vector_store %arg11[%swap3A_985, %swap3A_986, %swap3A_987], %swap3A_990 {strides = array<i32>} : memref<2x80x64xf32, #tpu.memory_space<vmem>>, vector<1x1x16xf32>,
      %add3A_991 = arith.addf %bitcast_convert_type3A_975, %bitcast_convert_type3A_979 : vector<16xf32>
      %max3A_992 = arith.constant 0.000000e+00 : f32
      %max3A_993 = vector.broadcast %max3A_992 : f32 to vector<16xf32>
      %max3A_994 = arith.maximumf %add3A_991, %max3A_993 : vector<16xf32>
      %swap3A_995 = arith.constant 0 : i32
      %swap3A_996 = arith.index_cast %swap3A_995 : i32 to index
      %swap3A_997 = arith.index_cast %scan3A_845 : i32 to index
      %swap3A_998 = arith.constant 32 : index
      %swap3A_999 = tpu.vector_load %arg12[%swap3A_996, %swap3A_997, %swap3A_998] {strides = array<i32>} : memref<2x80x64xf32, #tpu.memory_space<vmem>>, vector<1x1x16xf32>,
      %swap3A_1000 = vector.shape_cast %swap3A_999 : vector<1x1x16xf32> to vector<16xf32>
      %swap3A_1001 = vector.shape_cast %max3A_994 : vector<16xf32> to vector<1x1x16xf32>
      tpu.vector_store %arg12[%swap3A_996, %swap3A_997, %swap3A_998], %swap3A_1001 {strides = array<i32>} : memref<2x80x64xf32, #tpu.memory_space<vmem>>, vector<1x1x16xf32>,
      %get3A_1002 = arith.constant 0 : i32
      %get3A_1003 = arith.index_cast %get3A_1002 : i32 to index
      %get3A_1004 = arith.index_cast %scan3A_845 : i32 to index
      %get3A_1005 = arith.constant 48 : index
      %get3A_1006 = tpu.vector_load %arg11[%get3A_1003, %get3A_1004, %get3A_1005] {strides = array<i32>} : memref<2x80x64xf32, #tpu.memory_space<vmem>>, vector<1x1x16xf32>,
      %get3A_1007 = vector.shape_cast %get3A_1006 : vector<1x1x16xf32> to vector<16xf32>
      %bitcast_convert_type3A_1008 = tpu.bitcast %get3A_1007 : vector<16xf32> -> vector<16xi32>
      %get3A_1009 = arith.constant 0 : i32
      %get3A_1010 = arith.index_cast %get3A_1009 : i32 to index
      %get3A_1011 = arith.index_cast %scan3A_845 : i32 to index
      %get3A_1012 = arith.constant 48 : index
      %get3A_1013 = tpu.vector_load %arg12[%get3A_1010, %get3A_1011, %get3A_1012] {strides = array<i32>} : memref<2x80x64xf32, #tpu.memory_space<vmem>>, vector<1x1x16xf32>,
      %get3A_1014 = vector.shape_cast %get3A_1013 : vector<1x1x16xf32> to vector<16xf32>
      %bitcast_convert_type3A_1015 = tpu.bitcast %get3A_1014 : vector<16xf32> -> vector<16xi32>
      %shift_left3A_1016 = arith.constant 16 : i32
      %shift_left3A_1017 = vector.broadcast %shift_left3A_1016 : i32 to vector<16xi32>
      %shift_left3A_1018 = arith.shli %bitcast_convert_type3A_1008, %shift_left3A_1017 : vector<16xi32>
      %bitcast_convert_type3A_1019 = tpu.bitcast %shift_left3A_1018 : vector<16xi32> -> vector<16xf32>
      %shift_left3A_1020 = arith.constant 16 : i32
      %shift_left3A_1021 = vector.broadcast %shift_left3A_1020 : i32 to vector<16xi32>
      %shift_left3A_1022 = arith.shli %bitcast_convert_type3A_1015, %shift_left3A_1021 : vector<16xi32>
      %bitcast_convert_type3A_1023 = tpu.bitcast %shift_left3A_1022 : vector<16xi32> -> vector<16xf32>
      %and3A_1024 = arith.constant -65536 : i32
      %and3A_1025 = vector.broadcast %and3A_1024 : i32 to vector<16xi32>
      %and3A_1026 = arith.andi %bitcast_convert_type3A_1008, %and3A_1025 : vector<16xi32>
      %bitcast_convert_type3A_1027 = tpu.bitcast %and3A_1026 : vector<16xi32> -> vector<16xf32>
      %and3A_1028 = arith.constant -65536 : i32
      %and3A_1029 = vector.broadcast %and3A_1028 : i32 to vector<16xi32>
      %and3A_1030 = arith.andi %bitcast_convert_type3A_1015, %and3A_1029 : vector<16xi32>
      %bitcast_convert_type3A_1031 = tpu.bitcast %and3A_1030 : vector<16xi32> -> vector<16xf32>
      %add3A_1032 = arith.addf %bitcast_convert_type3A_1019, %bitcast_convert_type3A_1023 : vector<16xf32>
      %max3A_1033 = arith.constant 0.000000e+00 : f32
      %max3A_1034 = vector.broadcast %max3A_1033 : f32 to vector<16xf32>
      %max3A_1035 = arith.maximumf %add3A_1032, %max3A_1034 : vector<16xf32>
      %swap3A_1036 = arith.constant 0 : i32
      %swap3A_1037 = arith.index_cast %swap3A_1036 : i32 to index
      %swap3A_1038 = arith.index_cast %scan3A_845 : i32 to index
      %swap3A_1039 = arith.constant 48 : index
      %swap3A_1040 = tpu.vector_load %arg11[%swap3A_1037, %swap3A_1038, %swap3A_1039] {strides = array<i32>} : memref<2x80x64xf32, #tpu.memory_space<vmem>>, vector<1x1x16xf32>,
      %swap3A_1041 = vector.shape_cast %swap3A_1040 : vector<1x1x16xf32> to vector<16xf32>
      %swap3A_1042 = vector.shape_cast %max3A_1035 : vector<16xf32> to vector<1x1x16xf32>
      tpu.vector_store %arg11[%swap3A_1037, %swap3A_1038, %swap3A_1039], %swap3A_1042 {strides = array<i32>} : memref<2x80x64xf32, #tpu.memory_space<vmem>>, vector<1x1x16xf32>,
      %add3A_1043 = arith.addf %bitcast_convert_type3A_1027, %bitcast_convert_type3A_1031 : vector<16xf32>
      %max3A_1044 = arith.constant 0.000000e+00 : f32
      %max3A_1045 = vector.broadcast %max3A_1044 : f32 to vector<16xf32>
      %max3A_1046 = arith.maximumf %add3A_1043, %max3A_1045 : vector<16xf32>
      %swap3A_1047 = arith.constant 0 : i32
      %swap3A_1048 = arith.index_cast %swap3A_1047 : i32 to index
      %swap3A_1049 = arith.index_cast %scan3A_845 : i32 to index
      %swap3A_1050 = arith.constant 48 : index
      %swap3A_1051 = tpu.vector_load %arg12[%swap3A_1048, %swap3A_1049, %swap3A_1050] {strides = array<i32>} : memref<2x80x64xf32, #tpu.memory_space<vmem>>, vector<1x1x16xf32>,
      %swap3A_1052 = vector.shape_cast %swap3A_1051 : vector<1x1x16xf32> to vector<16xf32>
      %swap3A_1053 = vector.shape_cast %max3A_1046 : vector<16xf32> to vector<1x1x16xf32>
      tpu.vector_store %arg12[%swap3A_1048, %swap3A_1049, %swap3A_1050], %swap3A_1053 {strides = array<i32>} : memref<2x80x64xf32, #tpu.memory_space<vmem>>, vector<1x1x16xf32>,
    }
    %scan3A_212 = arith.constant 80 : i32
    %run_scoped3A_213 = arith.constant 0 : i32
    %run_scoped3A_214 = arith.constant 0 : i32
    "tpu.region"() ({
      %run_scoped3A_218 = tpu.sem_alloc : memref<!tpu.dma_semaphore, #tpu.memory_space<semaphore_mem>>
      %dma_start3A_219 = arith.constant 0 : i32
      %dma_start3A_220 = arith.constant 0 : i32
      %dma_start3A_221 = tpu.memref_slice %arg11[%run_scoped3A_213, %dma_start3A_219, %dma_start3A_220] : memref<2x80x64xf32, #tpu.memory_space<vmem>> -> memref<1x80x64xf32, #tpu.memory_space<vmem>>
      %dma_start3A_222 = tpu.memref_squeeze %dma_start3A_221 : memref<1x80x64xf32, #tpu.memory_space<vmem>> -> memref<80x64xf32, #tpu.memory_space<vmem>>
      %dma_start3A_223 = arith.constant 0 : i32
      %dma_start3A_224 = tpu.memref_slice %arg10[%run_scoped3A_214, %dma_start3A_223] : memref<2x80xi32, #tpu.memory_space<vmem>> -> memref<1x80xi32, #tpu.memory_space<vmem>>
      %dma_start3A_225 = tpu.memref_squeeze %dma_start3A_224 : memref<1x80xi32, #tpu.memory_space<vmem>> -> memref<80xi32, #tpu.memory_space<vmem>>
      %dma_start3A_226 = arith.constant 0 : i32
      %dma_start3A_227 = arith.constant 0 : i32
      %dma_start3A_228 = tpu.memref_slice %arg13[%dma_start3A_226, %dma_start3A_227] : memref<10240x64xf32, #tpu.memory_space<vmem_shared>> -> memref<10240x64xf32, #tpu.memory_space<vmem_shared>>
      tpu.enqueue_indirect_dma source(%dma_start3A_222 : memref<80x64xf32, #tpu.memory_space<vmem>>) target(%dma_start3A_228 : memref<10240x64xf32, #tpu.memory_space<vmem_shared>>) offsets(%dma_start3A_225 : memref<80xi32, #tpu.memory_space<vmem>>) semaphore(%run_scoped3A_218 : memref<!tpu.dma_semaphore, #tpu.memory_space<semaphore_mem>>) {add = true}
      %dma_wait3A_229 = arith.constant 0 : i32
      %dma_wait3A_230 = arith.constant 0 : i32
      %dma_wait3A_231 = tpu.memref_slice %arg11[%run_scoped3A_213, %dma_wait3A_229, %dma_wait3A_230] : memref<2x80x64xf32, #tpu.memory_space<vmem>> -> memref<1x80x64xf32, #tpu.memory_space<vmem>>
      %dma_wait3A_232 = tpu.memref_squeeze %dma_wait3A_231 : memref<1x80x64xf32, #tpu.memory_space<vmem>> -> memref<80x64xf32, #tpu.memory_space<vmem>>
      %dma_wait3A_233 = arith.constant 0 : i32
      %dma_wait3A_234 = tpu.memref_slice %arg10[%run_scoped3A_214, %dma_wait3A_233] : memref<2x80xi32, #tpu.memory_space<vmem>> -> memref<1x80xi32, #tpu.memory_space<vmem>>
      %dma_wait3A_235 = tpu.memref_squeeze %dma_wait3A_234 : memref<1x80xi32, #tpu.memory_space<vmem>> -> memref<80xi32, #tpu.memory_space<vmem>>
      %dma_wait3A_236 = arith.constant 0 : i32
      %dma_wait3A_237 = arith.constant 0 : i32
      %dma_wait3A_238 = tpu.memref_slice %arg13[%dma_wait3A_236, %dma_wait3A_237] : memref<10240x64xf32, #tpu.memory_space<vmem_shared>> -> memref<10240x64xf32, #tpu.memory_space<vmem_shared>>
      tpu.wait_indirect_dma semaphore(%run_scoped3A_218 : memref<!tpu.dma_semaphore, #tpu.memory_space<semaphore_mem>>) src(%dma_wait3A_232 : memref<80x64xf32, #tpu.memory_space<vmem>>) dst(%dma_wait3A_238 : memref<10240x64xf32, #tpu.memory_space<vmem_shared>>)
      tpu.yield
    }) : () -> ()
    %run_scoped3A_215 = arith.constant 0 : i32
    %run_scoped3A_216 = arith.constant 0 : i32
    "tpu.region"() ({
      %run_scoped3A_218 = tpu.sem_alloc : memref<!tpu.dma_semaphore, #tpu.memory_space<semaphore_mem>>
      %dma_start3A_219 = arith.constant 0 : i32
      %dma_start3A_220 = arith.constant 0 : i32
      %dma_start3A_221 = tpu.memref_slice %arg12[%run_scoped3A_215, %dma_start3A_219, %dma_start3A_220] : memref<2x80x64xf32, #tpu.memory_space<vmem>> -> memref<1x80x64xf32, #tpu.memory_space<vmem>>
      %dma_start3A_222 = tpu.memref_squeeze %dma_start3A_221 : memref<1x80x64xf32, #tpu.memory_space<vmem>> -> memref<80x64xf32, #tpu.memory_space<vmem>>
      %dma_start3A_223 = arith.constant 0 : i32
      %dma_start3A_224 = tpu.memref_slice %arg10[%run_scoped3A_216, %dma_start3A_223] : memref<2x80xi32, #tpu.memory_space<vmem>> -> memref<1x80xi32, #tpu.memory_space<vmem>>
      %dma_start3A_225 = tpu.memref_squeeze %dma_start3A_224 : memref<1x80xi32, #tpu.memory_space<vmem>> -> memref<80xi32, #tpu.memory_space<vmem>>
      %dma_start3A_226 = arith.constant 0 : i32
      %dma_start3A_227 = arith.constant 0 : i32
      %dma_start3A_228 = tpu.memref_slice %arg14[%dma_start3A_226, %dma_start3A_227] : memref<10240x64xf32, #tpu.memory_space<vmem_shared>> -> memref<10240x64xf32, #tpu.memory_space<vmem_shared>>
      tpu.enqueue_indirect_dma source(%dma_start3A_222 : memref<80x64xf32, #tpu.memory_space<vmem>>) target(%dma_start3A_228 : memref<10240x64xf32, #tpu.memory_space<vmem_shared>>) offsets(%dma_start3A_225 : memref<80xi32, #tpu.memory_space<vmem>>) semaphore(%run_scoped3A_218 : memref<!tpu.dma_semaphore, #tpu.memory_space<semaphore_mem>>) {add = true}
      %dma_wait3A_229 = arith.constant 0 : i32
      %dma_wait3A_230 = arith.constant 0 : i32
      %dma_wait3A_231 = tpu.memref_slice %arg12[%run_scoped3A_215, %dma_wait3A_229, %dma_wait3A_230] : memref<2x80x64xf32, #tpu.memory_space<vmem>> -> memref<1x80x64xf32, #tpu.memory_space<vmem>>
      %dma_wait3A_232 = tpu.memref_squeeze %dma_wait3A_231 : memref<1x80x64xf32, #tpu.memory_space<vmem>> -> memref<80x64xf32, #tpu.memory_space<vmem>>
      %dma_wait3A_233 = arith.constant 0 : i32
      %dma_wait3A_234 = tpu.memref_slice %arg10[%run_scoped3A_216, %dma_wait3A_233] : memref<2x80xi32, #tpu.memory_space<vmem>> -> memref<1x80xi32, #tpu.memory_space<vmem>>
      %dma_wait3A_235 = tpu.memref_squeeze %dma_wait3A_234 : memref<1x80xi32, #tpu.memory_space<vmem>> -> memref<80xi32, #tpu.memory_space<vmem>>
      %dma_wait3A_236 = arith.constant 0 : i32
      %dma_wait3A_237 = arith.constant 0 : i32
      %dma_wait3A_238 = tpu.memref_slice %arg14[%dma_wait3A_236, %dma_wait3A_237] : memref<10240x64xf32, #tpu.memory_space<vmem_shared>> -> memref<10240x64xf32, #tpu.memory_space<vmem_shared>>
      tpu.wait_indirect_dma semaphore(%run_scoped3A_218 : memref<!tpu.dma_semaphore, #tpu.memory_space<semaphore_mem>>) src(%dma_wait3A_232 : memref<80x64xf32, #tpu.memory_space<vmem>>) dst(%dma_wait3A_238 : memref<10240x64xf32, #tpu.memory_space<vmem_shared>>)
      tpu.yield
    }) : () -> ()
    %barrier3A_217 = arith.constant 0 : index
    tpu.barrier barrier_id(%barrier3A_217)
    "tpu.region"() ({
      %run_scoped3A_218 = tpu.sem_alloc : memref<!tpu.dma_semaphore, #tpu.memory_space<semaphore_mem>>
      %dma_start3A_219 = arith.constant 0 : i32
      %dma_start3A_220 = tpu.memref_slice %arg6[%arg0, %mul3A_10, %dma_start3A_219] : memref<2x10240x64xf32, #tpu.memory_space<hbm>> -> memref<1x640x64xf32, #tpu.memory_space<hbm>>
      %dma_start3A_221 = tpu.memref_squeeze %dma_start3A_220 : memref<1x640x64xf32, #tpu.memory_space<hbm>> -> memref<640x64xf32, #tpu.memory_space<hbm>>
      %dma_start3A_222 = arith.constant 0 : i32
      %dma_start3A_223 = tpu.memref_slice %arg13[%mul3A_10, %dma_start3A_222] : memref<10240x64xf32, #tpu.memory_space<vmem_shared>> -> memref<640x64xf32, #tpu.memory_space<vmem_shared>>
      tpu.enqueue_dma source(%dma_start3A_223 : memref<640x64xf32, #tpu.memory_space<vmem_shared>>) target(%dma_start3A_221 : memref<640x64xf32, #tpu.memory_space<hbm>>) target_semaphore(%run_scoped3A_218 : memref<!tpu.dma_semaphore, #tpu.memory_space<semaphore_mem>>)
      %dma_wait3A_224 = arith.constant 0 : i32
      %dma_wait3A_225 = tpu.memref_slice %arg6[%arg0, %mul3A_10, %dma_wait3A_224] : memref<2x10240x64xf32, #tpu.memory_space<hbm>> -> memref<1x640x64xf32, #tpu.memory_space<hbm>>
      %dma_wait3A_226 = tpu.memref_squeeze %dma_wait3A_225 : memref<1x640x64xf32, #tpu.memory_space<hbm>> -> memref<640x64xf32, #tpu.memory_space<hbm>>
      %dma_wait3A_227 = arith.constant 0 : i32
      %dma_wait3A_228 = tpu.memref_slice %arg13[%mul3A_10, %dma_wait3A_227] : memref<10240x64xf32, #tpu.memory_space<vmem_shared>> -> memref<640x64xf32, #tpu.memory_space<vmem_shared>>
      tpu.wait_dma2 semaphore(%run_scoped3A_218 : memref<!tpu.dma_semaphore, #tpu.memory_space<semaphore_mem>>) src(%dma_wait3A_228 : memref<640x64xf32, #tpu.memory_space<vmem_shared>>) dst(%dma_wait3A_226 : memref<640x64xf32, #tpu.memory_space<hbm>>)
      tpu.yield
    }) : () -> ()
    "tpu.region"() ({
      %run_scoped3A_218 = tpu.sem_alloc : memref<!tpu.dma_semaphore, #tpu.memory_space<semaphore_mem>>
      %dma_start3A_219 = arith.constant 0 : i32
      %dma_start3A_220 = tpu.memref_slice %arg7[%arg0, %mul3A_10, %dma_start3A_219] : memref<2x10240x64xf32, #tpu.memory_space<hbm>> -> memref<1x640x64xf32, #tpu.memory_space<hbm>>
      %dma_start3A_221 = tpu.memref_squeeze %dma_start3A_220 : memref<1x640x64xf32, #tpu.memory_space<hbm>> -> memref<640x64xf32, #tpu.memory_space<hbm>>
      %dma_start3A_222 = arith.constant 0 : i32
      %dma_start3A_223 = tpu.memref_slice %arg14[%mul3A_10, %dma_start3A_222] : memref<10240x64xf32, #tpu.memory_space<vmem_shared>> -> memref<640x64xf32, #tpu.memory_space<vmem_shared>>
      tpu.enqueue_dma source(%dma_start3A_223 : memref<640x64xf32, #tpu.memory_space<vmem_shared>>) target(%dma_start3A_221 : memref<640x64xf32, #tpu.memory_space<hbm>>) target_semaphore(%run_scoped3A_218 : memref<!tpu.dma_semaphore, #tpu.memory_space<semaphore_mem>>)
      %dma_wait3A_224 = arith.constant 0 : i32
      %dma_wait3A_225 = tpu.memref_slice %arg7[%arg0, %mul3A_10, %dma_wait3A_224] : memref<2x10240x64xf32, #tpu.memory_space<hbm>> -> memref<1x640x64xf32, #tpu.memory_space<hbm>>
      %dma_wait3A_226 = tpu.memref_squeeze %dma_wait3A_225 : memref<1x640x64xf32, #tpu.memory_space<hbm>> -> memref<640x64xf32, #tpu.memory_space<hbm>>
      %dma_wait3A_227 = arith.constant 0 : i32
      %dma_wait3A_228 = tpu.memref_slice %arg14[%mul3A_10, %dma_wait3A_227] : memref<10240x64xf32, #tpu.memory_space<vmem_shared>> -> memref<640x64xf32, #tpu.memory_space<vmem_shared>>
      tpu.wait_dma2 semaphore(%run_scoped3A_218 : memref<!tpu.dma_semaphore, #tpu.memory_space<semaphore_mem>>) src(%dma_wait3A_228 : memref<640x64xf32, #tpu.memory_space<vmem_shared>>) dst(%dma_wait3A_226 : memref<640x64xf32, #tpu.memory_space<hbm>>)
      tpu.yield
    }) : () -> ()
    return
  }
}

module attributes {stable_mosaic.version = 14 : i64} {
  func.func @_tables_body(%arg0: i32, %arg1: memref<1000x128xf32, #tpu.memory_space<vmem>>, %arg2: memref<128x128xf32, #tpu.memory_space<vmem>>, %arg3: memref<128x128xf32, #tpu.memory_space<vmem>>, %arg4: memref<1x128xf32, #tpu.memory_space<vmem>>, %arg5: memref<1000x64xf32, #tpu.memory_space<vmem>>, %arg6: memref<1000x64xf32, #tpu.memory_space<vmem>>) attributes {dimension_semantics = [#tpu.dimension_semantics<arbitrary>], iteration_bounds = array<i64: 10>, scalar_prefetch = 0 : i64, scratch_operands = 0 : i64, tpu.core_type = #tpu.core_type<tc>, window_params = [{transform_indices = @transform_0, window_bounds = array<i64: 1000, 128>}, {pipeline_mode = #tpu.pipeline_mode<synchronous>, transform_indices = @transform_1, window_bounds = array<i64: 128, 128>}, {pipeline_mode = #tpu.pipeline_mode<synchronous>, transform_indices = @transform_2, window_bounds = array<i64: 128, 128>}, {pipeline_mode = #tpu.pipeline_mode<synchronous>, transform_indices = @transform_3, window_bounds = array<i64: 1, 128>}, {transform_indices = @transform_4, window_bounds = array<i64: 1000, 64>}, {transform_indices = @transform_5, window_bounds = array<i64: 1000, 64>}]} {
    %get3A = arith.constant 0 : index
    %get3A_0 = arith.constant 0 : index
    %get3A_1 = vector.load %arg1[%get3A, %get3A_0] : memref<1000x128xf32, #tpu.memory_space<vmem>>, vector<1000x128xf32>
    %get3A_2 = arith.constant 0 : index
    %get3A_3 = arith.constant 0 : index
    %get3A_4 = vector.load %arg2[%get3A_2, %get3A_3] : memref<128x128xf32, #tpu.memory_space<vmem>>, vector<128x128xf32>
    %dot_general3A = arith.constant dense<0.000000e+00> : vector<1000x128xf32>
    %dot_general3A_5 = tpu.matmul %get3A_1, %get3A_4, %dot_general3A {dimension_numbers = #tpu.dot_dimension_numbers<[1], [0], [0], [1], [0, 0, 1, 1], [], []>, transpose_lhs_hint = false} : vector<1000x128xf32>, vector<128x128xf32>, vector<1000x128xf32> -> vector<1000x128xf32>
    %get3A_6 = arith.constant 0 : index
    %get3A_7 = arith.constant 0 : index
    %get3A_8 = vector.load %arg3[%get3A_6, %get3A_7] : memref<128x128xf32, #tpu.memory_space<vmem>>, vector<128x128xf32>
    %dot_general3A_9 = arith.constant dense<0.000000e+00> : vector<1000x128xf32>
    %dot_general3A_10 = tpu.matmul %get3A_1, %get3A_8, %dot_general3A_9 {dimension_numbers = #tpu.dot_dimension_numbers<[1], [0], [0], [1], [0, 0, 1, 1], [], []>, transpose_lhs_hint = false} : vector<1000x128xf32>, vector<128x128xf32>, vector<1000x128xf32> -> vector<1000x128xf32>
    %get3A_11 = arith.constant 0 : index
    %get3A_12 = arith.constant 0 : index
    %get3A_13 = vector.load %arg4[%get3A_11, %get3A_12] : memref<1x128xf32, #tpu.memory_space<vmem>>, vector<1x128xf32>
    %add3A = vector.broadcast %get3A_13 : vector<1x128xf32> to vector<1000x128xf32>
    %add3A_14 = arith.addf %dot_general3A_10, %add3A : vector<1000x128xf32>
    %convert_element_type3A = arith.truncf %dot_general3A_5 : vector<1000x128xf32> to vector<1000x128xbf16>
    %bitcast_convert_type3A = tpu.bitcast %convert_element_type3A : vector<1000x128xbf16> -> vector<1000x128xi16>
    %slice3A = vector.extract_strided_slice %bitcast_convert_type3A {offsets = [0, 0], sizes = [1000, 64], strides = [1, 1]} : vector<1000x128xi16> to vector<1000x64xi16>
    %convert_element_type3A_15 = arith.extui %slice3A : vector<1000x64xi16> to vector<1000x64xi32>
    %slice3A_16 = vector.extract_strided_slice %bitcast_convert_type3A {offsets = [0, 64], sizes = [1000, 64], strides = [1, 1]} : vector<1000x128xi16> to vector<1000x64xi16>
    %convert_element_type3A_17 = arith.extui %slice3A_16 : vector<1000x64xi16> to vector<1000x64xi32>
    %shift_left3A = arith.constant 16 : i32
    %shift_left3A_18 = vector.broadcast %shift_left3A : i32 to vector<1000x64xi32>
    %shift_left3A_19 = arith.shli %convert_element_type3A_17, %shift_left3A_18 : vector<1000x64xi32>
    %or3A = arith.ori %convert_element_type3A_15, %shift_left3A_19 : vector<1000x64xi32>
    %bitcast_convert_type3A_20 = tpu.bitcast %or3A : vector<1000x64xi32> -> vector<1000x64xf32>
    %swap3A = arith.constant 0 : index
    %swap3A_21 = arith.constant 0 : index
    %swap3A_22 = vector.load %arg5[%swap3A, %swap3A_21] : memref<1000x64xf32, #tpu.memory_space<vmem>>, vector<1000x64xf32>
    tpu.vector_store %arg5[%swap3A, %swap3A_21], %bitcast_convert_type3A_20 {strides = array<i32>} : memref<1000x64xf32, #tpu.memory_space<vmem>>, vector<1000x64xf32>,
    %convert_element_type3A_23 = arith.truncf %add3A_14 : vector<1000x128xf32> to vector<1000x128xbf16>
    %bitcast_convert_type3A_24 = tpu.bitcast %convert_element_type3A_23 : vector<1000x128xbf16> -> vector<1000x128xi16>
    %slice3A_25 = vector.extract_strided_slice %bitcast_convert_type3A_24 {offsets = [0, 0], sizes = [1000, 64], strides = [1, 1]} : vector<1000x128xi16> to vector<1000x64xi16>
    %convert_element_type3A_26 = arith.extui %slice3A_25 : vector<1000x64xi16> to vector<1000x64xi32>
    %slice3A_27 = vector.extract_strided_slice %bitcast_convert_type3A_24 {offsets = [0, 64], sizes = [1000, 64], strides = [1, 1]} : vector<1000x128xi16> to vector<1000x64xi16>
    %convert_element_type3A_28 = arith.extui %slice3A_27 : vector<1000x64xi16> to vector<1000x64xi32>
    %shift_left3A_29 = arith.constant 16 : i32
    %shift_left3A_30 = vector.broadcast %shift_left3A_29 : i32 to vector<1000x64xi32>
    %shift_left3A_31 = arith.shli %convert_element_type3A_28, %shift_left3A_30 : vector<1000x64xi32>
    %or3A_32 = arith.ori %convert_element_type3A_26, %shift_left3A_31 : vector<1000x64xi32>
    %bitcast_convert_type3A_33 = tpu.bitcast %or3A_32 : vector<1000x64xi32> -> vector<1000x64xf32>
    %swap3A_34 = arith.constant 0 : index
    %swap3A_35 = arith.constant 0 : index
    %swap3A_36 = vector.load %arg6[%swap3A_34, %swap3A_35] : memref<1000x64xf32, #tpu.memory_space<vmem>>, vector<1000x64xf32>
    tpu.vector_store %arg6[%swap3A_34, %swap3A_35], %bitcast_convert_type3A_33 {strides = array<i32>} : memref<1000x64xf32, #tpu.memory_space<vmem>>, vector<1000x64xf32>,
    return
  }
  func.func @transform_0(%arg0: i32) -> (i32, i32) {
    %c0_i32 = arith.constant 0 : i32
    %c0_i32_0 = arith.constant 0 : i32
    return %arg0, %c0_i32 : i32, i32
  }
  func.func @transform_1(%arg0: i32) -> (i32, i32) {
    %c0_i32 = arith.constant 0 : i32
    %c0_i32_0 = arith.constant 0 : i32
    %c0_i32_1 = arith.constant 0 : i32
    return %c0_i32, %c0_i32_0 : i32, i32
  }
  func.func @transform_2(%arg0: i32) -> (i32, i32) {
    %c0_i32 = arith.constant 0 : i32
    %c0_i32_0 = arith.constant 0 : i32
    %c0_i32_1 = arith.constant 0 : i32
    return %c0_i32, %c0_i32_0 : i32, i32
  }
  func.func @transform_3(%arg0: i32) -> (i32, i32) {
    %c0_i32 = arith.constant 0 : i32
    %c0_i32_0 = arith.constant 0 : i32
    %c0_i32_1 = arith.constant 0 : i32
    return %c0_i32, %c0_i32_0 : i32, i32
  }
  func.func @transform_4(%arg0: i32) -> (i32, i32) {
    %c0_i32 = arith.constant 0 : i32
    %c0_i32_0 = arith.constant 0 : i32
    return %arg0, %c0_i32 : i32, i32
  }
  func.func @transform_5(%arg0: i32) -> (i32, i32) {
    %c0_i32 = arith.constant 0 : i32
    %c0_i32_0 = arith.constant 0 : i32
    return %arg0, %c0_i32 : i32, i32
  }
}

module attributes {stable_mosaic.version = 14 : i64} {
  func.func @_combine_body(%arg0: i32, %arg1: memref<2x1000x64xf32, #tpu.memory_space<vmem>>, %arg2: memref<2x1000x64xf32, #tpu.memory_space<vmem>>, %arg3: memref<1000x128xf32, #tpu.memory_space<vmem>>) attributes {dimension_semantics = [#tpu.dimension_semantics<arbitrary>], iteration_bounds = array<i64: 10>, scalar_prefetch = 0 : i64, scratch_operands = 0 : i64, tpu.core_type = #tpu.core_type<tc>, window_params = [{transform_indices = @transform_0, window_bounds = array<i64: 2, 1000, 64>}, {transform_indices = @transform_1, window_bounds = array<i64: 2, 1000, 64>}, {transform_indices = @transform_2, window_bounds = array<i64: 1000, 128>}]} {
    %get3A = arith.constant 0 : index
    %get3A_0 = arith.constant 0 : index
    %get3A_1 = arith.constant 0 : index
    %get3A_2 = vector.load %arg1[%get3A, %get3A_0, %get3A_1] : memref<2x1000x64xf32, #tpu.memory_space<vmem>>, vector<1x1000x64xf32>
    %get3A_3 = vector.shape_cast %get3A_2 : vector<1x1000x64xf32> to vector<1000x64xf32>
    %get3A_4 = arith.constant 1 : index
    %get3A_5 = arith.constant 0 : index
    %get3A_6 = arith.constant 0 : index
    %get3A_7 = vector.load %arg1[%get3A_4, %get3A_5, %get3A_6] : memref<2x1000x64xf32, #tpu.memory_space<vmem>>, vector<1x1000x64xf32>
    %get3A_8 = vector.shape_cast %get3A_7 : vector<1x1000x64xf32> to vector<1000x64xf32>
    %add3A = arith.addf %get3A_3, %get3A_8 : vector<1000x64xf32>
    %get3A_9 = arith.constant 0 : index
    %get3A_10 = arith.constant 0 : index
    %get3A_11 = arith.constant 0 : index
    %get3A_12 = vector.load %arg2[%get3A_9, %get3A_10, %get3A_11] : memref<2x1000x64xf32, #tpu.memory_space<vmem>>, vector<1x1000x64xf32>
    %get3A_13 = vector.shape_cast %get3A_12 : vector<1x1000x64xf32> to vector<1000x64xf32>
    %get3A_14 = arith.constant 1 : index
    %get3A_15 = arith.constant 0 : index
    %get3A_16 = arith.constant 0 : index
    %get3A_17 = vector.load %arg2[%get3A_14, %get3A_15, %get3A_16] : memref<2x1000x64xf32, #tpu.memory_space<vmem>>, vector<1x1000x64xf32>
    %get3A_18 = vector.shape_cast %get3A_17 : vector<1x1000x64xf32> to vector<1000x64xf32>
    %add3A_19 = arith.addf %get3A_13, %get3A_18 : vector<1000x64xf32>
    %concatenate3A = tpu.concatenate %add3A, %add3A_19 in 1 : vector<1000x64xf32>, vector<1000x64xf32> -> vector<1000x128xf32>
    %swap3A = arith.constant 0 : index
    %swap3A_20 = arith.constant 0 : index
    %swap3A_21 = vector.load %arg3[%swap3A, %swap3A_20] : memref<1000x128xf32, #tpu.memory_space<vmem>>, vector<1000x128xf32>
    tpu.vector_store %arg3[%swap3A, %swap3A_20], %concatenate3A {strides = array<i32>} : memref<1000x128xf32, #tpu.memory_space<vmem>>, vector<1000x128xf32>,
    return
  }
  func.func @transform_0(%arg0: i32) -> (i32, i32, i32) {
    %c0_i32 = arith.constant 0 : i32
    %c0_i32_0 = arith.constant 0 : i32
    %c0_i32_1 = arith.constant 0 : i32
    return %c0_i32, %arg0, %c0_i32_0 : i32, i32, i32
  }
  func.func @transform_1(%arg0: i32) -> (i32, i32, i32) {
    %c0_i32 = arith.constant 0 : i32
    %c0_i32_0 = arith.constant 0 : i32
    %c0_i32_1 = arith.constant 0 : i32
    return %c0_i32, %arg0, %c0_i32_0 : i32, i32, i32
  }
  func.func @transform_2(%arg0: i32) -> (i32, i32) {
    %c0_i32 = arith.constant 0 : i32
    %c0_i32_0 = arith.constant 0 : i32
    return %arg0, %c0_i32 : i32, i32
  }
}

</mosaic_0001>

<sc_bundles>
// kernel: kernel.5.cloned.1.call-start
scs
__scs_entry_jumppad:
0x0: {  	(pc) =	sbr.rel $0x88, $3  }
0x1: {  	(tag) =	ssettag $0x0;
	lr =	simm.s32 $0x1  }
0x2: {  	[smem:$0x3F9D] =	sst lr;
	_ =	strace $0xD0000000  }
0x3: {  	_ = 	snop  }
0x4: {  	_ = 	snop  }
0x5: {  	_ = 	snop  }
0x6: {  	_ = 	snop  }
0x7: {  	_ = 	snop  }
__scs_overlays_trampoline_lowered:
0x8: {  	[smem:$0x3FAC] =	sst s0  }
0x9: {  	[smem:$0x3FAD] =	sst s1  }
0xa: {  	[smem:$0x3FAE] =	sst s2  }
0xb: {  	[smem:$0x3FAF] =	sst s3  }
0xc: {  	[smem:$0x3FB0] =	sst s4  }
0xd: {  	[smem:$0x3FB1] =	sst s5  }
0xe: {  	[smem:$0x3FB2] =	sst s6  }
0xf: {  	[smem:$0x3FB3] =	sst s7  }
0x10: {  	[smem:$0x3FB4] =	sst s8  }
0x11: {  	[smem:$0x3FB5] =	sst s9;
	s0 =	simm.s32 @!p0 $0x0  }
0x12: {  	s1 =	sld [smem:$0x3F9B];
	s0 =	simm.s32 @p0 $0x1  }
0x13: {  	[smem:$0x3FB6] =	sst s0;
	s0 =	simm.s32 @!p1 $0x0  }
0x14: {  	s2 =	sld [smem:$0x3F9A];
	s0 =	simm.s32 @p1 $0x1  }
0x15: {  	[smem:$0x3FB7] =	sst s0;
	s0 =	simm.s32 @!p2 $0x0  }
0x16: {  	s3 =	sld [smem:$0x3FDB];
	s0 =	simm.s32 @p2 $0x1  }
0x17: {  	s4 =	simm.s32 $0x1BF5;
	[smem:$0x3FB9] =	sst s0  }
0x18: {  	s0 =	sld [smem:$0x3F9C];
	_ =	swait.ge [sflag:s4], $0x0  }
0x19: {  	s7 =	sld [smem:$0x3F9D]  }
0x1a: {  	s8 =	sadd.s32 $0xFFFFE003, lr  }
0x1b: {  	s9 =	sadd.s32 $0xFFFFFEF7, lr;
	s5 =	simm.s32 $0xFFFFFFFF;
	p2 =	slt.u32 s8, $0xFFFFF086  }
0x1c: {  	p1 =	slt.u32 s9, $0xF7A;
	s5 =	simm.s32 @!p2 $0x0  }
0x1d: {  	s5 =	simm.s32 @p1 $0x1;
	p0 =	seq.s32 s7, s2  }
0x1e: {  	s7 =	smul.u32 @!p0 $0xF7A, s2;
	p2 =	seq.s32 @!p0 s5, $0x0  }
0x1f: {  	s9 =	smul.u32 $0xF7A, s1;
	s8 =	simm.s32 @!p0 $0x1BF5;
	p2 =	por !p2, p0  }
0x20: {  	[sflag:s8] =	ssyncset.s32 @!p0 $0xFFFFF086;
	s6 =	sadd.s32 @!p0 s3, s7;
	s7 =	simm.s32 @!p0 $0x108  }
0x21: {  	s3 =	sadd.s32 s3, s9;
	s6 =	sadd.s32 @!p0 $0x88, s6;
	s7 =	simm.s32 @p2 $0x1082  }
0x22: {  	[simem:s7], [sflag:s8] =	dma.local @!p0 [hbm:s6], $0xF7A  }
0x23: {  	s9 =	sor.u32 $0xD0000000, s2;
	s6 =	simm.s32 $0x108;
	_ =	swait.ge @!p0 [sflag:s8], $0x0  }
0x24: {  	s3 =	sadd.s32 $0x88, s3;
	s6 =	simm.s32 @!p1 $0x1082;
	[sflag:s4] =	ssyncset.s32 $0xFFFFF086  }
0x25: {  	[simem:s6], [sflag:s4] =	dma.local [hbm:s3], $0xF7A  }
0x26: {  	[smem:$0x3F9D] =	sst s1;
	(tag) =	ssettag s2;
	_ =	strace s9  }
0x27: {  	s1 =	sld [smem:$0x3FAD]  }
0x28: {  	s2 =	sld [smem:$0x3FAE]  }
0x29: {  	s4 =	sld [smem:$0x3FB0]  }
0x2a: {  	p0 =	seq.s32 s5, $0x0;
	s5 =	sld [smem:$0x3FB1]  }
0x2b: {  	s6 =	sld [smem:$0x3FB2]  }
0x2c: {  	s7 =	sld [smem:$0x3FB3]  }
0x2d: {  	s3 =	simm.s32 $0x108;
	s8 =	sld [smem:$0x3FB4]  }
0x2e: {  	s3 =	simm.s32 @!p0 $0x1082;
	s9 =	sld [smem:$0x3FB5]  }
0x2f: {  	lr =	sadd.s32 s0, s3;
	s0 =	sld [smem:$0x3FAC]  }
0x30: {  	s3 =	sld [smem:$0x3FAF]  }
0x31: {  	[smem:$0x3FB8] =	sst s10  }
0x32: {  	s10 =	sld [smem:$0x3FB6];
	_ =	sdelay $0x3  }
0x33: {  	p0 =	seq.s32 s10, $0x1;
	s10 =	sld [smem:$0x3FB8];
	_ =	sdelay $0x3  }
0x34: {  	[smem:$0x3FB8] =	sst s10  }
0x35: {  	s10 =	sld [smem:$0x3FB7];
	_ =	sdelay $0x3  }
0x36: {  	p1 =	seq.s32 s10, $0x1;
	s10 =	sld [smem:$0x3FB8];
	_ =	sdelay $0x3  }
0x37: {  	[smem:$0x3FB8] =	sst s10  }
0x38: {  	s10 =	sld [smem:$0x3FB9]  }
0x39: {  	_ = 	snop;
	(pc) =	sbr.ind lr, $3  }
0x3a: {  	_ = 	snop  }
0x3b: {  	_ = 	snop  }
0x3c: {  	p2 =	seq.s32 s10, $0x1;
	s10 =	sld [smem:$0x3FB8]  }
0x3d: {  	_ =	shalt  }
0x3e: {  	_ =	shalt  }
0x3f: {  	_ =	shalt  }
0x40: {  	_ =	shalt  }
0x41: {  	_ =	shalt  }
0x42: {  	_ =	shalt  }
0x43: {  	_ =	shalt  }
0x44: {  	_ =	shalt  }
0x45: {  	_ =	shalt  }
0x46: {  	_ =	shalt  }
0x47: {  	_ =	shalt  }
0x48: {  	_ =	shalt  }
0x49: {  	_ =	shalt  }
0x4a: {  	_ =	shalt  }
0x4b: {  	_ =	shalt  }
0x4c: {  	_ =	shalt  }
0x4d: {  	_ =	shalt  }
0x4e: {  	_ =	shalt  }
0x4f: {  	_ =	shalt  }
0x50: {  	_ =	shalt  }
0x51: {  	_ =	shalt  }
0x52: {  	_ =	shalt  }
0x53: {  	_ =	shalt  }
0x54: {  	_ =	shalt  }
0x55: {  	_ =	shalt  }
0x56: {  	_ =	shalt  }
0x57: {  	_ =	shalt  }
0x58: {  	_ =	shalt  }
0x59: {  	_ =	shalt  }
0x5a: {  	_ =	shalt  }
0x5b: {  	_ =	shalt  }
0x5c: {  	_ =	shalt  }
0x5d: {  	_ =	shalt  }
0x5e: {  	_ =	shalt  }
0x5f: {  	_ =	shalt  }
0x60: {  	_ =	shalt  }
0x61: {  	_ =	shalt  }
0x62: {  	_ =	shalt  }
0x63: {  	_ =	shalt  }
0x64: {  	_ =	shalt  }
0x65: {  	_ =	shalt  }
0x66: {  	_ =	shalt  }
0x67: {  	_ =	shalt  }
0x68: {  	_ =	shalt  }
0x69: {  	_ =	shalt  }
0x6a: {  	_ =	shalt  }
0x6b: {  	_ =	shalt  }
0x6c: {  	_ =	shalt  }
0x6d: {  	_ =	shalt  }
0x6e: {  	_ =	shalt  }
0x6f: {  	_ =	shalt  }
0x70: {  	_ =	shalt  }
0x71: {  	_ =	shalt  }
0x72: {  	_ =	shalt  }
0x73: {  	_ =	shalt  }
0x74: {  	_ =	shalt  }
0x75: {  	_ =	shalt  }
0x76: {  	_ =	shalt  }
0x77: {  	_ =	shalt  }
0x78: {  	_ =	shalt  }
0x79: {  	_ =	shalt  }
0x7a: {  	_ =	shalt  }
0x7b: {  	_ =	shalt  }
0x7c: {  	_ =	shalt  }
0x7d: {  	_ =	shalt  }
0x7e: {  	_ =	shalt  }
0x7f: {  	_ =	shalt  }
0x80: {  	_ =	shalt  }
0x81: {  	_ =	shalt  }
0x82: {  	_ =	shalt  }
0x83: {  	_ =	shalt  }
0x84: {  	_ =	shalt  }
0x85: {  	_ =	shalt  }
0x86: {  	_ =	shalt  }
0x87: {  	_ =	shalt  }
.Lfunc_end0:
.L_simem_size_0:
called_computation_lowered:
.L_overlay_start_0:
0x88: {  	s2 =	sld [smem:$0x3FD9]  }
0x89: {  	s3 =	sld [smem:$0x3FFE];
	_ =	sdelay $0x1  }
0x8a: {  	s1 =	srdreg.scid  }
0x8b: {  	s0 =	sand.u32 $0x1, s1  }
0x8c: {  	s17 =	sshll.u32 s0, $0xA;
	s2 =	sadd.s32 s3, s2  }
0x8d: {  	s2 =	sadd.s32 s2, s17  }
0x8e: {  	[smem:$0x3FC4] =	sst s2  }
0x8f: {  	_ = 	snop  }
0x90: {  	s2 =	sld [smem:$0x3FD0];
	(tm) =	ssettm $0x1  }
0x91: {  	s18 =	sld [smem:$0x3FFB];
	_ =	sdelay $0x3  }
0x92: {  	_ =	strace s18  }
0x93: {  	s3 =	sld [smem:$0x3FFC];
	_ =	sdelay $0x3  }
0x94: {  	_ =	strace s3  }
0x95: {  	s3 =	sld [smem:$0x3FFD];
	_ =	sdelay $0x3  }
0x96: {  	_ =	strace s3  }
0x97: {  	_ =	strace $0x8FFFFFFF  }
0x98: {  	s19 =	sld [smem:$0x3FDB];
	_ =	sdelay $0x1  }
0x99: {  	s4 =	simm.s32 $_scs_section_size  }
0x9a: {  	s5 =	simm.s32 $_size__tile_overlayer_lowered;
	s6 =	simm.s32 $_tile_overlayer_lowered  }
0x9b: {  	s22 =	simm.s32 $0x1BFF;
	s21 =	sshll.u32 s6, $0x1;
	s3 =	sadd.s32 s4, s19  }
0x9c: {  	s7 =	simm.s32 $0x0;
	s20 =	sshll.u32 s5, $0x1;
	s5 =	sadd.s32 s21, s3  }
0x9d: {  	[timem:s7], [sflag:s22] =	dma.local [hbm:s5], s20  }
0x9e: {  	_ =	swait.ge [sflag:s22], s20  }
0x9f: {  	s4 =	ssub.s32 $0x0, s20;
	[sflag:s22] =	ssyncset.done $0x0  }
0xa0: {  	[sflag:s22] =	ssyncadd.s32 s4;
	_ =	sdelay $0x1  }
0xa1: {  	s23 =	simm.s32 $0x1B8B  }
0xa2: {  	_ =	swait.ge [sflag:s23], $0x1  }
0xa3: {  	[sflag:s23] =	ssyncset.done $0x0  }
0xa4: {  	s25 =	simm.s32 $0x1B8E;
	s24 =	sld [smem:$0x3FFE];
	[sflag:s23] =	ssyncadd.s32 $0xFFFFFFFF  }
0xa5: {  	s26 =	simm.s32 $execute0_lowered;
	[smem:$0x3FD2] =	sst s25  }
0xa6: {  	s5 =	sshll.u32 s26, $0x1;
	_ =	strace $0x80000046;
	[dreg:$0x1] =	wrdreg $0xFFFFFFFF  }
0xa7: {  	s28 =	simm.s32 $_size_execute0_lowered;
	s3 =	sadd.s32 s3, s5;
	[dreg:$0x0] =	wrdreg $0x0  }
0xa8: {  	s5 =	sshll.u32 s28, $0x1;
	[dreg:$0x2] =	wrdreg s3  }
0xa9: {  	[dreg:$0x3] =	wrdreg s5  }
0xaa: {  	[dreg:$0x4] =	wrdreg $0xC0  }
0xab: {  	_ =	task [dreg:s7], $0x5FFFF  }
0xac: {  	[dreg:$0x1] =	wrdreg $0xFFFFFFFF  }
0xad: {  	[dreg:$0x0] =	wrdreg $0x60  }
0xae: {  	[dreg:$0x2] =	wrdreg s2  }
0xaf: {  	[dreg:$0x3] =	wrdreg s24  }
0xb0: {  	[dreg:$0x4] =	wrdreg $0x51E00  }
0xb1: {  	[dreg:$0x5] =	wrdreg $0xF1E00  }
0xb2: {  	[dreg:$0x6] =	wrdreg $0x9  }
0xb3: {  	_ =	task.clear_ibuf [dreg:s7], $0x7FFFF;
	_ =	strace $0x90000046  }
0xb4: {  	s29 =	simm.s32 $0x9;
	_ =	strace $0x80000048  }
0xb5: {  	_ =	swait.ge [sflag:s29], $0x1  }
0xb6: {  	[sflag:s29] =	ssyncadd.s32 $0xFFFFFFFF  }
0xb7: {  	_ =	strace $0x90000048  }
0xb8: {  	_ =	sfence  }
0xb9: {  	s30 =	sld [smem:$0x0];
	_ =	sdelay $0x2  }
0xba: {  	s31 =	sshll.u32 s1, $0xD;
	s1 =	sshrl.u32 s1, $0x2  }
0xbb: {  	s3 =	sand.u32 $0x4000, s31;
	s1 =	sadd.s32 s1, s30  }
0xbc: {  	s0 =	sor.u32 s3, s0;
	s1 =	sshll.u32 s1, $0x11  }
0xbd: {  	s0 =	sor.u32 s1, s0  }
0xbe: {  	s0 =	sadd.s32 $0x8F2B, s0  }
0xbf: {  	[sflag:s0] =	ssyncadd.remote.s32 $0x1  }
0xc0: {  	_ =	sfence.sel $0xFFFF  }
0xc1: {  	[dreg:$0x0] =	wrdreg $0xFFFFFFFF;
	(pc) =	sbr.abs _section_cstart, $3  }
0xc2: {  	[dreg:$0x1] =	wrdreg $0xFFFFFFFF  }
0xc3: {  	_ =	task.clear_ibuf [dreg:s7], $0x2FFFF;
	_ =	strace $0x9FFFFFFF  }
0xc4: {  	(tm) =	ssettm $0x7FFFFFFF  }
0xc5: {  	_ =	shalt  }
tec
execute0_lowered:
.L_overlay_start_1:
0x0: {  	(tag) =	ssettag $0x1  }
0x1: {  	s1 =	rddreg [dreg:$0x0]  }
0x2: {  	s0 =	rddreg [dreg:$0x1]  }
0x3: {  	s3 =	rddreg [dreg:$0x2]  }
0x4: {  	s4 =	rddreg [dreg:$0x3];
	s2 =	srdreg.scid  }
0x5: {  	s13 =	stileid.u32;
	s5 =	simm.s32 $0x0;
	s28 =	simm.s32 $0x4  }
0x6: {  	s29 =	simm.s32 $0x190;
	s2 =	sand.u32 $0x1, s2;
	s9 =	smul.u32 $0xA000, s13  }
0x7: {  	[smem:$0x7FF] =	sst s5;
	s6 =	sadd.s32 $0x14600, s0;
	s7 =	sadd.s32 $0xA800, s0  }
0x8: {  	s8 =	sadd.s32 $0xA00, s0;
	s13 =	sshll.u32 s13, $0x1;
	s10 =	smul.u32 $0xA0000, s2  }
0x9: {  	_ =	strace $0x80000047;
	s11 =	ssub.s32 $0x2, s2;
	s2 =	sor.u32 s2, s13  }
0xa: {  	s12 =	sshrl.u32 s11, $0x1;
	s2 =	smul.u32 $0x2710, s2;
	s20 =	sadd.s32 s9, s4  }
0xb: {  	s16 =	sadd.s32 s9, s3;
	s19 =	sor.u32 $0x1400, s9;
	[dreg:$0x6] =	wrdreg s20  }
0xc: {  	s22 =	sadd.s32 $0x2800, s9;
	s21 =	sadd.s32 s19, s3;
	[dreg:$0x5] =	wrdreg s16  }
0xd: {  	s24 =	sadd.s32 $0x3C00, s9;
	s23 =	sadd.s32 s22, s3;
	[dreg:$0x7] =	wrdreg s21  }
0xe: {  	s26 =	sadd.s32 $0x5000, s9;
	s25 =	sadd.s32 s24, s3;
	[dreg:$0x9] =	wrdreg s23  }
0xf: {  	s14 =	sadd.s32 $0x6400, s9;
	s13 =	sadd.s32 s26, s3;
	[dreg:$0xb] =	wrdreg s25  }
0x10: {  	s17 =	sadd.s32 $0x7800, s9;
	s15 =	sadd.s32 s14, s3;
	[dreg:$0xd] =	wrdreg s13  }
0x11: {  	s10 =	sadd.s32 s9, s10;
	s18 =	sadd.s32 s17, s3;
	[dreg:$0xf] =	wrdreg s15  }
0x12: {  	s9 =	sadd.s32 $0x8C00, s9;
	s10 =	sshrl.u32 s10, $0x3;
	[dreg:$0x11] =	wrdreg s18  }
0x13: {  	s20 =	sadd.s32 s9, s3;
	s21 =	sshrl.u32 s2, $0x3;
	s9 =	sadd.s32 s9, s4  }
0x14: {  	s30 =	sadd.s32 $0xA0, s2;
	s0 =	sadd.s32 s10, s0;
	[dreg:$0x13] =	wrdreg s20  }
0x15: {  	s10 =	ssub.s32 s11, s12;
	s11 =	sadd.s32 s19, s4;
	[dreg:$0x14] =	wrdreg s9  }
0x16: {  	s31 =	sadd.s32 $0xF0, s2;
	s12 =	sadd.s32 s22, s4;
	[dreg:$0x8] =	wrdreg s11  }
0x17: {  	s13 =	simm.s32 $0xB;
	s19 =	sadd.s32 s17, s4;
	[dreg:$0xa] =	wrdreg s12  }
0x18: {  	s15 =	simm.s32 $0x50;
	s22 =	sadd.s32 s7, s21;
	[dreg:$0x12] =	wrdreg s19  }
0x19: {  	s18 =	simm.s32 $0x15E0;
	s11 =	sadd.s32 s24, s4;
	[dreg:$0x15] =	wrdreg s22  }
0x1a: {  	s23 =	sadd.s32 $0xA, s21;
	s12 =	sadd.s32 s26, s4;
	[dreg:$0xc] =	wrdreg s11  }
0x1b: {  	s2 =	simm.s32 $0x0;
	s24 =	sadd.s32 s7, s23;
	[dreg:$0xe] =	wrdreg s12  }
0x1c: {  	s17 =	simm.s32 $0x1E0;
	s9 =	sadd.s32 s8, s23;
	[dreg:$0x17] =	wrdreg s24  }
0x1d: {  	s20 =	simm.s32 $0x1;
	s25 =	sadd.s32 $0x50000, s0;
	[dreg:$0x18] =	wrdreg s9  }
0x1e: {  	s0 =	sadd.s32 $0x28000, s0;
	s26 =	smax.u32 s10, $0x1;
	[dreg:$0x19] =	wrdreg s25  }
0x1f: {  	s19 =	simm.s32 $0x3DE0;
	s22 =	simm.s32 $0x140;
	[dreg:$0x1a] =	wrdreg s0  }
0x20: {  	s23 =	simm.s32 $0x9;
	s11 =	sadd.s32 s14, s4;
	[dreg:$0x1b] =	wrdreg s26  }
0x21: {  	s12 =	simm.s32 $0x29E0;
	s14 =	simm.s32 $0xA0;
	s24 =	simm.s32 $0x5  }
0x22: {  	s25 =	simm.s32 $0x7;
	[dreg:$0x10] =	wrdreg s11;
	s11 =	sadd.s32 s8, s21  }
0x23: {  	v0 =	vimm.f32 $0.0e+00;
	s26 =	simm.s32 $0x2;
	s21 =	simm.s32 $0x3;
	[dreg:$0x16] =	wrdreg s11  }
.LBB2_1:
0x24: {  	s0 =	simm.s32 $0x2A60  }
0x25: {  	[tilespmem:s0+$0xFFFFFF80] =	vst v0  }
0x26: {  	[tilespmem:s0+$0x70] =	vst v0  }
0x27: {  	[tilespmem:s0+$0x60] =	vst v0  }
0x28: {  	[tilespmem:s0+$0x50] =	vst v0  }
0x29: {  	[tilespmem:s0+$0x40] =	vst v0  }
0x2a: {  	[tilespmem:s0+$0x30] =	vst v0  }
0x2b: {  	[tilespmem:s0+$0x20] =	vst v0  }
0x2c: {  	[tilespmem:s0+$0x10] =	vst v0  }
0x2d: {  	[tilespmem:s0+$0x0] =	vst v0  }
0x2e: {  	[tilespmem:s0+$0xFFFFFFF0] =	vst v0  }
0x2f: {  	[tilespmem:s0+$0xFFFFFFE0] =	vst v0  }
0x30: {  	[tilespmem:s0+$0xFFFFFFD0] =	vst v0  }
0x31: {  	[tilespmem:s0+$0xFFFFFFC0] =	vst v0  }
0x32: {  	[tilespmem:s0+$0xFFFFFFB0] =	vst v0  }
0x33: {  	[dreg:$0x1c] =	wrdreg s2;
	s2 =	simm.s32 $0x0;
	[tilespmem:s0+$0xFFFFFFA0] =	vst v0  }
.LBB2_2:
0x34: {  	s2 =	sadd.s32 $0x4, s2;
	[tilespmem:s0+$0xFFFFFF90] =	vst v0;
	s0 =	sadd.s32 $0x100, s0  }
0x35: {  	[tilespmem:s0+$0xFFFFFF80] =	vst v0;
	p0 =	slt.u32 s2, $0x4C  }
0x36: {  	[tilespmem:s0+$0x70] =	vst v0  }
0x37: {  	[tilespmem:s0+$0x60] =	vst v0  }
0x38: {  	[tilespmem:s0+$0x50] =	vst v0  }
0x39: {  	[tilespmem:s0+$0x40] =	vst v0  }
0x3a: {  	[tilespmem:s0+$0x30] =	vst v0  }
0x3b: {  	[tilespmem:s0+$0x20] =	vst v0  }
0x3c: {  	[tilespmem:s0+$0x10] =	vst v0  }
0x3d: {  	[tilespmem:s0+$0x0] =	vst v0  }
0x3e: {  	[tilespmem:s0+$0xFFFFFFF0] =	vst v0  }
.Ltmp0:
0x3f: {  	[tilespmem:s0+$0xFFFFFFE0] =	vst v0;
	(pc) =	sbr.rel @p0 .LBB2_2-.Ltmp0, $4  }
0x40: {  	[tilespmem:s0+$0xFFFFFFD0] =	vst v0  }
0x41: {  	[tilespmem:s0+$0xFFFFFFC0] =	vst v0  }
0x42: {  	[tilespmem:s0+$0xFFFFFFB0] =	vst v0  }
0x43: {  	[tilespmem:s0+$0xFFFFFFA0] =	vst v0  }
0x44: {  	[tilespmem:s0+$0xFFFFFF90] =	vst v0  }
0x45: {  	[spmem:s16] =	stream.linear.scatter [tilespmem:s12], [sflag:$0xB], $0x1400, $0x38;
	[tilespmem:$0x191E0] =	vst v63  }
0x46: {  	_ =	swait.ge [sflag:s13], $0x1400  }
0x47: {  	[sflag:s13] =	ssyncset.done $0x0  }
0x48: {  	s2 =	rddreg [dreg:$0x6];
	[sflag:s13] =	ssyncadd.s32 $0xFFFFEC00  }
0x49: {  	[spmem:s2] =	stream.linear.scatter [tilespmem:s12], [sflag:$0xB], $0x1400, $0x38;
	[tilespmem:$0x191E0] =	vst v63  }
0x4a: {  	_ =	swait.ge [sflag:s13], $0x1400  }
0x4b: {  	[sflag:s13] =	ssyncset.done $0x0  }
0x4c: {  	s9 =	rddreg [dreg:$0x7];
	[sflag:s13] =	ssyncadd.s32 $0xFFFFEC00  }
0x4d: {  	[spmem:s9] =	stream.linear.scatter [tilespmem:s12], [sflag:$0xB], $0x1400, $0x38;
	[tilespmem:$0x191E0] =	vst v63  }
0x4e: {  	_ =	swait.ge [sflag:s13], $0x1400  }
0x4f: {  	[sflag:s13] =	ssyncset.done $0x0  }
0x50: {  	s10 =	rddreg [dreg:$0x8];
	[sflag:s13] =	ssyncadd.s32 $0xFFFFEC00  }
0x51: {  	[spmem:s10] =	stream.linear.scatter [tilespmem:s12], [sflag:$0xB], $0x1400, $0x38;
	[tilespmem:$0x191E0] =	vst v63  }
0x52: {  	_ =	swait.ge [sflag:s13], $0x1400  }
0x53: {  	[sflag:s13] =	ssyncset.done $0x0  }
0x54: {  	s11 =	rddreg [dreg:$0x9];
	[sflag:s13] =	ssyncadd.s32 $0xFFFFEC00  }
0x55: {  	[spmem:s11] =	stream.linear.scatter [tilespmem:s12], [sflag:$0xB], $0x1400, $0x38;
	[tilespmem:$0x191E0] =	vst v63  }
0x56: {  	_ =	swait.ge [sflag:s13], $0x1400  }
0x57: {  	[sflag:s13] =	ssyncset.done $0x0  }
0x58: {  	s16 =	rddreg [dreg:$0xa];
	[sflag:s13] =	ssyncadd.s32 $0xFFFFEC00  }
0x59: {  	[spmem:s16] =	stream.linear.scatter [tilespmem:s12], [sflag:$0xB], $0x1400, $0x38;
	[tilespmem:$0x191E0] =	vst v63  }
0x5a: {  	_ =	swait.ge [sflag:s13], $0x1400  }
0x5b: {  	[sflag:s13] =	ssyncset.done $0x0  }
0x5c: {  	s2 =	rddreg [dreg:$0xb];
	[sflag:s13] =	ssyncadd.s32 $0xFFFFEC00  }
0x5d: {  	[spmem:s2] =	stream.linear.scatter [tilespmem:s12], [sflag:$0xB], $0x1400, $0x38;
	[tilespmem:$0x191E0] =	vst v63  }
0x5e: {  	_ =	swait.ge [sflag:s13], $0x1400  }
0x5f: {  	[sflag:s13] =	ssyncset.done $0x0  }
0x60: {  	s9 =	rddreg [dreg:$0xc];
	[sflag:s13] =	ssyncadd.s32 $0xFFFFEC00  }
0x61: {  	[spmem:s9] =	stream.linear.scatter [tilespmem:s12], [sflag:$0xB], $0x1400, $0x38;
	[tilespmem:$0x191E0] =	vst v63  }
0x62: {  	_ =	swait.ge [sflag:s13], $0x1400  }
0x63: {  	[sflag:s13] =	ssyncset.done $0x0  }
0x64: {  	s10 =	rddreg [dreg:$0xd];
	[sflag:s13] =	ssyncadd.s32 $0xFFFFEC00  }
0x65: {  	[spmem:s10] =	stream.linear.scatter [tilespmem:s12], [sflag:$0xB], $0x1400, $0x38;
	[tilespmem:$0x191E0] =	vst v63  }
0x66: {  	_ =	swait.ge [sflag:s13], $0x1400  }
0x67: {  	[sflag:s13] =	ssyncset.done $0x0  }
0x68: {  	s11 =	rddreg [dreg:$0xe];
	[sflag:s13] =	ssyncadd.s32 $0xFFFFEC00  }
0x69: {  	[spmem:s11] =	stream.linear.scatter [tilespmem:s12], [sflag:$0xB], $0x1400, $0x38;
	[tilespmem:$0x191E0] =	vst v63  }
0x6a: {  	_ =	swait.ge [sflag:s13], $0x1400  }
0x6b: {  	[sflag:s13] =	ssyncset.done $0x0  }
0x6c: {  	s16 =	rddreg [dreg:$0xf];
	[sflag:s13] =	ssyncadd.s32 $0xFFFFEC00  }
0x6d: {  	[spmem:s16] =	stream.linear.scatter [tilespmem:s12], [sflag:$0xB], $0x1400, $0x38;
	[tilespmem:$0x191E0] =	vst v63  }
0x6e: {  	_ =	swait.ge [sflag:s13], $0x1400  }
0x6f: {  	[sflag:s13] =	ssyncset.done $0x0  }
0x70: {  	s2 =	rddreg [dreg:$0x10];
	[sflag:s13] =	ssyncadd.s32 $0xFFFFEC00  }
0x71: {  	[spmem:s2] =	stream.linear.scatter [tilespmem:s12], [sflag:$0xB], $0x1400, $0x38;
	[tilespmem:$0x191E0] =	vst v63  }
0x72: {  	_ =	swait.ge [sflag:s13], $0x1400  }
0x73: {  	[sflag:s13] =	ssyncset.done $0x0  }
0x74: {  	s9 =	rddreg [dreg:$0x11];
	[sflag:s13] =	ssyncadd.s32 $0xFFFFEC00  }
0x75: {  	[spmem:s9] =	stream.linear.scatter [tilespmem:s12], [sflag:$0xB], $0x1400, $0x38;
	[tilespmem:$0x191E0] =	vst v63  }
0x76: {  	_ =	swait.ge [sflag:s13], $0x1400  }
0x77: {  	[sflag:s13] =	ssyncset.done $0x0  }
0x78: {  	s10 =	rddreg [dreg:$0x12];
	[sflag:s13] =	ssyncadd.s32 $0xFFFFEC00  }
0x79: {  	[spmem:s10] =	stream.linear.scatter [tilespmem:s12], [sflag:$0xB], $0x1400, $0x38;
	[tilespmem:$0x191E0] =	vst v63  }
0x7a: {  	_ =	swait.ge [sflag:s13], $0x1400  }
0x7b: {  	[sflag:s13] =	ssyncset.done $0x0  }
0x7c: {  	s11 =	rddreg [dreg:$0x13];
	[sflag:s13] =	ssyncadd.s32 $0xFFFFEC00  }
0x7d: {  	[spmem:s11] =	stream.linear.scatter [tilespmem:s12], [sflag:$0xB], $0x1400, $0x38;
	[tilespmem:$0x191E0] =	vst v63  }
0x7e: {  	_ =	swait.ge [sflag:s13], $0x1400  }
0x7f: {  	[sflag:s13] =	ssyncset.done $0x0  }
0x80: {  	s16 =	rddreg [dreg:$0x14];
	[sflag:s13] =	ssyncadd.s32 $0xFFFFEC00  }
0x81: {  	[spmem:s16] =	stream.linear.scatter [tilespmem:s12], [sflag:$0xB], $0x1400, $0x38;
	[tilespmem:$0x191E0] =	vst v63  }
0x82: {  	_ =	swait.ge [sflag:s13], $0x1400  }
0x83: {  	[sflag:s13] =	ssyncset.done $0x0  }
0x84: {  	[sflag:s13] =	ssyncadd.s32 $0xFFFFEC00  }
0x85: {  	[bflag:$0x0] =	sbarrier.arrive $0xFFFF  }
0x86: {  	s11 =	simm.s32 $0x0;
	s2 =	rddreg [dreg:$0x15]  }
0x87: {  	[tilespmem:s11], [sflag:$0xB] =	stream.linear.gather [hbm4b:s2+s11], $0x50, $0x38;
	[tilespmem:$0x191E0] =	vst v63  }
0x88: {  	_ =	swait.ge [sflag:s13], $0x50  }
0x89: {  	[sflag:s13] =	ssyncset.done $0x0  }
0x8a: {  	s9 =	rddreg [dreg:$0x16];
	[sflag:s13] =	ssyncadd.s32 $0xFFFFFFB0  }
0x8b: {  	[tilespmem:s14], [sflag:$0xB] =	stream.linear.gather [hbm4b:s9+s11], $0x50, $0x38;
	[tilespmem:$0x191E0] =	vst v63  }
0x8c: {  	_ =	swait.ge [sflag:s13], $0x50  }
0x8d: {  	[sflag:s13] =	ssyncset.done $0x0  }
0x8e: {  	s10 =	rddreg [dreg:$0x17];
	[sflag:s13] =	ssyncadd.s32 $0xFFFFFFB0  }
0x8f: {  	[tilespmem:s15], [sflag:$0xB] =	stream.linear.gather [hbm4b:s10+s11], $0x50, $0x38;
	[tilespmem:$0x191E0] =	vst v63  }
0x90: {  	_ =	swait.ge [sflag:s13], $0x50  }
0x91: {  	[sflag:s13] =	ssyncset.done $0x0  }
0x92: {  	s2 =	simm.s32 $0xF0;
	s16 =	rddreg [dreg:$0x18];
	[sflag:s13] =	ssyncadd.s32 $0xFFFFFFB0  }
0x93: {  	[tilespmem:s2], [sflag:$0xB] =	stream.linear.gather [hbm4b:s16+s11], $0x50, $0x38;
	[tilespmem:$0x191E0] =	vst v63  }
0x94: {  	_ =	swait.ge [sflag:s13], $0x50  }
0x95: {  	[sflag:s13] =	ssyncset.done $0x0  }
0x96: {  	[sflag:s13] =	ssyncadd.s32 $0xFFFFFFB0  }
0x97: {  	[tilespmem:s17], [sflag:$0x1] =	stream.indirect.gather [hbm4b:s1+s15], $0x40, s11, s15, $0xb8;
	[tilespmem:$0x191E0] =	vst v63  }
0x98: {  	_ = 	snop  }
0x99: {  	[tilespmem:s12], [sflag:$0x3] =	stream.indirect.gather [hbm4b:s6+s15], $0x40, s14, s15, $0xb8;
	[tilespmem:$0x191E0] =	vst v63  }
.LBB2_4:
0x9a: {  	p0 =	seq.s32 s11, $0x0  }
0x9b: {  	s0 =	simm.s32 @!p0 $0xA  }
0x9c: {  	_ =	swait.ge @!p0 [sflag:s0], $0x1400  }
0x9d: {  	[sflag:s0] =	ssyncset.done @!p0 $0x0  }
0x9e: {  	[sflag:s0] =	ssyncadd.s32 @!p0 $0xFFFFEC00  }
0x9f: {  	_ =	swait.ge @!p0 [sflag:s0], $0x1400  }
0xa0: {  	[sflag:s0] =	ssyncset.done @!p0 $0x0  }
0xa1: {  	[sflag:s0] =	ssyncadd.s32 @!p0 $0xFFFFEC00;
	s0 =	simm.s32 @!p0 $0x6  }
0xa2: {  	_ =	swait.ge @!p0 [sflag:s0], $0x50  }
0xa3: {  	[sflag:s0] =	ssyncset.done @!p0 $0x0  }
0xa4: {  	[sflag:s0] =	ssyncadd.s32 @!p0 $0xFFFFFFB0;
	s0 =	simm.s32 @!p0 $0x8  }
0xa5: {  	_ =	swait.ge @!p0 [sflag:s0], $0x50  }
0xa6: {  	[sflag:s0] =	ssyncset.done @!p0 $0x0  }
0xa7: {  	[sflag:s0] =	ssyncadd.s32 @!p0 $0xFFFFFFB0  }
0xa8: {  	[tilespmem:s18], [sflag:$0x2] =	stream.indirect.gather [hbm4b:s1+s15], $0x40, s15, s15, $0xb8;
	[tilespmem:$0x191E0] =	vst v63  }
0xa9: {  	s10 =	simm.s32 $0xF0  }
0xaa: {  	[tilespmem:s19], [sflag:$0x4] =	stream.indirect.gather [hbm4b:s6+s15], $0x40, s10, s15, $0xb8;
	[tilespmem:$0x191E0] =	vst v63  }
0xab: {  	_ =	swait.ge [sflag:s20], $0x1400  }
0xac: {  	[sflag:s20] =	ssyncset.done $0x0  }
0xad: {  	[sflag:s20] =	ssyncadd.s32 $0xFFFFEC00  }
0xae: {  	_ =	swait.ge [sflag:s21], $0x1400  }
0xaf: {  	[sflag:s21] =	ssyncset.done $0x0  }
0xb0: {  	[sflag:s21] =	ssyncadd.s32 $0xFFFFEC00  }
0xb1: {  	v1 =	vld [tilespmem:$0xA0]  }
0xb2: {  	v2 =	vld [tilespmem:$0xB0]  }
0xb3: {  	v3 =	vld [tilespmem:$0xC0]  }
0xb4: {  	v4 =	vld [tilespmem:$0xD0]  }
0xb5: {  	v5 =	vld [tilespmem:$0xE0]  }
0xb6: {  	s9 =	smul.u32 $0xA0, s11;
	[tilespmem:$0x140] =	vst v1  }
0xb7: {  	[tilespmem:$0x150] =	vst v2  }
0xb8: {  	s16 =	sadd.s32 s9, s30;
	[tilespmem:$0x160] =	vst v3  }
0xb9: {  	s0 =	sshrl.u32 s16, $0x3;
	[tilespmem:$0x170] =	vst v4  }
0xba: {  	s2 =	sadd.s32 s7, s0;
	[tilespmem:$0x180] =	vst v5  }
0xbb: {  	[tilespmem:s5], [sflag:$0x5] =	stream.linear.gather [hbm4b:s2+s5], $0x50, $0x38;
	[tilespmem:$0x191E0] =	vst v63  }
0xbc: {  	s0 =	sadd.s32 s8, s0;
	s10 =	simm.s32 $0x2A60  }
0xbd: {  	[tilespmem:s14], [sflag:$0x7] =	stream.linear.gather [hbm4b:s0+s5], $0x50, $0x38;
	[tilespmem:$0x191E0] =	vst v63  }
0xbe: {  	s0 =	simm.s32 $0x260;
	v1 =	vld [tilespmem:s10+$0xFFFFFF80]  }
0xbf: {  	v2 =	vld [tilespmem:s0+$0xFFFFFF80];
	_ =	sdelay $0x4  }
0xc0: {  	v3 =	vshll.u32 v2, $0x10;
	v48 =	vshll.u32 v1, $0x10  }
0xc1: {  	v1 =	vand.u32 $0xFFFF0000, v1;
	v2 =	vand.u32 $0xFFFF0000, v2;
	v3 =	vadd.f32 v48, v3  }
0xc2: {  	v1 =	vadd.f32 v1, v2  }
0xc3: {  	v2 =	vmax.f32 v3, $0.0e+00  }
0xc4: {  	v1 =	vmax.f32 v1, $0.0e+00;
	[tilespmem:s0+$0xFFFFFF80] =	vst v2  }
0xc5: {  	[tilespmem:s10+$0xFFFFFF80] =	vst v1;
	v1 =	vld [tilespmem:s10+$0xFFFFFF90]  }
0xc6: {  	v2 =	vld [tilespmem:s0+$0xFFFFFF90];
	_ =	sdelay $0x4  }
0xc7: {  	v49 =	vshll.u32 v1, $0x10;
	v3 =	vshll.u32 v2, $0x10  }
0xc8: {  	v1 =	vand.u32 $0xFFFF0000, v1;
	v2 =	vand.u32 $0xFFFF0000, v2;
	v3 =	vadd.f32 v49, v3  }
0xc9: {  	v1 =	vadd.f32 v1, v2  }
0xca: {  	v2 =	vmax.f32 v3, $0.0e+00  }
0xcb: {  	v1 =	vmax.f32 v1, $0.0e+00;
	[tilespmem:s0+$0xFFFFFF90] =	vst v2  }
0xcc: {  	[tilespmem:s10+$0xFFFFFF90] =	vst v1;
	v1 =	vld [tilespmem:s10+$0xFFFFFFA0]  }
0xcd: {  	v2 =	vld [tilespmem:s0+$0xFFFFFFA0];
	_ =	sdelay $0x4  }
0xce: {  	v50 =	vshll.u32 v1, $0x10;
	v3 =	vshll.u32 v2, $0x10  }
0xcf: {  	v1 =	vand.u32 $0xFFFF0000, v1;
	v2 =	vand.u32 $0xFFFF0000, v2;
	v3 =	vadd.f32 v50, v3  }
0xd0: {  	v1 =	vadd.f32 v1, v2  }
0xd1: {  	v2 =	vmax.f32 v3, $0.0e+00  }
0xd2: {  	v1 =	vmax.f32 v1, $0.0e+00;
	[tilespmem:s0+$0xFFFFFFA0] =	vst v2  }
0xd3: {  	[tilespmem:s10+$0xFFFFFFA0] =	vst v1;
	v1 =	vld [tilespmem:s10+$0xFFFFFFB0]  }
0xd4: {  	v2 =	vld [tilespmem:s0+$0xFFFFFFB0];
	_ =	sdelay $0x4  }
0xd5: {  	v51 =	vshll.u32 v1, $0x10;
	v3 =	vshll.u32 v2, $0x10  }
0xd6: {  	v1 =	vand.u32 $0xFFFF0000, v1;
	v2 =	vand.u32 $0xFFFF0000, v2;
	v3 =	vadd.f32 v51, v3  }
0xd7: {  	v1 =	vadd.f32 v1, v2  }
0xd8: {  	v2 =	vmax.f32 v3, $0.0e+00  }
0xd9: {  	v1 =	vmax.f32 v1, $0.0e+00;
	[tilespmem:s0+$0xFFFFFFB0] =	vst v2  }
0xda: {  	[tilespmem:s10+$0xFFFFFFB0] =	vst v1;
	v1 =	vld [tilespmem:s10+$0xFFFFFFC0]  }
0xdb: {  	v2 =	vld [tilespmem:s0+$0xFFFFFFC0];
	_ =	sdelay $0x4  }
0xdc: {  	v52 =	vshll.u32 v1, $0x10;
	v3 =	vshll.u32 v2, $0x10  }
0xdd: {  	v1 =	vand.u32 $0xFFFF0000, v1;
	v2 =	vand.u32 $0xFFFF0000, v2;
	v3 =	vadd.f32 v52, v3  }
0xde: {  	v1 =	vadd.f32 v1, v2  }
0xdf: {  	v2 =	vmax.f32 v3, $0.0e+00  }
0xe0: {  	v1 =	vmax.f32 v1, $0.0e+00;
	[tilespmem:s0+$0xFFFFFFC0] =	vst v2  }
0xe1: {  	[tilespmem:s10+$0xFFFFFFC0] =	vst v1;
	v1 =	vld [tilespmem:s10+$0xFFFFFFD0]  }
0xe2: {  	v2 =	vld [tilespmem:s0+$0xFFFFFFD0];
	_ =	sdelay $0x4  }
0xe3: {  	v53 =	vshll.u32 v1, $0x10;
	v3 =	vshll.u32 v2, $0x10  }
0xe4: {  	v1 =	vand.u32 $0xFFFF0000, v1;
	v2 =	vand.u32 $0xFFFF0000, v2;
	v3 =	vadd.f32 v53, v3  }
0xe5: {  	v1 =	vadd.f32 v1, v2  }
0xe6: {  	v2 =	vmax.f32 v3, $0.0e+00  }
0xe7: {  	v1 =	vmax.f32 v1, $0.0e+00;
	[tilespmem:s0+$0xFFFFFFD0] =	vst v2  }
0xe8: {  	[tilespmem:s10+$0xFFFFFFD0] =	vst v1;
	v1 =	vld [tilespmem:s10+$0xFFFFFFE0]  }
0xe9: {  	v2 =	vld [tilespmem:s0+$0xFFFFFFE0];
	_ =	sdelay $0x4  }
0xea: {  	v54 =	vshll.u32 v1, $0x10;
	v3 =	vshll.u32 v2, $0x10  }
0xeb: {  	v1 =	vand.u32 $0xFFFF0000, v1;
	v2 =	vand.u32 $0xFFFF0000, v2;
	v3 =	vadd.f32 v54, v3  }
0xec: {  	v1 =	vadd.f32 v1, v2  }
0xed: {  	v2 =	vmax.f32 v3, $0.0e+00  }
0xee: {  	v1 =	vmax.f32 v1, $0.0e+00;
	[tilespmem:s0+$0xFFFFFFE0] =	vst v2  }
0xef: {  	[tilespmem:s10+$0xFFFFFFE0] =	vst v1;
	v1 =	vld [tilespmem:s10+$0xFFFFFFF0]  }
0xf0: {  	v2 =	vld [tilespmem:s0+$0xFFFFFFF0];
	_ =	sdelay $0x4  }
0xf1: {  	v55 =	vshll.u32 v1, $0x10;
	v3 =	vshll.u32 v2, $0x10  }
0xf2: {  	v1 =	vand.u32 $0xFFFF0000, v1;
	v2 =	vand.u32 $0xFFFF0000, v2;
	v3 =	vadd.f32 v55, v3  }
0xf3: {  	v1 =	vadd.f32 v1, v2  }
0xf4: {  	v2 =	vmax.f32 v3, $0.0e+00  }
0xf5: {  	v1 =	vmax.f32 v1, $0.0e+00;
	[tilespmem:s0+$0xFFFFFFF0] =	vst v2  }
0xf6: {  	[tilespmem:s10+$0xFFFFFFF0] =	vst v1;
	v1 =	vld [tilespmem:s10+$0x0]  }
0xf7: {  	v2 =	vld [tilespmem:s0+$0x0];
	_ =	sdelay $0x4  }
0xf8: {  	v56 =	vshll.u32 v1, $0x10;
	v3 =	vshll.u32 v2, $0x10  }
0xf9: {  	v1 =	vand.u32 $0xFFFF0000, v1;
	v2 =	vand.u32 $0xFFFF0000, v2;
	v3 =	vadd.f32 v56, v3  }
0xfa: {  	v1 =	vadd.f32 v1, v2  }
0xfb: {  	v2 =	vmax.f32 v3, $0.0e+00  }
0xfc: {  	v1 =	vmax.f32 v1, $0.0e+00;
	[tilespmem:s0+$0x0] =	vst v2  }
0xfd: {  	[tilespmem:s10+$0x0] =	vst v1;
	v1 =	vld [tilespmem:s10+$0x10]  }
0xfe: {  	v2 =	vld [tilespmem:s0+$0x10];
	_ =	sdelay $0x4  }
0xff: {  	v57 =	vshll.u32 v1, $0x10;
	v3 =	vshll.u32 v2, $0x10  }
0x100: {  	v1 =	vand.u32 $0xFFFF0000, v1;
	v2 =	vand.u32 $0xFFFF0000, v2;
	v3 =	vadd.f32 v57, v3  }
0x101: {  	v1 =	vadd.f32 v1, v2  }
0x102: {  	v2 =	vmax.f32 v3, $0.0e+00  }
0x103: {  	v1 =	vmax.f32 v1, $0.0e+00;
	[tilespmem:s0+$0x10] =	vst v2  }
0x104: {  	[tilespmem:s10+$0x10] =	vst v1;
	v1 =	vld [tilespmem:s10+$0x20]  }
0x105: {  	v2 =	vld [tilespmem:s0+$0x20];
	_ =	sdelay $0x4  }
0x106: {  	v58 =	vshll.u32 v1, $0x10;
	v3 =	vshll.u32 v2, $0x10  }
0x107: {  	v1 =	vand.u32 $0xFFFF0000, v1;
	v2 =	vand.u32 $0xFFFF0000, v2;
	v3 =	vadd.f32 v58, v3  }
0x108: {  	v1 =	vadd.f32 v1, v2  }
0x109: {  	v2 =	vmax.f32 v3, $0.0e+00  }
0x10a: {  	v1 =	vmax.f32 v1, $0.0e+00;
	[tilespmem:s0+$0x20] =	vst v2  }
0x10b: {  	[tilespmem:s10+$0x20] =	vst v1;
	v1 =	vld [tilespmem:s10+$0x30]  }
0x10c: {  	v2 =	vld [tilespmem:s0+$0x30];
	_ =	sdelay $0x4  }
0x10d: {  	v59 =	vshll.u32 v1, $0x10;
	v3 =	vshll.u32 v2, $0x10  }
0x10e: {  	v1 =	vand.u32 $0xFFFF0000, v1;
	v2 =	vand.u32 $0xFFFF0000, v2;
	v3 =	vadd.f32 v59, v3  }
0x10f: {  	v1 =	vadd.f32 v1, v2  }
0x110: {  	v2 =	vmax.f32 v3, $0.0e+00  }
0x111: {  	v1 =	vmax.f32 v1, $0.0e+00;
	[tilespmem:s0+$0x30] =	vst v2  }
0x112: {  	[tilespmem:s10+$0x30] =	vst v1;
	v1 =	vld [tilespmem:s10+$0x40]  }
0x113: {  	v2 =	vld [tilespmem:s0+$0x40];
	_ =	sdelay $0x4  }
0x114: {  	v60 =	vshll.u32 v1, $0x10;
	v3 =	vshll.u32 v2, $0x10  }
0x115: {  	v1 =	vand.u32 $0xFFFF0000, v1;
	v2 =	vand.u32 $0xFFFF0000, v2;
	v3 =	vadd.f32 v60, v3  }
0x116: {  	v1 =	vadd.f32 v1, v2  }
0x117: {  	v2 =	vmax.f32 v3, $0.0e+00  }
0x118: {  	v1 =	vmax.f32 v1, $0.0e+00;
	[tilespmem:s0+$0x40] =	vst v2  }
0x119: {  	[tilespmem:s10+$0x40] =	vst v1;
	v1 =	vld [tilespmem:s10+$0x50]  }
0x11a: {  	v2 =	vld [tilespmem:s0+$0x50];
	_ =	sdelay $0x4  }
0x11b: {  	v61 =	vshll.u32 v1, $0x10;
	v3 =	vshll.u32 v2, $0x10  }
0x11c: {  	v1 =	vand.u32 $0xFFFF0000, v1;
	v2 =	vand.u32 $0xFFFF0000, v2;
	v3 =	vadd.f32 v61, v3  }
0x11d: {  	v1 =	vadd.f32 v1, v2  }
0x11e: {  	v2 =	vmax.f32 v3, $0.0e+00  }
0x11f: {  	v1 =	vmax.f32 v1, $0.0e+00;
	[tilespmem:s0+$0x50] =	vst v2  }
0x120: {  	[tilespmem:s10+$0x50] =	vst v1;
	v1 =	vld [tilespmem:s10+$0x60]  }
0x121: {  	v2 =	vld [tilespmem:s0+$0x60];
	_ =	sdelay $0x4  }
0x122: {  	v62 =	vshll.u32 v1, $0x10;
	v3 =	vshll.u32 v2, $0x10  }
0x123: {  	v1 =	vand.u32 $0xFFFF0000, v1;
	v2 =	vand.u32 $0xFFFF0000, v2;
	v3 =	vadd.f32 v62, v3  }
0x124: {  	v1 =	vadd.f32 v1, v2  }
0x125: {  	v2 =	vmax.f32 v3, $0.0e+00  }
0x126: {  	v1 =	vmax.f32 v1, $0.0e+00;
	[tilespmem:s0+$0x60] =	vst v2  }
0x127: {  	[tilespmem:s10+$0x60] =	vst v1;
	v1 =	vld [tilespmem:s10+$0x70]  }
0x128: {  	v2 =	vld [tilespmem:s0+$0x70];
	_ =	sdelay $0x4  }
0x129: {  	v63 =	vshll.u32 v1, $0x10;
	v3 =	vshll.u32 v2, $0x10  }
0x12a: {  	v1 =	vand.u32 $0xFFFF0000, v1;
	v2 =	vand.u32 $0xFFFF0000, v2;
	v3 =	vadd.f32 v63, v3  }
0x12b: {  	v1 =	vadd.f32 v1, v2  }
0x12c: {  	v2 =	vmax.f32 v3, $0.0e+00  }
0x12d: {  	s16 =	simm.s32 $0x2B60;
	s2 =	simm.s32 $0x0;
	v1 =	vmax.f32 v1, $0.0e+00;
	[tilespmem:s0+$0x70] =	vst v2  }
.LBB2_5:
0x12e: {  	v2 =	vld [tilespmem:s16+$0xFFFFFF80];
	s2 =	sadd.s32 $0x4, s2;
	[tilespmem:s10+$0x70] =	vst v1;
	s0 =	sadd.s32 $0x100, s0;
	s10 =	smov.u32 s16  }
0x12f: {  	v1 =	vld [tilespmem:s0+$0xFFFFFF80];
	p0 =	slt.u32 s2, $0x4C;
	_ =	sdelay $0x3  }
0x130: {  	v3 =	vand.u32 $0xFFFF0000, v2  }
0x131: {  	v2 =	vshll.u32 v2, $0x10;
	v4 =	vshll.u32 v1, $0x10;
	v1 =	vand.u32 $0xFFFF0000, v1  }
0x132: {  	v2 =	vadd.f32 v2, v4;
	v1 =	vadd.f32 v3, v1;
	_ =	sdelay $0x1  }
0x133: {  	v2 =	vmax.f32 v2, $0.0e+00  }
0x134: {  	v1 =	vmax.f32 v1, $0.0e+00;
	[tilespmem:s0+$0xFFFFFF80] =	vst v2  }
0x135: {  	[tilespmem:s16+$0xFFFFFF80] =	vst v1;
	v1 =	vld [tilespmem:s16+$0xFFFFFF90]  }
0x136: {  	v2 =	vld [tilespmem:s0+$0xFFFFFF90];
	_ =	sdelay $0x3  }
0x137: {  	v3 =	vand.u32 $0xFFFF0000, v1  }
0x138: {  	v1 =	vshll.u32 v1, $0x10;
	v4 =	vshll.u32 v2, $0x10;
	v2 =	vand.u32 $0xFFFF0000, v2  }
0x139: {  	v1 =	vadd.f32 v1, v4;
	v2 =	vadd.f32 v3, v2;
	_ =	sdelay $0x1  }
0x13a: {  	v1 =	vmax.f32 v1, $0.0e+00  }
0x13b: {  	[tilespmem:s0+$0xFFFFFF90] =	vst v1;
	v1 =	vmax.f32 v2, $0.0e+00  }
0x13c: {  	[tilespmem:s16+$0xFFFFFF90] =	vst v1;
	v1 =	vld [tilespmem:s16+$0xFFFFFFA0]  }
0x13d: {  	v2 =	vld [tilespmem:s0+$0xFFFFFFA0];
	_ =	sdelay $0x3  }
0x13e: {  	v3 =	vand.u32 $0xFFFF0000, v1  }
0x13f: {  	v1 =	vshll.u32 v1, $0x10;
	v4 =	vshll.u32 v2, $0x10;
	v2 =	vand.u32 $0xFFFF0000, v2  }
0x140: {  	v1 =	vadd.f32 v1, v4;
	v2 =	vadd.f32 v3, v2;
	_ =	sdelay $0x1  }
0x141: {  	v1 =	vmax.f32 v1, $0.0e+00  }
0x142: {  	[tilespmem:s0+$0xFFFFFFA0] =	vst v1;
	v1 =	vmax.f32 v2, $0.0e+00  }
0x143: {  	[tilespmem:s16+$0xFFFFFFA0] =	vst v1;
	v1 =	vld [tilespmem:s16+$0xFFFFFFB0]  }
0x144: {  	v2 =	vld [tilespmem:s0+$0xFFFFFFB0];
	_ =	sdelay $0x3  }
0x145: {  	v3 =	vand.u32 $0xFFFF0000, v1  }
0x146: {  	v1 =	vshll.u32 v1, $0x10;
	v4 =	vshll.u32 v2, $0x10;
	v2 =	vand.u32 $0xFFFF0000, v2  }
0x147: {  	v1 =	vadd.f32 v1, v4;
	v2 =	vadd.f32 v3, v2;
	_ =	sdelay $0x1  }
0x148: {  	v1 =	vmax.f32 v1, $0.0e+00  }
0x149: {  	[tilespmem:s0+$0xFFFFFFB0] =	vst v1;
	v1 =	vmax.f32 v2, $0.0e+00  }
0x14a: {  	[tilespmem:s16+$0xFFFFFFB0] =	vst v1;
	v1 =	vld [tilespmem:s16+$0xFFFFFFC0]  }
0x14b: {  	v2 =	vld [tilespmem:s0+$0xFFFFFFC0];
	_ =	sdelay $0x3  }
0x14c: {  	v3 =	vand.u32 $0xFFFF0000, v1  }
0x14d: {  	v1 =	vshll.u32 v1, $0x10;
	v4 =	vshll.u32 v2, $0x10;
	v2 =	vand.u32 $0xFFFF0000, v2  }
0x14e: {  	v1 =	vadd.f32 v1, v4;
	v2 =	vadd.f32 v3, v2;
	_ =	sdelay $0x1  }
0x14f: {  	v1 =	vmax.f32 v1, $0.0e+00  }
0x150: {  	[tilespmem:s0+$0xFFFFFFC0] =	vst v1;
	v1 =	vmax.f32 v2, $0.0e+00  }
0x151: {  	[tilespmem:s16+$0xFFFFFFC0] =	vst v1;
	v1 =	vld [tilespmem:s16+$0xFFFFFFD0]  }
0x152: {  	v2 =	vld [tilespmem:s0+$0xFFFFFFD0];
	_ =	sdelay $0x3  }
0x153: {  	v3 =	vand.u32 $0xFFFF0000, v1  }
0x154: {  	v1 =	vshll.u32 v1, $0x10;
	v4 =	vshll.u32 v2, $0x10;
	v2 =	vand.u32 $0xFFFF0000, v2  }
0x155: {  	v1 =	vadd.f32 v1, v4;
	v2 =	vadd.f32 v3, v2;
	_ =	sdelay $0x1  }
0x156: {  	v1 =	vmax.f32 v1, $0.0e+00  }
0x157: {  	[tilespmem:s0+$0xFFFFFFD0] =	vst v1;
	v1 =	vmax.f32 v2, $0.0e+00  }
0x158: {  	[tilespmem:s16+$0xFFFFFFD0] =	vst v1;
	v1 =	vld [tilespmem:s16+$0xFFFFFFE0]  }
0x159: {  	v2 =	vld [tilespmem:s0+$0xFFFFFFE0];
	_ =	sdelay $0x3  }
0x15a: {  	v3 =	vand.u32 $0xFFFF0000, v1  }
0x15b: {  	v1 =	vshll.u32 v1, $0x10;
	v4 =	vshll.u32 v2, $0x10;
	v2 =	vand.u32 $0xFFFF0000, v2  }
0x15c: {  	v1 =	vadd.f32 v1, v4;
	v2 =	vadd.f32 v3, v2;
	_ =	sdelay $0x1  }
0x15d: {  	v1 =	vmax.f32 v1, $0.0e+00  }
0x15e: {  	[tilespmem:s0+$0xFFFFFFE0] =	vst v1;
	v1 =	vmax.f32 v2, $0.0e+00  }
0x15f: {  	[tilespmem:s16+$0xFFFFFFE0] =	vst v1;
	v1 =	vld [tilespmem:s16+$0xFFFFFFF0]  }
0x160: {  	v2 =	vld [tilespmem:s0+$0xFFFFFFF0];
	_ =	sdelay $0x3  }
0x161: {  	v3 =	vand.u32 $0xFFFF0000, v1  }
0x162: {  	v1 =	vshll.u32 v1, $0x10;
	v4 =	vshll.u32 v2, $0x10;
	v2 =	vand.u32 $0xFFFF0000, v2  }
0x163: {  	v1 =	vadd.f32 v1, v4;
	v2 =	vadd.f32 v3, v2;
	_ =	sdelay $0x1  }
0x164: {  	v1 =	vmax.f32 v1, $0.0e+00  }
0x165: {  	[tilespmem:s0+$0xFFFFFFF0] =	vst v1;
	v1 =	vmax.f32 v2, $0.0e+00  }
0x166: {  	[tilespmem:s16+$0xFFFFFFF0] =	vst v1;
	v1 =	vld [tilespmem:s16+$0x0]  }
0x167: {  	v2 =	vld [tilespmem:s0+$0x0];
	_ =	sdelay $0x3  }
0x168: {  	v3 =	vand.u32 $0xFFFF0000, v1  }
0x169: {  	v1 =	vshll.u32 v1, $0x10;
	v4 =	vshll.u32 v2, $0x10;
	v2 =	vand.u32 $0xFFFF0000, v2  }
0x16a: {  	v1 =	vadd.f32 v1, v4;
	v2 =	vadd.f32 v3, v2;
	_ =	sdelay $0x1  }
0x16b: {  	v1 =	vmax.f32 v1, $0.0e+00  }
0x16c: {  	[tilespmem:s0+$0x0] =	vst v1;
	v1 =	vmax.f32 v2, $0.0e+00  }
0x16d: {  	[tilespmem:s16+$0x0] =	vst v1;
	v1 =	vld [tilespmem:s16+$0x10]  }
0x16e: {  	v2 =	vld [tilespmem:s0+$0x10];
	_ =	sdelay $0x3  }
0x16f: {  	v3 =	vand.u32 $0xFFFF0000, v1  }
0x170: {  	v1 =	vshll.u32 v1, $0x10;
	v4 =	vshll.u32 v2, $0x10;
	v2 =	vand.u32 $0xFFFF0000, v2  }
0x171: {  	v1 =	vadd.f32 v1, v4;
	v2 =	vadd.f32 v3, v2;
	_ =	sdelay $0x1  }
0x172: {  	v1 =	vmax.f32 v1, $0.0e+00  }
0x173: {  	[tilespmem:s0+$0x10] =	vst v1;
	v1 =	vmax.f32 v2, $0.0e+00  }
0x174: {  	[tilespmem:s16+$0x10] =	vst v1;
	v1 =	vld [tilespmem:s16+$0x20]  }
0x175: {  	v2 =	vld [tilespmem:s0+$0x20];
	_ =	sdelay $0x3  }
0x176: {  	v3 =	vand.u32 $0xFFFF0000, v1  }
0x177: {  	v1 =	vshll.u32 v1, $0x10;
	v4 =	vshll.u32 v2, $0x10;
	v2 =	vand.u32 $0xFFFF0000, v2  }
0x178: {  	v1 =	vadd.f32 v1, v4;
	v2 =	vadd.f32 v3, v2;
	_ =	sdelay $0x1  }
0x179: {  	v1 =	vmax.f32 v1, $0.0e+00  }
0x17a: {  	[tilespmem:s0+$0x20] =	vst v1;
	v1 =	vmax.f32 v2, $0.0e+00  }
0x17b: {  	[tilespmem:s16+$0x20] =	vst v1;
	v1 =	vld [tilespmem:s16+$0x30]  }
0x17c: {  	v2 =	vld [tilespmem:s0+$0x30];
	_ =	sdelay $0x3  }
0x17d: {  	v3 =	vand.u32 $0xFFFF0000, v1  }
0x17e: {  	v1 =	vshll.u32 v1, $0x10;
	v4 =	vshll.u32 v2, $0x10;
	v2 =	vand.u32 $0xFFFF0000, v2  }
0x17f: {  	v1 =	vadd.f32 v1, v4;
	v2 =	vadd.f32 v3, v2;
	_ =	sdelay $0x1  }
0x180: {  	v1 =	vmax.f32 v1, $0.0e+00  }
0x181: {  	[tilespmem:s0+$0x30] =	vst v1;
	v1 =	vmax.f32 v2, $0.0e+00  }
0x182: {  	[tilespmem:s16+$0x30] =	vst v1;
	v1 =	vld [tilespmem:s16+$0x40]  }
0x183: {  	v2 =	vld [tilespmem:s0+$0x40];
	_ =	sdelay $0x3  }
0x184: {  	v3 =	vand.u32 $0xFFFF0000, v1  }
0x185: {  	v1 =	vshll.u32 v1, $0x10;
	v4 =	vshll.u32 v2, $0x10;
	v2 =	vand.u32 $0xFFFF0000, v2  }
0x186: {  	v1 =	vadd.f32 v1, v4;
	v2 =	vadd.f32 v3, v2;
	_ =	sdelay $0x1  }
0x187: {  	v1 =	vmax.f32 v1, $0.0e+00  }
0x188: {  	[tilespmem:s0+$0x40] =	vst v1;
	v1 =	vmax.f32 v2, $0.0e+00  }
0x189: {  	[tilespmem:s16+$0x40] =	vst v1;
	v1 =	vld [tilespmem:s16+$0x50]  }
0x18a: {  	v2 =	vld [tilespmem:s0+$0x50];
	_ =	sdelay $0x3  }
0x18b: {  	v3 =	vand.u32 $0xFFFF0000, v1  }
0x18c: {  	v1 =	vshll.u32 v1, $0x10;
	v4 =	vshll.u32 v2, $0x10;
	v2 =	vand.u32 $0xFFFF0000, v2  }
0x18d: {  	v1 =	vadd.f32 v1, v4;
	v2 =	vadd.f32 v3, v2;
	_ =	sdelay $0x1  }
0x18e: {  	v1 =	vmax.f32 v1, $0.0e+00  }
0x18f: {  	[tilespmem:s0+$0x50] =	vst v1;
	v1 =	vmax.f32 v2, $0.0e+00  }
0x190: {  	[tilespmem:s16+$0x50] =	vst v1;
	v1 =	vld [tilespmem:s16+$0x60]  }
0x191: {  	v2 =	vld [tilespmem:s0+$0x60];
	_ =	sdelay $0x3  }
0x192: {  	v3 =	vand.u32 $0xFFFF0000, v1  }
0x193: {  	v1 =	vshll.u32 v1, $0x10;
	v4 =	vshll.u32 v2, $0x10;
	v2 =	vand.u32 $0xFFFF0000, v2  }
0x194: {  	v1 =	vadd.f32 v1, v4;
	v2 =	vadd.f32 v3, v2;
	_ =	sdelay $0x1  }
0x195: {  	v1 =	vmax.f32 v1, $0.0e+00  }
0x196: {  	[tilespmem:s0+$0x60] =	vst v1;
	v1 =	vmax.f32 v2, $0.0e+00  }
0x197: {  	[tilespmem:s16+$0x60] =	vst v1;
	v1 =	vld [tilespmem:s16+$0x70]  }
0x198: {  	v2 =	vld [tilespmem:s0+$0x70];
	_ =	sdelay $0x3  }
0x199: {  	v3 =	vand.u32 $0xFFFF0000, v1  }
.Ltmp1:
0x19a: {  	v1 =	vshll.u32 v1, $0x10;
	v4 =	vshll.u32 v2, $0x10;
	v2 =	vand.u32 $0xFFFF0000, v2;
	(pc) =	sbr.rel @p0 .LBB2_5-.Ltmp1, $3  }
0x19b: {  	v1 =	vadd.f32 v1, v4;
	v2 =	vadd.f32 v3, v2;
	_ =	sdelay $0x1  }
0x19c: {  	v1 =	vmax.f32 v1, $0.0e+00  }
0x19d: {  	s16 =	sadd.s32 $0x100, s16;
	[tilespmem:s0+$0x70] =	vst v1;
	v1 =	vmax.f32 v2, $0.0e+00  }
0x19e: {  	[tilespmem:s10+$0x70] =	vst v1  }
0x19f: {  	[spmem:s3] =	stream.indirect.scatter.add.f32 [tilespmem:s17], [sflag:$0x9], $0x40, s22, s15, $0xb8;
	[tilespmem:$0x191E0] =	vst v63  }
0x1a0: {  	_ = 	snop  }
0x1a1: {  	[spmem:s4] =	stream.indirect.scatter.add.f32 [tilespmem:s12], [sflag:$0x9], $0x40, s22, s15, $0xb8;
	[tilespmem:$0x191E0] =	vst v63  }
0x1a2: {  	_ =	swait.ge [sflag:s23], $0x1400  }
0x1a3: {  	[sflag:s23] =	ssyncset.done $0x0  }
0x1a4: {  	[sflag:s23] =	ssyncadd.s32 $0xFFFFEC00  }
0x1a5: {  	_ =	swait.ge [sflag:s23], $0x1400  }
0x1a6: {  	[sflag:s23] =	ssyncset.done $0x0  }
0x1a7: {  	[sflag:s23] =	ssyncadd.s32 $0xFFFFEC00  }
0x1a8: {  	_ =	swait.ge [sflag:s24], $0x50  }
0x1a9: {  	[sflag:s24] =	ssyncset.done $0x0  }
0x1aa: {  	[sflag:s24] =	ssyncadd.s32 $0xFFFFFFB0  }
0x1ab: {  	_ =	swait.ge [sflag:s25], $0x50  }
0x1ac: {  	[sflag:s25] =	ssyncset.done $0x0  }
0x1ad: {  	[sflag:s25] =	ssyncadd.s32 $0xFFFFFFB0  }
0x1ae: {  	[tilespmem:s17], [sflag:$0x1] =	stream.indirect.gather [hbm4b:s1+s15], $0x40, s5, s15, $0xb8;
	[tilespmem:$0x191E0] =	vst v63  }
0x1af: {  	_ = 	snop  }
0x1b0: {  	[tilespmem:s12], [sflag:$0x3] =	stream.indirect.gather [hbm4b:s6+s15], $0x40, s14, s15, $0xb8;
	[tilespmem:$0x191E0] =	vst v63  }
0x1b1: {  	_ =	swait.ge [sflag:s26], $0x1400  }
0x1b2: {  	[sflag:s26] =	ssyncset.done $0x0  }
0x1b3: {  	[sflag:s26] =	ssyncadd.s32 $0xFFFFEC00  }
0x1b4: {  	_ =	swait.ge [sflag:s28], $0x1400  }
0x1b5: {  	[sflag:s28] =	ssyncset.done $0x0  }
0x1b6: {  	[sflag:s28] =	ssyncadd.s32 $0xFFFFEC00  }
0x1b7: {  	v1 =	vld [tilespmem:$0xF0]  }
0x1b8: {  	v2 =	vld [tilespmem:$0x100]  }
0x1b9: {  	v3 =	vld [tilespmem:$0x110]  }
0x1ba: {  	v4 =	vld [tilespmem:$0x120]  }
0x1bb: {  	v5 =	vld [tilespmem:$0x130]  }
0x1bc: {  	[tilespmem:$0x190] =	vst v1  }
0x1bd: {  	p0 =	seq.s32 s11, $0x3D;
	[tilespmem:$0x1A0] =	vst v2  }
0x1be: {  	s0 =	sadd.s32 @!p0 s9, s31;
	[tilespmem:$0x1B0] =	vst v3  }
0x1bf: {  	s0 =	sshrl.u32 @!p0 s0, $0x3;
	[tilespmem:$0x1C0] =	vst v4  }
0x1c0: {  	s9 =	simm.s32 @!p0 $0x0;
	s10 =	simm.s32 @!p0 $0x50;
	s2 =	sadd.s32 @!p0 s7, s0;
	[tilespmem:$0x1D0] =	vst v5  }
0x1c1: {  	[tilespmem:s10], [sflag:$0x6] =	stream.linear.gather @!p0 [hbm4b:s2+s9], $0x50, $0x38;
	[tilespmem:$0x191E0] =	vst v63  }
0x1c2: {  	s0 =	sadd.s32 @!p0 s8, s0;
	s2 =	simm.s32 @!p0 $0xF0  }
0x1c3: {  	[tilespmem:s2], [sflag:$0x8] =	stream.linear.gather @!p0 [hbm4b:s0+s9], $0x50, $0x38;
	[tilespmem:$0x191E0] =	vst v63  }
0x1c4: {  	s9 =	simm.s32 $0x3ED0  }
0x1c5: {  	s0 =	simm.s32 $0x16D0;
	v1 =	vld [tilespmem:s9+$0xFFFFFF10]  }
0x1c6: {  	v2 =	vld [tilespmem:s0+$0xFFFFFF10];
	_ =	sdelay $0x4  }
0x1c7: {  	v3 =	vshll.u32 v2, $0x10;
	v48 =	vshll.u32 v1, $0x10  }
0x1c8: {  	v1 =	vand.u32 $0xFFFF0000, v1;
	v2 =	vand.u32 $0xFFFF0000, v2;
	v3 =	vadd.f32 v48, v3  }
0x1c9: {  	v1 =	vadd.f32 v1, v2  }
0x1ca: {  	v2 =	vmax.f32 v3, $0.0e+00  }
0x1cb: {  	v1 =	vmax.f32 v1, $0.0e+00;
	[tilespmem:s0+$0xFFFFFF10] =	vst v2  }
0x1cc: {  	[tilespmem:s9+$0xFFFFFF10] =	vst v1;
	v1 =	vld [tilespmem:s9+$0xFFFFFF20]  }
0x1cd: {  	v2 =	vld [tilespmem:s0+$0xFFFFFF20];
	_ =	sdelay $0x4  }
0x1ce: {  	v49 =	vshll.u32 v1, $0x10;
	v3 =	vshll.u32 v2, $0x10  }
0x1cf: {  	v1 =	vand.u32 $0xFFFF0000, v1;
	v2 =	vand.u32 $0xFFFF0000, v2;
	v3 =	vadd.f32 v49, v3  }
0x1d0: {  	v1 =	vadd.f32 v1, v2  }
0x1d1: {  	v2 =	vmax.f32 v3, $0.0e+00  }
0x1d2: {  	v1 =	vmax.f32 v1, $0.0e+00;
	[tilespmem:s0+$0xFFFFFF20] =	vst v2  }
0x1d3: {  	[tilespmem:s9+$0xFFFFFF20] =	vst v1;
	v1 =	vld [tilespmem:s9+$0xFFFFFF30]  }
0x1d4: {  	v2 =	vld [tilespmem:s0+$0xFFFFFF30];
	_ =	sdelay $0x4  }
0x1d5: {  	v50 =	vshll.u32 v1, $0x10;
	v3 =	vshll.u32 v2, $0x10  }
0x1d6: {  	v1 =	vand.u32 $0xFFFF0000, v1;
	v2 =	vand.u32 $0xFFFF0000, v2;
	v3 =	vadd.f32 v50, v3  }
0x1d7: {  	v1 =	vadd.f32 v1, v2  }
0x1d8: {  	v2 =	vmax.f32 v3, $0.0e+00  }
0x1d9: {  	v1 =	vmax.f32 v1, $0.0e+00;
	[tilespmem:s0+$0xFFFFFF30] =	vst v2  }
0x1da: {  	[tilespmem:s9+$0xFFFFFF30] =	vst v1;
	v1 =	vld [tilespmem:s9+$0xFFFFFF40]  }
0x1db: {  	v2 =	vld [tilespmem:s0+$0xFFFFFF40];
	_ =	sdelay $0x4  }
0x1dc: {  	v51 =	vshll.u32 v1, $0x10;
	v3 =	vshll.u32 v2, $0x10  }
0x1dd: {  	v1 =	vand.u32 $0xFFFF0000, v1;
	v2 =	vand.u32 $0xFFFF0000, v2;
	v3 =	vadd.f32 v51, v3  }
0x1de: {  	v1 =	vadd.f32 v1, v2  }
0x1df: {  	v2 =	vmax.f32 v3, $0.0e+00  }
0x1e0: {  	v1 =	vmax.f32 v1, $0.0e+00;
	[tilespmem:s0+$0xFFFFFF40] =	vst v2  }
0x1e1: {  	[tilespmem:s9+$0xFFFFFF40] =	vst v1;
	v1 =	vld [tilespmem:s9+$0xFFFFFF50]  }
0x1e2: {  	v2 =	vld [tilespmem:s0+$0xFFFFFF50];
	_ =	sdelay $0x4  }
0x1e3: {  	v52 =	vshll.u32 v1, $0x10;
	v3 =	vshll.u32 v2, $0x10  }
0x1e4: {  	v1 =	vand.u32 $0xFFFF0000, v1;
	v2 =	vand.u32 $0xFFFF0000, v2;
	v3 =	vadd.f32 v52, v3  }
0x1e5: {  	v1 =	vadd.f32 v1, v2  }
0x1e6: {  	v2 =	vmax.f32 v3, $0.0e+00  }
0x1e7: {  	v1 =	vmax.f32 v1, $0.0e+00;
	[tilespmem:s0+$0xFFFFFF50] =	vst v2  }
0x1e8: {  	[tilespmem:s9+$0xFFFFFF50] =	vst v1;
	v1 =	vld [tilespmem:s9+$0xFFFFFF60]  }
0x1e9: {  	v2 =	vld [tilespmem:s0+$0xFFFFFF60];
	_ =	sdelay $0x4  }
0x1ea: {  	v53 =	vshll.u32 v1, $0x10;
	v3 =	vshll.u32 v2, $0x10  }
0x1eb: {  	v1 =	vand.u32 $0xFFFF0000, v1;
	v2 =	vand.u32 $0xFFFF0000, v2;
	v3 =	vadd.f32 v53, v3  }
0x1ec: {  	v1 =	vadd.f32 v1, v2  }
0x1ed: {  	v2 =	vmax.f32 v3, $0.0e+00  }
0x1ee: {  	v1 =	vmax.f32 v1, $0.0e+00;
	[tilespmem:s0+$0xFFFFFF60] =	vst v2  }
0x1ef: {  	[tilespmem:s9+$0xFFFFFF60] =	vst v1;
	v1 =	vld [tilespmem:s9+$0xFFFFFF70]  }
0x1f0: {  	v2 =	vld [tilespmem:s0+$0xFFFFFF70];
	_ =	sdelay $0x4  }
0x1f1: {  	v54 =	vshll.u32 v1, $0x10;
	v3 =	vshll.u32 v2, $0x10  }
0x1f2: {  	v1 =	vand.u32 $0xFFFF0000, v1;
	v2 =	vand.u32 $0xFFFF0000, v2;
	v3 =	vadd.f32 v54, v3  }
0x1f3: {  	v1 =	vadd.f32 v1, v2  }
0x1f4: {  	v2 =	vmax.f32 v3, $0.0e+00  }
0x1f5: {  	v1 =	vmax.f32 v1, $0.0e+00;
	[tilespmem:s0+$0xFFFFFF70] =	vst v2  }
0x1f6: {  	[tilespmem:s9+$0xFFFFFF70] =	vst v1;
	v1 =	vld [tilespmem:s9+$0xFFFFFF80]  }
0x1f7: {  	v2 =	vld [tilespmem:s0+$0xFFFFFF80];
	_ =	sdelay $0x4  }
0x1f8: {  	v55 =	vshll.u32 v1, $0x10;
	v3 =	vshll.u32 v2, $0x10  }
0x1f9: {  	v1 =	vand.u32 $0xFFFF0000, v1;
	v2 =	vand.u32 $0xFFFF0000, v2;
	v3 =	vadd.f32 v55, v3  }
0x1fa: {  	v1 =	vadd.f32 v1, v2  }
0x1fb: {  	v2 =	vmax.f32 v3, $0.0e+00  }
0x1fc: {  	v1 =	vmax.f32 v1, $0.0e+00;
	[tilespmem:s0+$0xFFFFFF80] =	vst v2  }
0x1fd: {  	[tilespmem:s9+$0xFFFFFF80] =	vst v1;
	v1 =	vld [tilespmem:s9+$0xFFFFFF90]  }
0x1fe: {  	v2 =	vld [tilespmem:s0+$0xFFFFFF90];
	_ =	sdelay $0x4  }
0x1ff: {  	v56 =	vshll.u32 v1, $0x10;
	v3 =	vshll.u32 v2, $0x10  }
0x200: {  	v1 =	vand.u32 $0xFFFF0000, v1;
	v2 =	vand.u32 $0xFFFF0000, v2;
	v3 =	vadd.f32 v56, v3  }
0x201: {  	v1 =	vadd.f32 v1, v2  }
0x202: {  	v2 =	vmax.f32 v3, $0.0e+00  }
0x203: {  	v1 =	vmax.f32 v1, $0.0e+00;
	[tilespmem:s0+$0xFFFFFF90] =	vst v2  }
0x204: {  	[tilespmem:s9+$0xFFFFFF90] =	vst v1;
	v1 =	vld [tilespmem:s9+$0xFFFFFFA0]  }
0x205: {  	v2 =	vld [tilespmem:s0+$0xFFFFFFA0];
	_ =	sdelay $0x4  }
0x206: {  	v57 =	vshll.u32 v1, $0x10;
	v3 =	vshll.u32 v2, $0x10  }
0x207: {  	v1 =	vand.u32 $0xFFFF0000, v1;
	v2 =	vand.u32 $0xFFFF0000, v2;
	v3 =	vadd.f32 v57, v3  }
0x208: {  	v1 =	vadd.f32 v1, v2  }
0x209: {  	v2 =	vmax.f32 v3, $0.0e+00  }
0x20a: {  	v1 =	vmax.f32 v1, $0.0e+00;
	[tilespmem:s0+$0xFFFFFFA0] =	vst v2  }
0x20b: {  	[tilespmem:s9+$0xFFFFFFA0] =	vst v1;
	v1 =	vld [tilespmem:s9+$0xFFFFFFB0]  }
0x20c: {  	v2 =	vld [tilespmem:s0+$0xFFFFFFB0];
	_ =	sdelay $0x4  }
0x20d: {  	v58 =	vshll.u32 v1, $0x10;
	v3 =	vshll.u32 v2, $0x10  }
0x20e: {  	v1 =	vand.u32 $0xFFFF0000, v1;
	v2 =	vand.u32 $0xFFFF0000, v2;
	v3 =	vadd.f32 v58, v3  }
0x20f: {  	v1 =	vadd.f32 v1, v2  }
0x210: {  	v2 =	vmax.f32 v3, $0.0e+00  }
0x211: {  	v1 =	vmax.f32 v1, $0.0e+00;
	[tilespmem:s0+$0xFFFFFFB0] =	vst v2  }
0x212: {  	[tilespmem:s9+$0xFFFFFFB0] =	vst v1;
	v1 =	vld [tilespmem:s9+$0xFFFFFFC0]  }
0x213: {  	v2 =	vld [tilespmem:s0+$0xFFFFFFC0];
	_ =	sdelay $0x4  }
0x214: {  	v59 =	vshll.u32 v1, $0x10;
	v3 =	vshll.u32 v2, $0x10  }
0x215: {  	v1 =	vand.u32 $0xFFFF0000, v1;
	v2 =	vand.u32 $0xFFFF0000, v2;
	v3 =	vadd.f32 v59, v3  }
0x216: {  	v1 =	vadd.f32 v1, v2  }
0x217: {  	v2 =	vmax.f32 v3, $0.0e+00  }
0x218: {  	v1 =	vmax.f32 v1, $0.0e+00;
	[tilespmem:s0+$0xFFFFFFC0] =	vst v2  }
0x219: {  	[tilespmem:s9+$0xFFFFFFC0] =	vst v1;
	v1 =	vld [tilespmem:s9+$0xFFFFFFD0]  }
0x21a: {  	v2 =	vld [tilespmem:s0+$0xFFFFFFD0];
	_ =	sdelay $0x4  }
0x21b: {  	v60 =	vshll.u32 v1, $0x10;
	v3 =	vshll.u32 v2, $0x10  }
0x21c: {  	v1 =	vand.u32 $0xFFFF0000, v1;
	v2 =	vand.u32 $0xFFFF0000, v2;
	v3 =	vadd.f32 v60, v3  }
0x21d: {  	v1 =	vadd.f32 v1, v2  }
0x21e: {  	v2 =	vmax.f32 v3, $0.0e+00  }
0x21f: {  	v1 =	vmax.f32 v1, $0.0e+00;
	[tilespmem:s0+$0xFFFFFFD0] =	vst v2  }
0x220: {  	[tilespmem:s9+$0xFFFFFFD0] =	vst v1;
	v1 =	vld [tilespmem:s9+$0xFFFFFFE0]  }
0x221: {  	v2 =	vld [tilespmem:s0+$0xFFFFFFE0];
	_ =	sdelay $0x4  }
0x222: {  	v61 =	vshll.u32 v1, $0x10;
	v3 =	vshll.u32 v2, $0x10  }
0x223: {  	v1 =	vand.u32 $0xFFFF0000, v1;
	v2 =	vand.u32 $0xFFFF0000, v2;
	v3 =	vadd.f32 v61, v3  }
0x224: {  	v1 =	vadd.f32 v1, v2  }
0x225: {  	v2 =	vmax.f32 v3, $0.0e+00  }
0x226: {  	v1 =	vmax.f32 v1, $0.0e+00;
	[tilespmem:s0+$0xFFFFFFE0] =	vst v2  }
0x227: {  	[tilespmem:s9+$0xFFFFFFE0] =	vst v1;
	v1 =	vld [tilespmem:s9+$0xFFFFFFF0]  }
0x228: {  	v2 =	vld [tilespmem:s0+$0xFFFFFFF0];
	_ =	sdelay $0x4  }
0x229: {  	v62 =	vshll.u32 v1, $0x10;
	v3 =	vshll.u32 v2, $0x10  }
0x22a: {  	v1 =	vand.u32 $0xFFFF0000, v1;
	v2 =	vand.u32 $0xFFFF0000, v2;
	v3 =	vadd.f32 v62, v3  }
0x22b: {  	v1 =	vadd.f32 v1, v2  }
0x22c: {  	v2 =	vmax.f32 v3, $0.0e+00  }
0x22d: {  	v1 =	vmax.f32 v1, $0.0e+00;
	[tilespmem:s0+$0xFFFFFFF0] =	vst v2  }
0x22e: {  	[tilespmem:s9+$0xFFFFFFF0] =	vst v1;
	v1 =	vld [tilespmem:s9+$0x0]  }
0x22f: {  	v2 =	vld [tilespmem:s0+$0x0];
	_ =	sdelay $0x4  }
0x230: {  	v63 =	vshll.u32 v1, $0x10;
	v3 =	vshll.u32 v2, $0x10  }
0x231: {  	v1 =	vand.u32 $0xFFFF0000, v1;
	v2 =	vand.u32 $0xFFFF0000, v2;
	v3 =	vadd.f32 v63, v3  }
0x232: {  	v1 =	vadd.f32 v1, v2  }
0x233: {  	v2 =	vmax.f32 v3, $0.0e+00  }
0x234: {  	s10 =	simm.s32 $0x3FD0;
	s2 =	simm.s32 $0x0;
	v1 =	vmax.f32 v1, $0.0e+00;
	[tilespmem:s0+$0x0] =	vst v2  }
.LBB2_7:
0x235: {  	v2 =	vld [tilespmem:s10+$0xFFFFFF10];
	s2 =	sadd.s32 $0x4, s2;
	[tilespmem:s9+$0x0] =	vst v1;
	s0 =	sadd.s32 $0x100, s0;
	s9 =	smov.u32 s10  }
0x236: {  	v1 =	vld [tilespmem:s0+$0xFFFFFF10];
	p0 =	slt.u32 s2, $0x4C;
	_ =	sdelay $0x3  }
0x237: {  	v3 =	vand.u32 $0xFFFF0000, v2  }
0x238: {  	v2 =	vshll.u32 v2, $0x10;
	v4 =	vshll.u32 v1, $0x10;
	v1 =	vand.u32 $0xFFFF0000, v1  }
0x239: {  	v2 =	vadd.f32 v2, v4;
	v1 =	vadd.f32 v3, v1;
	_ =	sdelay $0x1  }
0x23a: {  	v2 =	vmax.f32 v2, $0.0e+00  }
0x23b: {  	v1 =	vmax.f32 v1, $0.0e+00;
	[tilespmem:s0+$0xFFFFFF10] =	vst v2  }
0x23c: {  	[tilespmem:s10+$0xFFFFFF10] =	vst v1;
	v1 =	vld [tilespmem:s10+$0xFFFFFF20]  }
0x23d: {  	v2 =	vld [tilespmem:s0+$0xFFFFFF20];
	_ =	sdelay $0x3  }
0x23e: {  	v3 =	vand.u32 $0xFFFF0000, v1  }
0x23f: {  	v1 =	vshll.u32 v1, $0x10;
	v4 =	vshll.u32 v2, $0x10;
	v2 =	vand.u32 $0xFFFF0000, v2  }
0x240: {  	v1 =	vadd.f32 v1, v4;
	v2 =	vadd.f32 v3, v2;
	_ =	sdelay $0x1  }
0x241: {  	v1 =	vmax.f32 v1, $0.0e+00  }
0x242: {  	[tilespmem:s0+$0xFFFFFF20] =	vst v1;
	v1 =	vmax.f32 v2, $0.0e+00  }
0x243: {  	[tilespmem:s10+$0xFFFFFF20] =	vst v1;
	v1 =	vld [tilespmem:s10+$0xFFFFFF30]  }
0x244: {  	v2 =	vld [tilespmem:s0+$0xFFFFFF30];
	_ =	sdelay $0x3  }
0x245: {  	v3 =	vand.u32 $0xFFFF0000, v1  }
0x246: {  	v1 =	vshll.u32 v1, $0x10;
	v4 =	vshll.u32 v2, $0x10;
	v2 =	vand.u32 $0xFFFF0000, v2  }
0x247: {  	v1 =	vadd.f32 v1, v4;
	v2 =	vadd.f32 v3, v2;
	_ =	sdelay $0x1  }
0x248: {  	v1 =	vmax.f32 v1, $0.0e+00  }
0x249: {  	[tilespmem:s0+$0xFFFFFF30] =	vst v1;
	v1 =	vmax.f32 v2, $0.0e+00  }
0x24a: {  	[tilespmem:s10+$0xFFFFFF30] =	vst v1;
	v1 =	vld [tilespmem:s10+$0xFFFFFF40]  }
0x24b: {  	v2 =	vld [tilespmem:s0+$0xFFFFFF40];
	_ =	sdelay $0x3  }
0x24c: {  	v3 =	vand.u32 $0xFFFF0000, v1  }
0x24d: {  	v1 =	vshll.u32 v1, $0x10;
	v4 =	vshll.u32 v2, $0x10;
	v2 =	vand.u32 $0xFFFF0000, v2  }
0x24e: {  	v1 =	vadd.f32 v1, v4;
	v2 =	vadd.f32 v3, v2;
	_ =	sdelay $0x1  }
0x24f: {  	v1 =	vmax.f32 v1, $0.0e+00  }
0x250: {  	[tilespmem:s0+$0xFFFFFF40] =	vst v1;
	v1 =	vmax.f32 v2, $0.0e+00  }
0x251: {  	[tilespmem:s10+$0xFFFFFF40] =	vst v1;
	v1 =	vld [tilespmem:s10+$0xFFFFFF50]  }
0x252: {  	v2 =	vld [tilespmem:s0+$0xFFFFFF50];
	_ =	sdelay $0x3  }
0x253: {  	v3 =	vand.u32 $0xFFFF0000, v1  }
0x254: {  	v1 =	vshll.u32 v1, $0x10;
	v4 =	vshll.u32 v2, $0x10;
	v2 =	vand.u32 $0xFFFF0000, v2  }
0x255: {  	v1 =	vadd.f32 v1, v4;
	v2 =	vadd.f32 v3, v2;
	_ =	sdelay $0x1  }
0x256: {  	v1 =	vmax.f32 v1, $0.0e+00  }
0x257: {  	[tilespmem:s0+$0xFFFFFF50] =	vst v1;
	v1 =	vmax.f32 v2, $0.0e+00  }
0x258: {  	[tilespmem:s10+$0xFFFFFF50] =	vst v1;
	v1 =	vld [tilespmem:s10+$0xFFFFFF60]  }
0x259: {  	v2 =	vld [tilespmem:s0+$0xFFFFFF60];
	_ =	sdelay $0x3  }
0x25a: {  	v3 =	vand.u32 $0xFFFF0000, v1  }
0x25b: {  	v1 =	vshll.u32 v1, $0x10;
	v4 =	vshll.u32 v2, $0x10;
	v2 =	vand.u32 $0xFFFF0000, v2  }
0x25c: {  	v1 =	vadd.f32 v1, v4;
	v2 =	vadd.f32 v3, v2;
	_ =	sdelay $0x1  }
0x25d: {  	v1 =	vmax.f32 v1, $0.0e+00  }
0x25e: {  	[tilespmem:s0+$0xFFFFFF60] =	vst v1;
	v1 =	vmax.f32 v2, $0.0e+00  }
0x25f: {  	[tilespmem:s10+$0xFFFFFF60] =	vst v1;
	v1 =	vld [tilespmem:s10+$0xFFFFFF70]  }
0x260: {  	v2 =	vld [tilespmem:s0+$0xFFFFFF70];
	_ =	sdelay $0x3  }
0x261: {  	v3 =	vand.u32 $0xFFFF0000, v1  }
0x262: {  	v1 =	vshll.u32 v1, $0x10;
	v4 =	vshll.u32 v2, $0x10;
	v2 =	vand.u32 $0xFFFF0000, v2  }
0x263: {  	v1 =	vadd.f32 v1, v4;
	v2 =	vadd.f32 v3, v2;
	_ =	sdelay $0x1  }
0x264: {  	v1 =	vmax.f32 v1, $0.0e+00  }
0x265: {  	[tilespmem:s0+$0xFFFFFF70] =	vst v1;
	v1 =	vmax.f32 v2, $0.0e+00  }
0x266: {  	[tilespmem:s10+$0xFFFFFF70] =	vst v1;
	v1 =	vld [tilespmem:s10+$0xFFFFFF80]  }
0x267: {  	v2 =	vld [tilespmem:s0+$0xFFFFFF80];
	_ =	sdelay $0x3  }
0x268: {  	v3 =	vand.u32 $0xFFFF0000, v1  }
0x269: {  	v1 =	vshll.u32 v1, $0x10;
	v4 =	vshll.u32 v2, $0x10;
	v2 =	vand.u32 $0xFFFF0000, v2  }
0x26a: {  	v1 =	vadd.f32 v1, v4;
	v2 =	vadd.f32 v3, v2;
	_ =	sdelay $0x1  }
0x26b: {  	v1 =	vmax.f32 v1, $0.0e+00  }
0x26c: {  	[tilespmem:s0+$0xFFFFFF80] =	vst v1;
	v1 =	vmax.f32 v2, $0.0e+00  }
0x26d: {  	[tilespmem:s10+$0xFFFFFF80] =	vst v1;
	v1 =	vld [tilespmem:s10+$0xFFFFFF90]  }
0x26e: {  	v2 =	vld [tilespmem:s0+$0xFFFFFF90];
	_ =	sdelay $0x3  }
0x26f: {  	v3 =	vand.u32 $0xFFFF0000, v1  }
0x270: {  	v1 =	vshll.u32 v1, $0x10;
	v4 =	vshll.u32 v2, $0x10;
	v2 =	vand.u32 $0xFFFF0000, v2  }
0x271: {  	v1 =	vadd.f32 v1, v4;
	v2 =	vadd.f32 v3, v2;
	_ =	sdelay $0x1  }
0x272: {  	v1 =	vmax.f32 v1, $0.0e+00  }
0x273: {  	[tilespmem:s0+$0xFFFFFF90] =	vst v1;
	v1 =	vmax.f32 v2, $0.0e+00  }
0x274: {  	[tilespmem:s10+$0xFFFFFF90] =	vst v1;
	v1 =	vld [tilespmem:s10+$0xFFFFFFA0]  }
0x275: {  	v2 =	vld [tilespmem:s0+$0xFFFFFFA0];
	_ =	sdelay $0x3  }
0x276: {  	v3 =	vand.u32 $0xFFFF0000, v1  }
0x277: {  	v1 =	vshll.u32 v1, $0x10;
	v4 =	vshll.u32 v2, $0x10;
	v2 =	vand.u32 $0xFFFF0000, v2  }
0x278: {  	v1 =	vadd.f32 v1, v4;
	v2 =	vadd.f32 v3, v2;
	_ =	sdelay $0x1  }
0x279: {  	v1 =	vmax.f32 v1, $0.0e+00  }
0x27a: {  	[tilespmem:s0+$0xFFFFFFA0] =	vst v1;
	v1 =	vmax.f32 v2, $0.0e+00  }
0x27b: {  	[tilespmem:s10+$0xFFFFFFA0] =	vst v1;
	v1 =	vld [tilespmem:s10+$0xFFFFFFB0]  }
0x27c: {  	v2 =	vld [tilespmem:s0+$0xFFFFFFB0];
	_ =	sdelay $0x3  }
0x27d: {  	v3 =	vand.u32 $0xFFFF0000, v1  }
0x27e: {  	v1 =	vshll.u32 v1, $0x10;
	v4 =	vshll.u32 v2, $0x10;
	v2 =	vand.u32 $0xFFFF0000, v2  }
0x27f: {  	v1 =	vadd.f32 v1, v4;
	v2 =	vadd.f32 v3, v2;
	_ =	sdelay $0x1  }
0x280: {  	v1 =	vmax.f32 v1, $0.0e+00  }
0x281: {  	[tilespmem:s0+$0xFFFFFFB0] =	vst v1;
	v1 =	vmax.f32 v2, $0.0e+00  }
0x282: {  	[tilespmem:s10+$0xFFFFFFB0] =	vst v1;
	v1 =	vld [tilespmem:s10+$0xFFFFFFC0]  }
0x283: {  	v2 =	vld [tilespmem:s0+$0xFFFFFFC0];
	_ =	sdelay $0x3  }
0x284: {  	v3 =	vand.u32 $0xFFFF0000, v1  }
0x285: {  	v1 =	vshll.u32 v1, $0x10;
	v4 =	vshll.u32 v2, $0x10;
	v2 =	vand.u32 $0xFFFF0000, v2  }
0x286: {  	v1 =	vadd.f32 v1, v4;
	v2 =	vadd.f32 v3, v2;
	_ =	sdelay $0x1  }
0x287: {  	v1 =	vmax.f32 v1, $0.0e+00  }
0x288: {  	[tilespmem:s0+$0xFFFFFFC0] =	vst v1;
	v1 =	vmax.f32 v2, $0.0e+00  }
0x289: {  	[tilespmem:s10+$0xFFFFFFC0] =	vst v1;
	v1 =	vld [tilespmem:s10+$0xFFFFFFD0]  }
0x28a: {  	v2 =	vld [tilespmem:s0+$0xFFFFFFD0];
	_ =	sdelay $0x3  }
0x28b: {  	v3 =	vand.u32 $0xFFFF0000, v1  }
0x28c: {  	v1 =	vshll.u32 v1, $0x10;
	v4 =	vshll.u32 v2, $0x10;
	v2 =	vand.u32 $0xFFFF0000, v2  }
0x28d: {  	v1 =	vadd.f32 v1, v4;
	v2 =	vadd.f32 v3, v2;
	_ =	sdelay $0x1  }
0x28e: {  	v1 =	vmax.f32 v1, $0.0e+00  }
0x28f: {  	[tilespmem:s0+$0xFFFFFFD0] =	vst v1;
	v1 =	vmax.f32 v2, $0.0e+00  }
0x290: {  	[tilespmem:s10+$0xFFFFFFD0] =	vst v1;
	v1 =	vld [tilespmem:s10+$0xFFFFFFE0]  }
0x291: {  	v2 =	vld [tilespmem:s0+$0xFFFFFFE0];
	_ =	sdelay $0x3  }
0x292: {  	v3 =	vand.u32 $0xFFFF0000, v1  }
0x293: {  	v1 =	vshll.u32 v1, $0x10;
	v4 =	vshll.u32 v2, $0x10;
	v2 =	vand.u32 $0xFFFF0000, v2  }
0x294: {  	v1 =	vadd.f32 v1, v4;
	v2 =	vadd.f32 v3, v2;
	_ =	sdelay $0x1  }
0x295: {  	v1 =	vmax.f32 v1, $0.0e+00  }
0x296: {  	[tilespmem:s0+$0xFFFFFFE0] =	vst v1;
	v1 =	vmax.f32 v2, $0.0e+00  }
0x297: {  	[tilespmem:s10+$0xFFFFFFE0] =	vst v1;
	v1 =	vld [tilespmem:s10+$0xFFFFFFF0]  }
0x298: {  	v2 =	vld [tilespmem:s0+$0xFFFFFFF0];
	_ =	sdelay $0x3  }
0x299: {  	v3 =	vand.u32 $0xFFFF0000, v1  }
0x29a: {  	v1 =	vshll.u32 v1, $0x10;
	v4 =	vshll.u32 v2, $0x10;
	v2 =	vand.u32 $0xFFFF0000, v2  }
0x29b: {  	v1 =	vadd.f32 v1, v4;
	v2 =	vadd.f32 v3, v2;
	_ =	sdelay $0x1  }
0x29c: {  	v1 =	vmax.f32 v1, $0.0e+00  }
0x29d: {  	[tilespmem:s0+$0xFFFFFFF0] =	vst v1;
	v1 =	vmax.f32 v2, $0.0e+00  }
0x29e: {  	[tilespmem:s10+$0xFFFFFFF0] =	vst v1;
	v1 =	vld [tilespmem:s10+$0x0]  }
0x29f: {  	v2 =	vld [tilespmem:s0+$0x0];
	_ =	sdelay $0x3  }
0x2a0: {  	v3 =	vand.u32 $0xFFFF0000, v1  }
.Ltmp2:
0x2a1: {  	v1 =	vshll.u32 v1, $0x10;
	v4 =	vshll.u32 v2, $0x10;
	v2 =	vand.u32 $0xFFFF0000, v2;
	(pc) =	sbr.rel @p0 .LBB2_7-.Ltmp2, $3  }
0x2a2: {  	v1 =	vadd.f32 v1, v4;
	v2 =	vadd.f32 v3, v2;
	_ =	sdelay $0x1  }
0x2a3: {  	v1 =	vmax.f32 v1, $0.0e+00  }
0x2a4: {  	s10 =	sadd.s32 $0x100, s10;
	[tilespmem:s0+$0x0] =	vst v1;
	v1 =	vmax.f32 v2, $0.0e+00  }
0x2a5: {  	s11 =	sadd.s32 $0x1, s11  }
0x2a6: {  	p0 =	sne.s32 s11, $0x3E  }
.Ltmp3:
0x2a7: {  	_ = 	snop;
	(pc) =	sbr.rel @p0 .LBB2_4-.Ltmp3, $4  }
0x2a8: {  	[tilespmem:s9+$0x0] =	vst v1  }
0x2a9: {  	[spmem:s3] =	stream.indirect.scatter.add.f32 [tilespmem:s18], [sflag:$0xA], $0x40, s29, s15, $0xb8;
	[tilespmem:$0x191E0] =	vst v63  }
0x2aa: {  	_ = 	snop  }
0x2ab: {  	[spmem:s4] =	stream.indirect.scatter.add.f32 [tilespmem:s19], [sflag:$0xA], $0x40, s29, s15, $0xb8;
	[tilespmem:$0x191E0] =	vst v63  }
0x2ac: {  	s0 =	simm.s32 $0xA  }
0x2ad: {  	_ =	swait.ge [sflag:s0], $0x1400  }
0x2ae: {  	[sflag:s0] =	ssyncset.done $0x0  }
0x2af: {  	[sflag:s0] =	ssyncadd.s32 $0xFFFFEC00  }
0x2b0: {  	_ =	swait.ge [sflag:s0], $0x1400  }
0x2b1: {  	[sflag:s0] =	ssyncset.done $0x0  }
0x2b2: {  	[sflag:s0] =	ssyncadd.s32 $0xFFFFEC00  }
0x2b3: {  	_ =	swait.ge [sflag:s20], $0x1400  }
0x2b4: {  	[sflag:s20] =	ssyncset.done $0x0  }
0x2b5: {  	[sflag:s20] =	ssyncadd.s32 $0xFFFFEC00  }
0x2b6: {  	_ =	swait.ge [sflag:s21], $0x1400  }
0x2b7: {  	[sflag:s21] =	ssyncset.done $0x0  }
0x2b8: {  	[sflag:s21] =	ssyncadd.s32 $0xFFFFEC00  }
0x2b9: {  	v1 =	vld [tilespmem:$0xA0]  }
0x2ba: {  	v2 =	vld [tilespmem:$0xB0]  }
0x2bb: {  	v3 =	vld [tilespmem:$0xC0]  }
0x2bc: {  	v4 =	vld [tilespmem:$0xD0]  }
0x2bd: {  	v5 =	vld [tilespmem:$0xE0]  }
0x2be: {  	[tilespmem:$0x140] =	vst v1  }
0x2bf: {  	[tilespmem:$0x150] =	vst v2  }
0x2c0: {  	[tilespmem:$0x160] =	vst v3  }
0x2c1: {  	[tilespmem:$0x170] =	vst v4  }
0x2c2: {  	s9 =	simm.s32 $0x2A60;
	[tilespmem:$0x180] =	vst v5  }
0x2c3: {  	s0 =	simm.s32 $0x260;
	v1 =	vld [tilespmem:s9+$0xFFFFFF80]  }
0x2c4: {  	v2 =	vld [tilespmem:s0+$0xFFFFFF80];
	_ =	sdelay $0x4  }
0x2c5: {  	v3 =	vshll.u32 v2, $0x10;
	v48 =	vshll.u32 v1, $0x10  }
0x2c6: {  	v1 =	vand.u32 $0xFFFF0000, v1;
	v2 =	vand.u32 $0xFFFF0000, v2;
	v3 =	vadd.f32 v48, v3  }
0x2c7: {  	v1 =	vadd.f32 v1, v2  }
0x2c8: {  	v2 =	vmax.f32 v3, $0.0e+00  }
0x2c9: {  	v1 =	vmax.f32 v1, $0.0e+00;
	[tilespmem:s0+$0xFFFFFF80] =	vst v2  }
0x2ca: {  	[tilespmem:s9+$0xFFFFFF80] =	vst v1;
	v1 =	vld [tilespmem:s9+$0xFFFFFF90]  }
0x2cb: {  	v2 =	vld [tilespmem:s0+$0xFFFFFF90];
	_ =	sdelay $0x4  }
0x2cc: {  	v49 =	vshll.u32 v1, $0x10;
	v3 =	vshll.u32 v2, $0x10  }
0x2cd: {  	v1 =	vand.u32 $0xFFFF0000, v1;
	v2 =	vand.u32 $0xFFFF0000, v2;
	v3 =	vadd.f32 v49, v3  }
0x2ce: {  	v1 =	vadd.f32 v1, v2  }
0x2cf: {  	v2 =	vmax.f32 v3, $0.0e+00  }
0x2d0: {  	v1 =	vmax.f32 v1, $0.0e+00;
	[tilespmem:s0+$0xFFFFFF90] =	vst v2  }
0x2d1: {  	[tilespmem:s9+$0xFFFFFF90] =	vst v1;
	v1 =	vld [tilespmem:s9+$0xFFFFFFA0]  }
0x2d2: {  	v2 =	vld [tilespmem:s0+$0xFFFFFFA0];
	_ =	sdelay $0x4  }
0x2d3: {  	v50 =	vshll.u32 v1, $0x10;
	v3 =	vshll.u32 v2, $0x10  }
0x2d4: {  	v1 =	vand.u32 $0xFFFF0000, v1;
	v2 =	vand.u32 $0xFFFF0000, v2;
	v3 =	vadd.f32 v50, v3  }
0x2d5: {  	v1 =	vadd.f32 v1, v2  }
0x2d6: {  	v2 =	vmax.f32 v3, $0.0e+00  }
0x2d7: {  	v1 =	vmax.f32 v1, $0.0e+00;
	[tilespmem:s0+$0xFFFFFFA0] =	vst v2  }
0x2d8: {  	[tilespmem:s9+$0xFFFFFFA0] =	vst v1;
	v1 =	vld [tilespmem:s9+$0xFFFFFFB0]  }
0x2d9: {  	v2 =	vld [tilespmem:s0+$0xFFFFFFB0];
	_ =	sdelay $0x4  }
0x2da: {  	v51 =	vshll.u32 v1, $0x10;
	v3 =	vshll.u32 v2, $0x10  }
0x2db: {  	v1 =	vand.u32 $0xFFFF0000, v1;
	v2 =	vand.u32 $0xFFFF0000, v2;
	v3 =	vadd.f32 v51, v3  }
0x2dc: {  	v1 =	vadd.f32 v1, v2  }
0x2dd: {  	v2 =	vmax.f32 v3, $0.0e+00  }
0x2de: {  	v1 =	vmax.f32 v1, $0.0e+00;
	[tilespmem:s0+$0xFFFFFFB0] =	vst v2  }
0x2df: {  	[tilespmem:s9+$0xFFFFFFB0] =	vst v1;
	v1 =	vld [tilespmem:s9+$0xFFFFFFC0]  }
0x2e0: {  	v2 =	vld [tilespmem:s0+$0xFFFFFFC0];
	_ =	sdelay $0x4  }
0x2e1: {  	v52 =	vshll.u32 v1, $0x10;
	v3 =	vshll.u32 v2, $0x10  }
0x2e2: {  	v1 =	vand.u32 $0xFFFF0000, v1;
	v2 =	vand.u32 $0xFFFF0000, v2;
	v3 =	vadd.f32 v52, v3  }
0x2e3: {  	v1 =	vadd.f32 v1, v2  }
0x2e4: {  	v2 =	vmax.f32 v3, $0.0e+00  }
0x2e5: {  	v1 =	vmax.f32 v1, $0.0e+00;
	[tilespmem:s0+$0xFFFFFFC0] =	vst v2  }
0x2e6: {  	[tilespmem:s9+$0xFFFFFFC0] =	vst v1;
	v1 =	vld [tilespmem:s9+$0xFFFFFFD0]  }
0x2e7: {  	v2 =	vld [tilespmem:s0+$0xFFFFFFD0];
	_ =	sdelay $0x4  }
0x2e8: {  	v53 =	vshll.u32 v1, $0x10;
	v3 =	vshll.u32 v2, $0x10  }
0x2e9: {  	v1 =	vand.u32 $0xFFFF0000, v1;
	v2 =	vand.u32 $0xFFFF0000, v2;
	v3 =	vadd.f32 v53, v3  }
0x2ea: {  	v1 =	vadd.f32 v1, v2  }
0x2eb: {  	v2 =	vmax.f32 v3, $0.0e+00  }
0x2ec: {  	v1 =	vmax.f32 v1, $0.0e+00;
	[tilespmem:s0+$0xFFFFFFD0] =	vst v2  }
0x2ed: {  	[tilespmem:s9+$0xFFFFFFD0] =	vst v1;
	v1 =	vld [tilespmem:s9+$0xFFFFFFE0]  }
0x2ee: {  	v2 =	vld [tilespmem:s0+$0xFFFFFFE0];
	_ =	sdelay $0x4  }
0x2ef: {  	v54 =	vshll.u32 v1, $0x10;
	v3 =	vshll.u32 v2, $0x10  }
0x2f0: {  	v1 =	vand.u32 $0xFFFF0000, v1;
	v2 =	vand.u32 $0xFFFF0000, v2;
	v3 =	vadd.f32 v54, v3  }
0x2f1: {  	v1 =	vadd.f32 v1, v2  }
0x2f2: {  	v2 =	vmax.f32 v3, $0.0e+00  }
0x2f3: {  	v1 =	vmax.f32 v1, $0.0e+00;
	[tilespmem:s0+$0xFFFFFFE0] =	vst v2  }
0x2f4: {  	[tilespmem:s9+$0xFFFFFFE0] =	vst v1;
	v1 =	vld [tilespmem:s9+$0xFFFFFFF0]  }
0x2f5: {  	v2 =	vld [tilespmem:s0+$0xFFFFFFF0];
	_ =	sdelay $0x4  }
0x2f6: {  	v55 =	vshll.u32 v1, $0x10;
	v3 =	vshll.u32 v2, $0x10  }
0x2f7: {  	v1 =	vand.u32 $0xFFFF0000, v1;
	v2 =	vand.u32 $0xFFFF0000, v2;
	v3 =	vadd.f32 v55, v3  }
0x2f8: {  	v1 =	vadd.f32 v1, v2  }
0x2f9: {  	v2 =	vmax.f32 v3, $0.0e+00  }
0x2fa: {  	v1 =	vmax.f32 v1, $0.0e+00;
	[tilespmem:s0+$0xFFFFFFF0] =	vst v2  }
0x2fb: {  	[tilespmem:s9+$0xFFFFFFF0] =	vst v1;
	v1 =	vld [tilespmem:s9+$0x0]  }
0x2fc: {  	v2 =	vld [tilespmem:s0+$0x0];
	_ =	sdelay $0x4  }
0x2fd: {  	v56 =	vshll.u32 v1, $0x10;
	v3 =	vshll.u32 v2, $0x10  }
0x2fe: {  	v1 =	vand.u32 $0xFFFF0000, v1;
	v2 =	vand.u32 $0xFFFF0000, v2;
	v3 =	vadd.f32 v56, v3  }
0x2ff: {  	v1 =	vadd.f32 v1, v2  }
0x300: {  	v2 =	vmax.f32 v3, $0.0e+00  }
0x301: {  	v1 =	vmax.f32 v1, $0.0e+00;
	[tilespmem:s0+$0x0] =	vst v2  }
0x302: {  	[tilespmem:s9+$0x0] =	vst v1;
	v1 =	vld [tilespmem:s9+$0x10]  }
0x303: {  	v2 =	vld [tilespmem:s0+$0x10];
	_ =	sdelay $0x4  }
0x304: {  	v57 =	vshll.u32 v1, $0x10;
	v3 =	vshll.u32 v2, $0x10  }
0x305: {  	v1 =	vand.u32 $0xFFFF0000, v1;
	v2 =	vand.u32 $0xFFFF0000, v2;
	v3 =	vadd.f32 v57, v3  }
0x306: {  	v1 =	vadd.f32 v1, v2  }
0x307: {  	v2 =	vmax.f32 v3, $0.0e+00  }
0x308: {  	v1 =	vmax.f32 v1, $0.0e+00;
	[tilespmem:s0+$0x10] =	vst v2  }
0x309: {  	[tilespmem:s9+$0x10] =	vst v1;
	v1 =	vld [tilespmem:s9+$0x20]  }
0x30a: {  	v2 =	vld [tilespmem:s0+$0x20];
	_ =	sdelay $0x4  }
0x30b: {  	v58 =	vshll.u32 v1, $0x10;
	v3 =	vshll.u32 v2, $0x10  }
0x30c: {  	v1 =	vand.u32 $0xFFFF0000, v1;
	v2 =	vand.u32 $0xFFFF0000, v2;
	v3 =	vadd.f32 v58, v3  }
0x30d: {  	v1 =	vadd.f32 v1, v2  }
0x30e: {  	v2 =	vmax.f32 v3, $0.0e+00  }
0x30f: {  	v1 =	vmax.f32 v1, $0.0e+00;
	[tilespmem:s0+$0x20] =	vst v2  }
0x310: {  	[tilespmem:s9+$0x20] =	vst v1;
	v1 =	vld [tilespmem:s9+$0x30]  }
0x311: {  	v2 =	vld [tilespmem:s0+$0x30];
	_ =	sdelay $0x4  }
0x312: {  	v59 =	vshll.u32 v1, $0x10;
	v3 =	vshll.u32 v2, $0x10  }
0x313: {  	v1 =	vand.u32 $0xFFFF0000, v1;
	v2 =	vand.u32 $0xFFFF0000, v2;
	v3 =	vadd.f32 v59, v3  }
0x314: {  	v1 =	vadd.f32 v1, v2  }
0x315: {  	v2 =	vmax.f32 v3, $0.0e+00  }
0x316: {  	v1 =	vmax.f32 v1, $0.0e+00;
	[tilespmem:s0+$0x30] =	vst v2  }
0x317: {  	[tilespmem:s9+$0x30] =	vst v1;
	v1 =	vld [tilespmem:s9+$0x40]  }
0x318: {  	v2 =	vld [tilespmem:s0+$0x40];
	_ =	sdelay $0x4  }
0x319: {  	v60 =	vshll.u32 v1, $0x10;
	v3 =	vshll.u32 v2, $0x10  }
0x31a: {  	v1 =	vand.u32 $0xFFFF0000, v1;
	v2 =	vand.u32 $0xFFFF0000, v2;
	v3 =	vadd.f32 v60, v3  }
0x31b: {  	v1 =	vadd.f32 v1, v2  }
0x31c: {  	v2 =	vmax.f32 v3, $0.0e+00  }
0x31d: {  	v1 =	vmax.f32 v1, $0.0e+00;
	[tilespmem:s0+$0x40] =	vst v2  }
0x31e: {  	[tilespmem:s9+$0x40] =	vst v1;
	v1 =	vld [tilespmem:s9+$0x50]  }
0x31f: {  	v2 =	vld [tilespmem:s0+$0x50];
	_ =	sdelay $0x4  }
0x320: {  	v61 =	vshll.u32 v1, $0x10;
	v3 =	vshll.u32 v2, $0x10  }
0x321: {  	v1 =	vand.u32 $0xFFFF0000, v1;
	v2 =	vand.u32 $0xFFFF0000, v2;
	v3 =	vadd.f32 v61, v3  }
0x322: {  	v1 =	vadd.f32 v1, v2  }
0x323: {  	v2 =	vmax.f32 v3, $0.0e+00  }
0x324: {  	v1 =	vmax.f32 v1, $0.0e+00;
	[tilespmem:s0+$0x50] =	vst v2  }
0x325: {  	[tilespmem:s9+$0x50] =	vst v1;
	v1 =	vld [tilespmem:s9+$0x60]  }
0x326: {  	v2 =	vld [tilespmem:s0+$0x60];
	_ =	sdelay $0x4  }
0x327: {  	v62 =	vshll.u32 v1, $0x10;
	v3 =	vshll.u32 v2, $0x10  }
0x328: {  	v1 =	vand.u32 $0xFFFF0000, v1;
	v2 =	vand.u32 $0xFFFF0000, v2;
	v3 =	vadd.f32 v62, v3  }
0x329: {  	v1 =	vadd.f32 v1, v2  }
0x32a: {  	v2 =	vmax.f32 v3, $0.0e+00  }
0x32b: {  	v1 =	vmax.f32 v1, $0.0e+00;
	[tilespmem:s0+$0x60] =	vst v2  }
0x32c: {  	[tilespmem:s9+$0x60] =	vst v1;
	v1 =	vld [tilespmem:s9+$0x70]  }
0x32d: {  	v2 =	vld [tilespmem:s0+$0x70];
	_ =	sdelay $0x4  }
0x32e: {  	v63 =	vshll.u32 v1, $0x10;
	v3 =	vshll.u32 v2, $0x10  }
0x32f: {  	v1 =	vand.u32 $0xFFFF0000, v1;
	v2 =	vand.u32 $0xFFFF0000, v2;
	v3 =	vadd.f32 v63, v3  }
0x330: {  	v1 =	vadd.f32 v1, v2  }
0x331: {  	v2 =	vmax.f32 v3, $0.0e+00  }
0x332: {  	s2 =	simm.s32 $0x0;
	s10 =	simm.s32 $0x2B60;
	v1 =	vmax.f32 v1, $0.0e+00;
	[tilespmem:s0+$0x70] =	vst v2  }
.LBB2_10:
0x333: {  	v2 =	vld [tilespmem:s10+$0xFFFFFF80];
	s2 =	sadd.s32 $0x4, s2;
	[tilespmem:s9+$0x70] =	vst v1;
	s0 =	sadd.s32 $0x100, s0;
	s9 =	smov.u32 s10  }
0x334: {  	v1 =	vld [tilespmem:s0+$0xFFFFFF80];
	p0 =	slt.u32 s2, $0x4C;
	_ =	sdelay $0x3  }
0x335: {  	v3 =	vand.u32 $0xFFFF0000, v2  }
0x336: {  	v2 =	vshll.u32 v2, $0x10;
	v4 =	vshll.u32 v1, $0x10;
	v1 =	vand.u32 $0xFFFF0000, v1  }
0x337: {  	v2 =	vadd.f32 v2, v4;
	v1 =	vadd.f32 v3, v1;
	_ =	sdelay $0x1  }
0x338: {  	v2 =	vmax.f32 v2, $0.0e+00  }
0x339: {  	v1 =	vmax.f32 v1, $0.0e+00;
	[tilespmem:s0+$0xFFFFFF80] =	vst v2  }
0x33a: {  	[tilespmem:s10+$0xFFFFFF80] =	vst v1;
	v1 =	vld [tilespmem:s10+$0xFFFFFF90]  }
0x33b: {  	v2 =	vld [tilespmem:s0+$0xFFFFFF90];
	_ =	sdelay $0x3  }
0x33c: {  	v3 =	vand.u32 $0xFFFF0000, v1  }
0x33d: {  	v1 =	vshll.u32 v1, $0x10;
	v4 =	vshll.u32 v2, $0x10;
	v2 =	vand.u32 $0xFFFF0000, v2  }
0x33e: {  	v1 =	vadd.f32 v1, v4;
	v2 =	vadd.f32 v3, v2;
	_ =	sdelay $0x1  }
0x33f: {  	v1 =	vmax.f32 v1, $0.0e+00  }
0x340: {  	[tilespmem:s0+$0xFFFFFF90] =	vst v1;
	v1 =	vmax.f32 v2, $0.0e+00  }
0x341: {  	[tilespmem:s10+$0xFFFFFF90] =	vst v1;
	v1 =	vld [tilespmem:s10+$0xFFFFFFA0]  }
0x342: {  	v2 =	vld [tilespmem:s0+$0xFFFFFFA0];
	_ =	sdelay $0x3  }
0x343: {  	v3 =	vand.u32 $0xFFFF0000, v1  }
0x344: {  	v1 =	vshll.u32 v1, $0x10;
	v4 =	vshll.u32 v2, $0x10;
	v2 =	vand.u32 $0xFFFF0000, v2  }
0x345: {  	v1 =	vadd.f32 v1, v4;
	v2 =	vadd.f32 v3, v2;
	_ =	sdelay $0x1  }
0x346: {  	v1 =	vmax.f32 v1, $0.0e+00  }
0x347: {  	[tilespmem:s0+$0xFFFFFFA0] =	vst v1;
	v1 =	vmax.f32 v2, $0.0e+00  }
0x348: {  	[tilespmem:s10+$0xFFFFFFA0] =	vst v1;
	v1 =	vld [tilespmem:s10+$0xFFFFFFB0]  }
0x349: {  	v2 =	vld [tilespmem:s0+$0xFFFFFFB0];
	_ =	sdelay $0x3  }
0x34a: {  	v3 =	vand.u32 $0xFFFF0000, v1  }
0x34b: {  	v1 =	vshll.u32 v1, $0x10;
	v4 =	vshll.u32 v2, $0x10;
	v2 =	vand.u32 $0xFFFF0000, v2  }
0x34c: {  	v1 =	vadd.f32 v1, v4;
	v2 =	vadd.f32 v3, v2;
	_ =	sdelay $0x1  }
0x34d: {  	v1 =	vmax.f32 v1, $0.0e+00  }
0x34e: {  	[tilespmem:s0+$0xFFFFFFB0] =	vst v1;
	v1 =	vmax.f32 v2, $0.0e+00  }
0x34f: {  	[tilespmem:s10+$0xFFFFFFB0] =	vst v1;
	v1 =	vld [tilespmem:s10+$0xFFFFFFC0]  }
0x350: {  	v2 =	vld [tilespmem:s0+$0xFFFFFFC0];
	_ =	sdelay $0x3  }
0x351: {  	v3 =	vand.u32 $0xFFFF0000, v1  }
0x352: {  	v1 =	vshll.u32 v1, $0x10;
	v4 =	vshll.u32 v2, $0x10;
	v2 =	vand.u32 $0xFFFF0000, v2  }
0x353: {  	v1 =	vadd.f32 v1, v4;
	v2 =	vadd.f32 v3, v2;
	_ =	sdelay $0x1  }
0x354: {  	v1 =	vmax.f32 v1, $0.0e+00  }
0x355: {  	[tilespmem:s0+$0xFFFFFFC0] =	vst v1;
	v1 =	vmax.f32 v2, $0.0e+00  }
0x356: {  	[tilespmem:s10+$0xFFFFFFC0] =	vst v1;
	v1 =	vld [tilespmem:s10+$0xFFFFFFD0]  }
0x357: {  	v2 =	vld [tilespmem:s0+$0xFFFFFFD0];
	_ =	sdelay $0x3  }
0x358: {  	v3 =	vand.u32 $0xFFFF0000, v1  }
0x359: {  	v1 =	vshll.u32 v1, $0x10;
	v4 =	vshll.u32 v2, $0x10;
	v2 =	vand.u32 $0xFFFF0000, v2  }
0x35a: {  	v1 =	vadd.f32 v1, v4;
	v2 =	vadd.f32 v3, v2;
	_ =	sdelay $0x1  }
0x35b: {  	v1 =	vmax.f32 v1, $0.0e+00  }
0x35c: {  	[tilespmem:s0+$0xFFFFFFD0] =	vst v1;
	v1 =	vmax.f32 v2, $0.0e+00  }
0x35d: {  	[tilespmem:s10+$0xFFFFFFD0] =	vst v1;
	v1 =	vld [tilespmem:s10+$0xFFFFFFE0]  }
0x35e: {  	v2 =	vld [tilespmem:s0+$0xFFFFFFE0];
	_ =	sdelay $0x3  }
0x35f: {  	v3 =	vand.u32 $0xFFFF0000, v1  }
0x360: {  	v1 =	vshll.u32 v1, $0x10;
	v4 =	vshll.u32 v2, $0x10;
	v2 =	vand.u32 $0xFFFF0000, v2  }
0x361: {  	v1 =	vadd.f32 v1, v4;
	v2 =	vadd.f32 v3, v2;
	_ =	sdelay $0x1  }
0x362: {  	v1 =	vmax.f32 v1, $0.0e+00  }
0x363: {  	[tilespmem:s0+$0xFFFFFFE0] =	vst v1;
	v1 =	vmax.f32 v2, $0.0e+00  }
0x364: {  	[tilespmem:s10+$0xFFFFFFE0] =	vst v1;
	v1 =	vld [tilespmem:s10+$0xFFFFFFF0]  }
0x365: {  	v2 =	vld [tilespmem:s0+$0xFFFFFFF0];
	_ =	sdelay $0x3  }
0x366: {  	v3 =	vand.u32 $0xFFFF0000, v1  }
0x367: {  	v1 =	vshll.u32 v1, $0x10;
	v4 =	vshll.u32 v2, $0x10;
	v2 =	vand.u32 $0xFFFF0000, v2  }
0x368: {  	v1 =	vadd.f32 v1, v4;
	v2 =	vadd.f32 v3, v2;
	_ =	sdelay $0x1  }
0x369: {  	v1 =	vmax.f32 v1, $0.0e+00  }
0x36a: {  	[tilespmem:s0+$0xFFFFFFF0] =	vst v1;
	v1 =	vmax.f32 v2, $0.0e+00  }
0x36b: {  	[tilespmem:s10+$0xFFFFFFF0] =	vst v1;
	v1 =	vld [tilespmem:s10+$0x0]  }
0x36c: {  	v2 =	vld [tilespmem:s0+$0x0];
	_ =	sdelay $0x3  }
0x36d: {  	v3 =	vand.u32 $0xFFFF0000, v1  }
0x36e: {  	v1 =	vshll.u32 v1, $0x10;
	v4 =	vshll.u32 v2, $0x10;
	v2 =	vand.u32 $0xFFFF0000, v2  }
0x36f: {  	v1 =	vadd.f32 v1, v4;
	v2 =	vadd.f32 v3, v2;
	_ =	sdelay $0x1  }
0x370: {  	v1 =	vmax.f32 v1, $0.0e+00  }
0x371: {  	[tilespmem:s0+$0x0] =	vst v1;
	v1 =	vmax.f32 v2, $0.0e+00  }
0x372: {  	[tilespmem:s10+$0x0] =	vst v1;
	v1 =	vld [tilespmem:s10+$0x10]  }
0x373: {  	v2 =	vld [tilespmem:s0+$0x10];
	_ =	sdelay $0x3  }
0x374: {  	v3 =	vand.u32 $0xFFFF0000, v1  }
0x375: {  	v1 =	vshll.u32 v1, $0x10;
	v4 =	vshll.u32 v2, $0x10;
	v2 =	vand.u32 $0xFFFF0000, v2  }
0x376: {  	v1 =	vadd.f32 v1, v4;
	v2 =	vadd.f32 v3, v2;
	_ =	sdelay $0x1  }
0x377: {  	v1 =	vmax.f32 v1, $0.0e+00  }
0x378: {  	[tilespmem:s0+$0x10] =	vst v1;
	v1 =	vmax.f32 v2, $0.0e+00  }
0x379: {  	[tilespmem:s10+$0x10] =	vst v1;
	v1 =	vld [tilespmem:s10+$0x20]  }
0x37a: {  	v2 =	vld [tilespmem:s0+$0x20];
	_ =	sdelay $0x3  }
0x37b: {  	v3 =	vand.u32 $0xFFFF0000, v1  }
0x37c: {  	v1 =	vshll.u32 v1, $0x10;
	v4 =	vshll.u32 v2, $0x10;
	v2 =	vand.u32 $0xFFFF0000, v2  }
0x37d: {  	v1 =	vadd.f32 v1, v4;
	v2 =	vadd.f32 v3, v2;
	_ =	sdelay $0x1  }
0x37e: {  	v1 =	vmax.f32 v1, $0.0e+00  }
0x37f: {  	[tilespmem:s0+$0x20] =	vst v1;
	v1 =	vmax.f32 v2, $0.0e+00  }
0x380: {  	[tilespmem:s10+$0x20] =	vst v1;
	v1 =	vld [tilespmem:s10+$0x30]  }
0x381: {  	v2 =	vld [tilespmem:s0+$0x30];
	_ =	sdelay $0x3  }
0x382: {  	v3 =	vand.u32 $0xFFFF0000, v1  }
0x383: {  	v1 =	vshll.u32 v1, $0x10;
	v4 =	vshll.u32 v2, $0x10;
	v2 =	vand.u32 $0xFFFF0000, v2  }
0x384: {  	v1 =	vadd.f32 v1, v4;
	v2 =	vadd.f32 v3, v2;
	_ =	sdelay $0x1  }
0x385: {  	v1 =	vmax.f32 v1, $0.0e+00  }
0x386: {  	[tilespmem:s0+$0x30] =	vst v1;
	v1 =	vmax.f32 v2, $0.0e+00  }
0x387: {  	[tilespmem:s10+$0x30] =	vst v1;
	v1 =	vld [tilespmem:s10+$0x40]  }
0x388: {  	v2 =	vld [tilespmem:s0+$0x40];
	_ =	sdelay $0x3  }
0x389: {  	v3 =	vand.u32 $0xFFFF0000, v1  }
0x38a: {  	v1 =	vshll.u32 v1, $0x10;
	v4 =	vshll.u32 v2, $0x10;
	v2 =	vand.u32 $0xFFFF0000, v2  }
0x38b: {  	v1 =	vadd.f32 v1, v4;
	v2 =	vadd.f32 v3, v2;
	_ =	sdelay $0x1  }
0x38c: {  	v1 =	vmax.f32 v1, $0.0e+00  }
0x38d: {  	[tilespmem:s0+$0x40] =	vst v1;
	v1 =	vmax.f32 v2, $0.0e+00  }
0x38e: {  	[tilespmem:s10+$0x40] =	vst v1;
	v1 =	vld [tilespmem:s10+$0x50]  }
0x38f: {  	v2 =	vld [tilespmem:s0+$0x50];
	_ =	sdelay $0x3  }
0x390: {  	v3 =	vand.u32 $0xFFFF0000, v1  }
0x391: {  	v1 =	vshll.u32 v1, $0x10;
	v4 =	vshll.u32 v2, $0x10;
	v2 =	vand.u32 $0xFFFF0000, v2  }
0x392: {  	v1 =	vadd.f32 v1, v4;
	v2 =	vadd.f32 v3, v2;
	_ =	sdelay $0x1  }
0x393: {  	v1 =	vmax.f32 v1, $0.0e+00  }
0x394: {  	[tilespmem:s0+$0x50] =	vst v1;
	v1 =	vmax.f32 v2, $0.0e+00  }
0x395: {  	[tilespmem:s10+$0x50] =	vst v1;
	v1 =	vld [tilespmem:s10+$0x60]  }
0x396: {  	v2 =	vld [tilespmem:s0+$0x60];
	_ =	sdelay $0x3  }
0x397: {  	v3 =	vand.u32 $0xFFFF0000, v1  }
0x398: {  	v1 =	vshll.u32 v1, $0x10;
	v4 =	vshll.u32 v2, $0x10;
	v2 =	vand.u32 $0xFFFF0000, v2  }
0x399: {  	v1 =	vadd.f32 v1, v4;
	v2 =	vadd.f32 v3, v2;
	_ =	sdelay $0x1  }
0x39a: {  	v1 =	vmax.f32 v1, $0.0e+00  }
0x39b: {  	[tilespmem:s0+$0x60] =	vst v1;
	v1 =	vmax.f32 v2, $0.0e+00  }
0x39c: {  	[tilespmem:s10+$0x60] =	vst v1;
	v1 =	vld [tilespmem:s10+$0x70]  }
0x39d: {  	v2 =	vld [tilespmem:s0+$0x70];
	_ =	sdelay $0x3  }
0x39e: {  	v3 =	vand.u32 $0xFFFF0000, v1  }
.Ltmp4:
0x39f: {  	v1 =	vshll.u32 v1, $0x10;
	v4 =	vshll.u32 v2, $0x10;
	v2 =	vand.u32 $0xFFFF0000, v2;
	(pc) =	sbr.rel @p0 .LBB2_10-.Ltmp4, $3  }
0x3a0: {  	v1 =	vadd.f32 v1, v4;
	v2 =	vadd.f32 v3, v2;
	_ =	sdelay $0x1  }
0x3a1: {  	v1 =	vmax.f32 v1, $0.0e+00  }
0x3a2: {  	s10 =	sadd.s32 $0x100, s10;
	[tilespmem:s0+$0x70] =	vst v1;
	v1 =	vmax.f32 v2, $0.0e+00  }
0x3a3: {  	[tilespmem:s9+$0x70] =	vst v1  }
0x3a4: {  	[spmem:s3] =	stream.indirect.scatter.add.f32 [tilespmem:s17], [sflag:$0xB], $0x40, s22, s15, $0xb8;
	[tilespmem:$0x191E0] =	vst v63  }
0x3a5: {  	_ =	swait.ge [sflag:s13], $0x1400  }
0x3a6: {  	[sflag:s13] =	ssyncset.done $0x0  }
0x3a7: {  	[sflag:s13] =	ssyncadd.s32 $0xFFFFEC00  }
0x3a8: {  	[spmem:s4] =	stream.indirect.scatter.add.f32 [tilespmem:s12], [sflag:$0xB], $0x40, s22, s15, $0xb8;
	[tilespmem:$0x191E0] =	vst v63  }
0x3a9: {  	_ =	swait.ge [sflag:s13], $0x1400  }
0x3aa: {  	[sflag:s13] =	ssyncset.done $0x0  }
0x3ab: {  	[sflag:s13] =	ssyncadd.s32 $0xFFFFEC00  }
0x3ac: {  	s0 =	stileid.u32;
	[bflag:$0x0] =	sbarrier.arrive $0xFFFF  }
0x3ad: {  	s0 =	sshll.u32 s0, $0x6;
	s16 =	rddreg [dreg:$0x5]  }
0x3ae: {  	s0 =	sor.u32 $0x1C0B, s0;
	s11 =	rddreg [dreg:$0x19];
	s2 =	sshrl.u32 s16, $0x3  }
0x3af: {  	[hbm:s11], [sflag:s0] =	dma.local [spmem:s2], $0x1400  }
0x3b0: {  	_ =	swait.ge [sflag:s13], $0x1400  }
0x3b1: {  	[sflag:s13] =	ssyncset.done $0x0;
	s10 =	rddreg [dreg:$0x6]  }
0x3b2: {  	s11 =	rddreg [dreg:$0x1a];
	[sflag:s13] =	ssyncadd.s32 $0xFFFFEC00;
	s2 =	sshrl.u32 s10, $0x3  }
0x3b3: {  	[hbm:s11], [sflag:s0] =	dma.local [spmem:s2], $0x1400  }
0x3b4: {  	_ =	swait.ge [sflag:s13], $0x1400  }
0x3b5: {  	s10 =	rddreg [dreg:$0x1c]  }
0x3b6: {  	s11 =	rddreg [dreg:$0x1b];
	s2 =	sadd.s32 $0x1, s10  }
0x3b7: {  	p0 =	sne.s32 s2, s11  }
.Ltmp5:
0x3b8: {  	_ = 	snop;
	(pc) =	sbr.rel @p0 .LBB2_1-.Ltmp5, $3  }
0x3b9: {  	_ =	sdelay $0x1  }
0x3ba: {  	[sflag:s13] =	ssyncset.done $0x0  }
0x3bb: {  	[sflag:s13] =	ssyncadd.s32 $0xFFFFEC00  }
0x3bc: {  	_ =	sfence.sel $0x180000  }
0x3bd: {  	[bflag:$0x0] =	sbarrier.arrive $0xFFFF  }
0x3be: {  	_ =	strace $0x90000047  }
0x3bf: {  	s0 =	stileid.u32;
	[bflag:$0x2] =	sbarrier.arrive $0xFFFF  }
0x3c0: {  	p0 =	sne.s32 s0, $0x0;
	s0 =	rddreg [dreg:$0x4]  }
0x3c1: {  	s0 =	sadd.s32 @!p0 $0x100000, s0  }
0x3c2: {  	[sflag:s0] =	ssyncadd.tile.s32 @!p0 $0x1;
	_ =	shalt  }
.Lfunc_end2:
_tile_overlayer_lowered:
.L_overlay_start_2:
0x3c3: {  	(tag) =	ssettag $0x2  }
0x3c4: {  	s0 =	rddreg [dreg:$0x0];
	s2 =	stileid.u32  }
0x3c5: {  	s1 =	rddreg [dreg:$0x1];
	p0 =	sne.s32 s2, $0x0  }
0x3c6: {  	s3 =	rddreg [dreg:$0x2];
	[bflag:$0x3] =	sbarrier.arrive $0xFFFF;
	s2 =	simm.s32 @!p0 $0x1C0B  }
0x3c7: {  	[timem:s3], [sflag:s2] =	dma.local @!p0 [hbm:s0], s1  }
0x3c8: {  	s0 =	simm.s32 @!p0 $0xB  }
0x3c9: {  	_ =	swait.ge @!p0 [sflag:s0], s1  }
0x3ca: {  	s1 =	ssub.s32 @!p0 $0x0, s1;
	[sflag:s0] =	ssyncset.done @!p0 $0x0  }
0x3cb: {  	[sflag:s0] =	ssyncadd.s32 @!p0 s1  }
0x3cc: {  	[bflag:$0x3] =	sbarrier.arrive $0xFFFF  }
0x3cd: {  	_ =	shalt  }

</sc_bundles>
